<compile_context>
chip_gen: v7x
topology: tpu7x:2x2x1
jax: 0.10.2.dev20260603
libtpu: 0.0.44.dev20260713+nightly
codegen_flags: <defaults>
</compile_context>

<pallas_src>
import functools

import jax
import jax.numpy as jnp
from jax import lax
from jax.experimental import pallas as pl
from jax.experimental.pallas import tpu as pltpu
from jax.experimental.pallas import tpu_sc as plsc

_DIM = 1024
_ROWS = 8192
_SCALE = _DIM ** (-0.5)
_NC = 2
_NS = 16
_NW = _NC * _NS
_ROWS_W = _ROWS // _NW
_NBUF = 6
_CROWS = 8
_NCHUNK = _ROWS_W // _CROWS
_LANES = 16

_mesh = plsc.VectorSubcoreMesh(core_axis_name="c", subcore_axis_name="s")


@functools.partial(
    pl.kernel,
    mesh=_mesh,
    out_type=jax.ShapeDtypeStruct((_ROWS, _DIM), jnp.float32),
    scratch_types=(
        [pltpu.VMEM((_CROWS, _DIM), jnp.float32)] * (2 * _NBUF)
        + [pltpu.SemaphoreType.DMA] * (2 * _NBUF)
    ),
)
def _sc_scale(emb_hbm, out_hbm, *sc):
    bins = sc[:_NBUF]
    bouts = sc[_NBUF : 2 * _NBUF]
    sis = sc[2 * _NBUF : 3 * _NBUF]
    sos = sc[3 * _NBUF : 4 * _NBUF]
    wid = lax.axis_index("s") * _NC + lax.axis_index("c")
    row0 = wid * _ROWS_W

    def _scale_chunk(src, dst):
        group = 8

        def body_r(r, _):
            def body_c(c, _):
                base = c * (group * _LANES)
                vals = [src[r, pl.ds(base + k * _LANES, _LANES)] for k in range(group)]
                vals = [v * _SCALE for v in vals]
                for k in range(group):
                    dst[r, pl.ds(base + k * _LANES, _LANES)] = vals[k]
                return _

            lax.fori_loop(0, _DIM // (group * _LANES), body_c, None)
            return _

        lax.fori_loop(0, _CROWS, body_r, None)

    def _in_slice(g):
        return emb_hbm.at[pl.ds(row0 + g * _CROWS, _CROWS)]

    def _out_slice(g):
        return out_hbm.at[pl.ds(row0 + g * _CROWS, _CROWS)]

    def _start_in(g, b):
        pltpu.async_copy(_in_slice(g), bins[b], sis[b])

    def _wait_in(g, b):
        pltpu.make_async_copy(_in_slice(g), bins[b], sis[b]).wait()

    def _start_out(g, b):
        pltpu.async_copy(bouts[b], _out_slice(g), sos[b])

    def _wait_out(g, b):
        pltpu.make_async_copy(bouts[b], _out_slice(g), sos[b]).wait()

    for b in range(_NBUF):
        _start_in(b, b)
    for b in range(_NBUF):
        _wait_in(b, b)
        _scale_chunk(bins[b], bouts[b])
        _start_out(b, b)
        _start_in(b + _NBUF, b)

    def ring_body(t, _):
        g0 = t * _NBUF
        for b in range(_NBUF):
            g = g0 + b
            _wait_in(g, b)
            _wait_out(g - _NBUF, b)
            _scale_chunk(bins[b], bouts[b])

            @pl.when(g + _NBUF < _NCHUNK)
            def _():
                _start_in(g + _NBUF, b)

            _start_out(g, b)
        return _

    lax.fori_loop(1, _NCHUNK // _NBUF, ring_body, None)

    for g in range((_NCHUNK // _NBUF) * _NBUF, _NCHUNK):
        b = g % _NBUF
        _wait_in(g, b)
        _wait_out(g - _NBUF, b)
        _scale_chunk(bins[b], bouts[b])
        _start_out(g, b)
    for g in range(_NCHUNK - _NBUF, _NCHUNK):
        _wait_out(g, g % _NBUF)


def kernel(x, emb):
    del x
    return _sc_scale(emb)

# --- scband reference (transcript-rebuilt; emitter-appended) ---
"""Pipeline reference for scband-absolute-positional-embedding-11201274708507 (READ-ONLY COPY).

The authoritative reference and input builder live on the scoring server;
editing this copy changes nothing except your own understanding.
"""

import jax, jax.numpy as jnp
import numpy as np

DIM = 1024
MAX_SEQ_LEN = 8192
SCALE = DIM ** (-0.5)


def setup_inputs(seed: int = 0) -> dict:
    key = jax.random.key(seed)
    k_x, k_emb = jax.random.split(key)
    x = jax.random.normal(k_x, (4, 8192, DIM), dtype=jnp.float32)
    emb = jax.random.normal(k_emb, (MAX_SEQ_LEN, DIM), dtype=jnp.float32) * 0.02
    return {"x": x, "emb": emb}


def reference(x, emb):
    seq_len = x.shape[1]
    pos = jnp.arange(seq_len)
    pos_emb = jnp.take(emb, pos, axis=0)
    pos_emb = pos_emb * SCALE
    return pos_emb

if __name__ == "__main__":
    import jax
    _d = setup_inputs()
    print(jax.jit(kernel)(*tuple(_d.values())))

</pallas_src>

<mosaic_0001>
#map = affine_map<(d0, d1) -> (0, 0)>
module attributes {stable_mosaic.version = 14 : i64} {
  func.func @_sc_scale(%arg0: i32, %arg1: i32, %arg2: memref<8192x1024xf32, #tpu.memory_space<hbm>>, %arg3: memref<8192x1024xf32, #tpu.memory_space<hbm>>, %arg4: memref<8x1024xf32, #tpu.memory_space<vmem>>, %arg5: memref<8x1024xf32, #tpu.memory_space<vmem>>, %arg6: memref<8x1024xf32, #tpu.memory_space<vmem>>, %arg7: memref<8x1024xf32, #tpu.memory_space<vmem>>, %arg8: memref<8x1024xf32, #tpu.memory_space<vmem>>, %arg9: memref<8x1024xf32, #tpu.memory_space<vmem>>, %arg10: memref<8x1024xf32, #tpu.memory_space<vmem>>, %arg11: memref<8x1024xf32, #tpu.memory_space<vmem>>, %arg12: memref<8x1024xf32, #tpu.memory_space<vmem>>, %arg13: memref<8x1024xf32, #tpu.memory_space<vmem>>, %arg14: memref<8x1024xf32, #tpu.memory_space<vmem>>, %arg15: memref<8x1024xf32, #tpu.memory_space<vmem>>, %arg16: memref<!tpu.dma_semaphore, #tpu.memory_space<semaphore_mem>>, %arg17: memref<!tpu.dma_semaphore, #tpu.memory_space<semaphore_mem>>, %arg18: memref<!tpu.dma_semaphore, #tpu.memory_space<semaphore_mem>>, %arg19: memref<!tpu.dma_semaphore, #tpu.memory_space<semaphore_mem>>, %arg20: memref<!tpu.dma_semaphore, #tpu.memory_space<semaphore_mem>>, %arg21: memref<!tpu.dma_semaphore, #tpu.memory_space<semaphore_mem>>, %arg22: memref<!tpu.dma_semaphore, #tpu.memory_space<semaphore_mem>>, %arg23: memref<!tpu.dma_semaphore, #tpu.memory_space<semaphore_mem>>, %arg24: memref<!tpu.dma_semaphore, #tpu.memory_space<semaphore_mem>>, %arg25: memref<!tpu.dma_semaphore, #tpu.memory_space<semaphore_mem>>, %arg26: memref<!tpu.dma_semaphore, #tpu.memory_space<semaphore_mem>>, %arg27: memref<!tpu.dma_semaphore, #tpu.memory_space<semaphore_mem>>) attributes {dimension_semantics = [#tpu.dimension_semantics<core_parallel>, #tpu.dimension_semantics<subcore_parallel>], iteration_bounds = array<i64: 2, 16>, scalar_prefetch = 0 : i64, scratch_operands = 24 : i64, tpu.core_type = #tpu.core_type<sc_vector_subcore>, window_params = [{transform_indices = #map}, {transform_indices = #map}]} {
    %mul3A = arith.constant 2 : i32
    %mul3A_0 = arith.muli %arg1, %mul3A : i32
    %add3A = arith.addi %mul3A_0, %arg0 : i32
    %mul3A_1 = arith.constant 256 : i32
    %mul3A_2 = arith.muli %add3A, %mul3A_1 : i32
    %add3A_3 = arith.constant 0 : i32
    %add3A_4 = arith.addi %mul3A_2, %add3A_3 : i32
    %dma_start3A = arith.constant 0 : i32
    %dma_start3A_5 = tpu.memref_slice %arg2[%add3A_4, %dma_start3A] : memref<8192x1024xf32, #tpu.memory_space<hbm>> -> memref<8x1024xf32, #tpu.memory_space<hbm>>
    %dma_start3A_6 = arith.constant 0 : i32
    %dma_start3A_7 = tpu.memref_slice %arg2[%add3A_4, %dma_start3A_6] : memref<8192x1024xf32, #tpu.memory_space<hbm>> -> memref<8x1024xf32, #tpu.memory_space<hbm>>
    tpu.enqueue_dma source(%dma_start3A_7 : memref<8x1024xf32, #tpu.memory_space<hbm>>) target(%arg4 : memref<8x1024xf32, #tpu.memory_space<vmem>>) target_semaphore(%arg16 : memref<!tpu.dma_semaphore, #tpu.memory_space<semaphore_mem>>)
    %add3A_8 = arith.constant 8 : i32
    %add3A_9 = arith.addi %mul3A_2, %add3A_8 : i32
    %dma_start3A_10 = arith.constant 0 : i32
    %dma_start3A_11 = tpu.memref_slice %arg2[%add3A_9, %dma_start3A_10] : memref<8192x1024xf32, #tpu.memory_space<hbm>> -> memref<8x1024xf32, #tpu.memory_space<hbm>>
    %dma_start3A_12 = arith.constant 0 : i32
    %dma_start3A_13 = tpu.memref_slice %arg2[%add3A_9, %dma_start3A_12] : memref<8192x1024xf32, #tpu.memory_space<hbm>> -> memref<8x1024xf32, #tpu.memory_space<hbm>>
    tpu.enqueue_dma source(%dma_start3A_13 : memref<8x1024xf32, #tpu.memory_space<hbm>>) target(%arg5 : memref<8x1024xf32, #tpu.memory_space<vmem>>) target_semaphore(%arg17 : memref<!tpu.dma_semaphore, #tpu.memory_space<semaphore_mem>>)
    %add3A_14 = arith.constant 16 : i32
    %add3A_15 = arith.addi %mul3A_2, %add3A_14 : i32
    %dma_start3A_16 = arith.constant 0 : i32
    %dma_start3A_17 = tpu.memref_slice %arg2[%add3A_15, %dma_start3A_16] : memref<8192x1024xf32, #tpu.memory_space<hbm>> -> memref<8x1024xf32, #tpu.memory_space<hbm>>
    %dma_start3A_18 = arith.constant 0 : i32
    %dma_start3A_19 = tpu.memref_slice %arg2[%add3A_15, %dma_start3A_18] : memref<8192x1024xf32, #tpu.memory_space<hbm>> -> memref<8x1024xf32, #tpu.memory_space<hbm>>
    tpu.enqueue_dma source(%dma_start3A_19 : memref<8x1024xf32, #tpu.memory_space<hbm>>) target(%arg6 : memref<8x1024xf32, #tpu.memory_space<vmem>>) target_semaphore(%arg18 : memref<!tpu.dma_semaphore, #tpu.memory_space<semaphore_mem>>)
    %add3A_20 = arith.constant 24 : i32
    %add3A_21 = arith.addi %mul3A_2, %add3A_20 : i32
    %dma_start3A_22 = arith.constant 0 : i32
    %dma_start3A_23 = tpu.memref_slice %arg2[%add3A_21, %dma_start3A_22] : memref<8192x1024xf32, #tpu.memory_space<hbm>> -> memref<8x1024xf32, #tpu.memory_space<hbm>>
    %dma_start3A_24 = arith.constant 0 : i32
    %dma_start3A_25 = tpu.memref_slice %arg2[%add3A_21, %dma_start3A_24] : memref<8192x1024xf32, #tpu.memory_space<hbm>> -> memref<8x1024xf32, #tpu.memory_space<hbm>>
    tpu.enqueue_dma source(%dma_start3A_25 : memref<8x1024xf32, #tpu.memory_space<hbm>>) target(%arg7 : memref<8x1024xf32, #tpu.memory_space<vmem>>) target_semaphore(%arg19 : memref<!tpu.dma_semaphore, #tpu.memory_space<semaphore_mem>>)
    %add3A_26 = arith.constant 32 : i32
    %add3A_27 = arith.addi %mul3A_2, %add3A_26 : i32
    %dma_start3A_28 = arith.constant 0 : i32
    %dma_start3A_29 = tpu.memref_slice %arg2[%add3A_27, %dma_start3A_28] : memref<8192x1024xf32, #tpu.memory_space<hbm>> -> memref<8x1024xf32, #tpu.memory_space<hbm>>
    %dma_start3A_30 = arith.constant 0 : i32
    %dma_start3A_31 = tpu.memref_slice %arg2[%add3A_27, %dma_start3A_30] : memref<8192x1024xf32, #tpu.memory_space<hbm>> -> memref<8x1024xf32, #tpu.memory_space<hbm>>
    tpu.enqueue_dma source(%dma_start3A_31 : memref<8x1024xf32, #tpu.memory_space<hbm>>) target(%arg8 : memref<8x1024xf32, #tpu.memory_space<vmem>>) target_semaphore(%arg20 : memref<!tpu.dma_semaphore, #tpu.memory_space<semaphore_mem>>)
    %add3A_32 = arith.constant 40 : i32
    %add3A_33 = arith.addi %mul3A_2, %add3A_32 : i32
    %dma_start3A_34 = arith.constant 0 : i32
    %dma_start3A_35 = tpu.memref_slice %arg2[%add3A_33, %dma_start3A_34] : memref<8192x1024xf32, #tpu.memory_space<hbm>> -> memref<8x1024xf32, #tpu.memory_space<hbm>>
    %dma_start3A_36 = arith.constant 0 : i32
    %dma_start3A_37 = tpu.memref_slice %arg2[%add3A_33, %dma_start3A_36] : memref<8192x1024xf32, #tpu.memory_space<hbm>> -> memref<8x1024xf32, #tpu.memory_space<hbm>>
    tpu.enqueue_dma source(%dma_start3A_37 : memref<8x1024xf32, #tpu.memory_space<hbm>>) target(%arg9 : memref<8x1024xf32, #tpu.memory_space<vmem>>) target_semaphore(%arg21 : memref<!tpu.dma_semaphore, #tpu.memory_space<semaphore_mem>>)
    %add3A_38 = arith.constant 0 : i32
    %add3A_39 = arith.addi %mul3A_2, %add3A_38 : i32
    %dma_wait3A = arith.constant 0 : i32
    %dma_wait3A_40 = tpu.memref_slice %arg2[%add3A_39, %dma_wait3A] : memref<8192x1024xf32, #tpu.memory_space<hbm>> -> memref<8x1024xf32, #tpu.memory_space<hbm>>
    %dma_wait3A_41 = arith.constant 0 : i32
    %dma_wait3A_42 = tpu.memref_slice %arg2[%add3A_39, %dma_wait3A_41] : memref<8192x1024xf32, #tpu.memory_space<hbm>> -> memref<8x1024xf32, #tpu.memory_space<hbm>>
    tpu.wait_dma2 semaphore(%arg16 : memref<!tpu.dma_semaphore, #tpu.memory_space<semaphore_mem>>) src(%dma_wait3A_42 : memref<8x1024xf32, #tpu.memory_space<hbm>>) dst(%arg4 : memref<8x1024xf32, #tpu.memory_space<vmem>>)
    %scan3A = arith.constant 0 : i32
    %scan3A_43 = arith.constant 8 : i32
    %scan3A_44 = arith.addi %scan3A, %scan3A_43 : i32
    %scan3A_45 = arith.constant 1 : i32
    scf.for %scan3A_261 = %scan3A to %scan3A_44 step %scan3A_45  : i32 {
      %scan3A_262 = arith.constant 0 : i32
      %scan3A_263 = arith.constant 8 : i32
      %scan3A_264 = arith.addi %scan3A_262, %scan3A_263 : i32
      %scan3A_265 = arith.constant 1 : i32
      scf.for %scan3A_267 = %scan3A_262 to %scan3A_264 step %scan3A_265  : i32 {
        %mul3A_268 = arith.constant 128 : i32
        %mul3A_269 = arith.muli %scan3A_267, %mul3A_268 : i32
        %add3A_270 = arith.constant 0 : i32
        %add3A_271 = arith.addi %mul3A_269, %add3A_270 : i32
        %get3A = arith.index_cast %scan3A_261 : i32 to index
        %get3A_272 = arith.index_cast %add3A_271 : i32 to index
        %get3A_273 = tpu.vector_load %arg4[%get3A, %get3A_272] {strides = array<i32>} : memref<8x1024xf32, #tpu.memory_space<vmem>>, vector<1x16xf32>,
        %get3A_274 = vector.shape_cast %get3A_273 : vector<1x16xf32> to vector<16xf32>
        %add3A_275 = arith.constant 16 : i32
        %add3A_276 = arith.addi %mul3A_269, %add3A_275 : i32
        %get3A_277 = arith.index_cast %scan3A_261 : i32 to index
        %get3A_278 = arith.index_cast %add3A_276 : i32 to index
        %get3A_279 = tpu.vector_load %arg4[%get3A_277, %get3A_278] {strides = array<i32>} : memref<8x1024xf32, #tpu.memory_space<vmem>>, vector<1x16xf32>,
        %get3A_280 = vector.shape_cast %get3A_279 : vector<1x16xf32> to vector<16xf32>
        %add3A_281 = arith.constant 32 : i32
        %add3A_282 = arith.addi %mul3A_269, %add3A_281 : i32
        %get3A_283 = arith.index_cast %scan3A_261 : i32 to index
        %get3A_284 = arith.index_cast %add3A_282 : i32 to index
        %get3A_285 = tpu.vector_load %arg4[%get3A_283, %get3A_284] {strides = array<i32>} : memref<8x1024xf32, #tpu.memory_space<vmem>>, vector<1x16xf32>,
        %get3A_286 = vector.shape_cast %get3A_285 : vector<1x16xf32> to vector<16xf32>
        %add3A_287 = arith.constant 48 : i32
        %add3A_288 = arith.addi %mul3A_269, %add3A_287 : i32
        %get3A_289 = arith.index_cast %scan3A_261 : i32 to index
        %get3A_290 = arith.index_cast %add3A_288 : i32 to index
        %get3A_291 = tpu.vector_load %arg4[%get3A_289, %get3A_290] {strides = array<i32>} : memref<8x1024xf32, #tpu.memory_space<vmem>>, vector<1x16xf32>,
        %get3A_292 = vector.shape_cast %get3A_291 : vector<1x16xf32> to vector<16xf32>
        %add3A_293 = arith.constant 64 : i32
        %add3A_294 = arith.addi %mul3A_269, %add3A_293 : i32
        %get3A_295 = arith.index_cast %scan3A_261 : i32 to index
        %get3A_296 = arith.index_cast %add3A_294 : i32 to index
        %get3A_297 = tpu.vector_load %arg4[%get3A_295, %get3A_296] {strides = array<i32>} : memref<8x1024xf32, #tpu.memory_space<vmem>>, vector<1x16xf32>,
        %get3A_298 = vector.shape_cast %get3A_297 : vector<1x16xf32> to vector<16xf32>
        %add3A_299 = arith.constant 80 : i32
        %add3A_300 = arith.addi %mul3A_269, %add3A_299 : i32
        %get3A_301 = arith.index_cast %scan3A_261 : i32 to index
        %get3A_302 = arith.index_cast %add3A_300 : i32 to index
        %get3A_303 = tpu.vector_load %arg4[%get3A_301, %get3A_302] {strides = array<i32>} : memref<8x1024xf32, #tpu.memory_space<vmem>>, vector<1x16xf32>,
        %get3A_304 = vector.shape_cast %get3A_303 : vector<1x16xf32> to vector<16xf32>
        %add3A_305 = arith.constant 96 : i32
        %add3A_306 = arith.addi %mul3A_269, %add3A_305 : i32
        %get3A_307 = arith.index_cast %scan3A_261 : i32 to index
        %get3A_308 = arith.index_cast %add3A_306 : i32 to index
        %get3A_309 = tpu.vector_load %arg4[%get3A_307, %get3A_308] {strides = array<i32>} : memref<8x1024xf32, #tpu.memory_space<vmem>>, vector<1x16xf32>,
        %get3A_310 = vector.shape_cast %get3A_309 : vector<1x16xf32> to vector<16xf32>
        %add3A_311 = arith.constant 112 : i32
        %add3A_312 = arith.addi %mul3A_269, %add3A_311 : i32
        %get3A_313 = arith.index_cast %scan3A_261 : i32 to index
        %get3A_314 = arith.index_cast %add3A_312 : i32 to index
        %get3A_315 = tpu.vector_load %arg4[%get3A_313, %get3A_314] {strides = array<i32>} : memref<8x1024xf32, #tpu.memory_space<vmem>>, vector<1x16xf32>,
        %get3A_316 = vector.shape_cast %get3A_315 : vector<1x16xf32> to vector<16xf32>
        %mul3A_317 = arith.constant 3.125000e-02 : f32
        %mul3A_318 = vector.broadcast %mul3A_317 : f32 to vector<16xf32>
        %mul3A_319 = arith.mulf %get3A_274, %mul3A_318 : vector<16xf32>
        %mul3A_320 = arith.constant 3.125000e-02 : f32
        %mul3A_321 = vector.broadcast %mul3A_320 : f32 to vector<16xf32>
        %mul3A_322 = arith.mulf %get3A_280, %mul3A_321 : vector<16xf32>
        %mul3A_323 = arith.constant 3.125000e-02 : f32
        %mul3A_324 = vector.broadcast %mul3A_323 : f32 to vector<16xf32>
        %mul3A_325 = arith.mulf %get3A_286, %mul3A_324 : vector<16xf32>
        %mul3A_326 = arith.constant 3.125000e-02 : f32
        %mul3A_327 = vector.broadcast %mul3A_326 : f32 to vector<16xf32>
        %mul3A_328 = arith.mulf %get3A_292, %mul3A_327 : vector<16xf32>
        %mul3A_329 = arith.constant 3.125000e-02 : f32
        %mul3A_330 = vector.broadcast %mul3A_329 : f32 to vector<16xf32>
        %mul3A_331 = arith.mulf %get3A_298, %mul3A_330 : vector<16xf32>
        %mul3A_332 = arith.constant 3.125000e-02 : f32
        %mul3A_333 = vector.broadcast %mul3A_332 : f32 to vector<16xf32>
        %mul3A_334 = arith.mulf %get3A_304, %mul3A_333 : vector<16xf32>
        %mul3A_335 = arith.constant 3.125000e-02 : f32
        %mul3A_336 = vector.broadcast %mul3A_335 : f32 to vector<16xf32>
        %mul3A_337 = arith.mulf %get3A_310, %mul3A_336 : vector<16xf32>
        %mul3A_338 = arith.constant 3.125000e-02 : f32
        %mul3A_339 = vector.broadcast %mul3A_338 : f32 to vector<16xf32>
        %mul3A_340 = arith.mulf %get3A_316, %mul3A_339 : vector<16xf32>
        %add3A_341 = arith.constant 0 : i32
        %add3A_342 = arith.addi %mul3A_269, %add3A_341 : i32
        %swap3A = arith.index_cast %scan3A_261 : i32 to index
        %swap3A_343 = arith.index_cast %add3A_342 : i32 to index
        %swap3A_344 = tpu.vector_load %arg10[%swap3A, %swap3A_343] {strides = array<i32>} : memref<8x1024xf32, #tpu.memory_space<vmem>>, vector<1x16xf32>,
        %swap3A_345 = vector.shape_cast %swap3A_344 : vector<1x16xf32> to vector<16xf32>
        %swap3A_346 = vector.shape_cast %mul3A_319 : vector<16xf32> to vector<1x16xf32>
        tpu.vector_store %arg10[%swap3A, %swap3A_343], %swap3A_346 {strides = array<i32>} : memref<8x1024xf32, #tpu.memory_space<vmem>>, vector<1x16xf32>,
        %add3A_347 = arith.constant 16 : i32
        %add3A_348 = arith.addi %mul3A_269, %add3A_347 : i32
        %swap3A_349 = arith.index_cast %scan3A_261 : i32 to index
        %swap3A_350 = arith.index_cast %add3A_348 : i32 to index
        %swap3A_351 = tpu.vector_load %arg10[%swap3A_349, %swap3A_350] {strides = array<i32>} : memref<8x1024xf32, #tpu.memory_space<vmem>>, vector<1x16xf32>,
        %swap3A_352 = vector.shape_cast %swap3A_351 : vector<1x16xf32> to vector<16xf32>
        %swap3A_353 = vector.shape_cast %mul3A_322 : vector<16xf32> to vector<1x16xf32>
        tpu.vector_store %arg10[%swap3A_349, %swap3A_350], %swap3A_353 {strides = array<i32>} : memref<8x1024xf32, #tpu.memory_space<vmem>>, vector<1x16xf32>,
        %add3A_354 = arith.constant 32 : i32
        %add3A_355 = arith.addi %mul3A_269, %add3A_354 : i32
        %swap3A_356 = arith.index_cast %scan3A_261 : i32 to index
        %swap3A_357 = arith.index_cast %add3A_355 : i32 to index
        %swap3A_358 = tpu.vector_load %arg10[%swap3A_356, %swap3A_357] {strides = array<i32>} : memref<8x1024xf32, #tpu.memory_space<vmem>>, vector<1x16xf32>,
        %swap3A_359 = vector.shape_cast %swap3A_358 : vector<1x16xf32> to vector<16xf32>
        %swap3A_360 = vector.shape_cast %mul3A_325 : vector<16xf32> to vector<1x16xf32>
        tpu.vector_store %arg10[%swap3A_356, %swap3A_357], %swap3A_360 {strides = array<i32>} : memref<8x1024xf32, #tpu.memory_space<vmem>>, vector<1x16xf32>,
        %add3A_361 = arith.constant 48 : i32
        %add3A_362 = arith.addi %mul3A_269, %add3A_361 : i32
        %swap3A_363 = arith.index_cast %scan3A_261 : i32 to index
        %swap3A_364 = arith.index_cast %add3A_362 : i32 to index
        %swap3A_365 = tpu.vector_load %arg10[%swap3A_363, %swap3A_364] {strides = array<i32>} : memref<8x1024xf32, #tpu.memory_space<vmem>>, vector<1x16xf32>,
        %swap3A_366 = vector.shape_cast %swap3A_365 : vector<1x16xf32> to vector<16xf32>
        %swap3A_367 = vector.shape_cast %mul3A_328 : vector<16xf32> to vector<1x16xf32>
        tpu.vector_store %arg10[%swap3A_363, %swap3A_364], %swap3A_367 {strides = array<i32>} : memref<8x1024xf32, #tpu.memory_space<vmem>>, vector<1x16xf32>,
        %add3A_368 = arith.constant 64 : i32
        %add3A_369 = arith.addi %mul3A_269, %add3A_368 : i32
        %swap3A_370 = arith.index_cast %scan3A_261 : i32 to index
        %swap3A_371 = arith.index_cast %add3A_369 : i32 to index
        %swap3A_372 = tpu.vector_load %arg10[%swap3A_370, %swap3A_371] {strides = array<i32>} : memref<8x1024xf32, #tpu.memory_space<vmem>>, vector<1x16xf32>,
        %swap3A_373 = vector.shape_cast %swap3A_372 : vector<1x16xf32> to vector<16xf32>
        %swap3A_374 = vector.shape_cast %mul3A_331 : vector<16xf32> to vector<1x16xf32>
        tpu.vector_store %arg10[%swap3A_370, %swap3A_371], %swap3A_374 {strides = array<i32>} : memref<8x1024xf32, #tpu.memory_space<vmem>>, vector<1x16xf32>,
        %add3A_375 = arith.constant 80 : i32
        %add3A_376 = arith.addi %mul3A_269, %add3A_375 : i32
        %swap3A_377 = arith.index_cast %scan3A_261 : i32 to index
        %swap3A_378 = arith.index_cast %add3A_376 : i32 to index
        %swap3A_379 = tpu.vector_load %arg10[%swap3A_377, %swap3A_378] {strides = array<i32>} : memref<8x1024xf32, #tpu.memory_space<vmem>>, vector<1x16xf32>,
        %swap3A_380 = vector.shape_cast %swap3A_379 : vector<1x16xf32> to vector<16xf32>
        %swap3A_381 = vector.shape_cast %mul3A_334 : vector<16xf32> to vector<1x16xf32>
        tpu.vector_store %arg10[%swap3A_377, %swap3A_378], %swap3A_381 {strides = array<i32>} : memref<8x1024xf32, #tpu.memory_space<vmem>>, vector<1x16xf32>,
        %add3A_382 = arith.constant 96 : i32
        %add3A_383 = arith.addi %mul3A_269, %add3A_382 : i32
        %swap3A_384 = arith.index_cast %scan3A_261 : i32 to index
        %swap3A_385 = arith.index_cast %add3A_383 : i32 to index
        %swap3A_386 = tpu.vector_load %arg10[%swap3A_384, %swap3A_385] {strides = array<i32>} : memref<8x1024xf32, #tpu.memory_space<vmem>>, vector<1x16xf32>,
        %swap3A_387 = vector.shape_cast %swap3A_386 : vector<1x16xf32> to vector<16xf32>
        %swap3A_388 = vector.shape_cast %mul3A_337 : vector<16xf32> to vector<1x16xf32>
        tpu.vector_store %arg10[%swap3A_384, %swap3A_385], %swap3A_388 {strides = array<i32>} : memref<8x1024xf32, #tpu.memory_space<vmem>>, vector<1x16xf32>,
        %add3A_389 = arith.constant 112 : i32
        %add3A_390 = arith.addi %mul3A_269, %add3A_389 : i32
        %swap3A_391 = arith.index_cast %scan3A_261 : i32 to index
        %swap3A_392 = arith.index_cast %add3A_390 : i32 to index
        %swap3A_393 = tpu.vector_load %arg10[%swap3A_391, %swap3A_392] {strides = array<i32>} : memref<8x1024xf32, #tpu.memory_space<vmem>>, vector<1x16xf32>,
        %swap3A_394 = vector.shape_cast %swap3A_393 : vector<1x16xf32> to vector<16xf32>
        %swap3A_395 = vector.shape_cast %mul3A_340 : vector<16xf32> to vector<1x16xf32>
        tpu.vector_store %arg10[%swap3A_391, %swap3A_392], %swap3A_395 {strides = array<i32>} : memref<8x1024xf32, #tpu.memory_space<vmem>>, vector<1x16xf32>,
      }
      %scan3A_266 = arith.constant 8 : i32
    }
    %scan3A_46 = arith.constant 8 : i32
    %add3A_47 = arith.constant 0 : i32
    %add3A_48 = arith.addi %mul3A_2, %add3A_47 : i32
    %dma_start3A_49 = arith.constant 0 : i32
    %dma_start3A_50 = tpu.memref_slice %arg3[%add3A_48, %dma_start3A_49] : memref<8192x1024xf32, #tpu.memory_space<hbm>> -> memref<8x1024xf32, #tpu.memory_space<hbm>>
    %dma_start3A_51 = arith.constant 0 : i32
    %dma_start3A_52 = tpu.memref_slice %arg3[%add3A_48, %dma_start3A_51] : memref<8192x1024xf32, #tpu.memory_space<hbm>> -> memref<8x1024xf32, #tpu.memory_space<hbm>>
    tpu.enqueue_dma source(%arg10 : memref<8x1024xf32, #tpu.memory_space<vmem>>) target(%dma_start3A_52 : memref<8x1024xf32, #tpu.memory_space<hbm>>) target_semaphore(%arg22 : memref<!tpu.dma_semaphore, #tpu.memory_space<semaphore_mem>>)
    %add3A_53 = arith.constant 48 : i32
    %add3A_54 = arith.addi %mul3A_2, %add3A_53 : i32
    %dma_start3A_55 = arith.constant 0 : i32
    %dma_start3A_56 = tpu.memref_slice %arg2[%add3A_54, %dma_start3A_55] : memref<8192x1024xf32, #tpu.memory_space<hbm>> -> memref<8x1024xf32, #tpu.memory_space<hbm>>
    %dma_start3A_57 = arith.constant 0 : i32
    %dma_start3A_58 = tpu.memref_slice %arg2[%add3A_54, %dma_start3A_57] : memref<8192x1024xf32, #tpu.memory_space<hbm>> -> memref<8x1024xf32, #tpu.memory_space<hbm>>
    tpu.enqueue_dma source(%dma_start3A_58 : memref<8x1024xf32, #tpu.memory_space<hbm>>) target(%arg4 : memref<8x1024xf32, #tpu.memory_space<vmem>>) target_semaphore(%arg16 : memref<!tpu.dma_semaphore, #tpu.memory_space<semaphore_mem>>)
    %add3A_59 = arith.constant 8 : i32
    %add3A_60 = arith.addi %mul3A_2, %add3A_59 : i32
    %dma_wait3A_61 = arith.constant 0 : i32
    %dma_wait3A_62 = tpu.memref_slice %arg2[%add3A_60, %dma_wait3A_61] : memref<8192x1024xf32, #tpu.memory_space<hbm>> -> memref<8x1024xf32, #tpu.memory_space<hbm>>
    %dma_wait3A_63 = arith.constant 0 : i32
    %dma_wait3A_64 = tpu.memref_slice %arg2[%add3A_60, %dma_wait3A_63] : memref<8192x1024xf32, #tpu.memory_space<hbm>> -> memref<8x1024xf32, #tpu.memory_space<hbm>>
    tpu.wait_dma2 semaphore(%arg17 : memref<!tpu.dma_semaphore, #tpu.memory_space<semaphore_mem>>) src(%dma_wait3A_64 : memref<8x1024xf32, #tpu.memory_space<hbm>>) dst(%arg5 : memref<8x1024xf32, #tpu.memory_space<vmem>>)
    %scan3A_65 = arith.constant 0 : i32
    %scan3A_66 = arith.constant 8 : i32
    %scan3A_67 = arith.addi %scan3A_65, %scan3A_66 : i32
    %scan3A_68 = arith.constant 1 : i32
    scf.for %scan3A_261 = %scan3A_65 to %scan3A_67 step %scan3A_68  : i32 {
      %scan3A_262 = arith.constant 0 : i32
      %scan3A_263 = arith.constant 8 : i32
      %scan3A_264 = arith.addi %scan3A_262, %scan3A_263 : i32
      %scan3A_265 = arith.constant 1 : i32
      scf.for %scan3A_267 = %scan3A_262 to %scan3A_264 step %scan3A_265  : i32 {
        %mul3A_268 = arith.constant 128 : i32
        %mul3A_269 = arith.muli %scan3A_267, %mul3A_268 : i32
        %add3A_270 = arith.constant 0 : i32
        %add3A_271 = arith.addi %mul3A_269, %add3A_270 : i32
        %get3A = arith.index_cast %scan3A_261 : i32 to index
        %get3A_272 = arith.index_cast %add3A_271 : i32 to index
        %get3A_273 = tpu.vector_load %arg5[%get3A, %get3A_272] {strides = array<i32>} : memref<8x1024xf32, #tpu.memory_space<vmem>>, vector<1x16xf32>,
        %get3A_274 = vector.shape_cast %get3A_273 : vector<1x16xf32> to vector<16xf32>
        %add3A_275 = arith.constant 16 : i32
        %add3A_276 = arith.addi %mul3A_269, %add3A_275 : i32
        %get3A_277 = arith.index_cast %scan3A_261 : i32 to index
        %get3A_278 = arith.index_cast %add3A_276 : i32 to index
        %get3A_279 = tpu.vector_load %arg5[%get3A_277, %get3A_278] {strides = array<i32>} : memref<8x1024xf32, #tpu.memory_space<vmem>>, vector<1x16xf32>,
        %get3A_280 = vector.shape_cast %get3A_279 : vector<1x16xf32> to vector<16xf32>
        %add3A_281 = arith.constant 32 : i32
        %add3A_282 = arith.addi %mul3A_269, %add3A_281 : i32
        %get3A_283 = arith.index_cast %scan3A_261 : i32 to index
        %get3A_284 = arith.index_cast %add3A_282 : i32 to index
        %get3A_285 = tpu.vector_load %arg5[%get3A_283, %get3A_284] {strides = array<i32>} : memref<8x1024xf32, #tpu.memory_space<vmem>>, vector<1x16xf32>,
        %get3A_286 = vector.shape_cast %get3A_285 : vector<1x16xf32> to vector<16xf32>
        %add3A_287 = arith.constant 48 : i32
        %add3A_288 = arith.addi %mul3A_269, %add3A_287 : i32
        %get3A_289 = arith.index_cast %scan3A_261 : i32 to index
        %get3A_290 = arith.index_cast %add3A_288 : i32 to index
        %get3A_291 = tpu.vector_load %arg5[%get3A_289, %get3A_290] {strides = array<i32>} : memref<8x1024xf32, #tpu.memory_space<vmem>>, vector<1x16xf32>,
        %get3A_292 = vector.shape_cast %get3A_291 : vector<1x16xf32> to vector<16xf32>
        %add3A_293 = arith.constant 64 : i32
        %add3A_294 = arith.addi %mul3A_269, %add3A_293 : i32
        %get3A_295 = arith.index_cast %scan3A_261 : i32 to index
        %get3A_296 = arith.index_cast %add3A_294 : i32 to index
        %get3A_297 = tpu.vector_load %arg5[%get3A_295, %get3A_296] {strides = array<i32>} : memref<8x1024xf32, #tpu.memory_space<vmem>>, vector<1x16xf32>,
        %get3A_298 = vector.shape_cast %get3A_297 : vector<1x16xf32> to vector<16xf32>
        %add3A_299 = arith.constant 80 : i32
        %add3A_300 = arith.addi %mul3A_269, %add3A_299 : i32
        %get3A_301 = arith.index_cast %scan3A_261 : i32 to index
        %get3A_302 = arith.index_cast %add3A_300 : i32 to index
        %get3A_303 = tpu.vector_load %arg5[%get3A_301, %get3A_302] {strides = array<i32>} : memref<8x1024xf32, #tpu.memory_space<vmem>>, vector<1x16xf32>,
        %get3A_304 = vector.shape_cast %get3A_303 : vector<1x16xf32> to vector<16xf32>
        %add3A_305 = arith.constant 96 : i32
        %add3A_306 = arith.addi %mul3A_269, %add3A_305 : i32
        %get3A_307 = arith.index_cast %scan3A_261 : i32 to index
        %get3A_308 = arith.index_cast %add3A_306 : i32 to index
        %get3A_309 = tpu.vector_load %arg5[%get3A_307, %get3A_308] {strides = array<i32>} : memref<8x1024xf32, #tpu.memory_space<vmem>>, vector<1x16xf32>,
        %get3A_310 = vector.shape_cast %get3A_309 : vector<1x16xf32> to vector<16xf32>
        %add3A_311 = arith.constant 112 : i32
        %add3A_312 = arith.addi %mul3A_269, %add3A_311 : i32
        %get3A_313 = arith.index_cast %scan3A_261 : i32 to index
        %get3A_314 = arith.index_cast %add3A_312 : i32 to index
        %get3A_315 = tpu.vector_load %arg5[%get3A_313, %get3A_314] {strides = array<i32>} : memref<8x1024xf32, #tpu.memory_space<vmem>>, vector<1x16xf32>,
        %get3A_316 = vector.shape_cast %get3A_315 : vector<1x16xf32> to vector<16xf32>
        %mul3A_317 = arith.constant 3.125000e-02 : f32
        %mul3A_318 = vector.broadcast %mul3A_317 : f32 to vector<16xf32>
        %mul3A_319 = arith.mulf %get3A_274, %mul3A_318 : vector<16xf32>
        %mul3A_320 = arith.constant 3.125000e-02 : f32
        %mul3A_321 = vector.broadcast %mul3A_320 : f32 to vector<16xf32>
        %mul3A_322 = arith.mulf %get3A_280, %mul3A_321 : vector<16xf32>
        %mul3A_323 = arith.constant 3.125000e-02 : f32
        %mul3A_324 = vector.broadcast %mul3A_323 : f32 to vector<16xf32>
        %mul3A_325 = arith.mulf %get3A_286, %mul3A_324 : vector<16xf32>
        %mul3A_326 = arith.constant 3.125000e-02 : f32
        %mul3A_327 = vector.broadcast %mul3A_326 : f32 to vector<16xf32>
        %mul3A_328 = arith.mulf %get3A_292, %mul3A_327 : vector<16xf32>
        %mul3A_329 = arith.constant 3.125000e-02 : f32
        %mul3A_330 = vector.broadcast %mul3A_329 : f32 to vector<16xf32>
        %mul3A_331 = arith.mulf %get3A_298, %mul3A_330 : vector<16xf32>
        %mul3A_332 = arith.constant 3.125000e-02 : f32
        %mul3A_333 = vector.broadcast %mul3A_332 : f32 to vector<16xf32>
        %mul3A_334 = arith.mulf %get3A_304, %mul3A_333 : vector<16xf32>
        %mul3A_335 = arith.constant 3.125000e-02 : f32
        %mul3A_336 = vector.broadcast %mul3A_335 : f32 to vector<16xf32>
        %mul3A_337 = arith.mulf %get3A_310, %mul3A_336 : vector<16xf32>
        %mul3A_338 = arith.constant 3.125000e-02 : f32
        %mul3A_339 = vector.broadcast %mul3A_338 : f32 to vector<16xf32>
        %mul3A_340 = arith.mulf %get3A_316, %mul3A_339 : vector<16xf32>
        %add3A_341 = arith.constant 0 : i32
        %add3A_342 = arith.addi %mul3A_269, %add3A_341 : i32
        %swap3A = arith.index_cast %scan3A_261 : i32 to index
        %swap3A_343 = arith.index_cast %add3A_342 : i32 to index
        %swap3A_344 = tpu.vector_load %arg11[%swap3A, %swap3A_343] {strides = array<i32>} : memref<8x1024xf32, #tpu.memory_space<vmem>>, vector<1x16xf32>,
        %swap3A_345 = vector.shape_cast %swap3A_344 : vector<1x16xf32> to vector<16xf32>
        %swap3A_346 = vector.shape_cast %mul3A_319 : vector<16xf32> to vector<1x16xf32>
        tpu.vector_store %arg11[%swap3A, %swap3A_343], %swap3A_346 {strides = array<i32>} : memref<8x1024xf32, #tpu.memory_space<vmem>>, vector<1x16xf32>,
        %add3A_347 = arith.constant 16 : i32
        %add3A_348 = arith.addi %mul3A_269, %add3A_347 : i32
        %swap3A_349 = arith.index_cast %scan3A_261 : i32 to index
        %swap3A_350 = arith.index_cast %add3A_348 : i32 to index
        %swap3A_351 = tpu.vector_load %arg11[%swap3A_349, %swap3A_350] {strides = array<i32>} : memref<8x1024xf32, #tpu.memory_space<vmem>>, vector<1x16xf32>,
        %swap3A_352 = vector.shape_cast %swap3A_351 : vector<1x16xf32> to vector<16xf32>
        %swap3A_353 = vector.shape_cast %mul3A_322 : vector<16xf32> to vector<1x16xf32>
        tpu.vector_store %arg11[%swap3A_349, %swap3A_350], %swap3A_353 {strides = array<i32>} : memref<8x1024xf32, #tpu.memory_space<vmem>>, vector<1x16xf32>,
        %add3A_354 = arith.constant 32 : i32
        %add3A_355 = arith.addi %mul3A_269, %add3A_354 : i32
        %swap3A_356 = arith.index_cast %scan3A_261 : i32 to index
        %swap3A_357 = arith.index_cast %add3A_355 : i32 to index
        %swap3A_358 = tpu.vector_load %arg11[%swap3A_356, %swap3A_357] {strides = array<i32>} : memref<8x1024xf32, #tpu.memory_space<vmem>>, vector<1x16xf32>,
        %swap3A_359 = vector.shape_cast %swap3A_358 : vector<1x16xf32> to vector<16xf32>
        %swap3A_360 = vector.shape_cast %mul3A_325 : vector<16xf32> to vector<1x16xf32>
        tpu.vector_store %arg11[%swap3A_356, %swap3A_357], %swap3A_360 {strides = array<i32>} : memref<8x1024xf32, #tpu.memory_space<vmem>>, vector<1x16xf32>,
        %add3A_361 = arith.constant 48 : i32
        %add3A_362 = arith.addi %mul3A_269, %add3A_361 : i32
        %swap3A_363 = arith.index_cast %scan3A_261 : i32 to index
        %swap3A_364 = arith.index_cast %add3A_362 : i32 to index
        %swap3A_365 = tpu.vector_load %arg11[%swap3A_363, %swap3A_364] {strides = array<i32>} : memref<8x1024xf32, #tpu.memory_space<vmem>>, vector<1x16xf32>,
        %swap3A_366 = vector.shape_cast %swap3A_365 : vector<1x16xf32> to vector<16xf32>
        %swap3A_367 = vector.shape_cast %mul3A_328 : vector<16xf32> to vector<1x16xf32>
        tpu.vector_store %arg11[%swap3A_363, %swap3A_364], %swap3A_367 {strides = array<i32>} : memref<8x1024xf32, #tpu.memory_space<vmem>>, vector<1x16xf32>,
        %add3A_368 = arith.constant 64 : i32
        %add3A_369 = arith.addi %mul3A_269, %add3A_368 : i32
        %swap3A_370 = arith.index_cast %scan3A_261 : i32 to index
        %swap3A_371 = arith.index_cast %add3A_369 : i32 to index
        %swap3A_372 = tpu.vector_load %arg11[%swap3A_370, %swap3A_371] {strides = array<i32>} : memref<8x1024xf32, #tpu.memory_space<vmem>>, vector<1x16xf32>,
        %swap3A_373 = vector.shape_cast %swap3A_372 : vector<1x16xf32> to vector<16xf32>
        %swap3A_374 = vector.shape_cast %mul3A_331 : vector<16xf32> to vector<1x16xf32>
        tpu.vector_store %arg11[%swap3A_370, %swap3A_371], %swap3A_374 {strides = array<i32>} : memref<8x1024xf32, #tpu.memory_space<vmem>>, vector<1x16xf32>,
        %add3A_375 = arith.constant 80 : i32
        %add3A_376 = arith.addi %mul3A_269, %add3A_375 : i32
        %swap3A_377 = arith.index_cast %scan3A_261 : i32 to index
        %swap3A_378 = arith.index_cast %add3A_376 : i32 to index
        %swap3A_379 = tpu.vector_load %arg11[%swap3A_377, %swap3A_378] {strides = array<i32>} : memref<8x1024xf32, #tpu.memory_space<vmem>>, vector<1x16xf32>,
        %swap3A_380 = vector.shape_cast %swap3A_379 : vector<1x16xf32> to vector<16xf32>
        %swap3A_381 = vector.shape_cast %mul3A_334 : vector<16xf32> to vector<1x16xf32>
        tpu.vector_store %arg11[%swap3A_377, %swap3A_378], %swap3A_381 {strides = array<i32>} : memref<8x1024xf32, #tpu.memory_space<vmem>>, vector<1x16xf32>,
        %add3A_382 = arith.constant 96 : i32
        %add3A_383 = arith.addi %mul3A_269, %add3A_382 : i32
        %swap3A_384 = arith.index_cast %scan3A_261 : i32 to index
        %swap3A_385 = arith.index_cast %add3A_383 : i32 to index
        %swap3A_386 = tpu.vector_load %arg11[%swap3A_384, %swap3A_385] {strides = array<i32>} : memref<8x1024xf32, #tpu.memory_space<vmem>>, vector<1x16xf32>,
        %swap3A_387 = vector.shape_cast %swap3A_386 : vector<1x16xf32> to vector<16xf32>
        %swap3A_388 = vector.shape_cast %mul3A_337 : vector<16xf32> to vector<1x16xf32>
        tpu.vector_store %arg11[%swap3A_384, %swap3A_385], %swap3A_388 {strides = array<i32>} : memref<8x1024xf32, #tpu.memory_space<vmem>>, vector<1x16xf32>,
        %add3A_389 = arith.constant 112 : i32
        %add3A_390 = arith.addi %mul3A_269, %add3A_389 : i32
        %swap3A_391 = arith.index_cast %scan3A_261 : i32 to index
        %swap3A_392 = arith.index_cast %add3A_390 : i32 to index
        %swap3A_393 = tpu.vector_load %arg11[%swap3A_391, %swap3A_392] {strides = array<i32>} : memref<8x1024xf32, #tpu.memory_space<vmem>>, vector<1x16xf32>,
        %swap3A_394 = vector.shape_cast %swap3A_393 : vector<1x16xf32> to vector<16xf32>
        %swap3A_395 = vector.shape_cast %mul3A_340 : vector<16xf32> to vector<1x16xf32>
        tpu.vector_store %arg11[%swap3A_391, %swap3A_392], %swap3A_395 {strides = array<i32>} : memref<8x1024xf32, #tpu.memory_space<vmem>>, vector<1x16xf32>,
      }
      %scan3A_266 = arith.constant 8 : i32
    }
    %scan3A_69 = arith.constant 8 : i32
    %add3A_70 = arith.constant 8 : i32
    %add3A_71 = arith.addi %mul3A_2, %add3A_70 : i32
    %dma_start3A_72 = arith.constant 0 : i32
    %dma_start3A_73 = tpu.memref_slice %arg3[%add3A_71, %dma_start3A_72] : memref<8192x1024xf32, #tpu.memory_space<hbm>> -> memref<8x1024xf32, #tpu.memory_space<hbm>>
    %dma_start3A_74 = arith.constant 0 : i32
    %dma_start3A_75 = tpu.memref_slice %arg3[%add3A_71, %dma_start3A_74] : memref<8192x1024xf32, #tpu.memory_space<hbm>> -> memref<8x1024xf32, #tpu.memory_space<hbm>>
    tpu.enqueue_dma source(%arg11 : memref<8x1024xf32, #tpu.memory_space<vmem>>) target(%dma_start3A_75 : memref<8x1024xf32, #tpu.memory_space<hbm>>) target_semaphore(%arg23 : memref<!tpu.dma_semaphore, #tpu.memory_space<semaphore_mem>>)
    %add3A_76 = arith.constant 56 : i32
    %add3A_77 = arith.addi %mul3A_2, %add3A_76 : i32
    %dma_start3A_78 = arith.constant 0 : i32
    %dma_start3A_79 = tpu.memref_slice %arg2[%add3A_77, %dma_start3A_78] : memref<8192x1024xf32, #tpu.memory_space<hbm>> -> memref<8x1024xf32, #tpu.memory_space<hbm>>
    %dma_start3A_80 = arith.constant 0 : i32
    %dma_start3A_81 = tpu.memref_slice %arg2[%add3A_77, %dma_start3A_80] : memref<8192x1024xf32, #tpu.memory_space<hbm>> -> memref<8x1024xf32, #tpu.memory_space<hbm>>
    tpu.enqueue_dma source(%dma_start3A_81 : memref<8x1024xf32, #tpu.memory_space<hbm>>) target(%arg5 : memref<8x1024xf32, #tpu.memory_space<vmem>>) target_semaphore(%arg17 : memref<!tpu.dma_semaphore, #tpu.memory_space<semaphore_mem>>)
    %add3A_82 = arith.constant 16 : i32
    %add3A_83 = arith.addi %mul3A_2, %add3A_82 : i32
    %dma_wait3A_84 = arith.constant 0 : i32
    %dma_wait3A_85 = tpu.memref_slice %arg2[%add3A_83, %dma_wait3A_84] : memref<8192x1024xf32, #tpu.memory_space<hbm>> -> memref<8x1024xf32, #tpu.memory_space<hbm>>
    %dma_wait3A_86 = arith.constant 0 : i32
    %dma_wait3A_87 = tpu.memref_slice %arg2[%add3A_83, %dma_wait3A_86] : memref<8192x1024xf32, #tpu.memory_space<hbm>> -> memref<8x1024xf32, #tpu.memory_space<hbm>>
    tpu.wait_dma2 semaphore(%arg18 : memref<!tpu.dma_semaphore, #tpu.memory_space<semaphore_mem>>) src(%dma_wait3A_87 : memref<8x1024xf32, #tpu.memory_space<hbm>>) dst(%arg6 : memref<8x1024xf32, #tpu.memory_space<vmem>>)
    %scan3A_88 = arith.constant 0 : i32
    %scan3A_89 = arith.constant 8 : i32
    %scan3A_90 = arith.addi %scan3A_88, %scan3A_89 : i32
    %scan3A_91 = arith.constant 1 : i32
    scf.for %scan3A_261 = %scan3A_88 to %scan3A_90 step %scan3A_91  : i32 {
      %scan3A_262 = arith.constant 0 : i32
      %scan3A_263 = arith.constant 8 : i32
      %scan3A_264 = arith.addi %scan3A_262, %scan3A_263 : i32
      %scan3A_265 = arith.constant 1 : i32
      scf.for %scan3A_267 = %scan3A_262 to %scan3A_264 step %scan3A_265  : i32 {
        %mul3A_268 = arith.constant 128 : i32
        %mul3A_269 = arith.muli %scan3A_267, %mul3A_268 : i32
        %add3A_270 = arith.constant 0 : i32
        %add3A_271 = arith.addi %mul3A_269, %add3A_270 : i32
        %get3A = arith.index_cast %scan3A_261 : i32 to index
        %get3A_272 = arith.index_cast %add3A_271 : i32 to index
        %get3A_273 = tpu.vector_load %arg6[%get3A, %get3A_272] {strides = array<i32>} : memref<8x1024xf32, #tpu.memory_space<vmem>>, vector<1x16xf32>,
        %get3A_274 = vector.shape_cast %get3A_273 : vector<1x16xf32> to vector<16xf32>
        %add3A_275 = arith.constant 16 : i32
        %add3A_276 = arith.addi %mul3A_269, %add3A_275 : i32
        %get3A_277 = arith.index_cast %scan3A_261 : i32 to index
        %get3A_278 = arith.index_cast %add3A_276 : i32 to index
        %get3A_279 = tpu.vector_load %arg6[%get3A_277, %get3A_278] {strides = array<i32>} : memref<8x1024xf32, #tpu.memory_space<vmem>>, vector<1x16xf32>,
        %get3A_280 = vector.shape_cast %get3A_279 : vector<1x16xf32> to vector<16xf32>
        %add3A_281 = arith.constant 32 : i32
        %add3A_282 = arith.addi %mul3A_269, %add3A_281 : i32
        %get3A_283 = arith.index_cast %scan3A_261 : i32 to index
        %get3A_284 = arith.index_cast %add3A_282 : i32 to index
        %get3A_285 = tpu.vector_load %arg6[%get3A_283, %get3A_284] {strides = array<i32>} : memref<8x1024xf32, #tpu.memory_space<vmem>>, vector<1x16xf32>,
        %get3A_286 = vector.shape_cast %get3A_285 : vector<1x16xf32> to vector<16xf32>
        %add3A_287 = arith.constant 48 : i32
        %add3A_288 = arith.addi %mul3A_269, %add3A_287 : i32
        %get3A_289 = arith.index_cast %scan3A_261 : i32 to index
        %get3A_290 = arith.index_cast %add3A_288 : i32 to index
        %get3A_291 = tpu.vector_load %arg6[%get3A_289, %get3A_290] {strides = array<i32>} : memref<8x1024xf32, #tpu.memory_space<vmem>>, vector<1x16xf32>,
        %get3A_292 = vector.shape_cast %get3A_291 : vector<1x16xf32> to vector<16xf32>
        %add3A_293 = arith.constant 64 : i32
        %add3A_294 = arith.addi %mul3A_269, %add3A_293 : i32
        %get3A_295 = arith.index_cast %scan3A_261 : i32 to index
        %get3A_296 = arith.index_cast %add3A_294 : i32 to index
        %get3A_297 = tpu.vector_load %arg6[%get3A_295, %get3A_296] {strides = array<i32>} : memref<8x1024xf32, #tpu.memory_space<vmem>>, vector<1x16xf32>,
        %get3A_298 = vector.shape_cast %get3A_297 : vector<1x16xf32> to vector<16xf32>
        %add3A_299 = arith.constant 80 : i32
        %add3A_300 = arith.addi %mul3A_269, %add3A_299 : i32
        %get3A_301 = arith.index_cast %scan3A_261 : i32 to index
        %get3A_302 = arith.index_cast %add3A_300 : i32 to index
        %get3A_303 = tpu.vector_load %arg6[%get3A_301, %get3A_302] {strides = array<i32>} : memref<8x1024xf32, #tpu.memory_space<vmem>>, vector<1x16xf32>,
        %get3A_304 = vector.shape_cast %get3A_303 : vector<1x16xf32> to vector<16xf32>
        %add3A_305 = arith.constant 96 : i32
        %add3A_306 = arith.addi %mul3A_269, %add3A_305 : i32
        %get3A_307 = arith.index_cast %scan3A_261 : i32 to index
        %get3A_308 = arith.index_cast %add3A_306 : i32 to index
        %get3A_309 = tpu.vector_load %arg6[%get3A_307, %get3A_308] {strides = array<i32>} : memref<8x1024xf32, #tpu.memory_space<vmem>>, vector<1x16xf32>,
        %get3A_310 = vector.shape_cast %get3A_309 : vector<1x16xf32> to vector<16xf32>
        %add3A_311 = arith.constant 112 : i32
        %add3A_312 = arith.addi %mul3A_269, %add3A_311 : i32
        %get3A_313 = arith.index_cast %scan3A_261 : i32 to index
        %get3A_314 = arith.index_cast %add3A_312 : i32 to index
        %get3A_315 = tpu.vector_load %arg6[%get3A_313, %get3A_314] {strides = array<i32>} : memref<8x1024xf32, #tpu.memory_space<vmem>>, vector<1x16xf32>,
        %get3A_316 = vector.shape_cast %get3A_315 : vector<1x16xf32> to vector<16xf32>
        %mul3A_317 = arith.constant 3.125000e-02 : f32
        %mul3A_318 = vector.broadcast %mul3A_317 : f32 to vector<16xf32>
        %mul3A_319 = arith.mulf %get3A_274, %mul3A_318 : vector<16xf32>
        %mul3A_320 = arith.constant 3.125000e-02 : f32
        %mul3A_321 = vector.broadcast %mul3A_320 : f32 to vector<16xf32>
        %mul3A_322 = arith.mulf %get3A_280, %mul3A_321 : vector<16xf32>
        %mul3A_323 = arith.constant 3.125000e-02 : f32
        %mul3A_324 = vector.broadcast %mul3A_323 : f32 to vector<16xf32>
        %mul3A_325 = arith.mulf %get3A_286, %mul3A_324 : vector<16xf32>
        %mul3A_326 = arith.constant 3.125000e-02 : f32
        %mul3A_327 = vector.broadcast %mul3A_326 : f32 to vector<16xf32>
        %mul3A_328 = arith.mulf %get3A_292, %mul3A_327 : vector<16xf32>
        %mul3A_329 = arith.constant 3.125000e-02 : f32
        %mul3A_330 = vector.broadcast %mul3A_329 : f32 to vector<16xf32>
        %mul3A_331 = arith.mulf %get3A_298, %mul3A_330 : vector<16xf32>
        %mul3A_332 = arith.constant 3.125000e-02 : f32
        %mul3A_333 = vector.broadcast %mul3A_332 : f32 to vector<16xf32>
        %mul3A_334 = arith.mulf %get3A_304, %mul3A_333 : vector<16xf32>
        %mul3A_335 = arith.constant 3.125000e-02 : f32
        %mul3A_336 = vector.broadcast %mul3A_335 : f32 to vector<16xf32>
        %mul3A_337 = arith.mulf %get3A_310, %mul3A_336 : vector<16xf32>
        %mul3A_338 = arith.constant 3.125000e-02 : f32
        %mul3A_339 = vector.broadcast %mul3A_338 : f32 to vector<16xf32>
        %mul3A_340 = arith.mulf %get3A_316, %mul3A_339 : vector<16xf32>
        %add3A_341 = arith.constant 0 : i32
        %add3A_342 = arith.addi %mul3A_269, %add3A_341 : i32
        %swap3A = arith.index_cast %scan3A_261 : i32 to index
        %swap3A_343 = arith.index_cast %add3A_342 : i32 to index
        %swap3A_344 = tpu.vector_load %arg12[%swap3A, %swap3A_343] {strides = array<i32>} : memref<8x1024xf32, #tpu.memory_space<vmem>>, vector<1x16xf32>,
        %swap3A_345 = vector.shape_cast %swap3A_344 : vector<1x16xf32> to vector<16xf32>
        %swap3A_346 = vector.shape_cast %mul3A_319 : vector<16xf32> to vector<1x16xf32>
        tpu.vector_store %arg12[%swap3A, %swap3A_343], %swap3A_346 {strides = array<i32>} : memref<8x1024xf32, #tpu.memory_space<vmem>>, vector<1x16xf32>,
        %add3A_347 = arith.constant 16 : i32
        %add3A_348 = arith.addi %mul3A_269, %add3A_347 : i32
        %swap3A_349 = arith.index_cast %scan3A_261 : i32 to index
        %swap3A_350 = arith.index_cast %add3A_348 : i32 to index
        %swap3A_351 = tpu.vector_load %arg12[%swap3A_349, %swap3A_350] {strides = array<i32>} : memref<8x1024xf32, #tpu.memory_space<vmem>>, vector<1x16xf32>,
        %swap3A_352 = vector.shape_cast %swap3A_351 : vector<1x16xf32> to vector<16xf32>
        %swap3A_353 = vector.shape_cast %mul3A_322 : vector<16xf32> to vector<1x16xf32>
        tpu.vector_store %arg12[%swap3A_349, %swap3A_350], %swap3A_353 {strides = array<i32>} : memref<8x1024xf32, #tpu.memory_space<vmem>>, vector<1x16xf32>,
        %add3A_354 = arith.constant 32 : i32
        %add3A_355 = arith.addi %mul3A_269, %add3A_354 : i32
        %swap3A_356 = arith.index_cast %scan3A_261 : i32 to index
        %swap3A_357 = arith.index_cast %add3A_355 : i32 to index
        %swap3A_358 = tpu.vector_load %arg12[%swap3A_356, %swap3A_357] {strides = array<i32>} : memref<8x1024xf32, #tpu.memory_space<vmem>>, vector<1x16xf32>,
        %swap3A_359 = vector.shape_cast %swap3A_358 : vector<1x16xf32> to vector<16xf32>
        %swap3A_360 = vector.shape_cast %mul3A_325 : vector<16xf32> to vector<1x16xf32>
        tpu.vector_store %arg12[%swap3A_356, %swap3A_357], %swap3A_360 {strides = array<i32>} : memref<8x1024xf32, #tpu.memory_space<vmem>>, vector<1x16xf32>,
        %add3A_361 = arith.constant 48 : i32
        %add3A_362 = arith.addi %mul3A_269, %add3A_361 : i32
        %swap3A_363 = arith.index_cast %scan3A_261 : i32 to index
        %swap3A_364 = arith.index_cast %add3A_362 : i32 to index
        %swap3A_365 = tpu.vector_load %arg12[%swap3A_363, %swap3A_364] {strides = array<i32>} : memref<8x1024xf32, #tpu.memory_space<vmem>>, vector<1x16xf32>,
        %swap3A_366 = vector.shape_cast %swap3A_365 : vector<1x16xf32> to vector<16xf32>
        %swap3A_367 = vector.shape_cast %mul3A_328 : vector<16xf32> to vector<1x16xf32>
        tpu.vector_store %arg12[%swap3A_363, %swap3A_364], %swap3A_367 {strides = array<i32>} : memref<8x1024xf32, #tpu.memory_space<vmem>>, vector<1x16xf32>,
        %add3A_368 = arith.constant 64 : i32
        %add3A_369 = arith.addi %mul3A_269, %add3A_368 : i32
        %swap3A_370 = arith.index_cast %scan3A_261 : i32 to index
        %swap3A_371 = arith.index_cast %add3A_369 : i32 to index
        %swap3A_372 = tpu.vector_load %arg12[%swap3A_370, %swap3A_371] {strides = array<i32>} : memref<8x1024xf32, #tpu.memory_space<vmem>>, vector<1x16xf32>,
        %swap3A_373 = vector.shape_cast %swap3A_372 : vector<1x16xf32> to vector<16xf32>
        %swap3A_374 = vector.shape_cast %mul3A_331 : vector<16xf32> to vector<1x16xf32>
        tpu.vector_store %arg12[%swap3A_370, %swap3A_371], %swap3A_374 {strides = array<i32>} : memref<8x1024xf32, #tpu.memory_space<vmem>>, vector<1x16xf32>,
        %add3A_375 = arith.constant 80 : i32
        %add3A_376 = arith.addi %mul3A_269, %add3A_375 : i32
        %swap3A_377 = arith.index_cast %scan3A_261 : i32 to index
        %swap3A_378 = arith.index_cast %add3A_376 : i32 to index
        %swap3A_379 = tpu.vector_load %arg12[%swap3A_377, %swap3A_378] {strides = array<i32>} : memref<8x1024xf32, #tpu.memory_space<vmem>>, vector<1x16xf32>,
        %swap3A_380 = vector.shape_cast %swap3A_379 : vector<1x16xf32> to vector<16xf32>
        %swap3A_381 = vector.shape_cast %mul3A_334 : vector<16xf32> to vector<1x16xf32>
        tpu.vector_store %arg12[%swap3A_377, %swap3A_378], %swap3A_381 {strides = array<i32>} : memref<8x1024xf32, #tpu.memory_space<vmem>>, vector<1x16xf32>,
        %add3A_382 = arith.constant 96 : i32
        %add3A_383 = arith.addi %mul3A_269, %add3A_382 : i32
        %swap3A_384 = arith.index_cast %scan3A_261 : i32 to index
        %swap3A_385 = arith.index_cast %add3A_383 : i32 to index
        %swap3A_386 = tpu.vector_load %arg12[%swap3A_384, %swap3A_385] {strides = array<i32>} : memref<8x1024xf32, #tpu.memory_space<vmem>>, vector<1x16xf32>,
        %swap3A_387 = vector.shape_cast %swap3A_386 : vector<1x16xf32> to vector<16xf32>
        %swap3A_388 = vector.shape_cast %mul3A_337 : vector<16xf32> to vector<1x16xf32>
        tpu.vector_store %arg12[%swap3A_384, %swap3A_385], %swap3A_388 {strides = array<i32>} : memref<8x1024xf32, #tpu.memory_space<vmem>>, vector<1x16xf32>,
        %add3A_389 = arith.constant 112 : i32
        %add3A_390 = arith.addi %mul3A_269, %add3A_389 : i32
        %swap3A_391 = arith.index_cast %scan3A_261 : i32 to index
        %swap3A_392 = arith.index_cast %add3A_390 : i32 to index
        %swap3A_393 = tpu.vector_load %arg12[%swap3A_391, %swap3A_392] {strides = array<i32>} : memref<8x1024xf32, #tpu.memory_space<vmem>>, vector<1x16xf32>,
        %swap3A_394 = vector.shape_cast %swap3A_393 : vector<1x16xf32> to vector<16xf32>
        %swap3A_395 = vector.shape_cast %mul3A_340 : vector<16xf32> to vector<1x16xf32>
        tpu.vector_store %arg12[%swap3A_391, %swap3A_392], %swap3A_395 {strides = array<i32>} : memref<8x1024xf32, #tpu.memory_space<vmem>>, vector<1x16xf32>,
      }
      %scan3A_266 = arith.constant 8 : i32
    }
    %scan3A_92 = arith.constant 8 : i32
    %add3A_93 = arith.constant 16 : i32
    %add3A_94 = arith.addi %mul3A_2, %add3A_93 : i32
    %dma_start3A_95 = arith.constant 0 : i32
    %dma_start3A_96 = tpu.memref_slice %arg3[%add3A_94, %dma_start3A_95] : memref<8192x1024xf32, #tpu.memory_space<hbm>> -> memref<8x1024xf32, #tpu.memory_space<hbm>>
    %dma_start3A_97 = arith.constant 0 : i32
    %dma_start3A_98 = tpu.memref_slice %arg3[%add3A_94, %dma_start3A_97] : memref<8192x1024xf32, #tpu.memory_space<hbm>> -> memref<8x1024xf32, #tpu.memory_space<hbm>>
    tpu.enqueue_dma source(%arg12 : memref<8x1024xf32, #tpu.memory_space<vmem>>) target(%dma_start3A_98 : memref<8x1024xf32, #tpu.memory_space<hbm>>) target_semaphore(%arg24 : memref<!tpu.dma_semaphore, #tpu.memory_space<semaphore_mem>>)
    %add3A_99 = arith.constant 64 : i32
    %add3A_100 = arith.addi %mul3A_2, %add3A_99 : i32
    %dma_start3A_101 = arith.constant 0 : i32
    %dma_start3A_102 = tpu.memref_slice %arg2[%add3A_100, %dma_start3A_101] : memref<8192x1024xf32, #tpu.memory_space<hbm>> -> memref<8x1024xf32, #tpu.memory_space<hbm>>
    %dma_start3A_103 = arith.constant 0 : i32
    %dma_start3A_104 = tpu.memref_slice %arg2[%add3A_100, %dma_start3A_103] : memref<8192x1024xf32, #tpu.memory_space<hbm>> -> memref<8x1024xf32, #tpu.memory_space<hbm>>
    tpu.enqueue_dma source(%dma_start3A_104 : memref<8x1024xf32, #tpu.memory_space<hbm>>) target(%arg6 : memref<8x1024xf32, #tpu.memory_space<vmem>>) target_semaphore(%arg18 : memref<!tpu.dma_semaphore, #tpu.memory_space<semaphore_mem>>)
    %add3A_105 = arith.constant 24 : i32
    %add3A_106 = arith.addi %mul3A_2, %add3A_105 : i32
    %dma_wait3A_107 = arith.constant 0 : i32
    %dma_wait3A_108 = tpu.memref_slice %arg2[%add3A_106, %dma_wait3A_107] : memref<8192x1024xf32, #tpu.memory_space<hbm>> -> memref<8x1024xf32, #tpu.memory_space<hbm>>
    %dma_wait3A_109 = arith.constant 0 : i32
    %dma_wait3A_110 = tpu.memref_slice %arg2[%add3A_106, %dma_wait3A_109] : memref<8192x1024xf32, #tpu.memory_space<hbm>> -> memref<8x1024xf32, #tpu.memory_space<hbm>>
    tpu.wait_dma2 semaphore(%arg19 : memref<!tpu.dma_semaphore, #tpu.memory_space<semaphore_mem>>) src(%dma_wait3A_110 : memref<8x1024xf32, #tpu.memory_space<hbm>>) dst(%arg7 : memref<8x1024xf32, #tpu.memory_space<vmem>>)
    %scan3A_111 = arith.constant 0 : i32
    %scan3A_112 = arith.constant 8 : i32
    %scan3A_113 = arith.addi %scan3A_111, %scan3A_112 : i32
    %scan3A_114 = arith.constant 1 : i32
    scf.for %scan3A_261 = %scan3A_111 to %scan3A_113 step %scan3A_114  : i32 {
      %scan3A_262 = arith.constant 0 : i32
      %scan3A_263 = arith.constant 8 : i32
      %scan3A_264 = arith.addi %scan3A_262, %scan3A_263 : i32
      %scan3A_265 = arith.constant 1 : i32
      scf.for %scan3A_267 = %scan3A_262 to %scan3A_264 step %scan3A_265  : i32 {
        %mul3A_268 = arith.constant 128 : i32
        %mul3A_269 = arith.muli %scan3A_267, %mul3A_268 : i32
        %add3A_270 = arith.constant 0 : i32
        %add3A_271 = arith.addi %mul3A_269, %add3A_270 : i32
        %get3A = arith.index_cast %scan3A_261 : i32 to index
        %get3A_272 = arith.index_cast %add3A_271 : i32 to index
        %get3A_273 = tpu.vector_load %arg7[%get3A, %get3A_272] {strides = array<i32>} : memref<8x1024xf32, #tpu.memory_space<vmem>>, vector<1x16xf32>,
        %get3A_274 = vector.shape_cast %get3A_273 : vector<1x16xf32> to vector<16xf32>
        %add3A_275 = arith.constant 16 : i32
        %add3A_276 = arith.addi %mul3A_269, %add3A_275 : i32
        %get3A_277 = arith.index_cast %scan3A_261 : i32 to index
        %get3A_278 = arith.index_cast %add3A_276 : i32 to index
        %get3A_279 = tpu.vector_load %arg7[%get3A_277, %get3A_278] {strides = array<i32>} : memref<8x1024xf32, #tpu.memory_space<vmem>>, vector<1x16xf32>,
        %get3A_280 = vector.shape_cast %get3A_279 : vector<1x16xf32> to vector<16xf32>
        %add3A_281 = arith.constant 32 : i32
        %add3A_282 = arith.addi %mul3A_269, %add3A_281 : i32
        %get3A_283 = arith.index_cast %scan3A_261 : i32 to index
        %get3A_284 = arith.index_cast %add3A_282 : i32 to index
        %get3A_285 = tpu.vector_load %arg7[%get3A_283, %get3A_284] {strides = array<i32>} : memref<8x1024xf32, #tpu.memory_space<vmem>>, vector<1x16xf32>,
        %get3A_286 = vector.shape_cast %get3A_285 : vector<1x16xf32> to vector<16xf32>
        %add3A_287 = arith.constant 48 : i32
        %add3A_288 = arith.addi %mul3A_269, %add3A_287 : i32
        %get3A_289 = arith.index_cast %scan3A_261 : i32 to index
        %get3A_290 = arith.index_cast %add3A_288 : i32 to index
        %get3A_291 = tpu.vector_load %arg7[%get3A_289, %get3A_290] {strides = array<i32>} : memref<8x1024xf32, #tpu.memory_space<vmem>>, vector<1x16xf32>,
        %get3A_292 = vector.shape_cast %get3A_291 : vector<1x16xf32> to vector<16xf32>
        %add3A_293 = arith.constant 64 : i32
        %add3A_294 = arith.addi %mul3A_269, %add3A_293 : i32
        %get3A_295 = arith.index_cast %scan3A_261 : i32 to index
        %get3A_296 = arith.index_cast %add3A_294 : i32 to index
        %get3A_297 = tpu.vector_load %arg7[%get3A_295, %get3A_296] {strides = array<i32>} : memref<8x1024xf32, #tpu.memory_space<vmem>>, vector<1x16xf32>,
        %get3A_298 = vector.shape_cast %get3A_297 : vector<1x16xf32> to vector<16xf32>
        %add3A_299 = arith.constant 80 : i32
        %add3A_300 = arith.addi %mul3A_269, %add3A_299 : i32
        %get3A_301 = arith.index_cast %scan3A_261 : i32 to index
        %get3A_302 = arith.index_cast %add3A_300 : i32 to index
        %get3A_303 = tpu.vector_load %arg7[%get3A_301, %get3A_302] {strides = array<i32>} : memref<8x1024xf32, #tpu.memory_space<vmem>>, vector<1x16xf32>,
        %get3A_304 = vector.shape_cast %get3A_303 : vector<1x16xf32> to vector<16xf32>
        %add3A_305 = arith.constant 96 : i32
        %add3A_306 = arith.addi %mul3A_269, %add3A_305 : i32
        %get3A_307 = arith.index_cast %scan3A_261 : i32 to index
        %get3A_308 = arith.index_cast %add3A_306 : i32 to index
        %get3A_309 = tpu.vector_load %arg7[%get3A_307, %get3A_308] {strides = array<i32>} : memref<8x1024xf32, #tpu.memory_space<vmem>>, vector<1x16xf32>,
        %get3A_310 = vector.shape_cast %get3A_309 : vector<1x16xf32> to vector<16xf32>
        %add3A_311 = arith.constant 112 : i32
        %add3A_312 = arith.addi %mul3A_269, %add3A_311 : i32
        %get3A_313 = arith.index_cast %scan3A_261 : i32 to index
        %get3A_314 = arith.index_cast %add3A_312 : i32 to index
        %get3A_315 = tpu.vector_load %arg7[%get3A_313, %get3A_314] {strides = array<i32>} : memref<8x1024xf32, #tpu.memory_space<vmem>>, vector<1x16xf32>,
        %get3A_316 = vector.shape_cast %get3A_315 : vector<1x16xf32> to vector<16xf32>
        %mul3A_317 = arith.constant 3.125000e-02 : f32
        %mul3A_318 = vector.broadcast %mul3A_317 : f32 to vector<16xf32>
        %mul3A_319 = arith.mulf %get3A_274, %mul3A_318 : vector<16xf32>
        %mul3A_320 = arith.constant 3.125000e-02 : f32
        %mul3A_321 = vector.broadcast %mul3A_320 : f32 to vector<16xf32>
        %mul3A_322 = arith.mulf %get3A_280, %mul3A_321 : vector<16xf32>
        %mul3A_323 = arith.constant 3.125000e-02 : f32
        %mul3A_324 = vector.broadcast %mul3A_323 : f32 to vector<16xf32>
        %mul3A_325 = arith.mulf %get3A_286, %mul3A_324 : vector<16xf32>
        %mul3A_326 = arith.constant 3.125000e-02 : f32
        %mul3A_327 = vector.broadcast %mul3A_326 : f32 to vector<16xf32>
        %mul3A_328 = arith.mulf %get3A_292, %mul3A_327 : vector<16xf32>
        %mul3A_329 = arith.constant 3.125000e-02 : f32
        %mul3A_330 = vector.broadcast %mul3A_329 : f32 to vector<16xf32>
        %mul3A_331 = arith.mulf %get3A_298, %mul3A_330 : vector<16xf32>
        %mul3A_332 = arith.constant 3.125000e-02 : f32
        %mul3A_333 = vector.broadcast %mul3A_332 : f32 to vector<16xf32>
        %mul3A_334 = arith.mulf %get3A_304, %mul3A_333 : vector<16xf32>
        %mul3A_335 = arith.constant 3.125000e-02 : f32
        %mul3A_336 = vector.broadcast %mul3A_335 : f32 to vector<16xf32>
        %mul3A_337 = arith.mulf %get3A_310, %mul3A_336 : vector<16xf32>
        %mul3A_338 = arith.constant 3.125000e-02 : f32
        %mul3A_339 = vector.broadcast %mul3A_338 : f32 to vector<16xf32>
        %mul3A_340 = arith.mulf %get3A_316, %mul3A_339 : vector<16xf32>
        %add3A_341 = arith.constant 0 : i32
        %add3A_342 = arith.addi %mul3A_269, %add3A_341 : i32
        %swap3A = arith.index_cast %scan3A_261 : i32 to index
        %swap3A_343 = arith.index_cast %add3A_342 : i32 to index
        %swap3A_344 = tpu.vector_load %arg13[%swap3A, %swap3A_343] {strides = array<i32>} : memref<8x1024xf32, #tpu.memory_space<vmem>>, vector<1x16xf32>,
        %swap3A_345 = vector.shape_cast %swap3A_344 : vector<1x16xf32> to vector<16xf32>
        %swap3A_346 = vector.shape_cast %mul3A_319 : vector<16xf32> to vector<1x16xf32>
        tpu.vector_store %arg13[%swap3A, %swap3A_343], %swap3A_346 {strides = array<i32>} : memref<8x1024xf32, #tpu.memory_space<vmem>>, vector<1x16xf32>,
        %add3A_347 = arith.constant 16 : i32
        %add3A_348 = arith.addi %mul3A_269, %add3A_347 : i32
        %swap3A_349 = arith.index_cast %scan3A_261 : i32 to index
        %swap3A_350 = arith.index_cast %add3A_348 : i32 to index
        %swap3A_351 = tpu.vector_load %arg13[%swap3A_349, %swap3A_350] {strides = array<i32>} : memref<8x1024xf32, #tpu.memory_space<vmem>>, vector<1x16xf32>,
        %swap3A_352 = vector.shape_cast %swap3A_351 : vector<1x16xf32> to vector<16xf32>
        %swap3A_353 = vector.shape_cast %mul3A_322 : vector<16xf32> to vector<1x16xf32>
        tpu.vector_store %arg13[%swap3A_349, %swap3A_350], %swap3A_353 {strides = array<i32>} : memref<8x1024xf32, #tpu.memory_space<vmem>>, vector<1x16xf32>,
        %add3A_354 = arith.constant 32 : i32
        %add3A_355 = arith.addi %mul3A_269, %add3A_354 : i32
        %swap3A_356 = arith.index_cast %scan3A_261 : i32 to index
        %swap3A_357 = arith.index_cast %add3A_355 : i32 to index
        %swap3A_358 = tpu.vector_load %arg13[%swap3A_356, %swap3A_357] {strides = array<i32>} : memref<8x1024xf32, #tpu.memory_space<vmem>>, vector<1x16xf32>,
        %swap3A_359 = vector.shape_cast %swap3A_358 : vector<1x16xf32> to vector<16xf32>
        %swap3A_360 = vector.shape_cast %mul3A_325 : vector<16xf32> to vector<1x16xf32>
        tpu.vector_store %arg13[%swap3A_356, %swap3A_357], %swap3A_360 {strides = array<i32>} : memref<8x1024xf32, #tpu.memory_space<vmem>>, vector<1x16xf32>,
        %add3A_361 = arith.constant 48 : i32
        %add3A_362 = arith.addi %mul3A_269, %add3A_361 : i32
        %swap3A_363 = arith.index_cast %scan3A_261 : i32 to index
        %swap3A_364 = arith.index_cast %add3A_362 : i32 to index
        %swap3A_365 = tpu.vector_load %arg13[%swap3A_363, %swap3A_364] {strides = array<i32>} : memref<8x1024xf32, #tpu.memory_space<vmem>>, vector<1x16xf32>,
        %swap3A_366 = vector.shape_cast %swap3A_365 : vector<1x16xf32> to vector<16xf32>
        %swap3A_367 = vector.shape_cast %mul3A_328 : vector<16xf32> to vector<1x16xf32>
        tpu.vector_store %arg13[%swap3A_363, %swap3A_364], %swap3A_367 {strides = array<i32>} : memref<8x1024xf32, #tpu.memory_space<vmem>>, vector<1x16xf32>,
        %add3A_368 = arith.constant 64 : i32
        %add3A_369 = arith.addi %mul3A_269, %add3A_368 : i32
        %swap3A_370 = arith.index_cast %scan3A_261 : i32 to index
        %swap3A_371 = arith.index_cast %add3A_369 : i32 to index
        %swap3A_372 = tpu.vector_load %arg13[%swap3A_370, %swap3A_371] {strides = array<i32>} : memref<8x1024xf32, #tpu.memory_space<vmem>>, vector<1x16xf32>,
        %swap3A_373 = vector.shape_cast %swap3A_372 : vector<1x16xf32> to vector<16xf32>
        %swap3A_374 = vector.shape_cast %mul3A_331 : vector<16xf32> to vector<1x16xf32>
        tpu.vector_store %arg13[%swap3A_370, %swap3A_371], %swap3A_374 {strides = array<i32>} : memref<8x1024xf32, #tpu.memory_space<vmem>>, vector<1x16xf32>,
        %add3A_375 = arith.constant 80 : i32
        %add3A_376 = arith.addi %mul3A_269, %add3A_375 : i32
        %swap3A_377 = arith.index_cast %scan3A_261 : i32 to index
        %swap3A_378 = arith.index_cast %add3A_376 : i32 to index
        %swap3A_379 = tpu.vector_load %arg13[%swap3A_377, %swap3A_378] {strides = array<i32>} : memref<8x1024xf32, #tpu.memory_space<vmem>>, vector<1x16xf32>,
        %swap3A_380 = vector.shape_cast %swap3A_379 : vector<1x16xf32> to vector<16xf32>
        %swap3A_381 = vector.shape_cast %mul3A_334 : vector<16xf32> to vector<1x16xf32>
        tpu.vector_store %arg13[%swap3A_377, %swap3A_378], %swap3A_381 {strides = array<i32>} : memref<8x1024xf32, #tpu.memory_space<vmem>>, vector<1x16xf32>,
        %add3A_382 = arith.constant 96 : i32
        %add3A_383 = arith.addi %mul3A_269, %add3A_382 : i32
        %swap3A_384 = arith.index_cast %scan3A_261 : i32 to index
        %swap3A_385 = arith.index_cast %add3A_383 : i32 to index
        %swap3A_386 = tpu.vector_load %arg13[%swap3A_384, %swap3A_385] {strides = array<i32>} : memref<8x1024xf32, #tpu.memory_space<vmem>>, vector<1x16xf32>,
        %swap3A_387 = vector.shape_cast %swap3A_386 : vector<1x16xf32> to vector<16xf32>
        %swap3A_388 = vector.shape_cast %mul3A_337 : vector<16xf32> to vector<1x16xf32>
        tpu.vector_store %arg13[%swap3A_384, %swap3A_385], %swap3A_388 {strides = array<i32>} : memref<8x1024xf32, #tpu.memory_space<vmem>>, vector<1x16xf32>,
        %add3A_389 = arith.constant 112 : i32
        %add3A_390 = arith.addi %mul3A_269, %add3A_389 : i32
        %swap3A_391 = arith.index_cast %scan3A_261 : i32 to index
        %swap3A_392 = arith.index_cast %add3A_390 : i32 to index
        %swap3A_393 = tpu.vector_load %arg13[%swap3A_391, %swap3A_392] {strides = array<i32>} : memref<8x1024xf32, #tpu.memory_space<vmem>>, vector<1x16xf32>,
        %swap3A_394 = vector.shape_cast %swap3A_393 : vector<1x16xf32> to vector<16xf32>
        %swap3A_395 = vector.shape_cast %mul3A_340 : vector<16xf32> to vector<1x16xf32>
        tpu.vector_store %arg13[%swap3A_391, %swap3A_392], %swap3A_395 {strides = array<i32>} : memref<8x1024xf32, #tpu.memory_space<vmem>>, vector<1x16xf32>,
      }
      %scan3A_266 = arith.constant 8 : i32
    }
    %scan3A_115 = arith.constant 8 : i32
    %add3A_116 = arith.constant 24 : i32
    %add3A_117 = arith.addi %mul3A_2, %add3A_116 : i32
    %dma_start3A_118 = arith.constant 0 : i32
    %dma_start3A_119 = tpu.memref_slice %arg3[%add3A_117, %dma_start3A_118] : memref<8192x1024xf32, #tpu.memory_space<hbm>> -> memref<8x1024xf32, #tpu.memory_space<hbm>>
    %dma_start3A_120 = arith.constant 0 : i32
    %dma_start3A_121 = tpu.memref_slice %arg3[%add3A_117, %dma_start3A_120] : memref<8192x1024xf32, #tpu.memory_space<hbm>> -> memref<8x1024xf32, #tpu.memory_space<hbm>>
    tpu.enqueue_dma source(%arg13 : memref<8x1024xf32, #tpu.memory_space<vmem>>) target(%dma_start3A_121 : memref<8x1024xf32, #tpu.memory_space<hbm>>) target_semaphore(%arg25 : memref<!tpu.dma_semaphore, #tpu.memory_space<semaphore_mem>>)
    %add3A_122 = arith.constant 72 : i32
    %add3A_123 = arith.addi %mul3A_2, %add3A_122 : i32
    %dma_start3A_124 = arith.constant 0 : i32
    %dma_start3A_125 = tpu.memref_slice %arg2[%add3A_123, %dma_start3A_124] : memref<8192x1024xf32, #tpu.memory_space<hbm>> -> memref<8x1024xf32, #tpu.memory_space<hbm>>
    %dma_start3A_126 = arith.constant 0 : i32
    %dma_start3A_127 = tpu.memref_slice %arg2[%add3A_123, %dma_start3A_126] : memref<8192x1024xf32, #tpu.memory_space<hbm>> -> memref<8x1024xf32, #tpu.memory_space<hbm>>
    tpu.enqueue_dma source(%dma_start3A_127 : memref<8x1024xf32, #tpu.memory_space<hbm>>) target(%arg7 : memref<8x1024xf32, #tpu.memory_space<vmem>>) target_semaphore(%arg19 : memref<!tpu.dma_semaphore, #tpu.memory_space<semaphore_mem>>)
    %add3A_128 = arith.constant 32 : i32
    %add3A_129 = arith.addi %mul3A_2, %add3A_128 : i32
    %dma_wait3A_130 = arith.constant 0 : i32
    %dma_wait3A_131 = tpu.memref_slice %arg2[%add3A_129, %dma_wait3A_130] : memref<8192x1024xf32, #tpu.memory_space<hbm>> -> memref<8x1024xf32, #tpu.memory_space<hbm>>
    %dma_wait3A_132 = arith.constant 0 : i32
    %dma_wait3A_133 = tpu.memref_slice %arg2[%add3A_129, %dma_wait3A_132] : memref<8192x1024xf32, #tpu.memory_space<hbm>> -> memref<8x1024xf32, #tpu.memory_space<hbm>>
    tpu.wait_dma2 semaphore(%arg20 : memref<!tpu.dma_semaphore, #tpu.memory_space<semaphore_mem>>) src(%dma_wait3A_133 : memref<8x1024xf32, #tpu.memory_space<hbm>>) dst(%arg8 : memref<8x1024xf32, #tpu.memory_space<vmem>>)
    %scan3A_134 = arith.constant 0 : i32
    %scan3A_135 = arith.constant 8 : i32
    %scan3A_136 = arith.addi %scan3A_134, %scan3A_135 : i32
    %scan3A_137 = arith.constant 1 : i32
    scf.for %scan3A_261 = %scan3A_134 to %scan3A_136 step %scan3A_137  : i32 {
      %scan3A_262 = arith.constant 0 : i32
      %scan3A_263 = arith.constant 8 : i32
      %scan3A_264 = arith.addi %scan3A_262, %scan3A_263 : i32
      %scan3A_265 = arith.constant 1 : i32
      scf.for %scan3A_267 = %scan3A_262 to %scan3A_264 step %scan3A_265  : i32 {
        %mul3A_268 = arith.constant 128 : i32
        %mul3A_269 = arith.muli %scan3A_267, %mul3A_268 : i32
        %add3A_270 = arith.constant 0 : i32
        %add3A_271 = arith.addi %mul3A_269, %add3A_270 : i32
        %get3A = arith.index_cast %scan3A_261 : i32 to index
        %get3A_272 = arith.index_cast %add3A_271 : i32 to index
        %get3A_273 = tpu.vector_load %arg8[%get3A, %get3A_272] {strides = array<i32>} : memref<8x1024xf32, #tpu.memory_space<vmem>>, vector<1x16xf32>,
        %get3A_274 = vector.shape_cast %get3A_273 : vector<1x16xf32> to vector<16xf32>
        %add3A_275 = arith.constant 16 : i32
        %add3A_276 = arith.addi %mul3A_269, %add3A_275 : i32
        %get3A_277 = arith.index_cast %scan3A_261 : i32 to index
        %get3A_278 = arith.index_cast %add3A_276 : i32 to index
        %get3A_279 = tpu.vector_load %arg8[%get3A_277, %get3A_278] {strides = array<i32>} : memref<8x1024xf32, #tpu.memory_space<vmem>>, vector<1x16xf32>,
        %get3A_280 = vector.shape_cast %get3A_279 : vector<1x16xf32> to vector<16xf32>
        %add3A_281 = arith.constant 32 : i32
        %add3A_282 = arith.addi %mul3A_269, %add3A_281 : i32
        %get3A_283 = arith.index_cast %scan3A_261 : i32 to index
        %get3A_284 = arith.index_cast %add3A_282 : i32 to index
        %get3A_285 = tpu.vector_load %arg8[%get3A_283, %get3A_284] {strides = array<i32>} : memref<8x1024xf32, #tpu.memory_space<vmem>>, vector<1x16xf32>,
        %get3A_286 = vector.shape_cast %get3A_285 : vector<1x16xf32> to vector<16xf32>
        %add3A_287 = arith.constant 48 : i32
        %add3A_288 = arith.addi %mul3A_269, %add3A_287 : i32
        %get3A_289 = arith.index_cast %scan3A_261 : i32 to index
        %get3A_290 = arith.index_cast %add3A_288 : i32 to index
        %get3A_291 = tpu.vector_load %arg8[%get3A_289, %get3A_290] {strides = array<i32>} : memref<8x1024xf32, #tpu.memory_space<vmem>>, vector<1x16xf32>,
        %get3A_292 = vector.shape_cast %get3A_291 : vector<1x16xf32> to vector<16xf32>
        %add3A_293 = arith.constant 64 : i32
        %add3A_294 = arith.addi %mul3A_269, %add3A_293 : i32
        %get3A_295 = arith.index_cast %scan3A_261 : i32 to index
        %get3A_296 = arith.index_cast %add3A_294 : i32 to index
        %get3A_297 = tpu.vector_load %arg8[%get3A_295, %get3A_296] {strides = array<i32>} : memref<8x1024xf32, #tpu.memory_space<vmem>>, vector<1x16xf32>,
        %get3A_298 = vector.shape_cast %get3A_297 : vector<1x16xf32> to vector<16xf32>
        %add3A_299 = arith.constant 80 : i32
        %add3A_300 = arith.addi %mul3A_269, %add3A_299 : i32
        %get3A_301 = arith.index_cast %scan3A_261 : i32 to index
        %get3A_302 = arith.index_cast %add3A_300 : i32 to index
        %get3A_303 = tpu.vector_load %arg8[%get3A_301, %get3A_302] {strides = array<i32>} : memref<8x1024xf32, #tpu.memory_space<vmem>>, vector<1x16xf32>,
        %get3A_304 = vector.shape_cast %get3A_303 : vector<1x16xf32> to vector<16xf32>
        %add3A_305 = arith.constant 96 : i32
        %add3A_306 = arith.addi %mul3A_269, %add3A_305 : i32
        %get3A_307 = arith.index_cast %scan3A_261 : i32 to index
        %get3A_308 = arith.index_cast %add3A_306 : i32 to index
        %get3A_309 = tpu.vector_load %arg8[%get3A_307, %get3A_308] {strides = array<i32>} : memref<8x1024xf32, #tpu.memory_space<vmem>>, vector<1x16xf32>,
        %get3A_310 = vector.shape_cast %get3A_309 : vector<1x16xf32> to vector<16xf32>
        %add3A_311 = arith.constant 112 : i32
        %add3A_312 = arith.addi %mul3A_269, %add3A_311 : i32
        %get3A_313 = arith.index_cast %scan3A_261 : i32 to index
        %get3A_314 = arith.index_cast %add3A_312 : i32 to index
        %get3A_315 = tpu.vector_load %arg8[%get3A_313, %get3A_314] {strides = array<i32>} : memref<8x1024xf32, #tpu.memory_space<vmem>>, vector<1x16xf32>,
        %get3A_316 = vector.shape_cast %get3A_315 : vector<1x16xf32> to vector<16xf32>
        %mul3A_317 = arith.constant 3.125000e-02 : f32
        %mul3A_318 = vector.broadcast %mul3A_317 : f32 to vector<16xf32>
        %mul3A_319 = arith.mulf %get3A_274, %mul3A_318 : vector<16xf32>
        %mul3A_320 = arith.constant 3.125000e-02 : f32
        %mul3A_321 = vector.broadcast %mul3A_320 : f32 to vector<16xf32>
        %mul3A_322 = arith.mulf %get3A_280, %mul3A_321 : vector<16xf32>
        %mul3A_323 = arith.constant 3.125000e-02 : f32
        %mul3A_324 = vector.broadcast %mul3A_323 : f32 to vector<16xf32>
        %mul3A_325 = arith.mulf %get3A_286, %mul3A_324 : vector<16xf32>
        %mul3A_326 = arith.constant 3.125000e-02 : f32
        %mul3A_327 = vector.broadcast %mul3A_326 : f32 to vector<16xf32>
        %mul3A_328 = arith.mulf %get3A_292, %mul3A_327 : vector<16xf32>
        %mul3A_329 = arith.constant 3.125000e-02 : f32
        %mul3A_330 = vector.broadcast %mul3A_329 : f32 to vector<16xf32>
        %mul3A_331 = arith.mulf %get3A_298, %mul3A_330 : vector<16xf32>
        %mul3A_332 = arith.constant 3.125000e-02 : f32
        %mul3A_333 = vector.broadcast %mul3A_332 : f32 to vector<16xf32>
        %mul3A_334 = arith.mulf %get3A_304, %mul3A_333 : vector<16xf32>
        %mul3A_335 = arith.constant 3.125000e-02 : f32
        %mul3A_336 = vector.broadcast %mul3A_335 : f32 to vector<16xf32>
        %mul3A_337 = arith.mulf %get3A_310, %mul3A_336 : vector<16xf32>
        %mul3A_338 = arith.constant 3.125000e-02 : f32
        %mul3A_339 = vector.broadcast %mul3A_338 : f32 to vector<16xf32>
        %mul3A_340 = arith.mulf %get3A_316, %mul3A_339 : vector<16xf32>
        %add3A_341 = arith.constant 0 : i32
        %add3A_342 = arith.addi %mul3A_269, %add3A_341 : i32
        %swap3A = arith.index_cast %scan3A_261 : i32 to index
        %swap3A_343 = arith.index_cast %add3A_342 : i32 to index
        %swap3A_344 = tpu.vector_load %arg14[%swap3A, %swap3A_343] {strides = array<i32>} : memref<8x1024xf32, #tpu.memory_space<vmem>>, vector<1x16xf32>,
        %swap3A_345 = vector.shape_cast %swap3A_344 : vector<1x16xf32> to vector<16xf32>
        %swap3A_346 = vector.shape_cast %mul3A_319 : vector<16xf32> to vector<1x16xf32>
        tpu.vector_store %arg14[%swap3A, %swap3A_343], %swap3A_346 {strides = array<i32>} : memref<8x1024xf32, #tpu.memory_space<vmem>>, vector<1x16xf32>,
        %add3A_347 = arith.constant 16 : i32
        %add3A_348 = arith.addi %mul3A_269, %add3A_347 : i32
        %swap3A_349 = arith.index_cast %scan3A_261 : i32 to index
        %swap3A_350 = arith.index_cast %add3A_348 : i32 to index
        %swap3A_351 = tpu.vector_load %arg14[%swap3A_349, %swap3A_350] {strides = array<i32>} : memref<8x1024xf32, #tpu.memory_space<vmem>>, vector<1x16xf32>,
        %swap3A_352 = vector.shape_cast %swap3A_351 : vector<1x16xf32> to vector<16xf32>
        %swap3A_353 = vector.shape_cast %mul3A_322 : vector<16xf32> to vector<1x16xf32>
        tpu.vector_store %arg14[%swap3A_349, %swap3A_350], %swap3A_353 {strides = array<i32>} : memref<8x1024xf32, #tpu.memory_space<vmem>>, vector<1x16xf32>,
        %add3A_354 = arith.constant 32 : i32
        %add3A_355 = arith.addi %mul3A_269, %add3A_354 : i32
        %swap3A_356 = arith.index_cast %scan3A_261 : i32 to index
        %swap3A_357 = arith.index_cast %add3A_355 : i32 to index
        %swap3A_358 = tpu.vector_load %arg14[%swap3A_356, %swap3A_357] {strides = array<i32>} : memref<8x1024xf32, #tpu.memory_space<vmem>>, vector<1x16xf32>,
        %swap3A_359 = vector.shape_cast %swap3A_358 : vector<1x16xf32> to vector<16xf32>
        %swap3A_360 = vector.shape_cast %mul3A_325 : vector<16xf32> to vector<1x16xf32>
        tpu.vector_store %arg14[%swap3A_356, %swap3A_357], %swap3A_360 {strides = array<i32>} : memref<8x1024xf32, #tpu.memory_space<vmem>>, vector<1x16xf32>,
        %add3A_361 = arith.constant 48 : i32
        %add3A_362 = arith.addi %mul3A_269, %add3A_361 : i32
        %swap3A_363 = arith.index_cast %scan3A_261 : i32 to index
        %swap3A_364 = arith.index_cast %add3A_362 : i32 to index
        %swap3A_365 = tpu.vector_load %arg14[%swap3A_363, %swap3A_364] {strides = array<i32>} : memref<8x1024xf32, #tpu.memory_space<vmem>>, vector<1x16xf32>,
        %swap3A_366 = vector.shape_cast %swap3A_365 : vector<1x16xf32> to vector<16xf32>
        %swap3A_367 = vector.shape_cast %mul3A_328 : vector<16xf32> to vector<1x16xf32>
        tpu.vector_store %arg14[%swap3A_363, %swap3A_364], %swap3A_367 {strides = array<i32>} : memref<8x1024xf32, #tpu.memory_space<vmem>>, vector<1x16xf32>,
        %add3A_368 = arith.constant 64 : i32
        %add3A_369 = arith.addi %mul3A_269, %add3A_368 : i32
        %swap3A_370 = arith.index_cast %scan3A_261 : i32 to index
        %swap3A_371 = arith.index_cast %add3A_369 : i32 to index
        %swap3A_372 = tpu.vector_load %arg14[%swap3A_370, %swap3A_371] {strides = array<i32>} : memref<8x1024xf32, #tpu.memory_space<vmem>>, vector<1x16xf32>,
        %swap3A_373 = vector.shape_cast %swap3A_372 : vector<1x16xf32> to vector<16xf32>
        %swap3A_374 = vector.shape_cast %mul3A_331 : vector<16xf32> to vector<1x16xf32>
        tpu.vector_store %arg14[%swap3A_370, %swap3A_371], %swap3A_374 {strides = array<i32>} : memref<8x1024xf32, #tpu.memory_space<vmem>>, vector<1x16xf32>,
        %add3A_375 = arith.constant 80 : i32
        %add3A_376 = arith.addi %mul3A_269, %add3A_375 : i32
        %swap3A_377 = arith.index_cast %scan3A_261 : i32 to index
        %swap3A_378 = arith.index_cast %add3A_376 : i32 to index
        %swap3A_379 = tpu.vector_load %arg14[%swap3A_377, %swap3A_378] {strides = array<i32>} : memref<8x1024xf32, #tpu.memory_space<vmem>>, vector<1x16xf32>,
        %swap3A_380 = vector.shape_cast %swap3A_379 : vector<1x16xf32> to vector<16xf32>
        %swap3A_381 = vector.shape_cast %mul3A_334 : vector<16xf32> to vector<1x16xf32>
        tpu.vector_store %arg14[%swap3A_377, %swap3A_378], %swap3A_381 {strides = array<i32>} : memref<8x1024xf32, #tpu.memory_space<vmem>>, vector<1x16xf32>,
        %add3A_382 = arith.constant 96 : i32
        %add3A_383 = arith.addi %mul3A_269, %add3A_382 : i32
        %swap3A_384 = arith.index_cast %scan3A_261 : i32 to index
        %swap3A_385 = arith.index_cast %add3A_383 : i32 to index
        %swap3A_386 = tpu.vector_load %arg14[%swap3A_384, %swap3A_385] {strides = array<i32>} : memref<8x1024xf32, #tpu.memory_space<vmem>>, vector<1x16xf32>,
        %swap3A_387 = vector.shape_cast %swap3A_386 : vector<1x16xf32> to vector<16xf32>
        %swap3A_388 = vector.shape_cast %mul3A_337 : vector<16xf32> to vector<1x16xf32>
        tpu.vector_store %arg14[%swap3A_384, %swap3A_385], %swap3A_388 {strides = array<i32>} : memref<8x1024xf32, #tpu.memory_space<vmem>>, vector<1x16xf32>,
        %add3A_389 = arith.constant 112 : i32
        %add3A_390 = arith.addi %mul3A_269, %add3A_389 : i32
        %swap3A_391 = arith.index_cast %scan3A_261 : i32 to index
        %swap3A_392 = arith.index_cast %add3A_390 : i32 to index
        %swap3A_393 = tpu.vector_load %arg14[%swap3A_391, %swap3A_392] {strides = array<i32>} : memref<8x1024xf32, #tpu.memory_space<vmem>>, vector<1x16xf32>,
        %swap3A_394 = vector.shape_cast %swap3A_393 : vector<1x16xf32> to vector<16xf32>
        %swap3A_395 = vector.shape_cast %mul3A_340 : vector<16xf32> to vector<1x16xf32>
        tpu.vector_store %arg14[%swap3A_391, %swap3A_392], %swap3A_395 {strides = array<i32>} : memref<8x1024xf32, #tpu.memory_space<vmem>>, vector<1x16xf32>,
      }
      %scan3A_266 = arith.constant 8 : i32
    }
    %scan3A_138 = arith.constant 8 : i32
    %add3A_139 = arith.constant 32 : i32
    %add3A_140 = arith.addi %mul3A_2, %add3A_139 : i32
    %dma_start3A_141 = arith.constant 0 : i32
    %dma_start3A_142 = tpu.memref_slice %arg3[%add3A_140, %dma_start3A_141] : memref<8192x1024xf32, #tpu.memory_space<hbm>> -> memref<8x1024xf32, #tpu.memory_space<hbm>>
    %dma_start3A_143 = arith.constant 0 : i32
    %dma_start3A_144 = tpu.memref_slice %arg3[%add3A_140, %dma_start3A_143] : memref<8192x1024xf32, #tpu.memory_space<hbm>> -> memref<8x1024xf32, #tpu.memory_space<hbm>>
    tpu.enqueue_dma source(%arg14 : memref<8x1024xf32, #tpu.memory_space<vmem>>) target(%dma_start3A_144 : memref<8x1024xf32, #tpu.memory_space<hbm>>) target_semaphore(%arg26 : memref<!tpu.dma_semaphore, #tpu.memory_space<semaphore_mem>>)
    %add3A_145 = arith.constant 80 : i32
    %add3A_146 = arith.addi %mul3A_2, %add3A_145 : i32
    %dma_start3A_147 = arith.constant 0 : i32
    %dma_start3A_148 = tpu.memref_slice %arg2[%add3A_146, %dma_start3A_147] : memref<8192x1024xf32, #tpu.memory_space<hbm>> -> memref<8x1024xf32, #tpu.memory_space<hbm>>
    %dma_start3A_149 = arith.constant 0 : i32
    %dma_start3A_150 = tpu.memref_slice %arg2[%add3A_146, %dma_start3A_149] : memref<8192x1024xf32, #tpu.memory_space<hbm>> -> memref<8x1024xf32, #tpu.memory_space<hbm>>
    tpu.enqueue_dma source(%dma_start3A_150 : memref<8x1024xf32, #tpu.memory_space<hbm>>) target(%arg8 : memref<8x1024xf32, #tpu.memory_space<vmem>>) target_semaphore(%arg20 : memref<!tpu.dma_semaphore, #tpu.memory_space<semaphore_mem>>)
    %add3A_151 = arith.constant 40 : i32
    %add3A_152 = arith.addi %mul3A_2, %add3A_151 : i32
    %dma_wait3A_153 = arith.constant 0 : i32
    %dma_wait3A_154 = tpu.memref_slice %arg2[%add3A_152, %dma_wait3A_153] : memref<8192x1024xf32, #tpu.memory_space<hbm>> -> memref<8x1024xf32, #tpu.memory_space<hbm>>
    %dma_wait3A_155 = arith.constant 0 : i32
    %dma_wait3A_156 = tpu.memref_slice %arg2[%add3A_152, %dma_wait3A_155] : memref<8192x1024xf32, #tpu.memory_space<hbm>> -> memref<8x1024xf32, #tpu.memory_space<hbm>>
    tpu.wait_dma2 semaphore(%arg21 : memref<!tpu.dma_semaphore, #tpu.memory_space<semaphore_mem>>) src(%dma_wait3A_156 : memref<8x1024xf32, #tpu.memory_space<hbm>>) dst(%arg9 : memref<8x1024xf32, #tpu.memory_space<vmem>>)
    %scan3A_157 = arith.constant 0 : i32
    %scan3A_158 = arith.constant 8 : i32
    %scan3A_159 = arith.addi %scan3A_157, %scan3A_158 : i32
    %scan3A_160 = arith.constant 1 : i32
    scf.for %scan3A_261 = %scan3A_157 to %scan3A_159 step %scan3A_160  : i32 {
      %scan3A_262 = arith.constant 0 : i32
      %scan3A_263 = arith.constant 8 : i32
      %scan3A_264 = arith.addi %scan3A_262, %scan3A_263 : i32
      %scan3A_265 = arith.constant 1 : i32
      scf.for %scan3A_267 = %scan3A_262 to %scan3A_264 step %scan3A_265  : i32 {
        %mul3A_268 = arith.constant 128 : i32
        %mul3A_269 = arith.muli %scan3A_267, %mul3A_268 : i32
        %add3A_270 = arith.constant 0 : i32
        %add3A_271 = arith.addi %mul3A_269, %add3A_270 : i32
        %get3A = arith.index_cast %scan3A_261 : i32 to index
        %get3A_272 = arith.index_cast %add3A_271 : i32 to index
        %get3A_273 = tpu.vector_load %arg9[%get3A, %get3A_272] {strides = array<i32>} : memref<8x1024xf32, #tpu.memory_space<vmem>>, vector<1x16xf32>,
        %get3A_274 = vector.shape_cast %get3A_273 : vector<1x16xf32> to vector<16xf32>
        %add3A_275 = arith.constant 16 : i32
        %add3A_276 = arith.addi %mul3A_269, %add3A_275 : i32
        %get3A_277 = arith.index_cast %scan3A_261 : i32 to index
        %get3A_278 = arith.index_cast %add3A_276 : i32 to index
        %get3A_279 = tpu.vector_load %arg9[%get3A_277, %get3A_278] {strides = array<i32>} : memref<8x1024xf32, #tpu.memory_space<vmem>>, vector<1x16xf32>,
        %get3A_280 = vector.shape_cast %get3A_279 : vector<1x16xf32> to vector<16xf32>
        %add3A_281 = arith.constant 32 : i32
        %add3A_282 = arith.addi %mul3A_269, %add3A_281 : i32
        %get3A_283 = arith.index_cast %scan3A_261 : i32 to index
        %get3A_284 = arith.index_cast %add3A_282 : i32 to index
        %get3A_285 = tpu.vector_load %arg9[%get3A_283, %get3A_284] {strides = array<i32>} : memref<8x1024xf32, #tpu.memory_space<vmem>>, vector<1x16xf32>,
        %get3A_286 = vector.shape_cast %get3A_285 : vector<1x16xf32> to vector<16xf32>
        %add3A_287 = arith.constant 48 : i32
        %add3A_288 = arith.addi %mul3A_269, %add3A_287 : i32
        %get3A_289 = arith.index_cast %scan3A_261 : i32 to index
        %get3A_290 = arith.index_cast %add3A_288 : i32 to index
        %get3A_291 = tpu.vector_load %arg9[%get3A_289, %get3A_290] {strides = array<i32>} : memref<8x1024xf32, #tpu.memory_space<vmem>>, vector<1x16xf32>,
        %get3A_292 = vector.shape_cast %get3A_291 : vector<1x16xf32> to vector<16xf32>
        %add3A_293 = arith.constant 64 : i32
        %add3A_294 = arith.addi %mul3A_269, %add3A_293 : i32
        %get3A_295 = arith.index_cast %scan3A_261 : i32 to index
        %get3A_296 = arith.index_cast %add3A_294 : i32 to index
        %get3A_297 = tpu.vector_load %arg9[%get3A_295, %get3A_296] {strides = array<i32>} : memref<8x1024xf32, #tpu.memory_space<vmem>>, vector<1x16xf32>,
        %get3A_298 = vector.shape_cast %get3A_297 : vector<1x16xf32> to vector<16xf32>
        %add3A_299 = arith.constant 80 : i32
        %add3A_300 = arith.addi %mul3A_269, %add3A_299 : i32
        %get3A_301 = arith.index_cast %scan3A_261 : i32 to index
        %get3A_302 = arith.index_cast %add3A_300 : i32 to index
        %get3A_303 = tpu.vector_load %arg9[%get3A_301, %get3A_302] {strides = array<i32>} : memref<8x1024xf32, #tpu.memory_space<vmem>>, vector<1x16xf32>,
        %get3A_304 = vector.shape_cast %get3A_303 : vector<1x16xf32> to vector<16xf32>
        %add3A_305 = arith.constant 96 : i32
        %add3A_306 = arith.addi %mul3A_269, %add3A_305 : i32
        %get3A_307 = arith.index_cast %scan3A_261 : i32 to index
        %get3A_308 = arith.index_cast %add3A_306 : i32 to index
        %get3A_309 = tpu.vector_load %arg9[%get3A_307, %get3A_308] {strides = array<i32>} : memref<8x1024xf32, #tpu.memory_space<vmem>>, vector<1x16xf32>,
        %get3A_310 = vector.shape_cast %get3A_309 : vector<1x16xf32> to vector<16xf32>
        %add3A_311 = arith.constant 112 : i32
        %add3A_312 = arith.addi %mul3A_269, %add3A_311 : i32
        %get3A_313 = arith.index_cast %scan3A_261 : i32 to index
        %get3A_314 = arith.index_cast %add3A_312 : i32 to index
        %get3A_315 = tpu.vector_load %arg9[%get3A_313, %get3A_314] {strides = array<i32>} : memref<8x1024xf32, #tpu.memory_space<vmem>>, vector<1x16xf32>,
        %get3A_316 = vector.shape_cast %get3A_315 : vector<1x16xf32> to vector<16xf32>
        %mul3A_317 = arith.constant 3.125000e-02 : f32
        %mul3A_318 = vector.broadcast %mul3A_317 : f32 to vector<16xf32>
        %mul3A_319 = arith.mulf %get3A_274, %mul3A_318 : vector<16xf32>
        %mul3A_320 = arith.constant 3.125000e-02 : f32
        %mul3A_321 = vector.broadcast %mul3A_320 : f32 to vector<16xf32>
        %mul3A_322 = arith.mulf %get3A_280, %mul3A_321 : vector<16xf32>
        %mul3A_323 = arith.constant 3.125000e-02 : f32
        %mul3A_324 = vector.broadcast %mul3A_323 : f32 to vector<16xf32>
        %mul3A_325 = arith.mulf %get3A_286, %mul3A_324 : vector<16xf32>
        %mul3A_326 = arith.constant 3.125000e-02 : f32
        %mul3A_327 = vector.broadcast %mul3A_326 : f32 to vector<16xf32>
        %mul3A_328 = arith.mulf %get3A_292, %mul3A_327 : vector<16xf32>
        %mul3A_329 = arith.constant 3.125000e-02 : f32
        %mul3A_330 = vector.broadcast %mul3A_329 : f32 to vector<16xf32>
        %mul3A_331 = arith.mulf %get3A_298, %mul3A_330 : vector<16xf32>
        %mul3A_332 = arith.constant 3.125000e-02 : f32
        %mul3A_333 = vector.broadcast %mul3A_332 : f32 to vector<16xf32>
        %mul3A_334 = arith.mulf %get3A_304, %mul3A_333 : vector<16xf32>
        %mul3A_335 = arith.constant 3.125000e-02 : f32
        %mul3A_336 = vector.broadcast %mul3A_335 : f32 to vector<16xf32>
        %mul3A_337 = arith.mulf %get3A_310, %mul3A_336 : vector<16xf32>
        %mul3A_338 = arith.constant 3.125000e-02 : f32
        %mul3A_339 = vector.broadcast %mul3A_338 : f32 to vector<16xf32>
        %mul3A_340 = arith.mulf %get3A_316, %mul3A_339 : vector<16xf32>
        %add3A_341 = arith.constant 0 : i32
        %add3A_342 = arith.addi %mul3A_269, %add3A_341 : i32
        %swap3A = arith.index_cast %scan3A_261 : i32 to index
        %swap3A_343 = arith.index_cast %add3A_342 : i32 to index
        %swap3A_344 = tpu.vector_load %arg15[%swap3A, %swap3A_343] {strides = array<i32>} : memref<8x1024xf32, #tpu.memory_space<vmem>>, vector<1x16xf32>,
        %swap3A_345 = vector.shape_cast %swap3A_344 : vector<1x16xf32> to vector<16xf32>
        %swap3A_346 = vector.shape_cast %mul3A_319 : vector<16xf32> to vector<1x16xf32>
        tpu.vector_store %arg15[%swap3A, %swap3A_343], %swap3A_346 {strides = array<i32>} : memref<8x1024xf32, #tpu.memory_space<vmem>>, vector<1x16xf32>,
        %add3A_347 = arith.constant 16 : i32
        %add3A_348 = arith.addi %mul3A_269, %add3A_347 : i32
        %swap3A_349 = arith.index_cast %scan3A_261 : i32 to index
        %swap3A_350 = arith.index_cast %add3A_348 : i32 to index
        %swap3A_351 = tpu.vector_load %arg15[%swap3A_349, %swap3A_350] {strides = array<i32>} : memref<8x1024xf32, #tpu.memory_space<vmem>>, vector<1x16xf32>,
        %swap3A_352 = vector.shape_cast %swap3A_351 : vector<1x16xf32> to vector<16xf32>
        %swap3A_353 = vector.shape_cast %mul3A_322 : vector<16xf32> to vector<1x16xf32>
        tpu.vector_store %arg15[%swap3A_349, %swap3A_350], %swap3A_353 {strides = array<i32>} : memref<8x1024xf32, #tpu.memory_space<vmem>>, vector<1x16xf32>,
        %add3A_354 = arith.constant 32 : i32
        %add3A_355 = arith.addi %mul3A_269, %add3A_354 : i32
        %swap3A_356 = arith.index_cast %scan3A_261 : i32 to index
        %swap3A_357 = arith.index_cast %add3A_355 : i32 to index
        %swap3A_358 = tpu.vector_load %arg15[%swap3A_356, %swap3A_357] {strides = array<i32>} : memref<8x1024xf32, #tpu.memory_space<vmem>>, vector<1x16xf32>,
        %swap3A_359 = vector.shape_cast %swap3A_358 : vector<1x16xf32> to vector<16xf32>
        %swap3A_360 = vector.shape_cast %mul3A_325 : vector<16xf32> to vector<1x16xf32>
        tpu.vector_store %arg15[%swap3A_356, %swap3A_357], %swap3A_360 {strides = array<i32>} : memref<8x1024xf32, #tpu.memory_space<vmem>>, vector<1x16xf32>,
        %add3A_361 = arith.constant 48 : i32
        %add3A_362 = arith.addi %mul3A_269, %add3A_361 : i32
        %swap3A_363 = arith.index_cast %scan3A_261 : i32 to index
        %swap3A_364 = arith.index_cast %add3A_362 : i32 to index
        %swap3A_365 = tpu.vector_load %arg15[%swap3A_363, %swap3A_364] {strides = array<i32>} : memref<8x1024xf32, #tpu.memory_space<vmem>>, vector<1x16xf32>,
        %swap3A_366 = vector.shape_cast %swap3A_365 : vector<1x16xf32> to vector<16xf32>
        %swap3A_367 = vector.shape_cast %mul3A_328 : vector<16xf32> to vector<1x16xf32>
        tpu.vector_store %arg15[%swap3A_363, %swap3A_364], %swap3A_367 {strides = array<i32>} : memref<8x1024xf32, #tpu.memory_space<vmem>>, vector<1x16xf32>,
        %add3A_368 = arith.constant 64 : i32
        %add3A_369 = arith.addi %mul3A_269, %add3A_368 : i32
        %swap3A_370 = arith.index_cast %scan3A_261 : i32 to index
        %swap3A_371 = arith.index_cast %add3A_369 : i32 to index
        %swap3A_372 = tpu.vector_load %arg15[%swap3A_370, %swap3A_371] {strides = array<i32>} : memref<8x1024xf32, #tpu.memory_space<vmem>>, vector<1x16xf32>,
        %swap3A_373 = vector.shape_cast %swap3A_372 : vector<1x16xf32> to vector<16xf32>
        %swap3A_374 = vector.shape_cast %mul3A_331 : vector<16xf32> to vector<1x16xf32>
        tpu.vector_store %arg15[%swap3A_370, %swap3A_371], %swap3A_374 {strides = array<i32>} : memref<8x1024xf32, #tpu.memory_space<vmem>>, vector<1x16xf32>,
        %add3A_375 = arith.constant 80 : i32
        %add3A_376 = arith.addi %mul3A_269, %add3A_375 : i32
        %swap3A_377 = arith.index_cast %scan3A_261 : i32 to index
        %swap3A_378 = arith.index_cast %add3A_376 : i32 to index
        %swap3A_379 = tpu.vector_load %arg15[%swap3A_377, %swap3A_378] {strides = array<i32>} : memref<8x1024xf32, #tpu.memory_space<vmem>>, vector<1x16xf32>,
        %swap3A_380 = vector.shape_cast %swap3A_379 : vector<1x16xf32> to vector<16xf32>
        %swap3A_381 = vector.shape_cast %mul3A_334 : vector<16xf32> to vector<1x16xf32>
        tpu.vector_store %arg15[%swap3A_377, %swap3A_378], %swap3A_381 {strides = array<i32>} : memref<8x1024xf32, #tpu.memory_space<vmem>>, vector<1x16xf32>,
        %add3A_382 = arith.constant 96 : i32
        %add3A_383 = arith.addi %mul3A_269, %add3A_382 : i32
        %swap3A_384 = arith.index_cast %scan3A_261 : i32 to index
        %swap3A_385 = arith.index_cast %add3A_383 : i32 to index
        %swap3A_386 = tpu.vector_load %arg15[%swap3A_384, %swap3A_385] {strides = array<i32>} : memref<8x1024xf32, #tpu.memory_space<vmem>>, vector<1x16xf32>,
        %swap3A_387 = vector.shape_cast %swap3A_386 : vector<1x16xf32> to vector<16xf32>
        %swap3A_388 = vector.shape_cast %mul3A_337 : vector<16xf32> to vector<1x16xf32>
        tpu.vector_store %arg15[%swap3A_384, %swap3A_385], %swap3A_388 {strides = array<i32>} : memref<8x1024xf32, #tpu.memory_space<vmem>>, vector<1x16xf32>,
        %add3A_389 = arith.constant 112 : i32
        %add3A_390 = arith.addi %mul3A_269, %add3A_389 : i32
        %swap3A_391 = arith.index_cast %scan3A_261 : i32 to index
        %swap3A_392 = arith.index_cast %add3A_390 : i32 to index
        %swap3A_393 = tpu.vector_load %arg15[%swap3A_391, %swap3A_392] {strides = array<i32>} : memref<8x1024xf32, #tpu.memory_space<vmem>>, vector<1x16xf32>,
        %swap3A_394 = vector.shape_cast %swap3A_393 : vector<1x16xf32> to vector<16xf32>
        %swap3A_395 = vector.shape_cast %mul3A_340 : vector<16xf32> to vector<1x16xf32>
        tpu.vector_store %arg15[%swap3A_391, %swap3A_392], %swap3A_395 {strides = array<i32>} : memref<8x1024xf32, #tpu.memory_space<vmem>>, vector<1x16xf32>,
      }
      %scan3A_266 = arith.constant 8 : i32
    }
    %scan3A_161 = arith.constant 8 : i32
    %add3A_162 = arith.constant 40 : i32
    %add3A_163 = arith.addi %mul3A_2, %add3A_162 : i32
    %dma_start3A_164 = arith.constant 0 : i32
    %dma_start3A_165 = tpu.memref_slice %arg3[%add3A_163, %dma_start3A_164] : memref<8192x1024xf32, #tpu.memory_space<hbm>> -> memref<8x1024xf32, #tpu.memory_space<hbm>>
    %dma_start3A_166 = arith.constant 0 : i32
    %dma_start3A_167 = tpu.memref_slice %arg3[%add3A_163, %dma_start3A_166] : memref<8192x1024xf32, #tpu.memory_space<hbm>> -> memref<8x1024xf32, #tpu.memory_space<hbm>>
    tpu.enqueue_dma source(%arg15 : memref<8x1024xf32, #tpu.memory_space<vmem>>) target(%dma_start3A_167 : memref<8x1024xf32, #tpu.memory_space<hbm>>) target_semaphore(%arg27 : memref<!tpu.dma_semaphore, #tpu.memory_space<semaphore_mem>>)
    %add3A_168 = arith.constant 88 : i32
    %add3A_169 = arith.addi %mul3A_2, %add3A_168 : i32
    %dma_start3A_170 = arith.constant 0 : i32
    %dma_start3A_171 = tpu.memref_slice %arg2[%add3A_169, %dma_start3A_170] : memref<8192x1024xf32, #tpu.memory_space<hbm>> -> memref<8x1024xf32, #tpu.memory_space<hbm>>
    %dma_start3A_172 = arith.constant 0 : i32
    %dma_start3A_173 = tpu.memref_slice %arg2[%add3A_169, %dma_start3A_172] : memref<8192x1024xf32, #tpu.memory_space<hbm>> -> memref<8x1024xf32, #tpu.memory_space<hbm>>
    tpu.enqueue_dma source(%dma_start3A_173 : memref<8x1024xf32, #tpu.memory_space<hbm>>) target(%arg9 : memref<8x1024xf32, #tpu.memory_space<vmem>>) target_semaphore(%arg21 : memref<!tpu.dma_semaphore, #tpu.memory_space<semaphore_mem>>)
    %scan3A_174 = arith.constant 1 : i32
    %scan3A_175 = arith.constant 4 : i32
    %scan3A_176 = arith.addi %scan3A_174, %scan3A_175 : i32
    %scan3A_177 = arith.constant 1 : i32
    scf.for %scan3A_261 = %scan3A_174 to %scan3A_176 step %scan3A_177  : i32 {
      %mul3A_262 = arith.constant 6 : i32
      %mul3A_263 = arith.muli %scan3A_261, %mul3A_262 : i32
      %add3A_264 = arith.constant 0 : i32
      %add3A_265 = arith.addi %mul3A_263, %add3A_264 : i32
      %mul3A_266 = arith.constant 8 : i32
      %mul3A_267 = arith.muli %add3A_265, %mul3A_266 : i32
      %add3A_268 = arith.addi %mul3A_2, %mul3A_267 : i32
      %dma_wait3A_269 = arith.constant 0 : i32
      %dma_wait3A_270 = tpu.memref_slice %arg2[%add3A_268, %dma_wait3A_269] : memref<8192x1024xf32, #tpu.memory_space<hbm>> -> memref<8x1024xf32, #tpu.memory_space<hbm>>
      %dma_wait3A_271 = arith.constant 0 : i32
      %dma_wait3A_272 = tpu.memref_slice %arg2[%add3A_268, %dma_wait3A_271] : memref<8192x1024xf32, #tpu.memory_space<hbm>> -> memref<8x1024xf32, #tpu.memory_space<hbm>>
      tpu.wait_dma2 semaphore(%arg16 : memref<!tpu.dma_semaphore, #tpu.memory_space<semaphore_mem>>) src(%dma_wait3A_272 : memref<8x1024xf32, #tpu.memory_space<hbm>>) dst(%arg4 : memref<8x1024xf32, #tpu.memory_space<vmem>>)
      %sub3A = arith.constant 6 : i32
      %sub3A_273 = arith.subi %add3A_265, %sub3A : i32
      %mul3A_274 = arith.constant 8 : i32
      %mul3A_275 = arith.muli %sub3A_273, %mul3A_274 : i32
      %add3A_276 = arith.addi %mul3A_2, %mul3A_275 : i32
      %dma_wait3A_277 = arith.constant 0 : i32
      %dma_wait3A_278 = tpu.memref_slice %arg3[%add3A_276, %dma_wait3A_277] : memref<8192x1024xf32, #tpu.memory_space<hbm>> -> memref<8x1024xf32, #tpu.memory_space<hbm>>
      %dma_wait3A_279 = arith.constant 0 : i32
      %dma_wait3A_280 = tpu.memref_slice %arg3[%add3A_276, %dma_wait3A_279] : memref<8192x1024xf32, #tpu.memory_space<hbm>> -> memref<8x1024xf32, #tpu.memory_space<hbm>>
      tpu.wait_dma2 semaphore(%arg22 : memref<!tpu.dma_semaphore, #tpu.memory_space<semaphore_mem>>) src(%arg10 : memref<8x1024xf32, #tpu.memory_space<vmem>>) dst(%dma_wait3A_280 : memref<8x1024xf32, #tpu.memory_space<hbm>>)
      %scan3A_281 = arith.constant 0 : i32
      %scan3A_282 = arith.constant 8 : i32
      %scan3A_283 = arith.addi %scan3A_281, %scan3A_282 : i32
      %scan3A_284 = arith.constant 1 : i32
      scf.for %scan3A_482 = %scan3A_281 to %scan3A_283 step %scan3A_284  : i32 {
        %scan3A_483 = arith.constant 0 : i32
        %scan3A_484 = arith.constant 8 : i32
        %scan3A_485 = arith.addi %scan3A_483, %scan3A_484 : i32
        %scan3A_486 = arith.constant 1 : i32
        scf.for %scan3A_488 = %scan3A_483 to %scan3A_485 step %scan3A_486  : i32 {
          %mul3A_489 = arith.constant 128 : i32
          %mul3A_490 = arith.muli %scan3A_488, %mul3A_489 : i32
          %add3A_491 = arith.constant 0 : i32
          %add3A_492 = arith.addi %mul3A_490, %add3A_491 : i32
          %get3A = arith.index_cast %scan3A_482 : i32 to index
          %get3A_493 = arith.index_cast %add3A_492 : i32 to index
          %get3A_494 = tpu.vector_load %arg4[%get3A, %get3A_493] {strides = array<i32>} : memref<8x1024xf32, #tpu.memory_space<vmem>>, vector<1x16xf32>,
          %get3A_495 = vector.shape_cast %get3A_494 : vector<1x16xf32> to vector<16xf32>
          %add3A_496 = arith.constant 16 : i32
          %add3A_497 = arith.addi %mul3A_490, %add3A_496 : i32
          %get3A_498 = arith.index_cast %scan3A_482 : i32 to index
          %get3A_499 = arith.index_cast %add3A_497 : i32 to index
          %get3A_500 = tpu.vector_load %arg4[%get3A_498, %get3A_499] {strides = array<i32>} : memref<8x1024xf32, #tpu.memory_space<vmem>>, vector<1x16xf32>,
          %get3A_501 = vector.shape_cast %get3A_500 : vector<1x16xf32> to vector<16xf32>
          %add3A_502 = arith.constant 32 : i32
          %add3A_503 = arith.addi %mul3A_490, %add3A_502 : i32
          %get3A_504 = arith.index_cast %scan3A_482 : i32 to index
          %get3A_505 = arith.index_cast %add3A_503 : i32 to index
          %get3A_506 = tpu.vector_load %arg4[%get3A_504, %get3A_505] {strides = array<i32>} : memref<8x1024xf32, #tpu.memory_space<vmem>>, vector<1x16xf32>,
          %get3A_507 = vector.shape_cast %get3A_506 : vector<1x16xf32> to vector<16xf32>
          %add3A_508 = arith.constant 48 : i32
          %add3A_509 = arith.addi %mul3A_490, %add3A_508 : i32
          %get3A_510 = arith.index_cast %scan3A_482 : i32 to index
          %get3A_511 = arith.index_cast %add3A_509 : i32 to index
          %get3A_512 = tpu.vector_load %arg4[%get3A_510, %get3A_511] {strides = array<i32>} : memref<8x1024xf32, #tpu.memory_space<vmem>>, vector<1x16xf32>,
          %get3A_513 = vector.shape_cast %get3A_512 : vector<1x16xf32> to vector<16xf32>
          %add3A_514 = arith.constant 64 : i32
          %add3A_515 = arith.addi %mul3A_490, %add3A_514 : i32
          %get3A_516 = arith.index_cast %scan3A_482 : i32 to index
          %get3A_517 = arith.index_cast %add3A_515 : i32 to index
          %get3A_518 = tpu.vector_load %arg4[%get3A_516, %get3A_517] {strides = array<i32>} : memref<8x1024xf32, #tpu.memory_space<vmem>>, vector<1x16xf32>,
          %get3A_519 = vector.shape_cast %get3A_518 : vector<1x16xf32> to vector<16xf32>
          %add3A_520 = arith.constant 80 : i32
          %add3A_521 = arith.addi %mul3A_490, %add3A_520 : i32
          %get3A_522 = arith.index_cast %scan3A_482 : i32 to index
          %get3A_523 = arith.index_cast %add3A_521 : i32 to index
          %get3A_524 = tpu.vector_load %arg4[%get3A_522, %get3A_523] {strides = array<i32>} : memref<8x1024xf32, #tpu.memory_space<vmem>>, vector<1x16xf32>,
          %get3A_525 = vector.shape_cast %get3A_524 : vector<1x16xf32> to vector<16xf32>
          %add3A_526 = arith.constant 96 : i32
          %add3A_527 = arith.addi %mul3A_490, %add3A_526 : i32
          %get3A_528 = arith.index_cast %scan3A_482 : i32 to index
          %get3A_529 = arith.index_cast %add3A_527 : i32 to index
          %get3A_530 = tpu.vector_load %arg4[%get3A_528, %get3A_529] {strides = array<i32>} : memref<8x1024xf32, #tpu.memory_space<vmem>>, vector<1x16xf32>,
          %get3A_531 = vector.shape_cast %get3A_530 : vector<1x16xf32> to vector<16xf32>
          %add3A_532 = arith.constant 112 : i32
          %add3A_533 = arith.addi %mul3A_490, %add3A_532 : i32
          %get3A_534 = arith.index_cast %scan3A_482 : i32 to index
          %get3A_535 = arith.index_cast %add3A_533 : i32 to index
          %get3A_536 = tpu.vector_load %arg4[%get3A_534, %get3A_535] {strides = array<i32>} : memref<8x1024xf32, #tpu.memory_space<vmem>>, vector<1x16xf32>,
          %get3A_537 = vector.shape_cast %get3A_536 : vector<1x16xf32> to vector<16xf32>
          %mul3A_538 = arith.constant 3.125000e-02 : f32
          %mul3A_539 = vector.broadcast %mul3A_538 : f32 to vector<16xf32>
          %mul3A_540 = arith.mulf %get3A_495, %mul3A_539 : vector<16xf32>
          %mul3A_541 = arith.constant 3.125000e-02 : f32
          %mul3A_542 = vector.broadcast %mul3A_541 : f32 to vector<16xf32>
          %mul3A_543 = arith.mulf %get3A_501, %mul3A_542 : vector<16xf32>
          %mul3A_544 = arith.constant 3.125000e-02 : f32
          %mul3A_545 = vector.broadcast %mul3A_544 : f32 to vector<16xf32>
          %mul3A_546 = arith.mulf %get3A_507, %mul3A_545 : vector<16xf32>
          %mul3A_547 = arith.constant 3.125000e-02 : f32
          %mul3A_548 = vector.broadcast %mul3A_547 : f32 to vector<16xf32>
          %mul3A_549 = arith.mulf %get3A_513, %mul3A_548 : vector<16xf32>
          %mul3A_550 = arith.constant 3.125000e-02 : f32
          %mul3A_551 = vector.broadcast %mul3A_550 : f32 to vector<16xf32>
          %mul3A_552 = arith.mulf %get3A_519, %mul3A_551 : vector<16xf32>
          %mul3A_553 = arith.constant 3.125000e-02 : f32
          %mul3A_554 = vector.broadcast %mul3A_553 : f32 to vector<16xf32>
          %mul3A_555 = arith.mulf %get3A_525, %mul3A_554 : vector<16xf32>
          %mul3A_556 = arith.constant 3.125000e-02 : f32
          %mul3A_557 = vector.broadcast %mul3A_556 : f32 to vector<16xf32>
          %mul3A_558 = arith.mulf %get3A_531, %mul3A_557 : vector<16xf32>
          %mul3A_559 = arith.constant 3.125000e-02 : f32
          %mul3A_560 = vector.broadcast %mul3A_559 : f32 to vector<16xf32>
          %mul3A_561 = arith.mulf %get3A_537, %mul3A_560 : vector<16xf32>
          %add3A_562 = arith.constant 0 : i32
          %add3A_563 = arith.addi %mul3A_490, %add3A_562 : i32
          %swap3A = arith.index_cast %scan3A_482 : i32 to index
          %swap3A_564 = arith.index_cast %add3A_563 : i32 to index
          %swap3A_565 = tpu.vector_load %arg10[%swap3A, %swap3A_564] {strides = array<i32>} : memref<8x1024xf32, #tpu.memory_space<vmem>>, vector<1x16xf32>,
          %swap3A_566 = vector.shape_cast %swap3A_565 : vector<1x16xf32> to vector<16xf32>
          %swap3A_567 = vector.shape_cast %mul3A_540 : vector<16xf32> to vector<1x16xf32>
          tpu.vector_store %arg10[%swap3A, %swap3A_564], %swap3A_567 {strides = array<i32>} : memref<8x1024xf32, #tpu.memory_space<vmem>>, vector<1x16xf32>,
          %add3A_568 = arith.constant 16 : i32
          %add3A_569 = arith.addi %mul3A_490, %add3A_568 : i32
          %swap3A_570 = arith.index_cast %scan3A_482 : i32 to index
          %swap3A_571 = arith.index_cast %add3A_569 : i32 to index
          %swap3A_572 = tpu.vector_load %arg10[%swap3A_570, %swap3A_571] {strides = array<i32>} : memref<8x1024xf32, #tpu.memory_space<vmem>>, vector<1x16xf32>,
          %swap3A_573 = vector.shape_cast %swap3A_572 : vector<1x16xf32> to vector<16xf32>
          %swap3A_574 = vector.shape_cast %mul3A_543 : vector<16xf32> to vector<1x16xf32>
          tpu.vector_store %arg10[%swap3A_570, %swap3A_571], %swap3A_574 {strides = array<i32>} : memref<8x1024xf32, #tpu.memory_space<vmem>>, vector<1x16xf32>,
          %add3A_575 = arith.constant 32 : i32
          %add3A_576 = arith.addi %mul3A_490, %add3A_575 : i32
          %swap3A_577 = arith.index_cast %scan3A_482 : i32 to index
          %swap3A_578 = arith.index_cast %add3A_576 : i32 to index
          %swap3A_579 = tpu.vector_load %arg10[%swap3A_577, %swap3A_578] {strides = array<i32>} : memref<8x1024xf32, #tpu.memory_space<vmem>>, vector<1x16xf32>,
          %swap3A_580 = vector.shape_cast %swap3A_579 : vector<1x16xf32> to vector<16xf32>
          %swap3A_581 = vector.shape_cast %mul3A_546 : vector<16xf32> to vector<1x16xf32>
          tpu.vector_store %arg10[%swap3A_577, %swap3A_578], %swap3A_581 {strides = array<i32>} : memref<8x1024xf32, #tpu.memory_space<vmem>>, vector<1x16xf32>,
          %add3A_582 = arith.constant 48 : i32
          %add3A_583 = arith.addi %mul3A_490, %add3A_582 : i32
          %swap3A_584 = arith.index_cast %scan3A_482 : i32 to index
          %swap3A_585 = arith.index_cast %add3A_583 : i32 to index
          %swap3A_586 = tpu.vector_load %arg10[%swap3A_584, %swap3A_585] {strides = array<i32>} : memref<8x1024xf32, #tpu.memory_space<vmem>>, vector<1x16xf32>,
          %swap3A_587 = vector.shape_cast %swap3A_586 : vector<1x16xf32> to vector<16xf32>
          %swap3A_588 = vector.shape_cast %mul3A_549 : vector<16xf32> to vector<1x16xf32>
          tpu.vector_store %arg10[%swap3A_584, %swap3A_585], %swap3A_588 {strides = array<i32>} : memref<8x1024xf32, #tpu.memory_space<vmem>>, vector<1x16xf32>,
          %add3A_589 = arith.constant 64 : i32
          %add3A_590 = arith.addi %mul3A_490, %add3A_589 : i32
          %swap3A_591 = arith.index_cast %scan3A_482 : i32 to index
          %swap3A_592 = arith.index_cast %add3A_590 : i32 to index
          %swap3A_593 = tpu.vector_load %arg10[%swap3A_591, %swap3A_592] {strides = array<i32>} : memref<8x1024xf32, #tpu.memory_space<vmem>>, vector<1x16xf32>,
          %swap3A_594 = vector.shape_cast %swap3A_593 : vector<1x16xf32> to vector<16xf32>
          %swap3A_595 = vector.shape_cast %mul3A_552 : vector<16xf32> to vector<1x16xf32>
          tpu.vector_store %arg10[%swap3A_591, %swap3A_592], %swap3A_595 {strides = array<i32>} : memref<8x1024xf32, #tpu.memory_space<vmem>>, vector<1x16xf32>,
          %add3A_596 = arith.constant 80 : i32
          %add3A_597 = arith.addi %mul3A_490, %add3A_596 : i32
          %swap3A_598 = arith.index_cast %scan3A_482 : i32 to index
          %swap3A_599 = arith.index_cast %add3A_597 : i32 to index
          %swap3A_600 = tpu.vector_load %arg10[%swap3A_598, %swap3A_599] {strides = array<i32>} : memref<8x1024xf32, #tpu.memory_space<vmem>>, vector<1x16xf32>,
          %swap3A_601 = vector.shape_cast %swap3A_600 : vector<1x16xf32> to vector<16xf32>
          %swap3A_602 = vector.shape_cast %mul3A_555 : vector<16xf32> to vector<1x16xf32>
          tpu.vector_store %arg10[%swap3A_598, %swap3A_599], %swap3A_602 {strides = array<i32>} : memref<8x1024xf32, #tpu.memory_space<vmem>>, vector<1x16xf32>,
          %add3A_603 = arith.constant 96 : i32
          %add3A_604 = arith.addi %mul3A_490, %add3A_603 : i32
          %swap3A_605 = arith.index_cast %scan3A_482 : i32 to index
          %swap3A_606 = arith.index_cast %add3A_604 : i32 to index
          %swap3A_607 = tpu.vector_load %arg10[%swap3A_605, %swap3A_606] {strides = array<i32>} : memref<8x1024xf32, #tpu.memory_space<vmem>>, vector<1x16xf32>,
          %swap3A_608 = vector.shape_cast %swap3A_607 : vector<1x16xf32> to vector<16xf32>
          %swap3A_609 = vector.shape_cast %mul3A_558 : vector<16xf32> to vector<1x16xf32>
          tpu.vector_store %arg10[%swap3A_605, %swap3A_606], %swap3A_609 {strides = array<i32>} : memref<8x1024xf32, #tpu.memory_space<vmem>>, vector<1x16xf32>,
          %add3A_610 = arith.constant 112 : i32
          %add3A_611 = arith.addi %mul3A_490, %add3A_610 : i32
          %swap3A_612 = arith.index_cast %scan3A_482 : i32 to index
          %swap3A_613 = arith.index_cast %add3A_611 : i32 to index
          %swap3A_614 = tpu.vector_load %arg10[%swap3A_612, %swap3A_613] {strides = array<i32>} : memref<8x1024xf32, #tpu.memory_space<vmem>>, vector<1x16xf32>,
          %swap3A_615 = vector.shape_cast %swap3A_614 : vector<1x16xf32> to vector<16xf32>
          %swap3A_616 = vector.shape_cast %mul3A_561 : vector<16xf32> to vector<1x16xf32>
          tpu.vector_store %arg10[%swap3A_612, %swap3A_613], %swap3A_616 {strides = array<i32>} : memref<8x1024xf32, #tpu.memory_space<vmem>>, vector<1x16xf32>,
        }
        %scan3A_487 = arith.constant 8 : i32
      }
      %scan3A_285 = arith.constant 8 : i32
      %add3A_286 = arith.constant 6 : i32
      %add3A_287 = arith.addi %add3A_265, %add3A_286 : i32
      %lt3A = arith.constant 32 : i32
      %lt3A_288 = arith.cmpi slt, %add3A_287, %lt3A : i32
      %convert_element_type3A = arith.extui %lt3A_288 : i1 to i32
      %cond3A = arith.constant 0 : i32
      %cond3A_289 = arith.cmpi ne, %convert_element_type3A, %cond3A : i32
      scf.if %cond3A_289 {
        %add3A_482 = arith.constant 6 : i32
        %add3A_483 = arith.addi %add3A_265, %add3A_482 : i32
        %mul3A_484 = arith.constant 8 : i32
        %mul3A_485 = arith.muli %add3A_483, %mul3A_484 : i32
        %add3A_486 = arith.addi %mul3A_2, %mul3A_485 : i32
        %dma_start3A_487 = arith.constant 0 : i32
        %dma_start3A_488 = tpu.memref_slice %arg2[%add3A_486, %dma_start3A_487] : memref<8192x1024xf32, #tpu.memory_space<hbm>> -> memref<8x1024xf32, #tpu.memory_space<hbm>>
        %dma_start3A_489 = arith.constant 0 : i32
        %dma_start3A_490 = tpu.memref_slice %arg2[%add3A_486, %dma_start3A_489] : memref<8192x1024xf32, #tpu.memory_space<hbm>> -> memref<8x1024xf32, #tpu.memory_space<hbm>>
        tpu.enqueue_dma source(%dma_start3A_490 : memref<8x1024xf32, #tpu.memory_space<hbm>>) target(%arg4 : memref<8x1024xf32, #tpu.memory_space<vmem>>) target_semaphore(%arg16 : memref<!tpu.dma_semaphore, #tpu.memory_space<semaphore_mem>>)
      } else {
      }
      %mul3A_290 = arith.constant 8 : i32
      %mul3A_291 = arith.muli %add3A_265, %mul3A_290 : i32
      %add3A_292 = arith.addi %mul3A_2, %mul3A_291 : i32
      %dma_start3A_293 = arith.constant 0 : i32
      %dma_start3A_294 = tpu.memref_slice %arg3[%add3A_292, %dma_start3A_293] : memref<8192x1024xf32, #tpu.memory_space<hbm>> -> memref<8x1024xf32, #tpu.memory_space<hbm>>
      %dma_start3A_295 = arith.constant 0 : i32
      %dma_start3A_296 = tpu.memref_slice %arg3[%add3A_292, %dma_start3A_295] : memref<8192x1024xf32, #tpu.memory_space<hbm>> -> memref<8x1024xf32, #tpu.memory_space<hbm>>
      tpu.enqueue_dma source(%arg10 : memref<8x1024xf32, #tpu.memory_space<vmem>>) target(%dma_start3A_296 : memref<8x1024xf32, #tpu.memory_space<hbm>>) target_semaphore(%arg22 : memref<!tpu.dma_semaphore, #tpu.memory_space<semaphore_mem>>)
      %add3A_297 = arith.constant 1 : i32
      %add3A_298 = arith.addi %mul3A_263, %add3A_297 : i32
      %mul3A_299 = arith.constant 8 : i32
      %mul3A_300 = arith.muli %add3A_298, %mul3A_299 : i32
      %add3A_301 = arith.addi %mul3A_2, %mul3A_300 : i32
      %dma_wait3A_302 = arith.constant 0 : i32
      %dma_wait3A_303 = tpu.memref_slice %arg2[%add3A_301, %dma_wait3A_302] : memref<8192x1024xf32, #tpu.memory_space<hbm>> -> memref<8x1024xf32, #tpu.memory_space<hbm>>
      %dma_wait3A_304 = arith.constant 0 : i32
      %dma_wait3A_305 = tpu.memref_slice %arg2[%add3A_301, %dma_wait3A_304] : memref<8192x1024xf32, #tpu.memory_space<hbm>> -> memref<8x1024xf32, #tpu.memory_space<hbm>>
      tpu.wait_dma2 semaphore(%arg17 : memref<!tpu.dma_semaphore, #tpu.memory_space<semaphore_mem>>) src(%dma_wait3A_305 : memref<8x1024xf32, #tpu.memory_space<hbm>>) dst(%arg5 : memref<8x1024xf32, #tpu.memory_space<vmem>>)
      %sub3A_306 = arith.constant 6 : i32
      %sub3A_307 = arith.subi %add3A_298, %sub3A_306 : i32
      %mul3A_308 = arith.constant 8 : i32
      %mul3A_309 = arith.muli %sub3A_307, %mul3A_308 : i32
      %add3A_310 = arith.addi %mul3A_2, %mul3A_309 : i32
      %dma_wait3A_311 = arith.constant 0 : i32
      %dma_wait3A_312 = tpu.memref_slice %arg3[%add3A_310, %dma_wait3A_311] : memref<8192x1024xf32, #tpu.memory_space<hbm>> -> memref<8x1024xf32, #tpu.memory_space<hbm>>
      %dma_wait3A_313 = arith.constant 0 : i32
      %dma_wait3A_314 = tpu.memref_slice %arg3[%add3A_310, %dma_wait3A_313] : memref<8192x1024xf32, #tpu.memory_space<hbm>> -> memref<8x1024xf32, #tpu.memory_space<hbm>>
      tpu.wait_dma2 semaphore(%arg23 : memref<!tpu.dma_semaphore, #tpu.memory_space<semaphore_mem>>) src(%arg11 : memref<8x1024xf32, #tpu.memory_space<vmem>>) dst(%dma_wait3A_314 : memref<8x1024xf32, #tpu.memory_space<hbm>>)
      %scan3A_315 = arith.constant 0 : i32
      %scan3A_316 = arith.constant 8 : i32
      %scan3A_317 = arith.addi %scan3A_315, %scan3A_316 : i32
      %scan3A_318 = arith.constant 1 : i32
      scf.for %scan3A_482 = %scan3A_315 to %scan3A_317 step %scan3A_318  : i32 {
        %scan3A_483 = arith.constant 0 : i32
        %scan3A_484 = arith.constant 8 : i32
        %scan3A_485 = arith.addi %scan3A_483, %scan3A_484 : i32
        %scan3A_486 = arith.constant 1 : i32
        scf.for %scan3A_488 = %scan3A_483 to %scan3A_485 step %scan3A_486  : i32 {
          %mul3A_489 = arith.constant 128 : i32
          %mul3A_490 = arith.muli %scan3A_488, %mul3A_489 : i32
          %add3A_491 = arith.constant 0 : i32
          %add3A_492 = arith.addi %mul3A_490, %add3A_491 : i32
          %get3A = arith.index_cast %scan3A_482 : i32 to index
          %get3A_493 = arith.index_cast %add3A_492 : i32 to index
          %get3A_494 = tpu.vector_load %arg5[%get3A, %get3A_493] {strides = array<i32>} : memref<8x1024xf32, #tpu.memory_space<vmem>>, vector<1x16xf32>,
          %get3A_495 = vector.shape_cast %get3A_494 : vector<1x16xf32> to vector<16xf32>
          %add3A_496 = arith.constant 16 : i32
          %add3A_497 = arith.addi %mul3A_490, %add3A_496 : i32
          %get3A_498 = arith.index_cast %scan3A_482 : i32 to index
          %get3A_499 = arith.index_cast %add3A_497 : i32 to index
          %get3A_500 = tpu.vector_load %arg5[%get3A_498, %get3A_499] {strides = array<i32>} : memref<8x1024xf32, #tpu.memory_space<vmem>>, vector<1x16xf32>,
          %get3A_501 = vector.shape_cast %get3A_500 : vector<1x16xf32> to vector<16xf32>
          %add3A_502 = arith.constant 32 : i32
          %add3A_503 = arith.addi %mul3A_490, %add3A_502 : i32
          %get3A_504 = arith.index_cast %scan3A_482 : i32 to index
          %get3A_505 = arith.index_cast %add3A_503 : i32 to index
          %get3A_506 = tpu.vector_load %arg5[%get3A_504, %get3A_505] {strides = array<i32>} : memref<8x1024xf32, #tpu.memory_space<vmem>>, vector<1x16xf32>,
          %get3A_507 = vector.shape_cast %get3A_506 : vector<1x16xf32> to vector<16xf32>
          %add3A_508 = arith.constant 48 : i32
          %add3A_509 = arith.addi %mul3A_490, %add3A_508 : i32
          %get3A_510 = arith.index_cast %scan3A_482 : i32 to index
          %get3A_511 = arith.index_cast %add3A_509 : i32 to index
          %get3A_512 = tpu.vector_load %arg5[%get3A_510, %get3A_511] {strides = array<i32>} : memref<8x1024xf32, #tpu.memory_space<vmem>>, vector<1x16xf32>,
          %get3A_513 = vector.shape_cast %get3A_512 : vector<1x16xf32> to vector<16xf32>
          %add3A_514 = arith.constant 64 : i32
          %add3A_515 = arith.addi %mul3A_490, %add3A_514 : i32
          %get3A_516 = arith.index_cast %scan3A_482 : i32 to index
          %get3A_517 = arith.index_cast %add3A_515 : i32 to index
          %get3A_518 = tpu.vector_load %arg5[%get3A_516, %get3A_517] {strides = array<i32>} : memref<8x1024xf32, #tpu.memory_space<vmem>>, vector<1x16xf32>,
          %get3A_519 = vector.shape_cast %get3A_518 : vector<1x16xf32> to vector<16xf32>
          %add3A_520 = arith.constant 80 : i32
          %add3A_521 = arith.addi %mul3A_490, %add3A_520 : i32
          %get3A_522 = arith.index_cast %scan3A_482 : i32 to index
          %get3A_523 = arith.index_cast %add3A_521 : i32 to index
          %get3A_524 = tpu.vector_load %arg5[%get3A_522, %get3A_523] {strides = array<i32>} : memref<8x1024xf32, #tpu.memory_space<vmem>>, vector<1x16xf32>,
          %get3A_525 = vector.shape_cast %get3A_524 : vector<1x16xf32> to vector<16xf32>
          %add3A_526 = arith.constant 96 : i32
          %add3A_527 = arith.addi %mul3A_490, %add3A_526 : i32
          %get3A_528 = arith.index_cast %scan3A_482 : i32 to index
          %get3A_529 = arith.index_cast %add3A_527 : i32 to index
          %get3A_530 = tpu.vector_load %arg5[%get3A_528, %get3A_529] {strides = array<i32>} : memref<8x1024xf32, #tpu.memory_space<vmem>>, vector<1x16xf32>,
          %get3A_531 = vector.shape_cast %get3A_530 : vector<1x16xf32> to vector<16xf32>
          %add3A_532 = arith.constant 112 : i32
          %add3A_533 = arith.addi %mul3A_490, %add3A_532 : i32
          %get3A_534 = arith.index_cast %scan3A_482 : i32 to index
          %get3A_535 = arith.index_cast %add3A_533 : i32 to index
          %get3A_536 = tpu.vector_load %arg5[%get3A_534, %get3A_535] {strides = array<i32>} : memref<8x1024xf32, #tpu.memory_space<vmem>>, vector<1x16xf32>,
          %get3A_537 = vector.shape_cast %get3A_536 : vector<1x16xf32> to vector<16xf32>
          %mul3A_538 = arith.constant 3.125000e-02 : f32
          %mul3A_539 = vector.broadcast %mul3A_538 : f32 to vector<16xf32>
          %mul3A_540 = arith.mulf %get3A_495, %mul3A_539 : vector<16xf32>
          %mul3A_541 = arith.constant 3.125000e-02 : f32
          %mul3A_542 = vector.broadcast %mul3A_541 : f32 to vector<16xf32>
          %mul3A_543 = arith.mulf %get3A_501, %mul3A_542 : vector<16xf32>
          %mul3A_544 = arith.constant 3.125000e-02 : f32
          %mul3A_545 = vector.broadcast %mul3A_544 : f32 to vector<16xf32>
          %mul3A_546 = arith.mulf %get3A_507, %mul3A_545 : vector<16xf32>
          %mul3A_547 = arith.constant 3.125000e-02 : f32
          %mul3A_548 = vector.broadcast %mul3A_547 : f32 to vector<16xf32>
          %mul3A_549 = arith.mulf %get3A_513, %mul3A_548 : vector<16xf32>
          %mul3A_550 = arith.constant 3.125000e-02 : f32
          %mul3A_551 = vector.broadcast %mul3A_550 : f32 to vector<16xf32>
          %mul3A_552 = arith.mulf %get3A_519, %mul3A_551 : vector<16xf32>
          %mul3A_553 = arith.constant 3.125000e-02 : f32
          %mul3A_554 = vector.broadcast %mul3A_553 : f32 to vector<16xf32>
          %mul3A_555 = arith.mulf %get3A_525, %mul3A_554 : vector<16xf32>
          %mul3A_556 = arith.constant 3.125000e-02 : f32
          %mul3A_557 = vector.broadcast %mul3A_556 : f32 to vector<16xf32>
          %mul3A_558 = arith.mulf %get3A_531, %mul3A_557 : vector<16xf32>
          %mul3A_559 = arith.constant 3.125000e-02 : f32
          %mul3A_560 = vector.broadcast %mul3A_559 : f32 to vector<16xf32>
          %mul3A_561 = arith.mulf %get3A_537, %mul3A_560 : vector<16xf32>
          %add3A_562 = arith.constant 0 : i32
          %add3A_563 = arith.addi %mul3A_490, %add3A_562 : i32
          %swap3A = arith.index_cast %scan3A_482 : i32 to index
          %swap3A_564 = arith.index_cast %add3A_563 : i32 to index
          %swap3A_565 = tpu.vector_load %arg11[%swap3A, %swap3A_564] {strides = array<i32>} : memref<8x1024xf32, #tpu.memory_space<vmem>>, vector<1x16xf32>,
          %swap3A_566 = vector.shape_cast %swap3A_565 : vector<1x16xf32> to vector<16xf32>
          %swap3A_567 = vector.shape_cast %mul3A_540 : vector<16xf32> to vector<1x16xf32>
          tpu.vector_store %arg11[%swap3A, %swap3A_564], %swap3A_567 {strides = array<i32>} : memref<8x1024xf32, #tpu.memory_space<vmem>>, vector<1x16xf32>,
          %add3A_568 = arith.constant 16 : i32
          %add3A_569 = arith.addi %mul3A_490, %add3A_568 : i32
          %swap3A_570 = arith.index_cast %scan3A_482 : i32 to index
          %swap3A_571 = arith.index_cast %add3A_569 : i32 to index
          %swap3A_572 = tpu.vector_load %arg11[%swap3A_570, %swap3A_571] {strides = array<i32>} : memref<8x1024xf32, #tpu.memory_space<vmem>>, vector<1x16xf32>,
          %swap3A_573 = vector.shape_cast %swap3A_572 : vector<1x16xf32> to vector<16xf32>
          %swap3A_574 = vector.shape_cast %mul3A_543 : vector<16xf32> to vector<1x16xf32>
          tpu.vector_store %arg11[%swap3A_570, %swap3A_571], %swap3A_574 {strides = array<i32>} : memref<8x1024xf32, #tpu.memory_space<vmem>>, vector<1x16xf32>,
          %add3A_575 = arith.constant 32 : i32
          %add3A_576 = arith.addi %mul3A_490, %add3A_575 : i32
          %swap3A_577 = arith.index_cast %scan3A_482 : i32 to index
          %swap3A_578 = arith.index_cast %add3A_576 : i32 to index
          %swap3A_579 = tpu.vector_load %arg11[%swap3A_577, %swap3A_578] {strides = array<i32>} : memref<8x1024xf32, #tpu.memory_space<vmem>>, vector<1x16xf32>,
          %swap3A_580 = vector.shape_cast %swap3A_579 : vector<1x16xf32> to vector<16xf32>
          %swap3A_581 = vector.shape_cast %mul3A_546 : vector<16xf32> to vector<1x16xf32>
          tpu.vector_store %arg11[%swap3A_577, %swap3A_578], %swap3A_581 {strides = array<i32>} : memref<8x1024xf32, #tpu.memory_space<vmem>>, vector<1x16xf32>,
          %add3A_582 = arith.constant 48 : i32
          %add3A_583 = arith.addi %mul3A_490, %add3A_582 : i32
          %swap3A_584 = arith.index_cast %scan3A_482 : i32 to index
          %swap3A_585 = arith.index_cast %add3A_583 : i32 to index
          %swap3A_586 = tpu.vector_load %arg11[%swap3A_584, %swap3A_585] {strides = array<i32>} : memref<8x1024xf32, #tpu.memory_space<vmem>>, vector<1x16xf32>,
          %swap3A_587 = vector.shape_cast %swap3A_586 : vector<1x16xf32> to vector<16xf32>
          %swap3A_588 = vector.shape_cast %mul3A_549 : vector<16xf32> to vector<1x16xf32>
          tpu.vector_store %arg11[%swap3A_584, %swap3A_585], %swap3A_588 {strides = array<i32>} : memref<8x1024xf32, #tpu.memory_space<vmem>>, vector<1x16xf32>,
          %add3A_589 = arith.constant 64 : i32
          %add3A_590 = arith.addi %mul3A_490, %add3A_589 : i32
          %swap3A_591 = arith.index_cast %scan3A_482 : i32 to index
          %swap3A_592 = arith.index_cast %add3A_590 : i32 to index
          %swap3A_593 = tpu.vector_load %arg11[%swap3A_591, %swap3A_592] {strides = array<i32>} : memref<8x1024xf32, #tpu.memory_space<vmem>>, vector<1x16xf32>,
          %swap3A_594 = vector.shape_cast %swap3A_593 : vector<1x16xf32> to vector<16xf32>
          %swap3A_595 = vector.shape_cast %mul3A_552 : vector<16xf32> to vector<1x16xf32>
          tpu.vector_store %arg11[%swap3A_591, %swap3A_592], %swap3A_595 {strides = array<i32>} : memref<8x1024xf32, #tpu.memory_space<vmem>>, vector<1x16xf32>,
          %add3A_596 = arith.constant 80 : i32
          %add3A_597 = arith.addi %mul3A_490, %add3A_596 : i32
          %swap3A_598 = arith.index_cast %scan3A_482 : i32 to index
          %swap3A_599 = arith.index_cast %add3A_597 : i32 to index
          %swap3A_600 = tpu.vector_load %arg11[%swap3A_598, %swap3A_599] {strides = array<i32>} : memref<8x1024xf32, #tpu.memory_space<vmem>>, vector<1x16xf32>,
          %swap3A_601 = vector.shape_cast %swap3A_600 : vector<1x16xf32> to vector<16xf32>
          %swap3A_602 = vector.shape_cast %mul3A_555 : vector<16xf32> to vector<1x16xf32>
          tpu.vector_store %arg11[%swap3A_598, %swap3A_599], %swap3A_602 {strides = array<i32>} : memref<8x1024xf32, #tpu.memory_space<vmem>>, vector<1x16xf32>,
          %add3A_603 = arith.constant 96 : i32
          %add3A_604 = arith.addi %mul3A_490, %add3A_603 : i32
          %swap3A_605 = arith.index_cast %scan3A_482 : i32 to index
          %swap3A_606 = arith.index_cast %add3A_604 : i32 to index
          %swap3A_607 = tpu.vector_load %arg11[%swap3A_605, %swap3A_606] {strides = array<i32>} : memref<8x1024xf32, #tpu.memory_space<vmem>>, vector<1x16xf32>,
          %swap3A_608 = vector.shape_cast %swap3A_607 : vector<1x16xf32> to vector<16xf32>
          %swap3A_609 = vector.shape_cast %mul3A_558 : vector<16xf32> to vector<1x16xf32>
          tpu.vector_store %arg11[%swap3A_605, %swap3A_606], %swap3A_609 {strides = array<i32>} : memref<8x1024xf32, #tpu.memory_space<vmem>>, vector<1x16xf32>,
          %add3A_610 = arith.constant 112 : i32
          %add3A_611 = arith.addi %mul3A_490, %add3A_610 : i32
          %swap3A_612 = arith.index_cast %scan3A_482 : i32 to index
          %swap3A_613 = arith.index_cast %add3A_611 : i32 to index
          %swap3A_614 = tpu.vector_load %arg11[%swap3A_612, %swap3A_613] {strides = array<i32>} : memref<8x1024xf32, #tpu.memory_space<vmem>>, vector<1x16xf32>,
          %swap3A_615 = vector.shape_cast %swap3A_614 : vector<1x16xf32> to vector<16xf32>
          %swap3A_616 = vector.shape_cast %mul3A_561 : vector<16xf32> to vector<1x16xf32>
          tpu.vector_store %arg11[%swap3A_612, %swap3A_613], %swap3A_616 {strides = array<i32>} : memref<8x1024xf32, #tpu.memory_space<vmem>>, vector<1x16xf32>,
        }
        %scan3A_487 = arith.constant 8 : i32
      }
      %scan3A_319 = arith.constant 8 : i32
      %add3A_320 = arith.constant 6 : i32
      %add3A_321 = arith.addi %add3A_298, %add3A_320 : i32
      %lt3A_322 = arith.constant 32 : i32
      %lt3A_323 = arith.cmpi slt, %add3A_321, %lt3A_322 : i32
      %convert_element_type3A_324 = arith.extui %lt3A_323 : i1 to i32
      %cond3A_325 = arith.constant 0 : i32
      %cond3A_326 = arith.cmpi ne, %convert_element_type3A_324, %cond3A_325 : i32
      scf.if %cond3A_326 {
        %add3A_482 = arith.constant 6 : i32
        %add3A_483 = arith.addi %add3A_298, %add3A_482 : i32
        %mul3A_484 = arith.constant 8 : i32
        %mul3A_485 = arith.muli %add3A_483, %mul3A_484 : i32
        %add3A_486 = arith.addi %mul3A_2, %mul3A_485 : i32
        %dma_start3A_487 = arith.constant 0 : i32
        %dma_start3A_488 = tpu.memref_slice %arg2[%add3A_486, %dma_start3A_487] : memref<8192x1024xf32, #tpu.memory_space<hbm>> -> memref<8x1024xf32, #tpu.memory_space<hbm>>
        %dma_start3A_489 = arith.constant 0 : i32
        %dma_start3A_490 = tpu.memref_slice %arg2[%add3A_486, %dma_start3A_489] : memref<8192x1024xf32, #tpu.memory_space<hbm>> -> memref<8x1024xf32, #tpu.memory_space<hbm>>
        tpu.enqueue_dma source(%dma_start3A_490 : memref<8x1024xf32, #tpu.memory_space<hbm>>) target(%arg5 : memref<8x1024xf32, #tpu.memory_space<vmem>>) target_semaphore(%arg17 : memref<!tpu.dma_semaphore, #tpu.memory_space<semaphore_mem>>)
      } else {
      }
      %mul3A_327 = arith.constant 8 : i32
      %mul3A_328 = arith.muli %add3A_298, %mul3A_327 : i32
      %add3A_329 = arith.addi %mul3A_2, %mul3A_328 : i32
      %dma_start3A_330 = arith.constant 0 : i32
      %dma_start3A_331 = tpu.memref_slice %arg3[%add3A_329, %dma_start3A_330] : memref<8192x1024xf32, #tpu.memory_space<hbm>> -> memref<8x1024xf32, #tpu.memory_space<hbm>>
      %dma_start3A_332 = arith.constant 0 : i32
      %dma_start3A_333 = tpu.memref_slice %arg3[%add3A_329, %dma_start3A_332] : memref<8192x1024xf32, #tpu.memory_space<hbm>> -> memref<8x1024xf32, #tpu.memory_space<hbm>>
      tpu.enqueue_dma source(%arg11 : memref<8x1024xf32, #tpu.memory_space<vmem>>) target(%dma_start3A_333 : memref<8x1024xf32, #tpu.memory_space<hbm>>) target_semaphore(%arg23 : memref<!tpu.dma_semaphore, #tpu.memory_space<semaphore_mem>>)
      %add3A_334 = arith.constant 2 : i32
      %add3A_335 = arith.addi %mul3A_263, %add3A_334 : i32
      %mul3A_336 = arith.constant 8 : i32
      %mul3A_337 = arith.muli %add3A_335, %mul3A_336 : i32
      %add3A_338 = arith.addi %mul3A_2, %mul3A_337 : i32
      %dma_wait3A_339 = arith.constant 0 : i32
      %dma_wait3A_340 = tpu.memref_slice %arg2[%add3A_338, %dma_wait3A_339] : memref<8192x1024xf32, #tpu.memory_space<hbm>> -> memref<8x1024xf32, #tpu.memory_space<hbm>>
      %dma_wait3A_341 = arith.constant 0 : i32
      %dma_wait3A_342 = tpu.memref_slice %arg2[%add3A_338, %dma_wait3A_341] : memref<8192x1024xf32, #tpu.memory_space<hbm>> -> memref<8x1024xf32, #tpu.memory_space<hbm>>
      tpu.wait_dma2 semaphore(%arg18 : memref<!tpu.dma_semaphore, #tpu.memory_space<semaphore_mem>>) src(%dma_wait3A_342 : memref<8x1024xf32, #tpu.memory_space<hbm>>) dst(%arg6 : memref<8x1024xf32, #tpu.memory_space<vmem>>)
      %sub3A_343 = arith.constant 6 : i32
      %sub3A_344 = arith.subi %add3A_335, %sub3A_343 : i32
      %mul3A_345 = arith.constant 8 : i32
      %mul3A_346 = arith.muli %sub3A_344, %mul3A_345 : i32
      %add3A_347 = arith.addi %mul3A_2, %mul3A_346 : i32
      %dma_wait3A_348 = arith.constant 0 : i32
      %dma_wait3A_349 = tpu.memref_slice %arg3[%add3A_347, %dma_wait3A_348] : memref<8192x1024xf32, #tpu.memory_space<hbm>> -> memref<8x1024xf32, #tpu.memory_space<hbm>>
      %dma_wait3A_350 = arith.constant 0 : i32
      %dma_wait3A_351 = tpu.memref_slice %arg3[%add3A_347, %dma_wait3A_350] : memref<8192x1024xf32, #tpu.memory_space<hbm>> -> memref<8x1024xf32, #tpu.memory_space<hbm>>
      tpu.wait_dma2 semaphore(%arg24 : memref<!tpu.dma_semaphore, #tpu.memory_space<semaphore_mem>>) src(%arg12 : memref<8x1024xf32, #tpu.memory_space<vmem>>) dst(%dma_wait3A_351 : memref<8x1024xf32, #tpu.memory_space<hbm>>)
      %scan3A_352 = arith.constant 0 : i32
      %scan3A_353 = arith.constant 8 : i32
      %scan3A_354 = arith.addi %scan3A_352, %scan3A_353 : i32
      %scan3A_355 = arith.constant 1 : i32
      scf.for %scan3A_482 = %scan3A_352 to %scan3A_354 step %scan3A_355  : i32 {
        %scan3A_483 = arith.constant 0 : i32
        %scan3A_484 = arith.constant 8 : i32
        %scan3A_485 = arith.addi %scan3A_483, %scan3A_484 : i32
        %scan3A_486 = arith.constant 1 : i32
        scf.for %scan3A_488 = %scan3A_483 to %scan3A_485 step %scan3A_486  : i32 {
          %mul3A_489 = arith.constant 128 : i32
          %mul3A_490 = arith.muli %scan3A_488, %mul3A_489 : i32
          %add3A_491 = arith.constant 0 : i32
          %add3A_492 = arith.addi %mul3A_490, %add3A_491 : i32
          %get3A = arith.index_cast %scan3A_482 : i32 to index
          %get3A_493 = arith.index_cast %add3A_492 : i32 to index
          %get3A_494 = tpu.vector_load %arg6[%get3A, %get3A_493] {strides = array<i32>} : memref<8x1024xf32, #tpu.memory_space<vmem>>, vector<1x16xf32>,
          %get3A_495 = vector.shape_cast %get3A_494 : vector<1x16xf32> to vector<16xf32>
          %add3A_496 = arith.constant 16 : i32
          %add3A_497 = arith.addi %mul3A_490, %add3A_496 : i32
          %get3A_498 = arith.index_cast %scan3A_482 : i32 to index
          %get3A_499 = arith.index_cast %add3A_497 : i32 to index
          %get3A_500 = tpu.vector_load %arg6[%get3A_498, %get3A_499] {strides = array<i32>} : memref<8x1024xf32, #tpu.memory_space<vmem>>, vector<1x16xf32>,
          %get3A_501 = vector.shape_cast %get3A_500 : vector<1x16xf32> to vector<16xf32>
          %add3A_502 = arith.constant 32 : i32
          %add3A_503 = arith.addi %mul3A_490, %add3A_502 : i32
          %get3A_504 = arith.index_cast %scan3A_482 : i32 to index
          %get3A_505 = arith.index_cast %add3A_503 : i32 to index
          %get3A_506 = tpu.vector_load %arg6[%get3A_504, %get3A_505] {strides = array<i32>} : memref<8x1024xf32, #tpu.memory_space<vmem>>, vector<1x16xf32>,
          %get3A_507 = vector.shape_cast %get3A_506 : vector<1x16xf32> to vector<16xf32>
          %add3A_508 = arith.constant 48 : i32
          %add3A_509 = arith.addi %mul3A_490, %add3A_508 : i32
          %get3A_510 = arith.index_cast %scan3A_482 : i32 to index
          %get3A_511 = arith.index_cast %add3A_509 : i32 to index
          %get3A_512 = tpu.vector_load %arg6[%get3A_510, %get3A_511] {strides = array<i32>} : memref<8x1024xf32, #tpu.memory_space<vmem>>, vector<1x16xf32>,
          %get3A_513 = vector.shape_cast %get3A_512 : vector<1x16xf32> to vector<16xf32>
          %add3A_514 = arith.constant 64 : i32
          %add3A_515 = arith.addi %mul3A_490, %add3A_514 : i32
          %get3A_516 = arith.index_cast %scan3A_482 : i32 to index
          %get3A_517 = arith.index_cast %add3A_515 : i32 to index
          %get3A_518 = tpu.vector_load %arg6[%get3A_516, %get3A_517] {strides = array<i32>} : memref<8x1024xf32, #tpu.memory_space<vmem>>, vector<1x16xf32>,
          %get3A_519 = vector.shape_cast %get3A_518 : vector<1x16xf32> to vector<16xf32>
          %add3A_520 = arith.constant 80 : i32
          %add3A_521 = arith.addi %mul3A_490, %add3A_520 : i32
          %get3A_522 = arith.index_cast %scan3A_482 : i32 to index
          %get3A_523 = arith.index_cast %add3A_521 : i32 to index
          %get3A_524 = tpu.vector_load %arg6[%get3A_522, %get3A_523] {strides = array<i32>} : memref<8x1024xf32, #tpu.memory_space<vmem>>, vector<1x16xf32>,
          %get3A_525 = vector.shape_cast %get3A_524 : vector<1x16xf32> to vector<16xf32>
          %add3A_526 = arith.constant 96 : i32
          %add3A_527 = arith.addi %mul3A_490, %add3A_526 : i32
          %get3A_528 = arith.index_cast %scan3A_482 : i32 to index
          %get3A_529 = arith.index_cast %add3A_527 : i32 to index
          %get3A_530 = tpu.vector_load %arg6[%get3A_528, %get3A_529] {strides = array<i32>} : memref<8x1024xf32, #tpu.memory_space<vmem>>, vector<1x16xf32>,
          %get3A_531 = vector.shape_cast %get3A_530 : vector<1x16xf32> to vector<16xf32>
          %add3A_532 = arith.constant 112 : i32
          %add3A_533 = arith.addi %mul3A_490, %add3A_532 : i32
          %get3A_534 = arith.index_cast %scan3A_482 : i32 to index
          %get3A_535 = arith.index_cast %add3A_533 : i32 to index
          %get3A_536 = tpu.vector_load %arg6[%get3A_534, %get3A_535] {strides = array<i32>} : memref<8x1024xf32, #tpu.memory_space<vmem>>, vector<1x16xf32>,
          %get3A_537 = vector.shape_cast %get3A_536 : vector<1x16xf32> to vector<16xf32>
          %mul3A_538 = arith.constant 3.125000e-02 : f32
          %mul3A_539 = vector.broadcast %mul3A_538 : f32 to vector<16xf32>
          %mul3A_540 = arith.mulf %get3A_495, %mul3A_539 : vector<16xf32>
          %mul3A_541 = arith.constant 3.125000e-02 : f32
          %mul3A_542 = vector.broadcast %mul3A_541 : f32 to vector<16xf32>
          %mul3A_543 = arith.mulf %get3A_501, %mul3A_542 : vector<16xf32>
          %mul3A_544 = arith.constant 3.125000e-02 : f32
          %mul3A_545 = vector.broadcast %mul3A_544 : f32 to vector<16xf32>
          %mul3A_546 = arith.mulf %get3A_507, %mul3A_545 : vector<16xf32>
          %mul3A_547 = arith.constant 3.125000e-02 : f32
          %mul3A_548 = vector.broadcast %mul3A_547 : f32 to vector<16xf32>
          %mul3A_549 = arith.mulf %get3A_513, %mul3A_548 : vector<16xf32>
          %mul3A_550 = arith.constant 3.125000e-02 : f32
          %mul3A_551 = vector.broadcast %mul3A_550 : f32 to vector<16xf32>
          %mul3A_552 = arith.mulf %get3A_519, %mul3A_551 : vector<16xf32>
          %mul3A_553 = arith.constant 3.125000e-02 : f32
          %mul3A_554 = vector.broadcast %mul3A_553 : f32 to vector<16xf32>
          %mul3A_555 = arith.mulf %get3A_525, %mul3A_554 : vector<16xf32>
          %mul3A_556 = arith.constant 3.125000e-02 : f32
          %mul3A_557 = vector.broadcast %mul3A_556 : f32 to vector<16xf32>
          %mul3A_558 = arith.mulf %get3A_531, %mul3A_557 : vector<16xf32>
          %mul3A_559 = arith.constant 3.125000e-02 : f32
          %mul3A_560 = vector.broadcast %mul3A_559 : f32 to vector<16xf32>
          %mul3A_561 = arith.mulf %get3A_537, %mul3A_560 : vector<16xf32>
          %add3A_562 = arith.constant 0 : i32
          %add3A_563 = arith.addi %mul3A_490, %add3A_562 : i32
          %swap3A = arith.index_cast %scan3A_482 : i32 to index
          %swap3A_564 = arith.index_cast %add3A_563 : i32 to index
          %swap3A_565 = tpu.vector_load %arg12[%swap3A, %swap3A_564] {strides = array<i32>} : memref<8x1024xf32, #tpu.memory_space<vmem>>, vector<1x16xf32>,
          %swap3A_566 = vector.shape_cast %swap3A_565 : vector<1x16xf32> to vector<16xf32>
          %swap3A_567 = vector.shape_cast %mul3A_540 : vector<16xf32> to vector<1x16xf32>
          tpu.vector_store %arg12[%swap3A, %swap3A_564], %swap3A_567 {strides = array<i32>} : memref<8x1024xf32, #tpu.memory_space<vmem>>, vector<1x16xf32>,
          %add3A_568 = arith.constant 16 : i32
          %add3A_569 = arith.addi %mul3A_490, %add3A_568 : i32
          %swap3A_570 = arith.index_cast %scan3A_482 : i32 to index
          %swap3A_571 = arith.index_cast %add3A_569 : i32 to index
          %swap3A_572 = tpu.vector_load %arg12[%swap3A_570, %swap3A_571] {strides = array<i32>} : memref<8x1024xf32, #tpu.memory_space<vmem>>, vector<1x16xf32>,
          %swap3A_573 = vector.shape_cast %swap3A_572 : vector<1x16xf32> to vector<16xf32>
          %swap3A_574 = vector.shape_cast %mul3A_543 : vector<16xf32> to vector<1x16xf32>
          tpu.vector_store %arg12[%swap3A_570, %swap3A_571], %swap3A_574 {strides = array<i32>} : memref<8x1024xf32, #tpu.memory_space<vmem>>, vector<1x16xf32>,
          %add3A_575 = arith.constant 32 : i32
          %add3A_576 = arith.addi %mul3A_490, %add3A_575 : i32
          %swap3A_577 = arith.index_cast %scan3A_482 : i32 to index
          %swap3A_578 = arith.index_cast %add3A_576 : i32 to index
          %swap3A_579 = tpu.vector_load %arg12[%swap3A_577, %swap3A_578] {strides = array<i32>} : memref<8x1024xf32, #tpu.memory_space<vmem>>, vector<1x16xf32>,
          %swap3A_580 = vector.shape_cast %swap3A_579 : vector<1x16xf32> to vector<16xf32>
          %swap3A_581 = vector.shape_cast %mul3A_546 : vector<16xf32> to vector<1x16xf32>
          tpu.vector_store %arg12[%swap3A_577, %swap3A_578], %swap3A_581 {strides = array<i32>} : memref<8x1024xf32, #tpu.memory_space<vmem>>, vector<1x16xf32>,
          %add3A_582 = arith.constant 48 : i32
          %add3A_583 = arith.addi %mul3A_490, %add3A_582 : i32
          %swap3A_584 = arith.index_cast %scan3A_482 : i32 to index
          %swap3A_585 = arith.index_cast %add3A_583 : i32 to index
          %swap3A_586 = tpu.vector_load %arg12[%swap3A_584, %swap3A_585] {strides = array<i32>} : memref<8x1024xf32, #tpu.memory_space<vmem>>, vector<1x16xf32>,
          %swap3A_587 = vector.shape_cast %swap3A_586 : vector<1x16xf32> to vector<16xf32>
          %swap3A_588 = vector.shape_cast %mul3A_549 : vector<16xf32> to vector<1x16xf32>
          tpu.vector_store %arg12[%swap3A_584, %swap3A_585], %swap3A_588 {strides = array<i32>} : memref<8x1024xf32, #tpu.memory_space<vmem>>, vector<1x16xf32>,
          %add3A_589 = arith.constant 64 : i32
          %add3A_590 = arith.addi %mul3A_490, %add3A_589 : i32
          %swap3A_591 = arith.index_cast %scan3A_482 : i32 to index
          %swap3A_592 = arith.index_cast %add3A_590 : i32 to index
          %swap3A_593 = tpu.vector_load %arg12[%swap3A_591, %swap3A_592] {strides = array<i32>} : memref<8x1024xf32, #tpu.memory_space<vmem>>, vector<1x16xf32>,
          %swap3A_594 = vector.shape_cast %swap3A_593 : vector<1x16xf32> to vector<16xf32>
          %swap3A_595 = vector.shape_cast %mul3A_552 : vector<16xf32> to vector<1x16xf32>
          tpu.vector_store %arg12[%swap3A_591, %swap3A_592], %swap3A_595 {strides = array<i32>} : memref<8x1024xf32, #tpu.memory_space<vmem>>, vector<1x16xf32>,
          %add3A_596 = arith.constant 80 : i32
          %add3A_597 = arith.addi %mul3A_490, %add3A_596 : i32
          %swap3A_598 = arith.index_cast %scan3A_482 : i32 to index
          %swap3A_599 = arith.index_cast %add3A_597 : i32 to index
          %swap3A_600 = tpu.vector_load %arg12[%swap3A_598, %swap3A_599] {strides = array<i32>} : memref<8x1024xf32, #tpu.memory_space<vmem>>, vector<1x16xf32>,
          %swap3A_601 = vector.shape_cast %swap3A_600 : vector<1x16xf32> to vector<16xf32>
          %swap3A_602 = vector.shape_cast %mul3A_555 : vector<16xf32> to vector<1x16xf32>
          tpu.vector_store %arg12[%swap3A_598, %swap3A_599], %swap3A_602 {strides = array<i32>} : memref<8x1024xf32, #tpu.memory_space<vmem>>, vector<1x16xf32>,
          %add3A_603 = arith.constant 96 : i32
          %add3A_604 = arith.addi %mul3A_490, %add3A_603 : i32
          %swap3A_605 = arith.index_cast %scan3A_482 : i32 to index
          %swap3A_606 = arith.index_cast %add3A_604 : i32 to index
          %swap3A_607 = tpu.vector_load %arg12[%swap3A_605, %swap3A_606] {strides = array<i32>} : memref<8x1024xf32, #tpu.memory_space<vmem>>, vector<1x16xf32>,
          %swap3A_608 = vector.shape_cast %swap3A_607 : vector<1x16xf32> to vector<16xf32>
          %swap3A_609 = vector.shape_cast %mul3A_558 : vector<16xf32> to vector<1x16xf32>
          tpu.vector_store %arg12[%swap3A_605, %swap3A_606], %swap3A_609 {strides = array<i32>} : memref<8x1024xf32, #tpu.memory_space<vmem>>, vector<1x16xf32>,
          %add3A_610 = arith.constant 112 : i32
          %add3A_611 = arith.addi %mul3A_490, %add3A_610 : i32
          %swap3A_612 = arith.index_cast %scan3A_482 : i32 to index
          %swap3A_613 = arith.index_cast %add3A_611 : i32 to index
          %swap3A_614 = tpu.vector_load %arg12[%swap3A_612, %swap3A_613] {strides = array<i32>} : memref<8x1024xf32, #tpu.memory_space<vmem>>, vector<1x16xf32>,
          %swap3A_615 = vector.shape_cast %swap3A_614 : vector<1x16xf32> to vector<16xf32>
          %swap3A_616 = vector.shape_cast %mul3A_561 : vector<16xf32> to vector<1x16xf32>
          tpu.vector_store %arg12[%swap3A_612, %swap3A_613], %swap3A_616 {strides = array<i32>} : memref<8x1024xf32, #tpu.memory_space<vmem>>, vector<1x16xf32>,
        }
        %scan3A_487 = arith.constant 8 : i32
      }
      %scan3A_356 = arith.constant 8 : i32
      %add3A_357 = arith.constant 6 : i32
      %add3A_358 = arith.addi %add3A_335, %add3A_357 : i32
      %lt3A_359 = arith.constant 32 : i32
      %lt3A_360 = arith.cmpi slt, %add3A_358, %lt3A_359 : i32
      %convert_element_type3A_361 = arith.extui %lt3A_360 : i1 to i32
      %cond3A_362 = arith.constant 0 : i32
      %cond3A_363 = arith.cmpi ne, %convert_element_type3A_361, %cond3A_362 : i32
      scf.if %cond3A_363 {
        %add3A_482 = arith.constant 6 : i32
        %add3A_483 = arith.addi %add3A_335, %add3A_482 : i32
        %mul3A_484 = arith.constant 8 : i32
        %mul3A_485 = arith.muli %add3A_483, %mul3A_484 : i32
        %add3A_486 = arith.addi %mul3A_2, %mul3A_485 : i32
        %dma_start3A_487 = arith.constant 0 : i32
        %dma_start3A_488 = tpu.memref_slice %arg2[%add3A_486, %dma_start3A_487] : memref<8192x1024xf32, #tpu.memory_space<hbm>> -> memref<8x1024xf32, #tpu.memory_space<hbm>>
        %dma_start3A_489 = arith.constant 0 : i32
        %dma_start3A_490 = tpu.memref_slice %arg2[%add3A_486, %dma_start3A_489] : memref<8192x1024xf32, #tpu.memory_space<hbm>> -> memref<8x1024xf32, #tpu.memory_space<hbm>>
        tpu.enqueue_dma source(%dma_start3A_490 : memref<8x1024xf32, #tpu.memory_space<hbm>>) target(%arg6 : memref<8x1024xf32, #tpu.memory_space<vmem>>) target_semaphore(%arg18 : memref<!tpu.dma_semaphore, #tpu.memory_space<semaphore_mem>>)
      } else {
      }
      %mul3A_364 = arith.constant 8 : i32
      %mul3A_365 = arith.muli %add3A_335, %mul3A_364 : i32
      %add3A_366 = arith.addi %mul3A_2, %mul3A_365 : i32
      %dma_start3A_367 = arith.constant 0 : i32
      %dma_start3A_368 = tpu.memref_slice %arg3[%add3A_366, %dma_start3A_367] : memref<8192x1024xf32, #tpu.memory_space<hbm>> -> memref<8x1024xf32, #tpu.memory_space<hbm>>
      %dma_start3A_369 = arith.constant 0 : i32
      %dma_start3A_370 = tpu.memref_slice %arg3[%add3A_366, %dma_start3A_369] : memref<8192x1024xf32, #tpu.memory_space<hbm>> -> memref<8x1024xf32, #tpu.memory_space<hbm>>
      tpu.enqueue_dma source(%arg12 : memref<8x1024xf32, #tpu.memory_space<vmem>>) target(%dma_start3A_370 : memref<8x1024xf32, #tpu.memory_space<hbm>>) target_semaphore(%arg24 : memref<!tpu.dma_semaphore, #tpu.memory_space<semaphore_mem>>)
      %add3A_371 = arith.constant 3 : i32
      %add3A_372 = arith.addi %mul3A_263, %add3A_371 : i32
      %mul3A_373 = arith.constant 8 : i32
      %mul3A_374 = arith.muli %add3A_372, %mul3A_373 : i32
      %add3A_375 = arith.addi %mul3A_2, %mul3A_374 : i32
      %dma_wait3A_376 = arith.constant 0 : i32
      %dma_wait3A_377 = tpu.memref_slice %arg2[%add3A_375, %dma_wait3A_376] : memref<8192x1024xf32, #tpu.memory_space<hbm>> -> memref<8x1024xf32, #tpu.memory_space<hbm>>
      %dma_wait3A_378 = arith.constant 0 : i32
      %dma_wait3A_379 = tpu.memref_slice %arg2[%add3A_375, %dma_wait3A_378] : memref<8192x1024xf32, #tpu.memory_space<hbm>> -> memref<8x1024xf32, #tpu.memory_space<hbm>>
      tpu.wait_dma2 semaphore(%arg19 : memref<!tpu.dma_semaphore, #tpu.memory_space<semaphore_mem>>) src(%dma_wait3A_379 : memref<8x1024xf32, #tpu.memory_space<hbm>>) dst(%arg7 : memref<8x1024xf32, #tpu.memory_space<vmem>>)
      %sub3A_380 = arith.constant 6 : i32
      %sub3A_381 = arith.subi %add3A_372, %sub3A_380 : i32
      %mul3A_382 = arith.constant 8 : i32
      %mul3A_383 = arith.muli %sub3A_381, %mul3A_382 : i32
      %add3A_384 = arith.addi %mul3A_2, %mul3A_383 : i32
      %dma_wait3A_385 = arith.constant 0 : i32
      %dma_wait3A_386 = tpu.memref_slice %arg3[%add3A_384, %dma_wait3A_385] : memref<8192x1024xf32, #tpu.memory_space<hbm>> -> memref<8x1024xf32, #tpu.memory_space<hbm>>
      %dma_wait3A_387 = arith.constant 0 : i32
      %dma_wait3A_388 = tpu.memref_slice %arg3[%add3A_384, %dma_wait3A_387] : memref<8192x1024xf32, #tpu.memory_space<hbm>> -> memref<8x1024xf32, #tpu.memory_space<hbm>>
      tpu.wait_dma2 semaphore(%arg25 : memref<!tpu.dma_semaphore, #tpu.memory_space<semaphore_mem>>) src(%arg13 : memref<8x1024xf32, #tpu.memory_space<vmem>>) dst(%dma_wait3A_388 : memref<8x1024xf32, #tpu.memory_space<hbm>>)
      %scan3A_389 = arith.constant 0 : i32
      %scan3A_390 = arith.constant 8 : i32
      %scan3A_391 = arith.addi %scan3A_389, %scan3A_390 : i32
      %scan3A_392 = arith.constant 1 : i32
      scf.for %scan3A_482 = %scan3A_389 to %scan3A_391 step %scan3A_392  : i32 {
        %scan3A_483 = arith.constant 0 : i32
        %scan3A_484 = arith.constant 8 : i32
        %scan3A_485 = arith.addi %scan3A_483, %scan3A_484 : i32
        %scan3A_486 = arith.constant 1 : i32
        scf.for %scan3A_488 = %scan3A_483 to %scan3A_485 step %scan3A_486  : i32 {
          %mul3A_489 = arith.constant 128 : i32
          %mul3A_490 = arith.muli %scan3A_488, %mul3A_489 : i32
          %add3A_491 = arith.constant 0 : i32
          %add3A_492 = arith.addi %mul3A_490, %add3A_491 : i32
          %get3A = arith.index_cast %scan3A_482 : i32 to index
          %get3A_493 = arith.index_cast %add3A_492 : i32 to index
          %get3A_494 = tpu.vector_load %arg7[%get3A, %get3A_493] {strides = array<i32>} : memref<8x1024xf32, #tpu.memory_space<vmem>>, vector<1x16xf32>,
          %get3A_495 = vector.shape_cast %get3A_494 : vector<1x16xf32> to vector<16xf32>
          %add3A_496 = arith.constant 16 : i32
          %add3A_497 = arith.addi %mul3A_490, %add3A_496 : i32
          %get3A_498 = arith.index_cast %scan3A_482 : i32 to index
          %get3A_499 = arith.index_cast %add3A_497 : i32 to index
          %get3A_500 = tpu.vector_load %arg7[%get3A_498, %get3A_499] {strides = array<i32>} : memref<8x1024xf32, #tpu.memory_space<vmem>>, vector<1x16xf32>,
          %get3A_501 = vector.shape_cast %get3A_500 : vector<1x16xf32> to vector<16xf32>
          %add3A_502 = arith.constant 32 : i32
          %add3A_503 = arith.addi %mul3A_490, %add3A_502 : i32
          %get3A_504 = arith.index_cast %scan3A_482 : i32 to index
          %get3A_505 = arith.index_cast %add3A_503 : i32 to index
          %get3A_506 = tpu.vector_load %arg7[%get3A_504, %get3A_505] {strides = array<i32>} : memref<8x1024xf32, #tpu.memory_space<vmem>>, vector<1x16xf32>,
          %get3A_507 = vector.shape_cast %get3A_506 : vector<1x16xf32> to vector<16xf32>
          %add3A_508 = arith.constant 48 : i32
          %add3A_509 = arith.addi %mul3A_490, %add3A_508 : i32
          %get3A_510 = arith.index_cast %scan3A_482 : i32 to index
          %get3A_511 = arith.index_cast %add3A_509 : i32 to index
          %get3A_512 = tpu.vector_load %arg7[%get3A_510, %get3A_511] {strides = array<i32>} : memref<8x1024xf32, #tpu.memory_space<vmem>>, vector<1x16xf32>,
          %get3A_513 = vector.shape_cast %get3A_512 : vector<1x16xf32> to vector<16xf32>
          %add3A_514 = arith.constant 64 : i32
          %add3A_515 = arith.addi %mul3A_490, %add3A_514 : i32
          %get3A_516 = arith.index_cast %scan3A_482 : i32 to index
          %get3A_517 = arith.index_cast %add3A_515 : i32 to index
          %get3A_518 = tpu.vector_load %arg7[%get3A_516, %get3A_517] {strides = array<i32>} : memref<8x1024xf32, #tpu.memory_space<vmem>>, vector<1x16xf32>,
          %get3A_519 = vector.shape_cast %get3A_518 : vector<1x16xf32> to vector<16xf32>
          %add3A_520 = arith.constant 80 : i32
          %add3A_521 = arith.addi %mul3A_490, %add3A_520 : i32
          %get3A_522 = arith.index_cast %scan3A_482 : i32 to index
          %get3A_523 = arith.index_cast %add3A_521 : i32 to index
          %get3A_524 = tpu.vector_load %arg7[%get3A_522, %get3A_523] {strides = array<i32>} : memref<8x1024xf32, #tpu.memory_space<vmem>>, vector<1x16xf32>,
          %get3A_525 = vector.shape_cast %get3A_524 : vector<1x16xf32> to vector<16xf32>
          %add3A_526 = arith.constant 96 : i32
          %add3A_527 = arith.addi %mul3A_490, %add3A_526 : i32
          %get3A_528 = arith.index_cast %scan3A_482 : i32 to index
          %get3A_529 = arith.index_cast %add3A_527 : i32 to index
          %get3A_530 = tpu.vector_load %arg7[%get3A_528, %get3A_529] {strides = array<i32>} : memref<8x1024xf32, #tpu.memory_space<vmem>>, vector<1x16xf32>,
          %get3A_531 = vector.shape_cast %get3A_530 : vector<1x16xf32> to vector<16xf32>
          %add3A_532 = arith.constant 112 : i32
          %add3A_533 = arith.addi %mul3A_490, %add3A_532 : i32
          %get3A_534 = arith.index_cast %scan3A_482 : i32 to index
          %get3A_535 = arith.index_cast %add3A_533 : i32 to index
          %get3A_536 = tpu.vector_load %arg7[%get3A_534, %get3A_535] {strides = array<i32>} : memref<8x1024xf32, #tpu.memory_space<vmem>>, vector<1x16xf32>,
          %get3A_537 = vector.shape_cast %get3A_536 : vector<1x16xf32> to vector<16xf32>
          %mul3A_538 = arith.constant 3.125000e-02 : f32
          %mul3A_539 = vector.broadcast %mul3A_538 : f32 to vector<16xf32>
          %mul3A_540 = arith.mulf %get3A_495, %mul3A_539 : vector<16xf32>
          %mul3A_541 = arith.constant 3.125000e-02 : f32
          %mul3A_542 = vector.broadcast %mul3A_541 : f32 to vector<16xf32>
          %mul3A_543 = arith.mulf %get3A_501, %mul3A_542 : vector<16xf32>
          %mul3A_544 = arith.constant 3.125000e-02 : f32
          %mul3A_545 = vector.broadcast %mul3A_544 : f32 to vector<16xf32>
          %mul3A_546 = arith.mulf %get3A_507, %mul3A_545 : vector<16xf32>
          %mul3A_547 = arith.constant 3.125000e-02 : f32
          %mul3A_548 = vector.broadcast %mul3A_547 : f32 to vector<16xf32>
          %mul3A_549 = arith.mulf %get3A_513, %mul3A_548 : vector<16xf32>
          %mul3A_550 = arith.constant 3.125000e-02 : f32
          %mul3A_551 = vector.broadcast %mul3A_550 : f32 to vector<16xf32>
          %mul3A_552 = arith.mulf %get3A_519, %mul3A_551 : vector<16xf32>
          %mul3A_553 = arith.constant 3.125000e-02 : f32
          %mul3A_554 = vector.broadcast %mul3A_553 : f32 to vector<16xf32>
          %mul3A_555 = arith.mulf %get3A_525, %mul3A_554 : vector<16xf32>
          %mul3A_556 = arith.constant 3.125000e-02 : f32
          %mul3A_557 = vector.broadcast %mul3A_556 : f32 to vector<16xf32>
          %mul3A_558 = arith.mulf %get3A_531, %mul3A_557 : vector<16xf32>
          %mul3A_559 = arith.constant 3.125000e-02 : f32
          %mul3A_560 = vector.broadcast %mul3A_559 : f32 to vector<16xf32>
          %mul3A_561 = arith.mulf %get3A_537, %mul3A_560 : vector<16xf32>
          %add3A_562 = arith.constant 0 : i32
          %add3A_563 = arith.addi %mul3A_490, %add3A_562 : i32
          %swap3A = arith.index_cast %scan3A_482 : i32 to index
          %swap3A_564 = arith.index_cast %add3A_563 : i32 to index
          %swap3A_565 = tpu.vector_load %arg13[%swap3A, %swap3A_564] {strides = array<i32>} : memref<8x1024xf32, #tpu.memory_space<vmem>>, vector<1x16xf32>,
          %swap3A_566 = vector.shape_cast %swap3A_565 : vector<1x16xf32> to vector<16xf32>
          %swap3A_567 = vector.shape_cast %mul3A_540 : vector<16xf32> to vector<1x16xf32>
          tpu.vector_store %arg13[%swap3A, %swap3A_564], %swap3A_567 {strides = array<i32>} : memref<8x1024xf32, #tpu.memory_space<vmem>>, vector<1x16xf32>,
          %add3A_568 = arith.constant 16 : i32
          %add3A_569 = arith.addi %mul3A_490, %add3A_568 : i32
          %swap3A_570 = arith.index_cast %scan3A_482 : i32 to index
          %swap3A_571 = arith.index_cast %add3A_569 : i32 to index
          %swap3A_572 = tpu.vector_load %arg13[%swap3A_570, %swap3A_571] {strides = array<i32>} : memref<8x1024xf32, #tpu.memory_space<vmem>>, vector<1x16xf32>,
          %swap3A_573 = vector.shape_cast %swap3A_572 : vector<1x16xf32> to vector<16xf32>
          %swap3A_574 = vector.shape_cast %mul3A_543 : vector<16xf32> to vector<1x16xf32>
          tpu.vector_store %arg13[%swap3A_570, %swap3A_571], %swap3A_574 {strides = array<i32>} : memref<8x1024xf32, #tpu.memory_space<vmem>>, vector<1x16xf32>,
          %add3A_575 = arith.constant 32 : i32
          %add3A_576 = arith.addi %mul3A_490, %add3A_575 : i32
          %swap3A_577 = arith.index_cast %scan3A_482 : i32 to index
          %swap3A_578 = arith.index_cast %add3A_576 : i32 to index
          %swap3A_579 = tpu.vector_load %arg13[%swap3A_577, %swap3A_578] {strides = array<i32>} : memref<8x1024xf32, #tpu.memory_space<vmem>>, vector<1x16xf32>,
          %swap3A_580 = vector.shape_cast %swap3A_579 : vector<1x16xf32> to vector<16xf32>
          %swap3A_581 = vector.shape_cast %mul3A_546 : vector<16xf32> to vector<1x16xf32>
          tpu.vector_store %arg13[%swap3A_577, %swap3A_578], %swap3A_581 {strides = array<i32>} : memref<8x1024xf32, #tpu.memory_space<vmem>>, vector<1x16xf32>,
          %add3A_582 = arith.constant 48 : i32
          %add3A_583 = arith.addi %mul3A_490, %add3A_582 : i32
          %swap3A_584 = arith.index_cast %scan3A_482 : i32 to index
          %swap3A_585 = arith.index_cast %add3A_583 : i32 to index
          %swap3A_586 = tpu.vector_load %arg13[%swap3A_584, %swap3A_585] {strides = array<i32>} : memref<8x1024xf32, #tpu.memory_space<vmem>>, vector<1x16xf32>,
          %swap3A_587 = vector.shape_cast %swap3A_586 : vector<1x16xf32> to vector<16xf32>
          %swap3A_588 = vector.shape_cast %mul3A_549 : vector<16xf32> to vector<1x16xf32>
          tpu.vector_store %arg13[%swap3A_584, %swap3A_585], %swap3A_588 {strides = array<i32>} : memref<8x1024xf32, #tpu.memory_space<vmem>>, vector<1x16xf32>,
          %add3A_589 = arith.constant 64 : i32
          %add3A_590 = arith.addi %mul3A_490, %add3A_589 : i32
          %swap3A_591 = arith.index_cast %scan3A_482 : i32 to index
          %swap3A_592 = arith.index_cast %add3A_590 : i32 to index
          %swap3A_593 = tpu.vector_load %arg13[%swap3A_591, %swap3A_592] {strides = array<i32>} : memref<8x1024xf32, #tpu.memory_space<vmem>>, vector<1x16xf32>,
          %swap3A_594 = vector.shape_cast %swap3A_593 : vector<1x16xf32> to vector<16xf32>
          %swap3A_595 = vector.shape_cast %mul3A_552 : vector<16xf32> to vector<1x16xf32>
          tpu.vector_store %arg13[%swap3A_591, %swap3A_592], %swap3A_595 {strides = array<i32>} : memref<8x1024xf32, #tpu.memory_space<vmem>>, vector<1x16xf32>,
          %add3A_596 = arith.constant 80 : i32
          %add3A_597 = arith.addi %mul3A_490, %add3A_596 : i32
          %swap3A_598 = arith.index_cast %scan3A_482 : i32 to index
          %swap3A_599 = arith.index_cast %add3A_597 : i32 to index
          %swap3A_600 = tpu.vector_load %arg13[%swap3A_598, %swap3A_599] {strides = array<i32>} : memref<8x1024xf32, #tpu.memory_space<vmem>>, vector<1x16xf32>,
          %swap3A_601 = vector.shape_cast %swap3A_600 : vector<1x16xf32> to vector<16xf32>
          %swap3A_602 = vector.shape_cast %mul3A_555 : vector<16xf32> to vector<1x16xf32>
          tpu.vector_store %arg13[%swap3A_598, %swap3A_599], %swap3A_602 {strides = array<i32>} : memref<8x1024xf32, #tpu.memory_space<vmem>>, vector<1x16xf32>,
          %add3A_603 = arith.constant 96 : i32
          %add3A_604 = arith.addi %mul3A_490, %add3A_603 : i32
          %swap3A_605 = arith.index_cast %scan3A_482 : i32 to index
          %swap3A_606 = arith.index_cast %add3A_604 : i32 to index
          %swap3A_607 = tpu.vector_load %arg13[%swap3A_605, %swap3A_606] {strides = array<i32>} : memref<8x1024xf32, #tpu.memory_space<vmem>>, vector<1x16xf32>,
          %swap3A_608 = vector.shape_cast %swap3A_607 : vector<1x16xf32> to vector<16xf32>
          %swap3A_609 = vector.shape_cast %mul3A_558 : vector<16xf32> to vector<1x16xf32>
          tpu.vector_store %arg13[%swap3A_605, %swap3A_606], %swap3A_609 {strides = array<i32>} : memref<8x1024xf32, #tpu.memory_space<vmem>>, vector<1x16xf32>,
          %add3A_610 = arith.constant 112 : i32
          %add3A_611 = arith.addi %mul3A_490, %add3A_610 : i32
          %swap3A_612 = arith.index_cast %scan3A_482 : i32 to index
          %swap3A_613 = arith.index_cast %add3A_611 : i32 to index
          %swap3A_614 = tpu.vector_load %arg13[%swap3A_612, %swap3A_613] {strides = array<i32>} : memref<8x1024xf32, #tpu.memory_space<vmem>>, vector<1x16xf32>,
          %swap3A_615 = vector.shape_cast %swap3A_614 : vector<1x16xf32> to vector<16xf32>
          %swap3A_616 = vector.shape_cast %mul3A_561 : vector<16xf32> to vector<1x16xf32>
          tpu.vector_store %arg13[%swap3A_612, %swap3A_613], %swap3A_616 {strides = array<i32>} : memref<8x1024xf32, #tpu.memory_space<vmem>>, vector<1x16xf32>,
        }
        %scan3A_487 = arith.constant 8 : i32
      }
      %scan3A_393 = arith.constant 8 : i32
      %add3A_394 = arith.constant 6 : i32
      %add3A_395 = arith.addi %add3A_372, %add3A_394 : i32
      %lt3A_396 = arith.constant 32 : i32
      %lt3A_397 = arith.cmpi slt, %add3A_395, %lt3A_396 : i32
      %convert_element_type3A_398 = arith.extui %lt3A_397 : i1 to i32
      %cond3A_399 = arith.constant 0 : i32
      %cond3A_400 = arith.cmpi ne, %convert_element_type3A_398, %cond3A_399 : i32
      scf.if %cond3A_400 {
        %add3A_482 = arith.constant 6 : i32
        %add3A_483 = arith.addi %add3A_372, %add3A_482 : i32
        %mul3A_484 = arith.constant 8 : i32
        %mul3A_485 = arith.muli %add3A_483, %mul3A_484 : i32
        %add3A_486 = arith.addi %mul3A_2, %mul3A_485 : i32
        %dma_start3A_487 = arith.constant 0 : i32
        %dma_start3A_488 = tpu.memref_slice %arg2[%add3A_486, %dma_start3A_487] : memref<8192x1024xf32, #tpu.memory_space<hbm>> -> memref<8x1024xf32, #tpu.memory_space<hbm>>
        %dma_start3A_489 = arith.constant 0 : i32
        %dma_start3A_490 = tpu.memref_slice %arg2[%add3A_486, %dma_start3A_489] : memref<8192x1024xf32, #tpu.memory_space<hbm>> -> memref<8x1024xf32, #tpu.memory_space<hbm>>
        tpu.enqueue_dma source(%dma_start3A_490 : memref<8x1024xf32, #tpu.memory_space<hbm>>) target(%arg7 : memref<8x1024xf32, #tpu.memory_space<vmem>>) target_semaphore(%arg19 : memref<!tpu.dma_semaphore, #tpu.memory_space<semaphore_mem>>)
      } else {
      }
      %mul3A_401 = arith.constant 8 : i32
      %mul3A_402 = arith.muli %add3A_372, %mul3A_401 : i32
      %add3A_403 = arith.addi %mul3A_2, %mul3A_402 : i32
      %dma_start3A_404 = arith.constant 0 : i32
      %dma_start3A_405 = tpu.memref_slice %arg3[%add3A_403, %dma_start3A_404] : memref<8192x1024xf32, #tpu.memory_space<hbm>> -> memref<8x1024xf32, #tpu.memory_space<hbm>>
      %dma_start3A_406 = arith.constant 0 : i32
      %dma_start3A_407 = tpu.memref_slice %arg3[%add3A_403, %dma_start3A_406] : memref<8192x1024xf32, #tpu.memory_space<hbm>> -> memref<8x1024xf32, #tpu.memory_space<hbm>>
      tpu.enqueue_dma source(%arg13 : memref<8x1024xf32, #tpu.memory_space<vmem>>) target(%dma_start3A_407 : memref<8x1024xf32, #tpu.memory_space<hbm>>) target_semaphore(%arg25 : memref<!tpu.dma_semaphore, #tpu.memory_space<semaphore_mem>>)
      %add3A_408 = arith.constant 4 : i32
      %add3A_409 = arith.addi %mul3A_263, %add3A_408 : i32
      %mul3A_410 = arith.constant 8 : i32
      %mul3A_411 = arith.muli %add3A_409, %mul3A_410 : i32
      %add3A_412 = arith.addi %mul3A_2, %mul3A_411 : i32
      %dma_wait3A_413 = arith.constant 0 : i32
      %dma_wait3A_414 = tpu.memref_slice %arg2[%add3A_412, %dma_wait3A_413] : memref<8192x1024xf32, #tpu.memory_space<hbm>> -> memref<8x1024xf32, #tpu.memory_space<hbm>>
      %dma_wait3A_415 = arith.constant 0 : i32
      %dma_wait3A_416 = tpu.memref_slice %arg2[%add3A_412, %dma_wait3A_415] : memref<8192x1024xf32, #tpu.memory_space<hbm>> -> memref<8x1024xf32, #tpu.memory_space<hbm>>
      tpu.wait_dma2 semaphore(%arg20 : memref<!tpu.dma_semaphore, #tpu.memory_space<semaphore_mem>>) src(%dma_wait3A_416 : memref<8x1024xf32, #tpu.memory_space<hbm>>) dst(%arg8 : memref<8x1024xf32, #tpu.memory_space<vmem>>)
      %sub3A_417 = arith.constant 6 : i32
      %sub3A_418 = arith.subi %add3A_409, %sub3A_417 : i32
      %mul3A_419 = arith.constant 8 : i32
      %mul3A_420 = arith.muli %sub3A_418, %mul3A_419 : i32
      %add3A_421 = arith.addi %mul3A_2, %mul3A_420 : i32
      %dma_wait3A_422 = arith.constant 0 : i32
      %dma_wait3A_423 = tpu.memref_slice %arg3[%add3A_421, %dma_wait3A_422] : memref<8192x1024xf32, #tpu.memory_space<hbm>> -> memref<8x1024xf32, #tpu.memory_space<hbm>>
      %dma_wait3A_424 = arith.constant 0 : i32
      %dma_wait3A_425 = tpu.memref_slice %arg3[%add3A_421, %dma_wait3A_424] : memref<8192x1024xf32, #tpu.memory_space<hbm>> -> memref<8x1024xf32, #tpu.memory_space<hbm>>
      tpu.wait_dma2 semaphore(%arg26 : memref<!tpu.dma_semaphore, #tpu.memory_space<semaphore_mem>>) src(%arg14 : memref<8x1024xf32, #tpu.memory_space<vmem>>) dst(%dma_wait3A_425 : memref<8x1024xf32, #tpu.memory_space<hbm>>)
      %scan3A_426 = arith.constant 0 : i32
      %scan3A_427 = arith.constant 8 : i32
      %scan3A_428 = arith.addi %scan3A_426, %scan3A_427 : i32
      %scan3A_429 = arith.constant 1 : i32
      scf.for %scan3A_482 = %scan3A_426 to %scan3A_428 step %scan3A_429  : i32 {
        %scan3A_483 = arith.constant 0 : i32
        %scan3A_484 = arith.constant 8 : i32
        %scan3A_485 = arith.addi %scan3A_483, %scan3A_484 : i32
        %scan3A_486 = arith.constant 1 : i32
        scf.for %scan3A_488 = %scan3A_483 to %scan3A_485 step %scan3A_486  : i32 {
          %mul3A_489 = arith.constant 128 : i32
          %mul3A_490 = arith.muli %scan3A_488, %mul3A_489 : i32
          %add3A_491 = arith.constant 0 : i32
          %add3A_492 = arith.addi %mul3A_490, %add3A_491 : i32
          %get3A = arith.index_cast %scan3A_482 : i32 to index
          %get3A_493 = arith.index_cast %add3A_492 : i32 to index
          %get3A_494 = tpu.vector_load %arg8[%get3A, %get3A_493] {strides = array<i32>} : memref<8x1024xf32, #tpu.memory_space<vmem>>, vector<1x16xf32>,
          %get3A_495 = vector.shape_cast %get3A_494 : vector<1x16xf32> to vector<16xf32>
          %add3A_496 = arith.constant 16 : i32
          %add3A_497 = arith.addi %mul3A_490, %add3A_496 : i32
          %get3A_498 = arith.index_cast %scan3A_482 : i32 to index
          %get3A_499 = arith.index_cast %add3A_497 : i32 to index
          %get3A_500 = tpu.vector_load %arg8[%get3A_498, %get3A_499] {strides = array<i32>} : memref<8x1024xf32, #tpu.memory_space<vmem>>, vector<1x16xf32>,
          %get3A_501 = vector.shape_cast %get3A_500 : vector<1x16xf32> to vector<16xf32>
          %add3A_502 = arith.constant 32 : i32
          %add3A_503 = arith.addi %mul3A_490, %add3A_502 : i32
          %get3A_504 = arith.index_cast %scan3A_482 : i32 to index
          %get3A_505 = arith.index_cast %add3A_503 : i32 to index
          %get3A_506 = tpu.vector_load %arg8[%get3A_504, %get3A_505] {strides = array<i32>} : memref<8x1024xf32, #tpu.memory_space<vmem>>, vector<1x16xf32>,
          %get3A_507 = vector.shape_cast %get3A_506 : vector<1x16xf32> to vector<16xf32>
          %add3A_508 = arith.constant 48 : i32
          %add3A_509 = arith.addi %mul3A_490, %add3A_508 : i32
          %get3A_510 = arith.index_cast %scan3A_482 : i32 to index
          %get3A_511 = arith.index_cast %add3A_509 : i32 to index
          %get3A_512 = tpu.vector_load %arg8[%get3A_510, %get3A_511] {strides = array<i32>} : memref<8x1024xf32, #tpu.memory_space<vmem>>, vector<1x16xf32>,
          %get3A_513 = vector.shape_cast %get3A_512 : vector<1x16xf32> to vector<16xf32>
          %add3A_514 = arith.constant 64 : i32
          %add3A_515 = arith.addi %mul3A_490, %add3A_514 : i32
          %get3A_516 = arith.index_cast %scan3A_482 : i32 to index
          %get3A_517 = arith.index_cast %add3A_515 : i32 to index
          %get3A_518 = tpu.vector_load %arg8[%get3A_516, %get3A_517] {strides = array<i32>} : memref<8x1024xf32, #tpu.memory_space<vmem>>, vector<1x16xf32>,
          %get3A_519 = vector.shape_cast %get3A_518 : vector<1x16xf32> to vector<16xf32>
          %add3A_520 = arith.constant 80 : i32
          %add3A_521 = arith.addi %mul3A_490, %add3A_520 : i32
          %get3A_522 = arith.index_cast %scan3A_482 : i32 to index
          %get3A_523 = arith.index_cast %add3A_521 : i32 to index
          %get3A_524 = tpu.vector_load %arg8[%get3A_522, %get3A_523] {strides = array<i32>} : memref<8x1024xf32, #tpu.memory_space<vmem>>, vector<1x16xf32>,
          %get3A_525 = vector.shape_cast %get3A_524 : vector<1x16xf32> to vector<16xf32>
          %add3A_526 = arith.constant 96 : i32
          %add3A_527 = arith.addi %mul3A_490, %add3A_526 : i32
          %get3A_528 = arith.index_cast %scan3A_482 : i32 to index
          %get3A_529 = arith.index_cast %add3A_527 : i32 to index
          %get3A_530 = tpu.vector_load %arg8[%get3A_528, %get3A_529] {strides = array<i32>} : memref<8x1024xf32, #tpu.memory_space<vmem>>, vector<1x16xf32>,
          %get3A_531 = vector.shape_cast %get3A_530 : vector<1x16xf32> to vector<16xf32>
          %add3A_532 = arith.constant 112 : i32
          %add3A_533 = arith.addi %mul3A_490, %add3A_532 : i32
          %get3A_534 = arith.index_cast %scan3A_482 : i32 to index
          %get3A_535 = arith.index_cast %add3A_533 : i32 to index
          %get3A_536 = tpu.vector_load %arg8[%get3A_534, %get3A_535] {strides = array<i32>} : memref<8x1024xf32, #tpu.memory_space<vmem>>, vector<1x16xf32>,
          %get3A_537 = vector.shape_cast %get3A_536 : vector<1x16xf32> to vector<16xf32>
          %mul3A_538 = arith.constant 3.125000e-02 : f32
          %mul3A_539 = vector.broadcast %mul3A_538 : f32 to vector<16xf32>
          %mul3A_540 = arith.mulf %get3A_495, %mul3A_539 : vector<16xf32>
          %mul3A_541 = arith.constant 3.125000e-02 : f32
          %mul3A_542 = vector.broadcast %mul3A_541 : f32 to vector<16xf32>
          %mul3A_543 = arith.mulf %get3A_501, %mul3A_542 : vector<16xf32>
          %mul3A_544 = arith.constant 3.125000e-02 : f32
          %mul3A_545 = vector.broadcast %mul3A_544 : f32 to vector<16xf32>
          %mul3A_546 = arith.mulf %get3A_507, %mul3A_545 : vector<16xf32>
          %mul3A_547 = arith.constant 3.125000e-02 : f32
          %mul3A_548 = vector.broadcast %mul3A_547 : f32 to vector<16xf32>
          %mul3A_549 = arith.mulf %get3A_513, %mul3A_548 : vector<16xf32>
          %mul3A_550 = arith.constant 3.125000e-02 : f32
          %mul3A_551 = vector.broadcast %mul3A_550 : f32 to vector<16xf32>
          %mul3A_552 = arith.mulf %get3A_519, %mul3A_551 : vector<16xf32>
          %mul3A_553 = arith.constant 3.125000e-02 : f32
          %mul3A_554 = vector.broadcast %mul3A_553 : f32 to vector<16xf32>
          %mul3A_555 = arith.mulf %get3A_525, %mul3A_554 : vector<16xf32>
          %mul3A_556 = arith.constant 3.125000e-02 : f32
          %mul3A_557 = vector.broadcast %mul3A_556 : f32 to vector<16xf32>
          %mul3A_558 = arith.mulf %get3A_531, %mul3A_557 : vector<16xf32>
          %mul3A_559 = arith.constant 3.125000e-02 : f32
          %mul3A_560 = vector.broadcast %mul3A_559 : f32 to vector<16xf32>
          %mul3A_561 = arith.mulf %get3A_537, %mul3A_560 : vector<16xf32>
          %add3A_562 = arith.constant 0 : i32
          %add3A_563 = arith.addi %mul3A_490, %add3A_562 : i32
          %swap3A = arith.index_cast %scan3A_482 : i32 to index
          %swap3A_564 = arith.index_cast %add3A_563 : i32 to index
          %swap3A_565 = tpu.vector_load %arg14[%swap3A, %swap3A_564] {strides = array<i32>} : memref<8x1024xf32, #tpu.memory_space<vmem>>, vector<1x16xf32>,
          %swap3A_566 = vector.shape_cast %swap3A_565 : vector<1x16xf32> to vector<16xf32>
          %swap3A_567 = vector.shape_cast %mul3A_540 : vector<16xf32> to vector<1x16xf32>
          tpu.vector_store %arg14[%swap3A, %swap3A_564], %swap3A_567 {strides = array<i32>} : memref<8x1024xf32, #tpu.memory_space<vmem>>, vector<1x16xf32>,
          %add3A_568 = arith.constant 16 : i32
          %add3A_569 = arith.addi %mul3A_490, %add3A_568 : i32
          %swap3A_570 = arith.index_cast %scan3A_482 : i32 to index
          %swap3A_571 = arith.index_cast %add3A_569 : i32 to index
          %swap3A_572 = tpu.vector_load %arg14[%swap3A_570, %swap3A_571] {strides = array<i32>} : memref<8x1024xf32, #tpu.memory_space<vmem>>, vector<1x16xf32>,
          %swap3A_573 = vector.shape_cast %swap3A_572 : vector<1x16xf32> to vector<16xf32>
          %swap3A_574 = vector.shape_cast %mul3A_543 : vector<16xf32> to vector<1x16xf32>
          tpu.vector_store %arg14[%swap3A_570, %swap3A_571], %swap3A_574 {strides = array<i32>} : memref<8x1024xf32, #tpu.memory_space<vmem>>, vector<1x16xf32>,
          %add3A_575 = arith.constant 32 : i32
          %add3A_576 = arith.addi %mul3A_490, %add3A_575 : i32
          %swap3A_577 = arith.index_cast %scan3A_482 : i32 to index
          %swap3A_578 = arith.index_cast %add3A_576 : i32 to index
          %swap3A_579 = tpu.vector_load %arg14[%swap3A_577, %swap3A_578] {strides = array<i32>} : memref<8x1024xf32, #tpu.memory_space<vmem>>, vector<1x16xf32>,
          %swap3A_580 = vector.shape_cast %swap3A_579 : vector<1x16xf32> to vector<16xf32>
          %swap3A_581 = vector.shape_cast %mul3A_546 : vector<16xf32> to vector<1x16xf32>
          tpu.vector_store %arg14[%swap3A_577, %swap3A_578], %swap3A_581 {strides = array<i32>} : memref<8x1024xf32, #tpu.memory_space<vmem>>, vector<1x16xf32>,
          %add3A_582 = arith.constant 48 : i32
          %add3A_583 = arith.addi %mul3A_490, %add3A_582 : i32
          %swap3A_584 = arith.index_cast %scan3A_482 : i32 to index
          %swap3A_585 = arith.index_cast %add3A_583 : i32 to index
          %swap3A_586 = tpu.vector_load %arg14[%swap3A_584, %swap3A_585] {strides = array<i32>} : memref<8x1024xf32, #tpu.memory_space<vmem>>, vector<1x16xf32>,
          %swap3A_587 = vector.shape_cast %swap3A_586 : vector<1x16xf32> to vector<16xf32>
          %swap3A_588 = vector.shape_cast %mul3A_549 : vector<16xf32> to vector<1x16xf32>
          tpu.vector_store %arg14[%swap3A_584, %swap3A_585], %swap3A_588 {strides = array<i32>} : memref<8x1024xf32, #tpu.memory_space<vmem>>, vector<1x16xf32>,
          %add3A_589 = arith.constant 64 : i32
          %add3A_590 = arith.addi %mul3A_490, %add3A_589 : i32
          %swap3A_591 = arith.index_cast %scan3A_482 : i32 to index
          %swap3A_592 = arith.index_cast %add3A_590 : i32 to index
          %swap3A_593 = tpu.vector_load %arg14[%swap3A_591, %swap3A_592] {strides = array<i32>} : memref<8x1024xf32, #tpu.memory_space<vmem>>, vector<1x16xf32>,
          %swap3A_594 = vector.shape_cast %swap3A_593 : vector<1x16xf32> to vector<16xf32>
          %swap3A_595 = vector.shape_cast %mul3A_552 : vector<16xf32> to vector<1x16xf32>
          tpu.vector_store %arg14[%swap3A_591, %swap3A_592], %swap3A_595 {strides = array<i32>} : memref<8x1024xf32, #tpu.memory_space<vmem>>, vector<1x16xf32>,
          %add3A_596 = arith.constant 80 : i32
          %add3A_597 = arith.addi %mul3A_490, %add3A_596 : i32
          %swap3A_598 = arith.index_cast %scan3A_482 : i32 to index
          %swap3A_599 = arith.index_cast %add3A_597 : i32 to index
          %swap3A_600 = tpu.vector_load %arg14[%swap3A_598, %swap3A_599] {strides = array<i32>} : memref<8x1024xf32, #tpu.memory_space<vmem>>, vector<1x16xf32>,
          %swap3A_601 = vector.shape_cast %swap3A_600 : vector<1x16xf32> to vector<16xf32>
          %swap3A_602 = vector.shape_cast %mul3A_555 : vector<16xf32> to vector<1x16xf32>
          tpu.vector_store %arg14[%swap3A_598, %swap3A_599], %swap3A_602 {strides = array<i32>} : memref<8x1024xf32, #tpu.memory_space<vmem>>, vector<1x16xf32>,
          %add3A_603 = arith.constant 96 : i32
          %add3A_604 = arith.addi %mul3A_490, %add3A_603 : i32
          %swap3A_605 = arith.index_cast %scan3A_482 : i32 to index
          %swap3A_606 = arith.index_cast %add3A_604 : i32 to index
          %swap3A_607 = tpu.vector_load %arg14[%swap3A_605, %swap3A_606] {strides = array<i32>} : memref<8x1024xf32, #tpu.memory_space<vmem>>, vector<1x16xf32>,
          %swap3A_608 = vector.shape_cast %swap3A_607 : vector<1x16xf32> to vector<16xf32>
          %swap3A_609 = vector.shape_cast %mul3A_558 : vector<16xf32> to vector<1x16xf32>
          tpu.vector_store %arg14[%swap3A_605, %swap3A_606], %swap3A_609 {strides = array<i32>} : memref<8x1024xf32, #tpu.memory_space<vmem>>, vector<1x16xf32>,
          %add3A_610 = arith.constant 112 : i32
          %add3A_611 = arith.addi %mul3A_490, %add3A_610 : i32
          %swap3A_612 = arith.index_cast %scan3A_482 : i32 to index
          %swap3A_613 = arith.index_cast %add3A_611 : i32 to index
          %swap3A_614 = tpu.vector_load %arg14[%swap3A_612, %swap3A_613] {strides = array<i32>} : memref<8x1024xf32, #tpu.memory_space<vmem>>, vector<1x16xf32>,
          %swap3A_615 = vector.shape_cast %swap3A_614 : vector<1x16xf32> to vector<16xf32>
          %swap3A_616 = vector.shape_cast %mul3A_561 : vector<16xf32> to vector<1x16xf32>
          tpu.vector_store %arg14[%swap3A_612, %swap3A_613], %swap3A_616 {strides = array<i32>} : memref<8x1024xf32, #tpu.memory_space<vmem>>, vector<1x16xf32>,
        }
        %scan3A_487 = arith.constant 8 : i32
      }
      %scan3A_430 = arith.constant 8 : i32
      %add3A_431 = arith.constant 6 : i32
      %add3A_432 = arith.addi %add3A_409, %add3A_431 : i32
      %lt3A_433 = arith.constant 32 : i32
      %lt3A_434 = arith.cmpi slt, %add3A_432, %lt3A_433 : i32
      %convert_element_type3A_435 = arith.extui %lt3A_434 : i1 to i32
      %cond3A_436 = arith.constant 0 : i32
      %cond3A_437 = arith.cmpi ne, %convert_element_type3A_435, %cond3A_436 : i32
      scf.if %cond3A_437 {
        %add3A_482 = arith.constant 6 : i32
        %add3A_483 = arith.addi %add3A_409, %add3A_482 : i32
        %mul3A_484 = arith.constant 8 : i32
        %mul3A_485 = arith.muli %add3A_483, %mul3A_484 : i32
        %add3A_486 = arith.addi %mul3A_2, %mul3A_485 : i32
        %dma_start3A_487 = arith.constant 0 : i32
        %dma_start3A_488 = tpu.memref_slice %arg2[%add3A_486, %dma_start3A_487] : memref<8192x1024xf32, #tpu.memory_space<hbm>> -> memref<8x1024xf32, #tpu.memory_space<hbm>>
        %dma_start3A_489 = arith.constant 0 : i32
        %dma_start3A_490 = tpu.memref_slice %arg2[%add3A_486, %dma_start3A_489] : memref<8192x1024xf32, #tpu.memory_space<hbm>> -> memref<8x1024xf32, #tpu.memory_space<hbm>>
        tpu.enqueue_dma source(%dma_start3A_490 : memref<8x1024xf32, #tpu.memory_space<hbm>>) target(%arg8 : memref<8x1024xf32, #tpu.memory_space<vmem>>) target_semaphore(%arg20 : memref<!tpu.dma_semaphore, #tpu.memory_space<semaphore_mem>>)
      } else {
      }
      %mul3A_438 = arith.constant 8 : i32
      %mul3A_439 = arith.muli %add3A_409, %mul3A_438 : i32
      %add3A_440 = arith.addi %mul3A_2, %mul3A_439 : i32
      %dma_start3A_441 = arith.constant 0 : i32
      %dma_start3A_442 = tpu.memref_slice %arg3[%add3A_440, %dma_start3A_441] : memref<8192x1024xf32, #tpu.memory_space<hbm>> -> memref<8x1024xf32, #tpu.memory_space<hbm>>
      %dma_start3A_443 = arith.constant 0 : i32
      %dma_start3A_444 = tpu.memref_slice %arg3[%add3A_440, %dma_start3A_443] : memref<8192x1024xf32, #tpu.memory_space<hbm>> -> memref<8x1024xf32, #tpu.memory_space<hbm>>
      tpu.enqueue_dma source(%arg14 : memref<8x1024xf32, #tpu.memory_space<vmem>>) target(%dma_start3A_444 : memref<8x1024xf32, #tpu.memory_space<hbm>>) target_semaphore(%arg26 : memref<!tpu.dma_semaphore, #tpu.memory_space<semaphore_mem>>)
      %add3A_445 = arith.constant 5 : i32
      %add3A_446 = arith.addi %mul3A_263, %add3A_445 : i32
      %mul3A_447 = arith.constant 8 : i32
      %mul3A_448 = arith.muli %add3A_446, %mul3A_447 : i32
      %add3A_449 = arith.addi %mul3A_2, %mul3A_448 : i32
      %dma_wait3A_450 = arith.constant 0 : i32
      %dma_wait3A_451 = tpu.memref_slice %arg2[%add3A_449, %dma_wait3A_450] : memref<8192x1024xf32, #tpu.memory_space<hbm>> -> memref<8x1024xf32, #tpu.memory_space<hbm>>
      %dma_wait3A_452 = arith.constant 0 : i32
      %dma_wait3A_453 = tpu.memref_slice %arg2[%add3A_449, %dma_wait3A_452] : memref<8192x1024xf32, #tpu.memory_space<hbm>> -> memref<8x1024xf32, #tpu.memory_space<hbm>>
      tpu.wait_dma2 semaphore(%arg21 : memref<!tpu.dma_semaphore, #tpu.memory_space<semaphore_mem>>) src(%dma_wait3A_453 : memref<8x1024xf32, #tpu.memory_space<hbm>>) dst(%arg9 : memref<8x1024xf32, #tpu.memory_space<vmem>>)
      %sub3A_454 = arith.constant 6 : i32
      %sub3A_455 = arith.subi %add3A_446, %sub3A_454 : i32
      %mul3A_456 = arith.constant 8 : i32
      %mul3A_457 = arith.muli %sub3A_455, %mul3A_456 : i32
      %add3A_458 = arith.addi %mul3A_2, %mul3A_457 : i32
      %dma_wait3A_459 = arith.constant 0 : i32
      %dma_wait3A_460 = tpu.memref_slice %arg3[%add3A_458, %dma_wait3A_459] : memref<8192x1024xf32, #tpu.memory_space<hbm>> -> memref<8x1024xf32, #tpu.memory_space<hbm>>
      %dma_wait3A_461 = arith.constant 0 : i32
      %dma_wait3A_462 = tpu.memref_slice %arg3[%add3A_458, %dma_wait3A_461] : memref<8192x1024xf32, #tpu.memory_space<hbm>> -> memref<8x1024xf32, #tpu.memory_space<hbm>>
      tpu.wait_dma2 semaphore(%arg27 : memref<!tpu.dma_semaphore, #tpu.memory_space<semaphore_mem>>) src(%arg15 : memref<8x1024xf32, #tpu.memory_space<vmem>>) dst(%dma_wait3A_462 : memref<8x1024xf32, #tpu.memory_space<hbm>>)
      %scan3A_463 = arith.constant 0 : i32
      %scan3A_464 = arith.constant 8 : i32
      %scan3A_465 = arith.addi %scan3A_463, %scan3A_464 : i32
      %scan3A_466 = arith.constant 1 : i32
      scf.for %scan3A_482 = %scan3A_463 to %scan3A_465 step %scan3A_466  : i32 {
        %scan3A_483 = arith.constant 0 : i32
        %scan3A_484 = arith.constant 8 : i32
        %scan3A_485 = arith.addi %scan3A_483, %scan3A_484 : i32
        %scan3A_486 = arith.constant 1 : i32
        scf.for %scan3A_488 = %scan3A_483 to %scan3A_485 step %scan3A_486  : i32 {
          %mul3A_489 = arith.constant 128 : i32
          %mul3A_490 = arith.muli %scan3A_488, %mul3A_489 : i32
          %add3A_491 = arith.constant 0 : i32
          %add3A_492 = arith.addi %mul3A_490, %add3A_491 : i32
          %get3A = arith.index_cast %scan3A_482 : i32 to index
          %get3A_493 = arith.index_cast %add3A_492 : i32 to index
          %get3A_494 = tpu.vector_load %arg9[%get3A, %get3A_493] {strides = array<i32>} : memref<8x1024xf32, #tpu.memory_space<vmem>>, vector<1x16xf32>,
          %get3A_495 = vector.shape_cast %get3A_494 : vector<1x16xf32> to vector<16xf32>
          %add3A_496 = arith.constant 16 : i32
          %add3A_497 = arith.addi %mul3A_490, %add3A_496 : i32
          %get3A_498 = arith.index_cast %scan3A_482 : i32 to index
          %get3A_499 = arith.index_cast %add3A_497 : i32 to index
          %get3A_500 = tpu.vector_load %arg9[%get3A_498, %get3A_499] {strides = array<i32>} : memref<8x1024xf32, #tpu.memory_space<vmem>>, vector<1x16xf32>,
          %get3A_501 = vector.shape_cast %get3A_500 : vector<1x16xf32> to vector<16xf32>
          %add3A_502 = arith.constant 32 : i32
          %add3A_503 = arith.addi %mul3A_490, %add3A_502 : i32
          %get3A_504 = arith.index_cast %scan3A_482 : i32 to index
          %get3A_505 = arith.index_cast %add3A_503 : i32 to index
          %get3A_506 = tpu.vector_load %arg9[%get3A_504, %get3A_505] {strides = array<i32>} : memref<8x1024xf32, #tpu.memory_space<vmem>>, vector<1x16xf32>,
          %get3A_507 = vector.shape_cast %get3A_506 : vector<1x16xf32> to vector<16xf32>
          %add3A_508 = arith.constant 48 : i32
          %add3A_509 = arith.addi %mul3A_490, %add3A_508 : i32
          %get3A_510 = arith.index_cast %scan3A_482 : i32 to index
          %get3A_511 = arith.index_cast %add3A_509 : i32 to index
          %get3A_512 = tpu.vector_load %arg9[%get3A_510, %get3A_511] {strides = array<i32>} : memref<8x1024xf32, #tpu.memory_space<vmem>>, vector<1x16xf32>,
          %get3A_513 = vector.shape_cast %get3A_512 : vector<1x16xf32> to vector<16xf32>
          %add3A_514 = arith.constant 64 : i32
          %add3A_515 = arith.addi %mul3A_490, %add3A_514 : i32
          %get3A_516 = arith.index_cast %scan3A_482 : i32 to index
          %get3A_517 = arith.index_cast %add3A_515 : i32 to index
          %get3A_518 = tpu.vector_load %arg9[%get3A_516, %get3A_517] {strides = array<i32>} : memref<8x1024xf32, #tpu.memory_space<vmem>>, vector<1x16xf32>,
          %get3A_519 = vector.shape_cast %get3A_518 : vector<1x16xf32> to vector<16xf32>
          %add3A_520 = arith.constant 80 : i32
          %add3A_521 = arith.addi %mul3A_490, %add3A_520 : i32
          %get3A_522 = arith.index_cast %scan3A_482 : i32 to index
          %get3A_523 = arith.index_cast %add3A_521 : i32 to index
          %get3A_524 = tpu.vector_load %arg9[%get3A_522, %get3A_523] {strides = array<i32>} : memref<8x1024xf32, #tpu.memory_space<vmem>>, vector<1x16xf32>,
          %get3A_525 = vector.shape_cast %get3A_524 : vector<1x16xf32> to vector<16xf32>
          %add3A_526 = arith.constant 96 : i32
          %add3A_527 = arith.addi %mul3A_490, %add3A_526 : i32
          %get3A_528 = arith.index_cast %scan3A_482 : i32 to index
          %get3A_529 = arith.index_cast %add3A_527 : i32 to index
          %get3A_530 = tpu.vector_load %arg9[%get3A_528, %get3A_529] {strides = array<i32>} : memref<8x1024xf32, #tpu.memory_space<vmem>>, vector<1x16xf32>,
          %get3A_531 = vector.shape_cast %get3A_530 : vector<1x16xf32> to vector<16xf32>
          %add3A_532 = arith.constant 112 : i32
          %add3A_533 = arith.addi %mul3A_490, %add3A_532 : i32
          %get3A_534 = arith.index_cast %scan3A_482 : i32 to index
          %get3A_535 = arith.index_cast %add3A_533 : i32 to index
          %get3A_536 = tpu.vector_load %arg9[%get3A_534, %get3A_535] {strides = array<i32>} : memref<8x1024xf32, #tpu.memory_space<vmem>>, vector<1x16xf32>,
          %get3A_537 = vector.shape_cast %get3A_536 : vector<1x16xf32> to vector<16xf32>
          %mul3A_538 = arith.constant 3.125000e-02 : f32
          %mul3A_539 = vector.broadcast %mul3A_538 : f32 to vector<16xf32>
          %mul3A_540 = arith.mulf %get3A_495, %mul3A_539 : vector<16xf32>
          %mul3A_541 = arith.constant 3.125000e-02 : f32
          %mul3A_542 = vector.broadcast %mul3A_541 : f32 to vector<16xf32>
          %mul3A_543 = arith.mulf %get3A_501, %mul3A_542 : vector<16xf32>
          %mul3A_544 = arith.constant 3.125000e-02 : f32
          %mul3A_545 = vector.broadcast %mul3A_544 : f32 to vector<16xf32>
          %mul3A_546 = arith.mulf %get3A_507, %mul3A_545 : vector<16xf32>
          %mul3A_547 = arith.constant 3.125000e-02 : f32
          %mul3A_548 = vector.broadcast %mul3A_547 : f32 to vector<16xf32>
          %mul3A_549 = arith.mulf %get3A_513, %mul3A_548 : vector<16xf32>
          %mul3A_550 = arith.constant 3.125000e-02 : f32
          %mul3A_551 = vector.broadcast %mul3A_550 : f32 to vector<16xf32>
          %mul3A_552 = arith.mulf %get3A_519, %mul3A_551 : vector<16xf32>
          %mul3A_553 = arith.constant 3.125000e-02 : f32
          %mul3A_554 = vector.broadcast %mul3A_553 : f32 to vector<16xf32>
          %mul3A_555 = arith.mulf %get3A_525, %mul3A_554 : vector<16xf32>
          %mul3A_556 = arith.constant 3.125000e-02 : f32
          %mul3A_557 = vector.broadcast %mul3A_556 : f32 to vector<16xf32>
          %mul3A_558 = arith.mulf %get3A_531, %mul3A_557 : vector<16xf32>
          %mul3A_559 = arith.constant 3.125000e-02 : f32
          %mul3A_560 = vector.broadcast %mul3A_559 : f32 to vector<16xf32>
          %mul3A_561 = arith.mulf %get3A_537, %mul3A_560 : vector<16xf32>
          %add3A_562 = arith.constant 0 : i32
          %add3A_563 = arith.addi %mul3A_490, %add3A_562 : i32
          %swap3A = arith.index_cast %scan3A_482 : i32 to index
          %swap3A_564 = arith.index_cast %add3A_563 : i32 to index
          %swap3A_565 = tpu.vector_load %arg15[%swap3A, %swap3A_564] {strides = array<i32>} : memref<8x1024xf32, #tpu.memory_space<vmem>>, vector<1x16xf32>,
          %swap3A_566 = vector.shape_cast %swap3A_565 : vector<1x16xf32> to vector<16xf32>
          %swap3A_567 = vector.shape_cast %mul3A_540 : vector<16xf32> to vector<1x16xf32>
          tpu.vector_store %arg15[%swap3A, %swap3A_564], %swap3A_567 {strides = array<i32>} : memref<8x1024xf32, #tpu.memory_space<vmem>>, vector<1x16xf32>,
          %add3A_568 = arith.constant 16 : i32
          %add3A_569 = arith.addi %mul3A_490, %add3A_568 : i32
          %swap3A_570 = arith.index_cast %scan3A_482 : i32 to index
          %swap3A_571 = arith.index_cast %add3A_569 : i32 to index
          %swap3A_572 = tpu.vector_load %arg15[%swap3A_570, %swap3A_571] {strides = array<i32>} : memref<8x1024xf32, #tpu.memory_space<vmem>>, vector<1x16xf32>,
          %swap3A_573 = vector.shape_cast %swap3A_572 : vector<1x16xf32> to vector<16xf32>
          %swap3A_574 = vector.shape_cast %mul3A_543 : vector<16xf32> to vector<1x16xf32>
          tpu.vector_store %arg15[%swap3A_570, %swap3A_571], %swap3A_574 {strides = array<i32>} : memref<8x1024xf32, #tpu.memory_space<vmem>>, vector<1x16xf32>,
          %add3A_575 = arith.constant 32 : i32
          %add3A_576 = arith.addi %mul3A_490, %add3A_575 : i32
          %swap3A_577 = arith.index_cast %scan3A_482 : i32 to index
          %swap3A_578 = arith.index_cast %add3A_576 : i32 to index
          %swap3A_579 = tpu.vector_load %arg15[%swap3A_577, %swap3A_578] {strides = array<i32>} : memref<8x1024xf32, #tpu.memory_space<vmem>>, vector<1x16xf32>,
          %swap3A_580 = vector.shape_cast %swap3A_579 : vector<1x16xf32> to vector<16xf32>
          %swap3A_581 = vector.shape_cast %mul3A_546 : vector<16xf32> to vector<1x16xf32>
          tpu.vector_store %arg15[%swap3A_577, %swap3A_578], %swap3A_581 {strides = array<i32>} : memref<8x1024xf32, #tpu.memory_space<vmem>>, vector<1x16xf32>,
          %add3A_582 = arith.constant 48 : i32
          %add3A_583 = arith.addi %mul3A_490, %add3A_582 : i32
          %swap3A_584 = arith.index_cast %scan3A_482 : i32 to index
          %swap3A_585 = arith.index_cast %add3A_583 : i32 to index
          %swap3A_586 = tpu.vector_load %arg15[%swap3A_584, %swap3A_585] {strides = array<i32>} : memref<8x1024xf32, #tpu.memory_space<vmem>>, vector<1x16xf32>,
          %swap3A_587 = vector.shape_cast %swap3A_586 : vector<1x16xf32> to vector<16xf32>
          %swap3A_588 = vector.shape_cast %mul3A_549 : vector<16xf32> to vector<1x16xf32>
          tpu.vector_store %arg15[%swap3A_584, %swap3A_585], %swap3A_588 {strides = array<i32>} : memref<8x1024xf32, #tpu.memory_space<vmem>>, vector<1x16xf32>,
          %add3A_589 = arith.constant 64 : i32
          %add3A_590 = arith.addi %mul3A_490, %add3A_589 : i32
          %swap3A_591 = arith.index_cast %scan3A_482 : i32 to index
          %swap3A_592 = arith.index_cast %add3A_590 : i32 to index
          %swap3A_593 = tpu.vector_load %arg15[%swap3A_591, %swap3A_592] {strides = array<i32>} : memref<8x1024xf32, #tpu.memory_space<vmem>>, vector<1x16xf32>,
          %swap3A_594 = vector.shape_cast %swap3A_593 : vector<1x16xf32> to vector<16xf32>
          %swap3A_595 = vector.shape_cast %mul3A_552 : vector<16xf32> to vector<1x16xf32>
          tpu.vector_store %arg15[%swap3A_591, %swap3A_592], %swap3A_595 {strides = array<i32>} : memref<8x1024xf32, #tpu.memory_space<vmem>>, vector<1x16xf32>,
          %add3A_596 = arith.constant 80 : i32
          %add3A_597 = arith.addi %mul3A_490, %add3A_596 : i32
          %swap3A_598 = arith.index_cast %scan3A_482 : i32 to index
          %swap3A_599 = arith.index_cast %add3A_597 : i32 to index
          %swap3A_600 = tpu.vector_load %arg15[%swap3A_598, %swap3A_599] {strides = array<i32>} : memref<8x1024xf32, #tpu.memory_space<vmem>>, vector<1x16xf32>,
          %swap3A_601 = vector.shape_cast %swap3A_600 : vector<1x16xf32> to vector<16xf32>
          %swap3A_602 = vector.shape_cast %mul3A_555 : vector<16xf32> to vector<1x16xf32>
          tpu.vector_store %arg15[%swap3A_598, %swap3A_599], %swap3A_602 {strides = array<i32>} : memref<8x1024xf32, #tpu.memory_space<vmem>>, vector<1x16xf32>,
          %add3A_603 = arith.constant 96 : i32
          %add3A_604 = arith.addi %mul3A_490, %add3A_603 : i32
          %swap3A_605 = arith.index_cast %scan3A_482 : i32 to index
          %swap3A_606 = arith.index_cast %add3A_604 : i32 to index
          %swap3A_607 = tpu.vector_load %arg15[%swap3A_605, %swap3A_606] {strides = array<i32>} : memref<8x1024xf32, #tpu.memory_space<vmem>>, vector<1x16xf32>,
          %swap3A_608 = vector.shape_cast %swap3A_607 : vector<1x16xf32> to vector<16xf32>
          %swap3A_609 = vector.shape_cast %mul3A_558 : vector<16xf32> to vector<1x16xf32>
          tpu.vector_store %arg15[%swap3A_605, %swap3A_606], %swap3A_609 {strides = array<i32>} : memref<8x1024xf32, #tpu.memory_space<vmem>>, vector<1x16xf32>,
          %add3A_610 = arith.constant 112 : i32
          %add3A_611 = arith.addi %mul3A_490, %add3A_610 : i32
          %swap3A_612 = arith.index_cast %scan3A_482 : i32 to index
          %swap3A_613 = arith.index_cast %add3A_611 : i32 to index
          %swap3A_614 = tpu.vector_load %arg15[%swap3A_612, %swap3A_613] {strides = array<i32>} : memref<8x1024xf32, #tpu.memory_space<vmem>>, vector<1x16xf32>,
          %swap3A_615 = vector.shape_cast %swap3A_614 : vector<1x16xf32> to vector<16xf32>
          %swap3A_616 = vector.shape_cast %mul3A_561 : vector<16xf32> to vector<1x16xf32>
          tpu.vector_store %arg15[%swap3A_612, %swap3A_613], %swap3A_616 {strides = array<i32>} : memref<8x1024xf32, #tpu.memory_space<vmem>>, vector<1x16xf32>,
        }
        %scan3A_487 = arith.constant 8 : i32
      }
      %scan3A_467 = arith.constant 8 : i32
      %add3A_468 = arith.constant 6 : i32
      %add3A_469 = arith.addi %add3A_446, %add3A_468 : i32
      %lt3A_470 = arith.constant 32 : i32
      %lt3A_471 = arith.cmpi slt, %add3A_469, %lt3A_470 : i32
      %convert_element_type3A_472 = arith.extui %lt3A_471 : i1 to i32
      %cond3A_473 = arith.constant 0 : i32
      %cond3A_474 = arith.cmpi ne, %convert_element_type3A_472, %cond3A_473 : i32
      scf.if %cond3A_474 {
        %add3A_482 = arith.constant 6 : i32
        %add3A_483 = arith.addi %add3A_446, %add3A_482 : i32
        %mul3A_484 = arith.constant 8 : i32
        %mul3A_485 = arith.muli %add3A_483, %mul3A_484 : i32
        %add3A_486 = arith.addi %mul3A_2, %mul3A_485 : i32
        %dma_start3A_487 = arith.constant 0 : i32
        %dma_start3A_488 = tpu.memref_slice %arg2[%add3A_486, %dma_start3A_487] : memref<8192x1024xf32, #tpu.memory_space<hbm>> -> memref<8x1024xf32, #tpu.memory_space<hbm>>
        %dma_start3A_489 = arith.constant 0 : i32
        %dma_start3A_490 = tpu.memref_slice %arg2[%add3A_486, %dma_start3A_489] : memref<8192x1024xf32, #tpu.memory_space<hbm>> -> memref<8x1024xf32, #tpu.memory_space<hbm>>
        tpu.enqueue_dma source(%dma_start3A_490 : memref<8x1024xf32, #tpu.memory_space<hbm>>) target(%arg9 : memref<8x1024xf32, #tpu.memory_space<vmem>>) target_semaphore(%arg21 : memref<!tpu.dma_semaphore, #tpu.memory_space<semaphore_mem>>)
      } else {
      }
      %mul3A_475 = arith.constant 8 : i32
      %mul3A_476 = arith.muli %add3A_446, %mul3A_475 : i32
      %add3A_477 = arith.addi %mul3A_2, %mul3A_476 : i32
      %dma_start3A_478 = arith.constant 0 : i32
      %dma_start3A_479 = tpu.memref_slice %arg3[%add3A_477, %dma_start3A_478] : memref<8192x1024xf32, #tpu.memory_space<hbm>> -> memref<8x1024xf32, #tpu.memory_space<hbm>>
      %dma_start3A_480 = arith.constant 0 : i32
      %dma_start3A_481 = tpu.memref_slice %arg3[%add3A_477, %dma_start3A_480] : memref<8192x1024xf32, #tpu.memory_space<hbm>> -> memref<8x1024xf32, #tpu.memory_space<hbm>>
      tpu.enqueue_dma source(%arg15 : memref<8x1024xf32, #tpu.memory_space<vmem>>) target(%dma_start3A_481 : memref<8x1024xf32, #tpu.memory_space<hbm>>) target_semaphore(%arg27 : memref<!tpu.dma_semaphore, #tpu.memory_space<semaphore_mem>>)
    }
    %scan3A_178 = arith.constant 4 : i32
    %add3A_179 = arith.constant 240 : i32
    %add3A_180 = arith.addi %mul3A_2, %add3A_179 : i32
    %dma_wait3A_181 = arith.constant 0 : i32
    %dma_wait3A_182 = tpu.memref_slice %arg2[%add3A_180, %dma_wait3A_181] : memref<8192x1024xf32, #tpu.memory_space<hbm>> -> memref<8x1024xf32, #tpu.memory_space<hbm>>
    %dma_wait3A_183 = arith.constant 0 : i32
    %dma_wait3A_184 = tpu.memref_slice %arg2[%add3A_180, %dma_wait3A_183] : memref<8192x1024xf32, #tpu.memory_space<hbm>> -> memref<8x1024xf32, #tpu.memory_space<hbm>>
    tpu.wait_dma2 semaphore(%arg16 : memref<!tpu.dma_semaphore, #tpu.memory_space<semaphore_mem>>) src(%dma_wait3A_184 : memref<8x1024xf32, #tpu.memory_space<hbm>>) dst(%arg4 : memref<8x1024xf32, #tpu.memory_space<vmem>>)
    %add3A_185 = arith.constant 192 : i32
    %add3A_186 = arith.addi %mul3A_2, %add3A_185 : i32
    %dma_wait3A_187 = arith.constant 0 : i32
    %dma_wait3A_188 = tpu.memref_slice %arg3[%add3A_186, %dma_wait3A_187] : memref<8192x1024xf32, #tpu.memory_space<hbm>> -> memref<8x1024xf32, #tpu.memory_space<hbm>>
    %dma_wait3A_189 = arith.constant 0 : i32
    %dma_wait3A_190 = tpu.memref_slice %arg3[%add3A_186, %dma_wait3A_189] : memref<8192x1024xf32, #tpu.memory_space<hbm>> -> memref<8x1024xf32, #tpu.memory_space<hbm>>
    tpu.wait_dma2 semaphore(%arg22 : memref<!tpu.dma_semaphore, #tpu.memory_space<semaphore_mem>>) src(%arg10 : memref<8x1024xf32, #tpu.memory_space<vmem>>) dst(%dma_wait3A_190 : memref<8x1024xf32, #tpu.memory_space<hbm>>)
    %scan3A_191 = arith.constant 0 : i32
    %scan3A_192 = arith.constant 8 : i32
    %scan3A_193 = arith.addi %scan3A_191, %scan3A_192 : i32
    %scan3A_194 = arith.constant 1 : i32
    scf.for %scan3A_261 = %scan3A_191 to %scan3A_193 step %scan3A_194  : i32 {
      %scan3A_262 = arith.constant 0 : i32
      %scan3A_263 = arith.constant 8 : i32
      %scan3A_264 = arith.addi %scan3A_262, %scan3A_263 : i32
      %scan3A_265 = arith.constant 1 : i32
      scf.for %scan3A_267 = %scan3A_262 to %scan3A_264 step %scan3A_265  : i32 {
        %mul3A_268 = arith.constant 128 : i32
        %mul3A_269 = arith.muli %scan3A_267, %mul3A_268 : i32
        %add3A_270 = arith.constant 0 : i32
        %add3A_271 = arith.addi %mul3A_269, %add3A_270 : i32
        %get3A = arith.index_cast %scan3A_261 : i32 to index
        %get3A_272 = arith.index_cast %add3A_271 : i32 to index
        %get3A_273 = tpu.vector_load %arg4[%get3A, %get3A_272] {strides = array<i32>} : memref<8x1024xf32, #tpu.memory_space<vmem>>, vector<1x16xf32>,
        %get3A_274 = vector.shape_cast %get3A_273 : vector<1x16xf32> to vector<16xf32>
        %add3A_275 = arith.constant 16 : i32
        %add3A_276 = arith.addi %mul3A_269, %add3A_275 : i32
        %get3A_277 = arith.index_cast %scan3A_261 : i32 to index
        %get3A_278 = arith.index_cast %add3A_276 : i32 to index
        %get3A_279 = tpu.vector_load %arg4[%get3A_277, %get3A_278] {strides = array<i32>} : memref<8x1024xf32, #tpu.memory_space<vmem>>, vector<1x16xf32>,
        %get3A_280 = vector.shape_cast %get3A_279 : vector<1x16xf32> to vector<16xf32>
        %add3A_281 = arith.constant 32 : i32
        %add3A_282 = arith.addi %mul3A_269, %add3A_281 : i32
        %get3A_283 = arith.index_cast %scan3A_261 : i32 to index
        %get3A_284 = arith.index_cast %add3A_282 : i32 to index
        %get3A_285 = tpu.vector_load %arg4[%get3A_283, %get3A_284] {strides = array<i32>} : memref<8x1024xf32, #tpu.memory_space<vmem>>, vector<1x16xf32>,
        %get3A_286 = vector.shape_cast %get3A_285 : vector<1x16xf32> to vector<16xf32>
        %add3A_287 = arith.constant 48 : i32
        %add3A_288 = arith.addi %mul3A_269, %add3A_287 : i32
        %get3A_289 = arith.index_cast %scan3A_261 : i32 to index
        %get3A_290 = arith.index_cast %add3A_288 : i32 to index
        %get3A_291 = tpu.vector_load %arg4[%get3A_289, %get3A_290] {strides = array<i32>} : memref<8x1024xf32, #tpu.memory_space<vmem>>, vector<1x16xf32>,
        %get3A_292 = vector.shape_cast %get3A_291 : vector<1x16xf32> to vector<16xf32>
        %add3A_293 = arith.constant 64 : i32
        %add3A_294 = arith.addi %mul3A_269, %add3A_293 : i32
        %get3A_295 = arith.index_cast %scan3A_261 : i32 to index
        %get3A_296 = arith.index_cast %add3A_294 : i32 to index
        %get3A_297 = tpu.vector_load %arg4[%get3A_295, %get3A_296] {strides = array<i32>} : memref<8x1024xf32, #tpu.memory_space<vmem>>, vector<1x16xf32>,
        %get3A_298 = vector.shape_cast %get3A_297 : vector<1x16xf32> to vector<16xf32>
        %add3A_299 = arith.constant 80 : i32
        %add3A_300 = arith.addi %mul3A_269, %add3A_299 : i32
        %get3A_301 = arith.index_cast %scan3A_261 : i32 to index
        %get3A_302 = arith.index_cast %add3A_300 : i32 to index
        %get3A_303 = tpu.vector_load %arg4[%get3A_301, %get3A_302] {strides = array<i32>} : memref<8x1024xf32, #tpu.memory_space<vmem>>, vector<1x16xf32>,
        %get3A_304 = vector.shape_cast %get3A_303 : vector<1x16xf32> to vector<16xf32>
        %add3A_305 = arith.constant 96 : i32
        %add3A_306 = arith.addi %mul3A_269, %add3A_305 : i32
        %get3A_307 = arith.index_cast %scan3A_261 : i32 to index
        %get3A_308 = arith.index_cast %add3A_306 : i32 to index
        %get3A_309 = tpu.vector_load %arg4[%get3A_307, %get3A_308] {strides = array<i32>} : memref<8x1024xf32, #tpu.memory_space<vmem>>, vector<1x16xf32>,
        %get3A_310 = vector.shape_cast %get3A_309 : vector<1x16xf32> to vector<16xf32>
        %add3A_311 = arith.constant 112 : i32
        %add3A_312 = arith.addi %mul3A_269, %add3A_311 : i32
        %get3A_313 = arith.index_cast %scan3A_261 : i32 to index
        %get3A_314 = arith.index_cast %add3A_312 : i32 to index
        %get3A_315 = tpu.vector_load %arg4[%get3A_313, %get3A_314] {strides = array<i32>} : memref<8x1024xf32, #tpu.memory_space<vmem>>, vector<1x16xf32>,
        %get3A_316 = vector.shape_cast %get3A_315 : vector<1x16xf32> to vector<16xf32>
        %mul3A_317 = arith.constant 3.125000e-02 : f32
        %mul3A_318 = vector.broadcast %mul3A_317 : f32 to vector<16xf32>
        %mul3A_319 = arith.mulf %get3A_274, %mul3A_318 : vector<16xf32>
        %mul3A_320 = arith.constant 3.125000e-02 : f32
        %mul3A_321 = vector.broadcast %mul3A_320 : f32 to vector<16xf32>
        %mul3A_322 = arith.mulf %get3A_280, %mul3A_321 : vector<16xf32>
        %mul3A_323 = arith.constant 3.125000e-02 : f32
        %mul3A_324 = vector.broadcast %mul3A_323 : f32 to vector<16xf32>
        %mul3A_325 = arith.mulf %get3A_286, %mul3A_324 : vector<16xf32>
        %mul3A_326 = arith.constant 3.125000e-02 : f32
        %mul3A_327 = vector.broadcast %mul3A_326 : f32 to vector<16xf32>
        %mul3A_328 = arith.mulf %get3A_292, %mul3A_327 : vector<16xf32>
        %mul3A_329 = arith.constant 3.125000e-02 : f32
        %mul3A_330 = vector.broadcast %mul3A_329 : f32 to vector<16xf32>
        %mul3A_331 = arith.mulf %get3A_298, %mul3A_330 : vector<16xf32>
        %mul3A_332 = arith.constant 3.125000e-02 : f32
        %mul3A_333 = vector.broadcast %mul3A_332 : f32 to vector<16xf32>
        %mul3A_334 = arith.mulf %get3A_304, %mul3A_333 : vector<16xf32>
        %mul3A_335 = arith.constant 3.125000e-02 : f32
        %mul3A_336 = vector.broadcast %mul3A_335 : f32 to vector<16xf32>
        %mul3A_337 = arith.mulf %get3A_310, %mul3A_336 : vector<16xf32>
        %mul3A_338 = arith.constant 3.125000e-02 : f32
        %mul3A_339 = vector.broadcast %mul3A_338 : f32 to vector<16xf32>
        %mul3A_340 = arith.mulf %get3A_316, %mul3A_339 : vector<16xf32>
        %add3A_341 = arith.constant 0 : i32
        %add3A_342 = arith.addi %mul3A_269, %add3A_341 : i32
        %swap3A = arith.index_cast %scan3A_261 : i32 to index
        %swap3A_343 = arith.index_cast %add3A_342 : i32 to index
        %swap3A_344 = tpu.vector_load %arg10[%swap3A, %swap3A_343] {strides = array<i32>} : memref<8x1024xf32, #tpu.memory_space<vmem>>, vector<1x16xf32>,
        %swap3A_345 = vector.shape_cast %swap3A_344 : vector<1x16xf32> to vector<16xf32>
        %swap3A_346 = vector.shape_cast %mul3A_319 : vector<16xf32> to vector<1x16xf32>
        tpu.vector_store %arg10[%swap3A, %swap3A_343], %swap3A_346 {strides = array<i32>} : memref<8x1024xf32, #tpu.memory_space<vmem>>, vector<1x16xf32>,
        %add3A_347 = arith.constant 16 : i32
        %add3A_348 = arith.addi %mul3A_269, %add3A_347 : i32
        %swap3A_349 = arith.index_cast %scan3A_261 : i32 to index
        %swap3A_350 = arith.index_cast %add3A_348 : i32 to index
        %swap3A_351 = tpu.vector_load %arg10[%swap3A_349, %swap3A_350] {strides = array<i32>} : memref<8x1024xf32, #tpu.memory_space<vmem>>, vector<1x16xf32>,
        %swap3A_352 = vector.shape_cast %swap3A_351 : vector<1x16xf32> to vector<16xf32>
        %swap3A_353 = vector.shape_cast %mul3A_322 : vector<16xf32> to vector<1x16xf32>
        tpu.vector_store %arg10[%swap3A_349, %swap3A_350], %swap3A_353 {strides = array<i32>} : memref<8x1024xf32, #tpu.memory_space<vmem>>, vector<1x16xf32>,
        %add3A_354 = arith.constant 32 : i32
        %add3A_355 = arith.addi %mul3A_269, %add3A_354 : i32
        %swap3A_356 = arith.index_cast %scan3A_261 : i32 to index
        %swap3A_357 = arith.index_cast %add3A_355 : i32 to index
        %swap3A_358 = tpu.vector_load %arg10[%swap3A_356, %swap3A_357] {strides = array<i32>} : memref<8x1024xf32, #tpu.memory_space<vmem>>, vector<1x16xf32>,
        %swap3A_359 = vector.shape_cast %swap3A_358 : vector<1x16xf32> to vector<16xf32>
        %swap3A_360 = vector.shape_cast %mul3A_325 : vector<16xf32> to vector<1x16xf32>
        tpu.vector_store %arg10[%swap3A_356, %swap3A_357], %swap3A_360 {strides = array<i32>} : memref<8x1024xf32, #tpu.memory_space<vmem>>, vector<1x16xf32>,
        %add3A_361 = arith.constant 48 : i32
        %add3A_362 = arith.addi %mul3A_269, %add3A_361 : i32
        %swap3A_363 = arith.index_cast %scan3A_261 : i32 to index
        %swap3A_364 = arith.index_cast %add3A_362 : i32 to index
        %swap3A_365 = tpu.vector_load %arg10[%swap3A_363, %swap3A_364] {strides = array<i32>} : memref<8x1024xf32, #tpu.memory_space<vmem>>, vector<1x16xf32>,
        %swap3A_366 = vector.shape_cast %swap3A_365 : vector<1x16xf32> to vector<16xf32>
        %swap3A_367 = vector.shape_cast %mul3A_328 : vector<16xf32> to vector<1x16xf32>
        tpu.vector_store %arg10[%swap3A_363, %swap3A_364], %swap3A_367 {strides = array<i32>} : memref<8x1024xf32, #tpu.memory_space<vmem>>, vector<1x16xf32>,
        %add3A_368 = arith.constant 64 : i32
        %add3A_369 = arith.addi %mul3A_269, %add3A_368 : i32
        %swap3A_370 = arith.index_cast %scan3A_261 : i32 to index
        %swap3A_371 = arith.index_cast %add3A_369 : i32 to index
        %swap3A_372 = tpu.vector_load %arg10[%swap3A_370, %swap3A_371] {strides = array<i32>} : memref<8x1024xf32, #tpu.memory_space<vmem>>, vector<1x16xf32>,
        %swap3A_373 = vector.shape_cast %swap3A_372 : vector<1x16xf32> to vector<16xf32>
        %swap3A_374 = vector.shape_cast %mul3A_331 : vector<16xf32> to vector<1x16xf32>
        tpu.vector_store %arg10[%swap3A_370, %swap3A_371], %swap3A_374 {strides = array<i32>} : memref<8x1024xf32, #tpu.memory_space<vmem>>, vector<1x16xf32>,
        %add3A_375 = arith.constant 80 : i32
        %add3A_376 = arith.addi %mul3A_269, %add3A_375 : i32
        %swap3A_377 = arith.index_cast %scan3A_261 : i32 to index
        %swap3A_378 = arith.index_cast %add3A_376 : i32 to index
        %swap3A_379 = tpu.vector_load %arg10[%swap3A_377, %swap3A_378] {strides = array<i32>} : memref<8x1024xf32, #tpu.memory_space<vmem>>, vector<1x16xf32>,
        %swap3A_380 = vector.shape_cast %swap3A_379 : vector<1x16xf32> to vector<16xf32>
        %swap3A_381 = vector.shape_cast %mul3A_334 : vector<16xf32> to vector<1x16xf32>
        tpu.vector_store %arg10[%swap3A_377, %swap3A_378], %swap3A_381 {strides = array<i32>} : memref<8x1024xf32, #tpu.memory_space<vmem>>, vector<1x16xf32>,
        %add3A_382 = arith.constant 96 : i32
        %add3A_383 = arith.addi %mul3A_269, %add3A_382 : i32
        %swap3A_384 = arith.index_cast %scan3A_261 : i32 to index
        %swap3A_385 = arith.index_cast %add3A_383 : i32 to index
        %swap3A_386 = tpu.vector_load %arg10[%swap3A_384, %swap3A_385] {strides = array<i32>} : memref<8x1024xf32, #tpu.memory_space<vmem>>, vector<1x16xf32>,
        %swap3A_387 = vector.shape_cast %swap3A_386 : vector<1x16xf32> to vector<16xf32>
        %swap3A_388 = vector.shape_cast %mul3A_337 : vector<16xf32> to vector<1x16xf32>
        tpu.vector_store %arg10[%swap3A_384, %swap3A_385], %swap3A_388 {strides = array<i32>} : memref<8x1024xf32, #tpu.memory_space<vmem>>, vector<1x16xf32>,
        %add3A_389 = arith.constant 112 : i32
        %add3A_390 = arith.addi %mul3A_269, %add3A_389 : i32
        %swap3A_391 = arith.index_cast %scan3A_261 : i32 to index
        %swap3A_392 = arith.index_cast %add3A_390 : i32 to index
        %swap3A_393 = tpu.vector_load %arg10[%swap3A_391, %swap3A_392] {strides = array<i32>} : memref<8x1024xf32, #tpu.memory_space<vmem>>, vector<1x16xf32>,
        %swap3A_394 = vector.shape_cast %swap3A_393 : vector<1x16xf32> to vector<16xf32>
        %swap3A_395 = vector.shape_cast %mul3A_340 : vector<16xf32> to vector<1x16xf32>
        tpu.vector_store %arg10[%swap3A_391, %swap3A_392], %swap3A_395 {strides = array<i32>} : memref<8x1024xf32, #tpu.memory_space<vmem>>, vector<1x16xf32>,
      }
      %scan3A_266 = arith.constant 8 : i32
    }
    %scan3A_195 = arith.constant 8 : i32
    %add3A_196 = arith.constant 240 : i32
    %add3A_197 = arith.addi %mul3A_2, %add3A_196 : i32
    %dma_start3A_198 = arith.constant 0 : i32
    %dma_start3A_199 = tpu.memref_slice %arg3[%add3A_197, %dma_start3A_198] : memref<8192x1024xf32, #tpu.memory_space<hbm>> -> memref<8x1024xf32, #tpu.memory_space<hbm>>
    %dma_start3A_200 = arith.constant 0 : i32
    %dma_start3A_201 = tpu.memref_slice %arg3[%add3A_197, %dma_start3A_200] : memref<8192x1024xf32, #tpu.memory_space<hbm>> -> memref<8x1024xf32, #tpu.memory_space<hbm>>
    tpu.enqueue_dma source(%arg10 : memref<8x1024xf32, #tpu.memory_space<vmem>>) target(%dma_start3A_201 : memref<8x1024xf32, #tpu.memory_space<hbm>>) target_semaphore(%arg22 : memref<!tpu.dma_semaphore, #tpu.memory_space<semaphore_mem>>)
    %add3A_202 = arith.constant 248 : i32
    %add3A_203 = arith.addi %mul3A_2, %add3A_202 : i32
    %dma_wait3A_204 = arith.constant 0 : i32
    %dma_wait3A_205 = tpu.memref_slice %arg2[%add3A_203, %dma_wait3A_204] : memref<8192x1024xf32, #tpu.memory_space<hbm>> -> memref<8x1024xf32, #tpu.memory_space<hbm>>
    %dma_wait3A_206 = arith.constant 0 : i32
    %dma_wait3A_207 = tpu.memref_slice %arg2[%add3A_203, %dma_wait3A_206] : memref<8192x1024xf32, #tpu.memory_space<hbm>> -> memref<8x1024xf32, #tpu.memory_space<hbm>>
    tpu.wait_dma2 semaphore(%arg17 : memref<!tpu.dma_semaphore, #tpu.memory_space<semaphore_mem>>) src(%dma_wait3A_207 : memref<8x1024xf32, #tpu.memory_space<hbm>>) dst(%arg5 : memref<8x1024xf32, #tpu.memory_space<vmem>>)
    %add3A_208 = arith.constant 200 : i32
    %add3A_209 = arith.addi %mul3A_2, %add3A_208 : i32
    %dma_wait3A_210 = arith.constant 0 : i32
    %dma_wait3A_211 = tpu.memref_slice %arg3[%add3A_209, %dma_wait3A_210] : memref<8192x1024xf32, #tpu.memory_space<hbm>> -> memref<8x1024xf32, #tpu.memory_space<hbm>>
    %dma_wait3A_212 = arith.constant 0 : i32
    %dma_wait3A_213 = tpu.memref_slice %arg3[%add3A_209, %dma_wait3A_212] : memref<8192x1024xf32, #tpu.memory_space<hbm>> -> memref<8x1024xf32, #tpu.memory_space<hbm>>
    tpu.wait_dma2 semaphore(%arg23 : memref<!tpu.dma_semaphore, #tpu.memory_space<semaphore_mem>>) src(%arg11 : memref<8x1024xf32, #tpu.memory_space<vmem>>) dst(%dma_wait3A_213 : memref<8x1024xf32, #tpu.memory_space<hbm>>)
    %scan3A_214 = arith.constant 0 : i32
    %scan3A_215 = arith.constant 8 : i32
    %scan3A_216 = arith.addi %scan3A_214, %scan3A_215 : i32
    %scan3A_217 = arith.constant 1 : i32
    scf.for %scan3A_261 = %scan3A_214 to %scan3A_216 step %scan3A_217  : i32 {
      %scan3A_262 = arith.constant 0 : i32
      %scan3A_263 = arith.constant 8 : i32
      %scan3A_264 = arith.addi %scan3A_262, %scan3A_263 : i32
      %scan3A_265 = arith.constant 1 : i32
      scf.for %scan3A_267 = %scan3A_262 to %scan3A_264 step %scan3A_265  : i32 {
        %mul3A_268 = arith.constant 128 : i32
        %mul3A_269 = arith.muli %scan3A_267, %mul3A_268 : i32
        %add3A_270 = arith.constant 0 : i32
        %add3A_271 = arith.addi %mul3A_269, %add3A_270 : i32
        %get3A = arith.index_cast %scan3A_261 : i32 to index
        %get3A_272 = arith.index_cast %add3A_271 : i32 to index
        %get3A_273 = tpu.vector_load %arg5[%get3A, %get3A_272] {strides = array<i32>} : memref<8x1024xf32, #tpu.memory_space<vmem>>, vector<1x16xf32>,
        %get3A_274 = vector.shape_cast %get3A_273 : vector<1x16xf32> to vector<16xf32>
        %add3A_275 = arith.constant 16 : i32
        %add3A_276 = arith.addi %mul3A_269, %add3A_275 : i32
        %get3A_277 = arith.index_cast %scan3A_261 : i32 to index
        %get3A_278 = arith.index_cast %add3A_276 : i32 to index
        %get3A_279 = tpu.vector_load %arg5[%get3A_277, %get3A_278] {strides = array<i32>} : memref<8x1024xf32, #tpu.memory_space<vmem>>, vector<1x16xf32>,
        %get3A_280 = vector.shape_cast %get3A_279 : vector<1x16xf32> to vector<16xf32>
        %add3A_281 = arith.constant 32 : i32
        %add3A_282 = arith.addi %mul3A_269, %add3A_281 : i32
        %get3A_283 = arith.index_cast %scan3A_261 : i32 to index
        %get3A_284 = arith.index_cast %add3A_282 : i32 to index
        %get3A_285 = tpu.vector_load %arg5[%get3A_283, %get3A_284] {strides = array<i32>} : memref<8x1024xf32, #tpu.memory_space<vmem>>, vector<1x16xf32>,
        %get3A_286 = vector.shape_cast %get3A_285 : vector<1x16xf32> to vector<16xf32>
        %add3A_287 = arith.constant 48 : i32
        %add3A_288 = arith.addi %mul3A_269, %add3A_287 : i32
        %get3A_289 = arith.index_cast %scan3A_261 : i32 to index
        %get3A_290 = arith.index_cast %add3A_288 : i32 to index
        %get3A_291 = tpu.vector_load %arg5[%get3A_289, %get3A_290] {strides = array<i32>} : memref<8x1024xf32, #tpu.memory_space<vmem>>, vector<1x16xf32>,
        %get3A_292 = vector.shape_cast %get3A_291 : vector<1x16xf32> to vector<16xf32>
        %add3A_293 = arith.constant 64 : i32
        %add3A_294 = arith.addi %mul3A_269, %add3A_293 : i32
        %get3A_295 = arith.index_cast %scan3A_261 : i32 to index
        %get3A_296 = arith.index_cast %add3A_294 : i32 to index
        %get3A_297 = tpu.vector_load %arg5[%get3A_295, %get3A_296] {strides = array<i32>} : memref<8x1024xf32, #tpu.memory_space<vmem>>, vector<1x16xf32>,
        %get3A_298 = vector.shape_cast %get3A_297 : vector<1x16xf32> to vector<16xf32>
        %add3A_299 = arith.constant 80 : i32
        %add3A_300 = arith.addi %mul3A_269, %add3A_299 : i32
        %get3A_301 = arith.index_cast %scan3A_261 : i32 to index
        %get3A_302 = arith.index_cast %add3A_300 : i32 to index
        %get3A_303 = tpu.vector_load %arg5[%get3A_301, %get3A_302] {strides = array<i32>} : memref<8x1024xf32, #tpu.memory_space<vmem>>, vector<1x16xf32>,
        %get3A_304 = vector.shape_cast %get3A_303 : vector<1x16xf32> to vector<16xf32>
        %add3A_305 = arith.constant 96 : i32
        %add3A_306 = arith.addi %mul3A_269, %add3A_305 : i32
        %get3A_307 = arith.index_cast %scan3A_261 : i32 to index
        %get3A_308 = arith.index_cast %add3A_306 : i32 to index
        %get3A_309 = tpu.vector_load %arg5[%get3A_307, %get3A_308] {strides = array<i32>} : memref<8x1024xf32, #tpu.memory_space<vmem>>, vector<1x16xf32>,
        %get3A_310 = vector.shape_cast %get3A_309 : vector<1x16xf32> to vector<16xf32>
        %add3A_311 = arith.constant 112 : i32
        %add3A_312 = arith.addi %mul3A_269, %add3A_311 : i32
        %get3A_313 = arith.index_cast %scan3A_261 : i32 to index
        %get3A_314 = arith.index_cast %add3A_312 : i32 to index
        %get3A_315 = tpu.vector_load %arg5[%get3A_313, %get3A_314] {strides = array<i32>} : memref<8x1024xf32, #tpu.memory_space<vmem>>, vector<1x16xf32>,
        %get3A_316 = vector.shape_cast %get3A_315 : vector<1x16xf32> to vector<16xf32>
        %mul3A_317 = arith.constant 3.125000e-02 : f32
        %mul3A_318 = vector.broadcast %mul3A_317 : f32 to vector<16xf32>
        %mul3A_319 = arith.mulf %get3A_274, %mul3A_318 : vector<16xf32>
        %mul3A_320 = arith.constant 3.125000e-02 : f32
        %mul3A_321 = vector.broadcast %mul3A_320 : f32 to vector<16xf32>
        %mul3A_322 = arith.mulf %get3A_280, %mul3A_321 : vector<16xf32>
        %mul3A_323 = arith.constant 3.125000e-02 : f32
        %mul3A_324 = vector.broadcast %mul3A_323 : f32 to vector<16xf32>
        %mul3A_325 = arith.mulf %get3A_286, %mul3A_324 : vector<16xf32>
        %mul3A_326 = arith.constant 3.125000e-02 : f32
        %mul3A_327 = vector.broadcast %mul3A_326 : f32 to vector<16xf32>
        %mul3A_328 = arith.mulf %get3A_292, %mul3A_327 : vector<16xf32>
        %mul3A_329 = arith.constant 3.125000e-02 : f32
        %mul3A_330 = vector.broadcast %mul3A_329 : f32 to vector<16xf32>
        %mul3A_331 = arith.mulf %get3A_298, %mul3A_330 : vector<16xf32>
        %mul3A_332 = arith.constant 3.125000e-02 : f32
        %mul3A_333 = vector.broadcast %mul3A_332 : f32 to vector<16xf32>
        %mul3A_334 = arith.mulf %get3A_304, %mul3A_333 : vector<16xf32>
        %mul3A_335 = arith.constant 3.125000e-02 : f32
        %mul3A_336 = vector.broadcast %mul3A_335 : f32 to vector<16xf32>
        %mul3A_337 = arith.mulf %get3A_310, %mul3A_336 : vector<16xf32>
        %mul3A_338 = arith.constant 3.125000e-02 : f32
        %mul3A_339 = vector.broadcast %mul3A_338 : f32 to vector<16xf32>
        %mul3A_340 = arith.mulf %get3A_316, %mul3A_339 : vector<16xf32>
        %add3A_341 = arith.constant 0 : i32
        %add3A_342 = arith.addi %mul3A_269, %add3A_341 : i32
        %swap3A = arith.index_cast %scan3A_261 : i32 to index
        %swap3A_343 = arith.index_cast %add3A_342 : i32 to index
        %swap3A_344 = tpu.vector_load %arg11[%swap3A, %swap3A_343] {strides = array<i32>} : memref<8x1024xf32, #tpu.memory_space<vmem>>, vector<1x16xf32>,
        %swap3A_345 = vector.shape_cast %swap3A_344 : vector<1x16xf32> to vector<16xf32>
        %swap3A_346 = vector.shape_cast %mul3A_319 : vector<16xf32> to vector<1x16xf32>
        tpu.vector_store %arg11[%swap3A, %swap3A_343], %swap3A_346 {strides = array<i32>} : memref<8x1024xf32, #tpu.memory_space<vmem>>, vector<1x16xf32>,
        %add3A_347 = arith.constant 16 : i32
        %add3A_348 = arith.addi %mul3A_269, %add3A_347 : i32
        %swap3A_349 = arith.index_cast %scan3A_261 : i32 to index
        %swap3A_350 = arith.index_cast %add3A_348 : i32 to index
        %swap3A_351 = tpu.vector_load %arg11[%swap3A_349, %swap3A_350] {strides = array<i32>} : memref<8x1024xf32, #tpu.memory_space<vmem>>, vector<1x16xf32>,
        %swap3A_352 = vector.shape_cast %swap3A_351 : vector<1x16xf32> to vector<16xf32>
        %swap3A_353 = vector.shape_cast %mul3A_322 : vector<16xf32> to vector<1x16xf32>
        tpu.vector_store %arg11[%swap3A_349, %swap3A_350], %swap3A_353 {strides = array<i32>} : memref<8x1024xf32, #tpu.memory_space<vmem>>, vector<1x16xf32>,
        %add3A_354 = arith.constant 32 : i32
        %add3A_355 = arith.addi %mul3A_269, %add3A_354 : i32
        %swap3A_356 = arith.index_cast %scan3A_261 : i32 to index
        %swap3A_357 = arith.index_cast %add3A_355 : i32 to index
        %swap3A_358 = tpu.vector_load %arg11[%swap3A_356, %swap3A_357] {strides = array<i32>} : memref<8x1024xf32, #tpu.memory_space<vmem>>, vector<1x16xf32>,
        %swap3A_359 = vector.shape_cast %swap3A_358 : vector<1x16xf32> to vector<16xf32>
        %swap3A_360 = vector.shape_cast %mul3A_325 : vector<16xf32> to vector<1x16xf32>
        tpu.vector_store %arg11[%swap3A_356, %swap3A_357], %swap3A_360 {strides = array<i32>} : memref<8x1024xf32, #tpu.memory_space<vmem>>, vector<1x16xf32>,
        %add3A_361 = arith.constant 48 : i32
        %add3A_362 = arith.addi %mul3A_269, %add3A_361 : i32
        %swap3A_363 = arith.index_cast %scan3A_261 : i32 to index
        %swap3A_364 = arith.index_cast %add3A_362 : i32 to index
        %swap3A_365 = tpu.vector_load %arg11[%swap3A_363, %swap3A_364] {strides = array<i32>} : memref<8x1024xf32, #tpu.memory_space<vmem>>, vector<1x16xf32>,
        %swap3A_366 = vector.shape_cast %swap3A_365 : vector<1x16xf32> to vector<16xf32>
        %swap3A_367 = vector.shape_cast %mul3A_328 : vector<16xf32> to vector<1x16xf32>
        tpu.vector_store %arg11[%swap3A_363, %swap3A_364], %swap3A_367 {strides = array<i32>} : memref<8x1024xf32, #tpu.memory_space<vmem>>, vector<1x16xf32>,
        %add3A_368 = arith.constant 64 : i32
        %add3A_369 = arith.addi %mul3A_269, %add3A_368 : i32
        %swap3A_370 = arith.index_cast %scan3A_261 : i32 to index
        %swap3A_371 = arith.index_cast %add3A_369 : i32 to index
        %swap3A_372 = tpu.vector_load %arg11[%swap3A_370, %swap3A_371] {strides = array<i32>} : memref<8x1024xf32, #tpu.memory_space<vmem>>, vector<1x16xf32>,
        %swap3A_373 = vector.shape_cast %swap3A_372 : vector<1x16xf32> to vector<16xf32>
        %swap3A_374 = vector.shape_cast %mul3A_331 : vector<16xf32> to vector<1x16xf32>
        tpu.vector_store %arg11[%swap3A_370, %swap3A_371], %swap3A_374 {strides = array<i32>} : memref<8x1024xf32, #tpu.memory_space<vmem>>, vector<1x16xf32>,
        %add3A_375 = arith.constant 80 : i32
        %add3A_376 = arith.addi %mul3A_269, %add3A_375 : i32
        %swap3A_377 = arith.index_cast %scan3A_261 : i32 to index
        %swap3A_378 = arith.index_cast %add3A_376 : i32 to index
        %swap3A_379 = tpu.vector_load %arg11[%swap3A_377, %swap3A_378] {strides = array<i32>} : memref<8x1024xf32, #tpu.memory_space<vmem>>, vector<1x16xf32>,
        %swap3A_380 = vector.shape_cast %swap3A_379 : vector<1x16xf32> to vector<16xf32>
        %swap3A_381 = vector.shape_cast %mul3A_334 : vector<16xf32> to vector<1x16xf32>
        tpu.vector_store %arg11[%swap3A_377, %swap3A_378], %swap3A_381 {strides = array<i32>} : memref<8x1024xf32, #tpu.memory_space<vmem>>, vector<1x16xf32>,
        %add3A_382 = arith.constant 96 : i32
        %add3A_383 = arith.addi %mul3A_269, %add3A_382 : i32
        %swap3A_384 = arith.index_cast %scan3A_261 : i32 to index
        %swap3A_385 = arith.index_cast %add3A_383 : i32 to index
        %swap3A_386 = tpu.vector_load %arg11[%swap3A_384, %swap3A_385] {strides = array<i32>} : memref<8x1024xf32, #tpu.memory_space<vmem>>, vector<1x16xf32>,
        %swap3A_387 = vector.shape_cast %swap3A_386 : vector<1x16xf32> to vector<16xf32>
        %swap3A_388 = vector.shape_cast %mul3A_337 : vector<16xf32> to vector<1x16xf32>
        tpu.vector_store %arg11[%swap3A_384, %swap3A_385], %swap3A_388 {strides = array<i32>} : memref<8x1024xf32, #tpu.memory_space<vmem>>, vector<1x16xf32>,
        %add3A_389 = arith.constant 112 : i32
        %add3A_390 = arith.addi %mul3A_269, %add3A_389 : i32
        %swap3A_391 = arith.index_cast %scan3A_261 : i32 to index
        %swap3A_392 = arith.index_cast %add3A_390 : i32 to index
        %swap3A_393 = tpu.vector_load %arg11[%swap3A_391, %swap3A_392] {strides = array<i32>} : memref<8x1024xf32, #tpu.memory_space<vmem>>, vector<1x16xf32>,
        %swap3A_394 = vector.shape_cast %swap3A_393 : vector<1x16xf32> to vector<16xf32>
        %swap3A_395 = vector.shape_cast %mul3A_340 : vector<16xf32> to vector<1x16xf32>
        tpu.vector_store %arg11[%swap3A_391, %swap3A_392], %swap3A_395 {strides = array<i32>} : memref<8x1024xf32, #tpu.memory_space<vmem>>, vector<1x16xf32>,
      }
      %scan3A_266 = arith.constant 8 : i32
    }
    %scan3A_218 = arith.constant 8 : i32
    %add3A_219 = arith.constant 248 : i32
    %add3A_220 = arith.addi %mul3A_2, %add3A_219 : i32
    %dma_start3A_221 = arith.constant 0 : i32
    %dma_start3A_222 = tpu.memref_slice %arg3[%add3A_220, %dma_start3A_221] : memref<8192x1024xf32, #tpu.memory_space<hbm>> -> memref<8x1024xf32, #tpu.memory_space<hbm>>
    %dma_start3A_223 = arith.constant 0 : i32
    %dma_start3A_224 = tpu.memref_slice %arg3[%add3A_220, %dma_start3A_223] : memref<8192x1024xf32, #tpu.memory_space<hbm>> -> memref<8x1024xf32, #tpu.memory_space<hbm>>
    tpu.enqueue_dma source(%arg11 : memref<8x1024xf32, #tpu.memory_space<vmem>>) target(%dma_start3A_224 : memref<8x1024xf32, #tpu.memory_space<hbm>>) target_semaphore(%arg23 : memref<!tpu.dma_semaphore, #tpu.memory_space<semaphore_mem>>)
    %add3A_225 = arith.constant 208 : i32
    %add3A_226 = arith.addi %mul3A_2, %add3A_225 : i32
    %dma_wait3A_227 = arith.constant 0 : i32
    %dma_wait3A_228 = tpu.memref_slice %arg3[%add3A_226, %dma_wait3A_227] : memref<8192x1024xf32, #tpu.memory_space<hbm>> -> memref<8x1024xf32, #tpu.memory_space<hbm>>
    %dma_wait3A_229 = arith.constant 0 : i32
    %dma_wait3A_230 = tpu.memref_slice %arg3[%add3A_226, %dma_wait3A_229] : memref<8192x1024xf32, #tpu.memory_space<hbm>> -> memref<8x1024xf32, #tpu.memory_space<hbm>>
    tpu.wait_dma2 semaphore(%arg24 : memref<!tpu.dma_semaphore, #tpu.memory_space<semaphore_mem>>) src(%arg12 : memref<8x1024xf32, #tpu.memory_space<vmem>>) dst(%dma_wait3A_230 : memref<8x1024xf32, #tpu.memory_space<hbm>>)
    %add3A_231 = arith.constant 216 : i32
    %add3A_232 = arith.addi %mul3A_2, %add3A_231 : i32
    %dma_wait3A_233 = arith.constant 0 : i32
    %dma_wait3A_234 = tpu.memref_slice %arg3[%add3A_232, %dma_wait3A_233] : memref<8192x1024xf32, #tpu.memory_space<hbm>> -> memref<8x1024xf32, #tpu.memory_space<hbm>>
    %dma_wait3A_235 = arith.constant 0 : i32
    %dma_wait3A_236 = tpu.memref_slice %arg3[%add3A_232, %dma_wait3A_235] : memref<8192x1024xf32, #tpu.memory_space<hbm>> -> memref<8x1024xf32, #tpu.memory_space<hbm>>
    tpu.wait_dma2 semaphore(%arg25 : memref<!tpu.dma_semaphore, #tpu.memory_space<semaphore_mem>>) src(%arg13 : memref<8x1024xf32, #tpu.memory_space<vmem>>) dst(%dma_wait3A_236 : memref<8x1024xf32, #tpu.memory_space<hbm>>)
    %add3A_237 = arith.constant 224 : i32
    %add3A_238 = arith.addi %mul3A_2, %add3A_237 : i32
    %dma_wait3A_239 = arith.constant 0 : i32
    %dma_wait3A_240 = tpu.memref_slice %arg3[%add3A_238, %dma_wait3A_239] : memref<8192x1024xf32, #tpu.memory_space<hbm>> -> memref<8x1024xf32, #tpu.memory_space<hbm>>
    %dma_wait3A_241 = arith.constant 0 : i32
    %dma_wait3A_242 = tpu.memref_slice %arg3[%add3A_238, %dma_wait3A_241] : memref<8192x1024xf32, #tpu.memory_space<hbm>> -> memref<8x1024xf32, #tpu.memory_space<hbm>>
    tpu.wait_dma2 semaphore(%arg26 : memref<!tpu.dma_semaphore, #tpu.memory_space<semaphore_mem>>) src(%arg14 : memref<8x1024xf32, #tpu.memory_space<vmem>>) dst(%dma_wait3A_242 : memref<8x1024xf32, #tpu.memory_space<hbm>>)
    %add3A_243 = arith.constant 232 : i32
    %add3A_244 = arith.addi %mul3A_2, %add3A_243 : i32
    %dma_wait3A_245 = arith.constant 0 : i32
    %dma_wait3A_246 = tpu.memref_slice %arg3[%add3A_244, %dma_wait3A_245] : memref<8192x1024xf32, #tpu.memory_space<hbm>> -> memref<8x1024xf32, #tpu.memory_space<hbm>>
    %dma_wait3A_247 = arith.constant 0 : i32
    %dma_wait3A_248 = tpu.memref_slice %arg3[%add3A_244, %dma_wait3A_247] : memref<8192x1024xf32, #tpu.memory_space<hbm>> -> memref<8x1024xf32, #tpu.memory_space<hbm>>
    tpu.wait_dma2 semaphore(%arg27 : memref<!tpu.dma_semaphore, #tpu.memory_space<semaphore_mem>>) src(%arg15 : memref<8x1024xf32, #tpu.memory_space<vmem>>) dst(%dma_wait3A_248 : memref<8x1024xf32, #tpu.memory_space<hbm>>)
    %add3A_249 = arith.constant 240 : i32
    %add3A_250 = arith.addi %mul3A_2, %add3A_249 : i32
    %dma_wait3A_251 = arith.constant 0 : i32
    %dma_wait3A_252 = tpu.memref_slice %arg3[%add3A_250, %dma_wait3A_251] : memref<8192x1024xf32, #tpu.memory_space<hbm>> -> memref<8x1024xf32, #tpu.memory_space<hbm>>
    %dma_wait3A_253 = arith.constant 0 : i32
    %dma_wait3A_254 = tpu.memref_slice %arg3[%add3A_250, %dma_wait3A_253] : memref<8192x1024xf32, #tpu.memory_space<hbm>> -> memref<8x1024xf32, #tpu.memory_space<hbm>>
    tpu.wait_dma2 semaphore(%arg22 : memref<!tpu.dma_semaphore, #tpu.memory_space<semaphore_mem>>) src(%arg10 : memref<8x1024xf32, #tpu.memory_space<vmem>>) dst(%dma_wait3A_254 : memref<8x1024xf32, #tpu.memory_space<hbm>>)
    %add3A_255 = arith.constant 248 : i32
    %add3A_256 = arith.addi %mul3A_2, %add3A_255 : i32
    %dma_wait3A_257 = arith.constant 0 : i32
    %dma_wait3A_258 = tpu.memref_slice %arg3[%add3A_256, %dma_wait3A_257] : memref<8192x1024xf32, #tpu.memory_space<hbm>> -> memref<8x1024xf32, #tpu.memory_space<hbm>>
    %dma_wait3A_259 = arith.constant 0 : i32
    %dma_wait3A_260 = tpu.memref_slice %arg3[%add3A_256, %dma_wait3A_259] : memref<8192x1024xf32, #tpu.memory_space<hbm>> -> memref<8x1024xf32, #tpu.memory_space<hbm>>
    tpu.wait_dma2 semaphore(%arg23 : memref<!tpu.dma_semaphore, #tpu.memory_space<semaphore_mem>>) src(%arg11 : memref<8x1024xf32, #tpu.memory_space<vmem>>) dst(%dma_wait3A_260 : memref<8x1024xf32, #tpu.memory_space<hbm>>)
    return
  }
}

</mosaic_0001>

<sc_bundles>
// kernel: kernel.3.cloned.1.call-start
scs
__scs_entry_jumppad:
0x0: {  	(pc) =	sbr.rel $0x88, $3  }
0x1: {  	(tag) =	ssettag $0x0;
	lr =	simm.s32 $0x1  }
0x2: {  	[smem:$0x3FA0] =	sst lr;
	_ =	strace $0xD0000000  }
0x3: {  	_ = 	snop  }
0x4: {  	_ = 	snop  }
0x5: {  	_ = 	snop  }
0x6: {  	_ = 	snop  }
0x7: {  	_ = 	snop  }
__scs_overlays_trampoline_lowered:
0x8: {  	[smem:$0x3FAF] =	sst s0  }
0x9: {  	[smem:$0x3FB0] =	sst s1  }
0xa: {  	[smem:$0x3FB1] =	sst s2  }
0xb: {  	[smem:$0x3FB2] =	sst s3  }
0xc: {  	[smem:$0x3FB3] =	sst s4  }
0xd: {  	[smem:$0x3FB4] =	sst s5  }
0xe: {  	[smem:$0x3FB5] =	sst s6  }
0xf: {  	[smem:$0x3FB6] =	sst s7  }
0x10: {  	[smem:$0x3FB7] =	sst s8  }
0x11: {  	[smem:$0x3FB8] =	sst s9;
	s0 =	simm.s32 @!p0 $0x0  }
0x12: {  	s1 =	sld [smem:$0x3F9E];
	s0 =	simm.s32 @p0 $0x1  }
0x13: {  	[smem:$0x3FB9] =	sst s0;
	s0 =	simm.s32 @!p1 $0x0  }
0x14: {  	s2 =	sld [smem:$0x3F9D];
	s0 =	simm.s32 @p1 $0x1  }
0x15: {  	[smem:$0x3FBA] =	sst s0;
	s0 =	simm.s32 @!p2 $0x0  }
0x16: {  	s3 =	sld [smem:$0x3FDB];
	s0 =	simm.s32 @p2 $0x1  }
0x17: {  	s4 =	simm.s32 $0x1BF5;
	[smem:$0x3FBC] =	sst s0  }
0x18: {  	s0 =	sld [smem:$0x3F9F];
	_ =	swait.ge [sflag:s4], $0x0  }
0x19: {  	s7 =	sld [smem:$0x3FA0]  }
0x1a: {  	s8 =	sadd.s32 $0xFFFFE003, lr  }
0x1b: {  	s9 =	sadd.s32 $0xFFFFFEF7, lr;
	s5 =	simm.s32 $0xFFFFFFFF;
	p2 =	slt.u32 s8, $0xFFFFF086  }
0x1c: {  	p1 =	slt.u32 s9, $0xF7A;
	s5 =	simm.s32 @!p2 $0x0  }
0x1d: {  	s5 =	simm.s32 @p1 $0x1;
	p0 =	seq.s32 s7, s2  }
0x1e: {  	s7 =	smul.u32 @!p0 $0xF7A, s2;
	p2 =	seq.s32 @!p0 s5, $0x0  }
0x1f: {  	s9 =	smul.u32 $0xF7A, s1;
	s8 =	simm.s32 @!p0 $0x1BF5;
	p2 =	por !p2, p0  }
0x20: {  	[sflag:s8] =	ssyncset.s32 @!p0 $0xFFFFF086;
	s6 =	sadd.s32 @!p0 s3, s7;
	s7 =	simm.s32 @!p0 $0x108  }
0x21: {  	s3 =	sadd.s32 s3, s9;
	s6 =	sadd.s32 @!p0 $0x88, s6;
	s7 =	simm.s32 @p2 $0x1082  }
0x22: {  	[simem:s7], [sflag:s8] =	dma.local @!p0 [hbm:s6], $0xF7A  }
0x23: {  	s9 =	sor.u32 $0xD0000000, s2;
	s6 =	simm.s32 $0x108;
	_ =	swait.ge @!p0 [sflag:s8], $0x0  }
0x24: {  	s3 =	sadd.s32 $0x88, s3;
	s6 =	simm.s32 @!p1 $0x1082;
	[sflag:s4] =	ssyncset.s32 $0xFFFFF086  }
0x25: {  	[simem:s6], [sflag:s4] =	dma.local [hbm:s3], $0xF7A  }
0x26: {  	[smem:$0x3FA0] =	sst s1;
	(tag) =	ssettag s2;
	_ =	strace s9  }
0x27: {  	s1 =	sld [smem:$0x3FB0]  }
0x28: {  	s2 =	sld [smem:$0x3FB1]  }
0x29: {  	s4 =	sld [smem:$0x3FB3]  }
0x2a: {  	p0 =	seq.s32 s5, $0x0;
	s5 =	sld [smem:$0x3FB4]  }
0x2b: {  	s6 =	sld [smem:$0x3FB5]  }
0x2c: {  	s7 =	sld [smem:$0x3FB6]  }
0x2d: {  	s3 =	simm.s32 $0x108;
	s8 =	sld [smem:$0x3FB7]  }
0x2e: {  	s3 =	simm.s32 @!p0 $0x1082;
	s9 =	sld [smem:$0x3FB8]  }
0x2f: {  	lr =	sadd.s32 s0, s3;
	s0 =	sld [smem:$0x3FAF]  }
0x30: {  	s3 =	sld [smem:$0x3FB2]  }
0x31: {  	[smem:$0x3FBB] =	sst s10  }
0x32: {  	s10 =	sld [smem:$0x3FB9];
	_ =	sdelay $0x3  }
0x33: {  	p0 =	seq.s32 s10, $0x1;
	s10 =	sld [smem:$0x3FBB];
	_ =	sdelay $0x3  }
0x34: {  	[smem:$0x3FBB] =	sst s10  }
0x35: {  	s10 =	sld [smem:$0x3FBA];
	_ =	sdelay $0x3  }
0x36: {  	p1 =	seq.s32 s10, $0x1;
	s10 =	sld [smem:$0x3FBB];
	_ =	sdelay $0x3  }
0x37: {  	[smem:$0x3FBB] =	sst s10  }
0x38: {  	s10 =	sld [smem:$0x3FBC]  }
0x39: {  	_ = 	snop;
	(pc) =	sbr.ind lr, $3  }
0x3a: {  	_ = 	snop  }
0x3b: {  	_ = 	snop  }
0x3c: {  	p2 =	seq.s32 s10, $0x1;
	s10 =	sld [smem:$0x3FBB]  }
0x3d: {  	_ =	shalt  }
0x3e: {  	_ =	shalt  }
0x3f: {  	_ =	shalt  }
0x40: {  	_ =	shalt  }
0x41: {  	_ =	shalt  }
0x42: {  	_ =	shalt  }
0x43: {  	_ =	shalt  }
0x44: {  	_ =	shalt  }
0x45: {  	_ =	shalt  }
0x46: {  	_ =	shalt  }
0x47: {  	_ =	shalt  }
0x48: {  	_ =	shalt  }
0x49: {  	_ =	shalt  }
0x4a: {  	_ =	shalt  }
0x4b: {  	_ =	shalt  }
0x4c: {  	_ =	shalt  }
0x4d: {  	_ =	shalt  }
0x4e: {  	_ =	shalt  }
0x4f: {  	_ =	shalt  }
0x50: {  	_ =	shalt  }
0x51: {  	_ =	shalt  }
0x52: {  	_ =	shalt  }
0x53: {  	_ =	shalt  }
0x54: {  	_ =	shalt  }
0x55: {  	_ =	shalt  }
0x56: {  	_ =	shalt  }
0x57: {  	_ =	shalt  }
0x58: {  	_ =	shalt  }
0x59: {  	_ =	shalt  }
0x5a: {  	_ =	shalt  }
0x5b: {  	_ =	shalt  }
0x5c: {  	_ =	shalt  }
0x5d: {  	_ =	shalt  }
0x5e: {  	_ =	shalt  }
0x5f: {  	_ =	shalt  }
0x60: {  	_ =	shalt  }
0x61: {  	_ =	shalt  }
0x62: {  	_ =	shalt  }
0x63: {  	_ =	shalt  }
0x64: {  	_ =	shalt  }
0x65: {  	_ =	shalt  }
0x66: {  	_ =	shalt  }
0x67: {  	_ =	shalt  }
0x68: {  	_ =	shalt  }
0x69: {  	_ =	shalt  }
0x6a: {  	_ =	shalt  }
0x6b: {  	_ =	shalt  }
0x6c: {  	_ =	shalt  }
0x6d: {  	_ =	shalt  }
0x6e: {  	_ =	shalt  }
0x6f: {  	_ =	shalt  }
0x70: {  	_ =	shalt  }
0x71: {  	_ =	shalt  }
0x72: {  	_ =	shalt  }
0x73: {  	_ =	shalt  }
0x74: {  	_ =	shalt  }
0x75: {  	_ =	shalt  }
0x76: {  	_ =	shalt  }
0x77: {  	_ =	shalt  }
0x78: {  	_ =	shalt  }
0x79: {  	_ =	shalt  }
0x7a: {  	_ =	shalt  }
0x7b: {  	_ =	shalt  }
0x7c: {  	_ =	shalt  }
0x7d: {  	_ =	shalt  }
0x7e: {  	_ =	shalt  }
0x7f: {  	_ =	shalt  }
0x80: {  	_ =	shalt  }
0x81: {  	_ =	shalt  }
0x82: {  	_ =	shalt  }
0x83: {  	_ =	shalt  }
0x84: {  	_ =	shalt  }
0x85: {  	_ =	shalt  }
0x86: {  	_ =	shalt  }
0x87: {  	_ =	shalt  }
.Lfunc_end0:
.L_simem_size_0:
called_computation_lowered:
.L_overlay_start_0:
0x88: {  	s2 =	sld [smem:$0x3FD9]  }
0x89: {  	s3 =	sld [smem:$0x3FFE];
	_ =	sdelay $0x1  }
0x8a: {  	s1 =	srdreg.scid  }
0x8b: {  	s0 =	sand.u32 $0x1, s1  }
0x8c: {  	s18 =	sshll.u32 s0, $0xA;
	s2 =	sadd.s32 s3, s2  }
0x8d: {  	s2 =	sadd.s32 s2, s18  }
0x8e: {  	[smem:$0x3FC7] =	sst s2  }
0x8f: {  	_ = 	snop  }
0x90: {  	s2 =	sld [smem:$0x3FC9]  }
0x91: {  	s19 =	sld [smem:$0x3FD0];
	(tm) =	ssettm $0x1  }
0x92: {  	s4 =	sld [smem:$0x3FFB];
	_ =	sdelay $0x3  }
0x93: {  	_ =	strace s4  }
0x94: {  	s4 =	sld [smem:$0x3FFC];
	_ =	sdelay $0x3  }
0x95: {  	_ =	strace s4  }
0x96: {  	s4 =	sld [smem:$0x3FFD];
	_ =	sdelay $0x3  }
0x97: {  	_ =	strace s4  }
0x98: {  	_ =	strace $0x8FFFFFFF  }
0x99: {  	s20 =	sld [smem:$0x3FDB];
	_ =	sdelay $0x1  }
0x9a: {  	s5 =	simm.s32 $_scs_section_size  }
0x9b: {  	s6 =	simm.s32 $_size__tile_overlayer_lowered;
	s7 =	simm.s32 $_tile_overlayer_lowered  }
0x9c: {  	s23 =	simm.s32 $0x1BFF;
	s22 =	sshll.u32 s7, $0x1;
	s4 =	sadd.s32 s5, s20  }
0x9d: {  	s8 =	simm.s32 $0x0;
	s21 =	sshll.u32 s6, $0x1;
	s6 =	sadd.s32 s22, s4  }
0x9e: {  	[timem:s8], [sflag:s23] =	dma.local [hbm:s6], s21  }
0x9f: {  	_ =	swait.ge [sflag:s23], s21  }
0xa0: {  	s5 =	ssub.s32 $0x0, s21;
	[sflag:s23] =	ssyncset.done $0x0  }
0xa1: {  	[sflag:s23] =	ssyncadd.s32 s5;
	_ =	sdelay $0x1  }
0xa2: {  	s24 =	simm.s32 $0x1B8B  }
0xa3: {  	_ =	swait.ge [sflag:s24], $0x1  }
0xa4: {  	[sflag:s24] =	ssyncset.done $0x0  }
0xa5: {  	s25 =	simm.s32 $0x1B8E;
	[sflag:s24] =	ssyncadd.s32 $0xFFFFFFFF  }
0xa6: {  	s26 =	simm.s32 $execute0_lowered;
	[smem:$0x3FD2] =	sst s25  }
0xa7: {  	s5 =	sshll.u32 s26, $0x1;
	_ =	strace $0x80000046;
	[dreg:$0x1] =	wrdreg $0xFFFFFFFF  }
0xa8: {  	s28 =	simm.s32 $_size_execute0_lowered;
	s4 =	sadd.s32 s4, s5;
	[dreg:$0x0] =	wrdreg $0x0  }
0xa9: {  	s5 =	sshll.u32 s28, $0x1;
	[dreg:$0x2] =	wrdreg s4  }
0xaa: {  	[dreg:$0x3] =	wrdreg s5  }
0xab: {  	[dreg:$0x4] =	wrdreg $0xC0  }
0xac: {  	_ =	task [dreg:s8], $0x5FFFF  }
0xad: {  	[dreg:$0x1] =	wrdreg $0xFFFFFFFF  }
0xae: {  	[dreg:$0x0] =	wrdreg $0x60  }
0xaf: {  	[dreg:$0x2] =	wrdreg s2  }
0xb0: {  	[dreg:$0x3] =	wrdreg s19  }
0xb1: {  	[dreg:$0x4] =	wrdreg $0x9  }
0xb2: {  	_ =	task.clear_ibuf [dreg:s8], $0x5FFFF;
	_ =	strace $0x90000046  }
0xb3: {  	s29 =	simm.s32 $0x9;
	_ =	strace $0x80000048  }
0xb4: {  	_ =	swait.ge [sflag:s29], $0x1  }
0xb5: {  	[sflag:s29] =	ssyncadd.s32 $0xFFFFFFFF  }
0xb6: {  	_ =	strace $0x90000048  }
0xb7: {  	_ =	sfence  }
0xb8: {  	s30 =	sld [smem:$0x0];
	_ =	sdelay $0x2  }
0xb9: {  	s31 =	sshll.u32 s1, $0xD;
	s1 =	sshrl.u32 s1, $0x2  }
0xba: {  	s3 =	sand.u32 $0x4000, s31;
	s1 =	sadd.s32 s1, s30  }
0xbb: {  	s0 =	sor.u32 s3, s0;
	s1 =	sshll.u32 s1, $0x11  }
0xbc: {  	s0 =	sor.u32 s1, s0  }
0xbd: {  	s0 =	sadd.s32 $0x8F2B, s0  }
0xbe: {  	[sflag:s0] =	ssyncadd.remote.s32 $0x1  }
0xbf: {  	_ =	sfence.sel $0xFFFF  }
0xc0: {  	[dreg:$0x0] =	wrdreg $0xFFFFFFFF;
	(pc) =	sbr.abs _section_cstart, $3  }
0xc1: {  	[dreg:$0x1] =	wrdreg $0xFFFFFFFF  }
0xc2: {  	_ =	task.clear_ibuf [dreg:s8], $0x2FFFF;
	_ =	strace $0x9FFFFFFF  }
0xc3: {  	(tm) =	ssettm $0x7FFFFFFF  }
tec
execute0_lowered:
.L_overlay_start_1:
0x0: {  	(tag) =	ssettag $0x1  }
0x1: {  	s0 =	srdreg.scid  }
0x2: {  	s2 =	rddreg [dreg:$0x0];
	s1 =	stileid.u32;
	s0 =	sand.u32 $0x1, s0  }
0x3: {  	s3 =	rddreg [dreg:$0x1];
	s1 =	sshll.u32 s1, $0x9;
	s4 =	sshll.u32 s0, $0x8  }
0x4: {  	s19 =	simm.s32 $0x0;
	s0 =	ssub.s32 $0x2, s0;
	s9 =	sor.u32 s4, s1  }
0x5: {  	[smem:$0x7FF] =	sst s19;
	s20 =	sshrl.u32 s0, $0x1;
	s4 =	sshll.u32 s9, $0x7  }
0x6: {  	_ =	strace $0x80000047;
	s0 =	ssub.s32 s0, s20;
	s21 =	sor.u32 $0x400, s4  }
0x7: {  	s5 =	sor.u32 $0x800, s4;
	s10 =	sadd.s32 s2, s4;
	s0 =	smax.u32 s0, $0x1  }
0x8: {  	s23 =	sor.u32 $0xC00, s4;
	s7 =	sor.u32 $0x1000, s4;
	[dreg:$0x14] =	wrdreg s0  }
0x9: {  	s8 =	sor.u32 $0x1400, s4;
	s4 =	sadd.s32 s3, s4;
	[dreg:$0x3] =	wrdreg s10  }
0xa: {  	s6 =	sadd.s32 s2, s21;
	[dreg:$0x9] =	wrdreg s4  }
0xb: {  	s22 =	sadd.s32 s2, s5;
	[dreg:$0x4] =	wrdreg s6  }
0xc: {  	s11 =	sadd.s32 s2, s23;
	[dreg:$0x5] =	wrdreg s22  }
0xd: {  	s24 =	sadd.s32 s2, s7;
	[dreg:$0x6] =	wrdreg s11  }
0xe: {  	s25 =	sadd.s32 s2, s8;
	[dreg:$0x7] =	wrdreg s24  }
0xf: {  	s29 =	simm.s32 $0x5;
	s26 =	sadd.s32 $0x1800, s10;
	[dreg:$0x8] =	wrdreg s25  }
0x10: {  	s31 =	simm.s32 $0x6;
	s1 =	sadd.s32 s3, s21;
	[dreg:$0xa] =	wrdreg s26  }
0x11: {  	s28 =	simm.s32 $0xB;
	s5 =	sadd.s32 s3, s5;
	[dreg:$0xb] =	wrdreg s1  }
0x12: {  	s30 =	simm.s32 $0xC;
	s12 =	sadd.s32 s3, s7;
	[dreg:$0xc] =	wrdreg s5  }
0x13: {  	s13 =	sadd.s32 s3, s8;
	s18 =	sadd.s32 $0x1C00, s10;
	[dreg:$0xe] =	wrdreg s12  }
0x14: {  	s20 =	sadd.s32 $0x2000, s10;
	s21 =	sadd.s32 $0x2400, s10;
	[dreg:$0xf] =	wrdreg s13  }
0x15: {  	s0 =	sor.u32 $0x8, s9;
	s7 =	sor.u32 $0x18, s9;
	[dreg:$0x15] =	wrdreg s18  }
0x16: {  	s8 =	sor.u32 $0x20, s9;
	s6 =	sadd.s32 s3, s23;
	[dreg:$0x16] =	wrdreg s20  }
0x17: {  	s11 =	sshrl.u32 s9, $0x3;
	[dreg:$0x17] =	wrdreg s21;
	s22 =	sadd.s32 $0x2800, s10  }
0x18: {  	s25 =	sadd.s32 $0x2C00, s10;
	s1 =	sor.u32 $0x10, s9;
	s26 =	sadd.s32 $0x7800, s4  }
0x19: {  	s4 =	sadd.s32 $0x7C00, s4;
	s18 =	simm.s32 $0x3;
	[dreg:$0xd] =	wrdreg s6  }
0x1a: {  	s12 =	simm.s32 $0x8;
	s5 =	simm.s32 $0x0;
	[dreg:$0x18] =	wrdreg s22  }
0x1b: {  	s14 =	sor.u32 $0x6, s11;
	s15 =	sor.u32 $0x7, s11;
	[dreg:$0x19] =	wrdreg s25  }
0x1c: {  	s16 =	sor.u32 $0x8, s11;
	s17 =	sor.u32 $0x9, s11;
	[dreg:$0x1a] =	wrdreg s26  }
0x1d: {  	s23 =	sor.u32 $0xA, s11;
	s24 =	sor.u32 $0xB, s11;
	[dreg:$0x1b] =	wrdreg s4  }
0x1e: {  	s22 =	smov.u32 s9;
	s9 =	sor.u32 $0x28, s9;
	[dreg:$0x10] =	wrdreg s14  }
0x1f: {  	s26 =	simm.s32 $0x4;
	s11 =	simm.s32 $0x7;
	[dreg:$0x11] =	wrdreg s15  }
0x20: {  	s6 =	simm.s32 $0x9;
	s25 =	simm.s32 $0xA;
	[dreg:$0x12] =	wrdreg s16  }
0x21: {  	[dreg:$0x13] =	wrdreg s17;
	s15 =	simm.s32 $0x1;
	s16 =	simm.s32 $0x2  }
.LBB2_1:
0x22: {  	[dreg:$0x1c] =	wrdreg s5  }
0x23: {  	s4 =	rddreg [dreg:$0x3]  }
0x24: {  	[tilespmem:s19], [sflag:$0x1] =	stream.linear.gather [hbm4b:s4+s19], $0x2000, $0x38;
	[tilespmem:$0x18000] =	vst v63  }
0x25: {  	s14 =	rddreg [dreg:$0x4];
	s17 =	simm.s32 $0x2000  }
0x26: {  	[tilespmem:s17], [sflag:$0x2] =	stream.linear.gather [hbm4b:s14+s19], $0x2000, $0x38;
	[tilespmem:$0x18000] =	vst v63  }
0x27: {  	s20 =	rddreg [dreg:$0x5];
	s21 =	simm.s32 $0x4000  }
0x28: {  	[tilespmem:s21], [sflag:$0x3] =	stream.linear.gather [hbm4b:s20+s19], $0x2000, $0x38;
	[tilespmem:$0x18000] =	vst v63  }
0x29: {  	s10 =	rddreg [dreg:$0x6];
	s13 =	simm.s32 $0x6000  }
0x2a: {  	[tilespmem:s13], [sflag:$0x4] =	stream.linear.gather [hbm4b:s10+s19], $0x2000, $0x38;
	[tilespmem:$0x18000] =	vst v63  }
0x2b: {  	s14 =	rddreg [dreg:$0x7];
	s17 =	simm.s32 $0x8000  }
0x2c: {  	[tilespmem:s17], [sflag:$0x5] =	stream.linear.gather [hbm4b:s14+s19], $0x2000, $0x38;
	[tilespmem:$0x18000] =	vst v63  }
0x2d: {  	s20 =	rddreg [dreg:$0x8];
	s21 =	simm.s32 $0xA000  }
0x2e: {  	[tilespmem:s21], [sflag:$0x6] =	stream.linear.gather [hbm4b:s20+s19], $0x2000, $0x38;
	[tilespmem:$0x18000] =	vst v63  }
0x2f: {  	_ =	swait.ge [sflag:s15], $0x2000  }
0x30: {  	s4 =	simm.s32 $0x0;
	[sflag:s15] =	ssyncset.done $0x0  }
0x31: {  	s10 =	simm.s32 $0xC040;
	s13 =	simm.s32 $0x40;
	[sflag:s15] =	ssyncadd.s32 $0xFFFFE000  }
.LBB2_2:
0x32: {  	v1 =	vmov s13;
	_ =	sdelay $0x3  }
0x33: {  	s5 =	simm.s32 $0x0  }
0x34: {  	v2 =	vld.idx.msk [tilespmem:v1+s5+$0xFFFFFFC0 ss:$0x1], $0xffff  }
0x35: {  	v3 =	vld.idx.msk [tilespmem:v1+s5+$0xFFFFFFD0 ss:$0x1], $0xffff  }
0x36: {  	v0 =	vmov s10;
	v4 =	vld.idx.msk [tilespmem:v1+s5+$0xFFFFFFE0 ss:$0x1], $0xffff  }
0x37: {  	v5 =	vld.idx.msk [tilespmem:v1+s5+$0xFFFFFFF0 ss:$0x1], $0xffff  }
0x38: {  	v6 =	vld.idx.msk [tilespmem:v1+s5+$0x0 ss:$0x1], $0xffff  }
0x39: {  	v7 =	vld.idx.msk [tilespmem:v1+s5+$0x10 ss:$0x1], $0xffff;
	v2 =	vmul.f32 $3.125000000e-02, v2  }
0x3a: {  	v8 =	vld.idx.msk [tilespmem:v1+s5+$0x20 ss:$0x1], $0xffff;
	v3 =	vmul.f32 $3.125000000e-02, v3  }
0x3b: {  	v9 =	vld.idx.msk [tilespmem:v1+s5+$0x30 ss:$0x1], $0xffff;
	v4 =	vmul.f32 $3.125000000e-02, v4;
	[tilespmem:v0+s5+$0xFFFFFFC0 ss:$0x1] =	vst.idx.msk $0xffff, v2  }
0x3c: {  	v2 =	vmul.f32 $3.125000000e-02, v5;
	[tilespmem:v0+s5+$0xFFFFFFD0 ss:$0x1] =	vst.idx.msk $0xffff, v3  }
0x3d: {  	v3 =	vmul.f32 $3.125000000e-02, v6;
	[tilespmem:v0+s5+$0xFFFFFFE0 ss:$0x1] =	vst.idx.msk $0xffff, v4  }
0x3e: {  	v62 =	vmul.f32 $3.125000000e-02, v7;
	[tilespmem:v0+s5+$0xFFFFFFF0 ss:$0x1] =	vst.idx.msk $0xffff, v2  }
0x3f: {  	v63 =	vmul.f32 $3.125000000e-02, v8;
	[tilespmem:v0+s5+$0x0 ss:$0x1] =	vst.idx.msk $0xffff, v3  }
0x40: {  	[tilespmem:v0+s5+$0x10 ss:$0x1] =	vst.idx.msk $0xffff, v62  }
0x41: {  	s14 =	simm.s32 $0x1000;
	s17 =	simm.s32 $0x2000;
	v2 =	vmul.f32 $3.125000000e-02, v9;
	[tilespmem:v0+s5+$0x20 ss:$0x1] =	vst.idx.msk $0xffff, v63  }
.LBB2_3:
0x42: {  	p0 =	sne.s32 s17, $0x7000  }
0x43: {  	[tilespmem:v0+s5+$0x30 ss:$0x1] =	vst.idx.msk $0xffff, v2;
	s5 =	sshra.s32 s14, $0x2;
	s14 =	smov.u32 s17;
	s17 =	sadd.s32 $0x1000, s17  }
0x44: {  	v2 =	vld.idx.msk [tilespmem:v1+s5+$0xFFFFFFC0 ss:$0x1], $0xffff  }
0x45: {  	v3 =	vld.idx.msk [tilespmem:v1+s5+$0xFFFFFFD0 ss:$0x1], $0xffff  }
0x46: {  	v4 =	vld.idx.msk [tilespmem:v1+s5+$0xFFFFFFE0 ss:$0x1], $0xffff  }
0x47: {  	v5 =	vld.idx.msk [tilespmem:v1+s5+$0xFFFFFFF0 ss:$0x1], $0xffff  }
0x48: {  	v6 =	vld.idx.msk [tilespmem:v1+s5+$0x0 ss:$0x1], $0xffff  }
0x49: {  	v7 =	vld.idx.msk [tilespmem:v1+s5+$0x10 ss:$0x1], $0xffff  }
0x4a: {  	v2 =	vmul.f32 $3.125000000e-02, v2;
	v8 =	vld.idx.msk [tilespmem:v1+s5+$0x20 ss:$0x1], $0xffff  }
0x4b: {  	v3 =	vmul.f32 $3.125000000e-02, v3;
	v9 =	vld.idx.msk [tilespmem:v1+s5+$0x30 ss:$0x1], $0xffff  }
0x4c: {  	v4 =	vmul.f32 $3.125000000e-02, v4;
	[tilespmem:v0+s5+$0xFFFFFFC0 ss:$0x1] =	vst.idx.msk $0xffff, v2  }
0x4d: {  	v2 =	vmul.f32 $3.125000000e-02, v5;
	[tilespmem:v0+s5+$0xFFFFFFD0 ss:$0x1] =	vst.idx.msk $0xffff, v3  }
.Ltmp0:
0x4e: {  	v3 =	vmul.f32 $3.125000000e-02, v6;
	[tilespmem:v0+s5+$0xFFFFFFE0 ss:$0x1] =	vst.idx.msk $0xffff, v4;
	(pc) =	sbr.rel @p0 .LBB2_3-.Ltmp0, $4  }
0x4f: {  	v4 =	vmul.f32 $3.125000000e-02, v7;
	[tilespmem:v0+s5+$0xFFFFFFF0 ss:$0x1] =	vst.idx.msk $0xffff, v2  }
0x50: {  	v5 =	vmul.f32 $3.125000000e-02, v8;
	[tilespmem:v0+s5+$0x0 ss:$0x1] =	vst.idx.msk $0xffff, v3  }
0x51: {  	v2 =	vmul.f32 $3.125000000e-02, v9;
	[tilespmem:v0+s5+$0x10 ss:$0x1] =	vst.idx.msk $0xffff, v4  }
0x52: {  	[tilespmem:v0+s5+$0x20 ss:$0x1] =	vst.idx.msk $0xffff, v5  }
0x53: {  	_ =	sdelay $0x3  }
0x54: {  	s14 =	sshra.s32 s14, $0x2;
	[tilespmem:v0+s5+$0x30 ss:$0x1] =	vst.idx.msk $0xffff, v2  }
0x55: {  	v2 =	vld.idx.msk [tilespmem:v1+s14+$0xFFFFFFC0 ss:$0x1], $0xffff  }
0x56: {  	v3 =	vld.idx.msk [tilespmem:v1+s14+$0xFFFFFFD0 ss:$0x1], $0xffff  }
0x57: {  	v4 =	vld.idx.msk [tilespmem:v1+s14+$0xFFFFFFE0 ss:$0x1], $0xffff  }
0x58: {  	v5 =	vld.idx.msk [tilespmem:v1+s14+$0xFFFFFFF0 ss:$0x1], $0xffff  }
0x59: {  	v6 =	vld.idx.msk [tilespmem:v1+s14+$0x0 ss:$0x1], $0xffff  }
0x5a: {  	v7 =	vld.idx.msk [tilespmem:v1+s14+$0x10 ss:$0x1], $0xffff;
	v2 =	vmul.f32 $3.125000000e-02, v2  }
0x5b: {  	v8 =	vld.idx.msk [tilespmem:v1+s14+$0x20 ss:$0x1], $0xffff;
	v3 =	vmul.f32 $3.125000000e-02, v3  }
0x5c: {  	v59 =	vld.idx.msk [tilespmem:v1+s14+$0x30 ss:$0x1], $0xffff;
	v4 =	vmul.f32 $3.125000000e-02, v4;
	[tilespmem:v0+s14+$0xFFFFFFC0 ss:$0x1] =	vst.idx.msk $0xffff, v2  }
0x5d: {  	s4 =	sadd.s32 $0x1, s4;
	v60 =	vmul.f32 $3.125000000e-02, v5;
	[tilespmem:v0+s14+$0xFFFFFFD0 ss:$0x1] =	vst.idx.msk $0xffff, v3  }
0x5e: {  	p0 =	sne.s32 s4, $0x8;
	v61 =	vmul.f32 $3.125000000e-02, v6;
	[tilespmem:v0+s14+$0xFFFFFFE0 ss:$0x1] =	vst.idx.msk $0xffff, v4  }
.Ltmp1:
0x5f: {  	v62 =	vmul.f32 $3.125000000e-02, v7;
	[tilespmem:v0+s14+$0xFFFFFFF0 ss:$0x1] =	vst.idx.msk $0xffff, v60;
	(pc) =	sbr.rel @p0 .LBB2_2-.Ltmp1, $4  }
0x60: {  	v63 =	vmul.f32 $3.125000000e-02, v8;
	[tilespmem:v0+s14+$0x0 ss:$0x1] =	vst.idx.msk $0xffff, v61  }
0x61: {  	v1 =	vmul.f32 $3.125000000e-02, v59;
	[tilespmem:v0+s14+$0x10 ss:$0x1] =	vst.idx.msk $0xffff, v62  }
0x62: {  	[tilespmem:v0+s14+$0x20 ss:$0x1] =	vst.idx.msk $0xffff, v63  }
0x63: {  	s10 =	sadd.s32 $0x80, s10;
	s13 =	sadd.s32 $0x80, s13;
	[tilespmem:v0+s14+$0x30 ss:$0x1] =	vst.idx.msk $0xffff, v1  }
0x64: {  	s10 =	simm.s32 $0x0;
	s4 =	rddreg [dreg:$0x9];
	s5 =	simm.s32 $0xC000  }
0x65: {  	[hbm4b:s4+s10] =	stream.linear.scatter [tilespmem:s5], [sflag:$0x7], $0x2000, $0x38;
	[tilespmem:$0x18000] =	vst v63  }
0x66: {  	s21 =	rddreg [dreg:$0xa]  }
0x67: {  	[tilespmem:s10], [sflag:$0x1] =	stream.linear.gather [hbm4b:s21+s10], $0x2000, $0x38;
	[tilespmem:$0x18000] =	vst v63  }
0x68: {  	_ =	swait.ge [sflag:s16], $0x2000  }
0x69: {  	[sflag:s16] =	ssyncset.done $0x0  }
0x6a: {  	s13 =	simm.s32 $0xE040;
	s4 =	simm.s32 $0x2040;
	[sflag:s16] =	ssyncadd.s32 $0xFFFFE000  }
.LBB2_6:
0x6b: {  	v1 =	vmov s4;
	_ =	sdelay $0x3  }
0x6c: {  	s5 =	simm.s32 $0x0  }
0x6d: {  	v2 =	vld.idx.msk [tilespmem:v1+s5+$0xFFFFFFC0 ss:$0x1], $0xffff  }
0x6e: {  	v3 =	vld.idx.msk [tilespmem:v1+s5+$0xFFFFFFD0 ss:$0x1], $0xffff  }
0x6f: {  	v0 =	vmov s13;
	v4 =	vld.idx.msk [tilespmem:v1+s5+$0xFFFFFFE0 ss:$0x1], $0xffff  }
0x70: {  	v5 =	vld.idx.msk [tilespmem:v1+s5+$0xFFFFFFF0 ss:$0x1], $0xffff  }
0x71: {  	v6 =	vld.idx.msk [tilespmem:v1+s5+$0x0 ss:$0x1], $0xffff  }
0x72: {  	v7 =	vld.idx.msk [tilespmem:v1+s5+$0x10 ss:$0x1], $0xffff;
	v2 =	vmul.f32 $3.125000000e-02, v2  }
0x73: {  	v8 =	vld.idx.msk [tilespmem:v1+s5+$0x20 ss:$0x1], $0xffff;
	v3 =	vmul.f32 $3.125000000e-02, v3  }
0x74: {  	v9 =	vld.idx.msk [tilespmem:v1+s5+$0x30 ss:$0x1], $0xffff;
	v4 =	vmul.f32 $3.125000000e-02, v4;
	[tilespmem:v0+s5+$0xFFFFFFC0 ss:$0x1] =	vst.idx.msk $0xffff, v2  }
0x75: {  	v2 =	vmul.f32 $3.125000000e-02, v5;
	[tilespmem:v0+s5+$0xFFFFFFD0 ss:$0x1] =	vst.idx.msk $0xffff, v3  }
0x76: {  	v3 =	vmul.f32 $3.125000000e-02, v6;
	[tilespmem:v0+s5+$0xFFFFFFE0 ss:$0x1] =	vst.idx.msk $0xffff, v4  }
0x77: {  	v62 =	vmul.f32 $3.125000000e-02, v7;
	[tilespmem:v0+s5+$0xFFFFFFF0 ss:$0x1] =	vst.idx.msk $0xffff, v2  }
0x78: {  	v63 =	vmul.f32 $3.125000000e-02, v8;
	[tilespmem:v0+s5+$0x0 ss:$0x1] =	vst.idx.msk $0xffff, v3  }
0x79: {  	[tilespmem:v0+s5+$0x10 ss:$0x1] =	vst.idx.msk $0xffff, v62  }
0x7a: {  	s14 =	simm.s32 $0x1000;
	s17 =	simm.s32 $0x2000;
	v2 =	vmul.f32 $3.125000000e-02, v9;
	[tilespmem:v0+s5+$0x20 ss:$0x1] =	vst.idx.msk $0xffff, v63  }
.LBB2_7:
0x7b: {  	p0 =	sne.s32 s17, $0x7000  }
0x7c: {  	[tilespmem:v0+s5+$0x30 ss:$0x1] =	vst.idx.msk $0xffff, v2;
	s5 =	sshra.s32 s14, $0x2;
	s14 =	smov.u32 s17;
	s17 =	sadd.s32 $0x1000, s17  }
0x7d: {  	v2 =	vld.idx.msk [tilespmem:v1+s5+$0xFFFFFFC0 ss:$0x1], $0xffff  }
0x7e: {  	v3 =	vld.idx.msk [tilespmem:v1+s5+$0xFFFFFFD0 ss:$0x1], $0xffff  }
0x7f: {  	v4 =	vld.idx.msk [tilespmem:v1+s5+$0xFFFFFFE0 ss:$0x1], $0xffff  }
0x80: {  	v5 =	vld.idx.msk [tilespmem:v1+s5+$0xFFFFFFF0 ss:$0x1], $0xffff  }
0x81: {  	v6 =	vld.idx.msk [tilespmem:v1+s5+$0x0 ss:$0x1], $0xffff  }
0x82: {  	v7 =	vld.idx.msk [tilespmem:v1+s5+$0x10 ss:$0x1], $0xffff  }
0x83: {  	v2 =	vmul.f32 $3.125000000e-02, v2;
	v8 =	vld.idx.msk [tilespmem:v1+s5+$0x20 ss:$0x1], $0xffff  }
0x84: {  	v3 =	vmul.f32 $3.125000000e-02, v3;
	v9 =	vld.idx.msk [tilespmem:v1+s5+$0x30 ss:$0x1], $0xffff  }
0x85: {  	v4 =	vmul.f32 $3.125000000e-02, v4;
	[tilespmem:v0+s5+$0xFFFFFFC0 ss:$0x1] =	vst.idx.msk $0xffff, v2  }
0x86: {  	v2 =	vmul.f32 $3.125000000e-02, v5;
	[tilespmem:v0+s5+$0xFFFFFFD0 ss:$0x1] =	vst.idx.msk $0xffff, v3  }
.Ltmp2:
0x87: {  	v3 =	vmul.f32 $3.125000000e-02, v6;
	[tilespmem:v0+s5+$0xFFFFFFE0 ss:$0x1] =	vst.idx.msk $0xffff, v4;
	(pc) =	sbr.rel @p0 .LBB2_7-.Ltmp2, $4  }
0x88: {  	v4 =	vmul.f32 $3.125000000e-02, v7;
	[tilespmem:v0+s5+$0xFFFFFFF0 ss:$0x1] =	vst.idx.msk $0xffff, v2  }
0x89: {  	v5 =	vmul.f32 $3.125000000e-02, v8;
	[tilespmem:v0+s5+$0x0 ss:$0x1] =	vst.idx.msk $0xffff, v3  }
0x8a: {  	v2 =	vmul.f32 $3.125000000e-02, v9;
	[tilespmem:v0+s5+$0x10 ss:$0x1] =	vst.idx.msk $0xffff, v4  }
0x8b: {  	[tilespmem:v0+s5+$0x20 ss:$0x1] =	vst.idx.msk $0xffff, v5  }
0x8c: {  	_ =	sdelay $0x3  }
0x8d: {  	s14 =	sshra.s32 s14, $0x2;
	[tilespmem:v0+s5+$0x30 ss:$0x1] =	vst.idx.msk $0xffff, v2  }
0x8e: {  	v2 =	vld.idx.msk [tilespmem:v1+s14+$0xFFFFFFC0 ss:$0x1], $0xffff  }
0x8f: {  	v3 =	vld.idx.msk [tilespmem:v1+s14+$0xFFFFFFD0 ss:$0x1], $0xffff  }
0x90: {  	v4 =	vld.idx.msk [tilespmem:v1+s14+$0xFFFFFFE0 ss:$0x1], $0xffff  }
0x91: {  	v5 =	vld.idx.msk [tilespmem:v1+s14+$0xFFFFFFF0 ss:$0x1], $0xffff  }
0x92: {  	v6 =	vld.idx.msk [tilespmem:v1+s14+$0x0 ss:$0x1], $0xffff  }
0x93: {  	v7 =	vld.idx.msk [tilespmem:v1+s14+$0x10 ss:$0x1], $0xffff;
	v2 =	vmul.f32 $3.125000000e-02, v2  }
0x94: {  	v8 =	vld.idx.msk [tilespmem:v1+s14+$0x20 ss:$0x1], $0xffff;
	v3 =	vmul.f32 $3.125000000e-02, v3  }
0x95: {  	v59 =	vld.idx.msk [tilespmem:v1+s14+$0x30 ss:$0x1], $0xffff;
	v4 =	vmul.f32 $3.125000000e-02, v4;
	[tilespmem:v0+s14+$0xFFFFFFC0 ss:$0x1] =	vst.idx.msk $0xffff, v2  }
0x96: {  	s10 =	sadd.s32 $0x1, s10;
	v60 =	vmul.f32 $3.125000000e-02, v5;
	[tilespmem:v0+s14+$0xFFFFFFD0 ss:$0x1] =	vst.idx.msk $0xffff, v3  }
0x97: {  	p0 =	sne.s32 s10, $0x8;
	v61 =	vmul.f32 $3.125000000e-02, v6;
	[tilespmem:v0+s14+$0xFFFFFFE0 ss:$0x1] =	vst.idx.msk $0xffff, v4  }
.Ltmp3:
0x98: {  	v62 =	vmul.f32 $3.125000000e-02, v7;
	[tilespmem:v0+s14+$0xFFFFFFF0 ss:$0x1] =	vst.idx.msk $0xffff, v60;
	(pc) =	sbr.rel @p0 .LBB2_6-.Ltmp3, $4  }
0x99: {  	v63 =	vmul.f32 $3.125000000e-02, v8;
	[tilespmem:v0+s14+$0x0 ss:$0x1] =	vst.idx.msk $0xffff, v61  }
0x9a: {  	v1 =	vmul.f32 $3.125000000e-02, v59;
	[tilespmem:v0+s14+$0x10 ss:$0x1] =	vst.idx.msk $0xffff, v62  }
0x9b: {  	[tilespmem:v0+s14+$0x20 ss:$0x1] =	vst.idx.msk $0xffff, v63  }
0x9c: {  	s13 =	sadd.s32 $0x80, s13;
	s4 =	sadd.s32 $0x80, s4;
	[tilespmem:v0+s14+$0x30 ss:$0x1] =	vst.idx.msk $0xffff, v1  }
0x9d: {  	s10 =	simm.s32 $0x0;
	s4 =	rddreg [dreg:$0xb];
	s5 =	simm.s32 $0xE000  }
0x9e: {  	[hbm4b:s4+s10] =	stream.linear.scatter [tilespmem:s5], [sflag:$0x8], $0x2000, $0x38;
	[tilespmem:$0x18000] =	vst v63  }
0x9f: {  	s20 =	rddreg [dreg:$0x15];
	s21 =	simm.s32 $0x2000  }
0xa0: {  	[tilespmem:s21], [sflag:$0x2] =	stream.linear.gather [hbm4b:s20+s10], $0x2000, $0x38;
	[tilespmem:$0x18000] =	vst v63  }
0xa1: {  	_ =	swait.ge [sflag:s18], $0x2000  }
0xa2: {  	[sflag:s18] =	ssyncset.done $0x0  }
0xa3: {  	s13 =	simm.s32 $0x10040;
	s4 =	simm.s32 $0x4040;
	[sflag:s18] =	ssyncadd.s32 $0xFFFFE000  }
.LBB2_10:
0xa4: {  	v1 =	vmov s4;
	_ =	sdelay $0x3  }
0xa5: {  	s5 =	simm.s32 $0x0  }
0xa6: {  	v2 =	vld.idx.msk [tilespmem:v1+s5+$0xFFFFFFC0 ss:$0x1], $0xffff  }
0xa7: {  	v3 =	vld.idx.msk [tilespmem:v1+s5+$0xFFFFFFD0 ss:$0x1], $0xffff  }
0xa8: {  	v0 =	vmov s13;
	v4 =	vld.idx.msk [tilespmem:v1+s5+$0xFFFFFFE0 ss:$0x1], $0xffff  }
0xa9: {  	v5 =	vld.idx.msk [tilespmem:v1+s5+$0xFFFFFFF0 ss:$0x1], $0xffff  }
0xaa: {  	v6 =	vld.idx.msk [tilespmem:v1+s5+$0x0 ss:$0x1], $0xffff  }
0xab: {  	v7 =	vld.idx.msk [tilespmem:v1+s5+$0x10 ss:$0x1], $0xffff;
	v2 =	vmul.f32 $3.125000000e-02, v2  }
0xac: {  	v8 =	vld.idx.msk [tilespmem:v1+s5+$0x20 ss:$0x1], $0xffff;
	v3 =	vmul.f32 $3.125000000e-02, v3  }
0xad: {  	v9 =	vld.idx.msk [tilespmem:v1+s5+$0x30 ss:$0x1], $0xffff;
	v4 =	vmul.f32 $3.125000000e-02, v4;
	[tilespmem:v0+s5+$0xFFFFFFC0 ss:$0x1] =	vst.idx.msk $0xffff, v2  }
0xae: {  	v2 =	vmul.f32 $3.125000000e-02, v5;
	[tilespmem:v0+s5+$0xFFFFFFD0 ss:$0x1] =	vst.idx.msk $0xffff, v3  }
0xaf: {  	v3 =	vmul.f32 $3.125000000e-02, v6;
	[tilespmem:v0+s5+$0xFFFFFFE0 ss:$0x1] =	vst.idx.msk $0xffff, v4  }
0xb0: {  	v62 =	vmul.f32 $3.125000000e-02, v7;
	[tilespmem:v0+s5+$0xFFFFFFF0 ss:$0x1] =	vst.idx.msk $0xffff, v2  }
0xb1: {  	v63 =	vmul.f32 $3.125000000e-02, v8;
	[tilespmem:v0+s5+$0x0 ss:$0x1] =	vst.idx.msk $0xffff, v3  }
0xb2: {  	[tilespmem:v0+s5+$0x10 ss:$0x1] =	vst.idx.msk $0xffff, v62  }
0xb3: {  	s14 =	simm.s32 $0x1000;
	s17 =	simm.s32 $0x2000;
	v2 =	vmul.f32 $3.125000000e-02, v9;
	[tilespmem:v0+s5+$0x20 ss:$0x1] =	vst.idx.msk $0xffff, v63  }
.LBB2_11:
0xb4: {  	p0 =	sne.s32 s17, $0x7000  }
0xb5: {  	[tilespmem:v0+s5+$0x30 ss:$0x1] =	vst.idx.msk $0xffff, v2;
	s5 =	sshra.s32 s14, $0x2;
	s14 =	smov.u32 s17;
	s17 =	sadd.s32 $0x1000, s17  }
0xb6: {  	v2 =	vld.idx.msk [tilespmem:v1+s5+$0xFFFFFFC0 ss:$0x1], $0xffff  }
0xb7: {  	v3 =	vld.idx.msk [tilespmem:v1+s5+$0xFFFFFFD0 ss:$0x1], $0xffff  }
0xb8: {  	v4 =	vld.idx.msk [tilespmem:v1+s5+$0xFFFFFFE0 ss:$0x1], $0xffff  }
0xb9: {  	v5 =	vld.idx.msk [tilespmem:v1+s5+$0xFFFFFFF0 ss:$0x1], $0xffff  }
0xba: {  	v6 =	vld.idx.msk [tilespmem:v1+s5+$0x0 ss:$0x1], $0xffff  }
0xbb: {  	v7 =	vld.idx.msk [tilespmem:v1+s5+$0x10 ss:$0x1], $0xffff  }
0xbc: {  	v2 =	vmul.f32 $3.125000000e-02, v2;
	v8 =	vld.idx.msk [tilespmem:v1+s5+$0x20 ss:$0x1], $0xffff  }
0xbd: {  	v3 =	vmul.f32 $3.125000000e-02, v3;
	v9 =	vld.idx.msk [tilespmem:v1+s5+$0x30 ss:$0x1], $0xffff  }
0xbe: {  	v4 =	vmul.f32 $3.125000000e-02, v4;
	[tilespmem:v0+s5+$0xFFFFFFC0 ss:$0x1] =	vst.idx.msk $0xffff, v2  }
0xbf: {  	v2 =	vmul.f32 $3.125000000e-02, v5;
	[tilespmem:v0+s5+$0xFFFFFFD0 ss:$0x1] =	vst.idx.msk $0xffff, v3  }
.Ltmp4:
0xc0: {  	v3 =	vmul.f32 $3.125000000e-02, v6;
	[tilespmem:v0+s5+$0xFFFFFFE0 ss:$0x1] =	vst.idx.msk $0xffff, v4;
	(pc) =	sbr.rel @p0 .LBB2_11-.Ltmp4, $4  }
0xc1: {  	v4 =	vmul.f32 $3.125000000e-02, v7;
	[tilespmem:v0+s5+$0xFFFFFFF0 ss:$0x1] =	vst.idx.msk $0xffff, v2  }
0xc2: {  	v5 =	vmul.f32 $3.125000000e-02, v8;
	[tilespmem:v0+s5+$0x0 ss:$0x1] =	vst.idx.msk $0xffff, v3  }
0xc3: {  	v2 =	vmul.f32 $3.125000000e-02, v9;
	[tilespmem:v0+s5+$0x10 ss:$0x1] =	vst.idx.msk $0xffff, v4  }
0xc4: {  	[tilespmem:v0+s5+$0x20 ss:$0x1] =	vst.idx.msk $0xffff, v5  }
0xc5: {  	_ =	sdelay $0x3  }
0xc6: {  	s14 =	sshra.s32 s14, $0x2;
	[tilespmem:v0+s5+$0x30 ss:$0x1] =	vst.idx.msk $0xffff, v2  }
0xc7: {  	v2 =	vld.idx.msk [tilespmem:v1+s14+$0xFFFFFFC0 ss:$0x1], $0xffff  }
0xc8: {  	v3 =	vld.idx.msk [tilespmem:v1+s14+$0xFFFFFFD0 ss:$0x1], $0xffff  }
0xc9: {  	v4 =	vld.idx.msk [tilespmem:v1+s14+$0xFFFFFFE0 ss:$0x1], $0xffff  }
0xca: {  	v5 =	vld.idx.msk [tilespmem:v1+s14+$0xFFFFFFF0 ss:$0x1], $0xffff  }
0xcb: {  	v6 =	vld.idx.msk [tilespmem:v1+s14+$0x0 ss:$0x1], $0xffff  }
0xcc: {  	v7 =	vld.idx.msk [tilespmem:v1+s14+$0x10 ss:$0x1], $0xffff;
	v2 =	vmul.f32 $3.125000000e-02, v2  }
0xcd: {  	v8 =	vld.idx.msk [tilespmem:v1+s14+$0x20 ss:$0x1], $0xffff;
	v3 =	vmul.f32 $3.125000000e-02, v3  }
0xce: {  	v59 =	vld.idx.msk [tilespmem:v1+s14+$0x30 ss:$0x1], $0xffff;
	v4 =	vmul.f32 $3.125000000e-02, v4;
	[tilespmem:v0+s14+$0xFFFFFFC0 ss:$0x1] =	vst.idx.msk $0xffff, v2  }
0xcf: {  	s10 =	sadd.s32 $0x1, s10;
	v60 =	vmul.f32 $3.125000000e-02, v5;
	[tilespmem:v0+s14+$0xFFFFFFD0 ss:$0x1] =	vst.idx.msk $0xffff, v3  }
0xd0: {  	p0 =	sne.s32 s10, $0x8;
	v61 =	vmul.f32 $3.125000000e-02, v6;
	[tilespmem:v0+s14+$0xFFFFFFE0 ss:$0x1] =	vst.idx.msk $0xffff, v4  }
.Ltmp5:
0xd1: {  	v62 =	vmul.f32 $3.125000000e-02, v7;
	[tilespmem:v0+s14+$0xFFFFFFF0 ss:$0x1] =	vst.idx.msk $0xffff, v60;
	(pc) =	sbr.rel @p0 .LBB2_10-.Ltmp5, $4  }
0xd2: {  	v63 =	vmul.f32 $3.125000000e-02, v8;
	[tilespmem:v0+s14+$0x0 ss:$0x1] =	vst.idx.msk $0xffff, v61  }
0xd3: {  	v1 =	vmul.f32 $3.125000000e-02, v59;
	[tilespmem:v0+s14+$0x10 ss:$0x1] =	vst.idx.msk $0xffff, v62  }
0xd4: {  	[tilespmem:v0+s14+$0x20 ss:$0x1] =	vst.idx.msk $0xffff, v63  }
0xd5: {  	s13 =	sadd.s32 $0x80, s13;
	s4 =	sadd.s32 $0x80, s4;
	[tilespmem:v0+s14+$0x30 ss:$0x1] =	vst.idx.msk $0xffff, v1  }
0xd6: {  	s10 =	simm.s32 $0x0;
	s4 =	rddreg [dreg:$0xc];
	s5 =	simm.s32 $0x10000  }
0xd7: {  	[hbm4b:s4+s10] =	stream.linear.scatter [tilespmem:s5], [sflag:$0x9], $0x2000, $0x38;
	[tilespmem:$0x18000] =	vst v63  }
0xd8: {  	s20 =	rddreg [dreg:$0x16];
	s21 =	simm.s32 $0x4000  }
0xd9: {  	[tilespmem:s21], [sflag:$0x3] =	stream.linear.gather [hbm4b:s20+s10], $0x2000, $0x38;
	[tilespmem:$0x18000] =	vst v63  }
0xda: {  	_ =	swait.ge [sflag:s26], $0x2000  }
0xdb: {  	[sflag:s26] =	ssyncset.done $0x0  }
0xdc: {  	s13 =	simm.s32 $0x12040;
	s4 =	simm.s32 $0x6040;
	[sflag:s26] =	ssyncadd.s32 $0xFFFFE000  }
.LBB2_14:
0xdd: {  	v1 =	vmov s4;
	_ =	sdelay $0x3  }
0xde: {  	s5 =	simm.s32 $0x0  }
0xdf: {  	v2 =	vld.idx.msk [tilespmem:v1+s5+$0xFFFFFFC0 ss:$0x1], $0xffff  }
0xe0: {  	v3 =	vld.idx.msk [tilespmem:v1+s5+$0xFFFFFFD0 ss:$0x1], $0xffff  }
0xe1: {  	v0 =	vmov s13;
	v4 =	vld.idx.msk [tilespmem:v1+s5+$0xFFFFFFE0 ss:$0x1], $0xffff  }
0xe2: {  	v5 =	vld.idx.msk [tilespmem:v1+s5+$0xFFFFFFF0 ss:$0x1], $0xffff  }
0xe3: {  	v6 =	vld.idx.msk [tilespmem:v1+s5+$0x0 ss:$0x1], $0xffff  }
0xe4: {  	v7 =	vld.idx.msk [tilespmem:v1+s5+$0x10 ss:$0x1], $0xffff;
	v2 =	vmul.f32 $3.125000000e-02, v2  }
0xe5: {  	v8 =	vld.idx.msk [tilespmem:v1+s5+$0x20 ss:$0x1], $0xffff;
	v3 =	vmul.f32 $3.125000000e-02, v3  }
0xe6: {  	v9 =	vld.idx.msk [tilespmem:v1+s5+$0x30 ss:$0x1], $0xffff;
	v4 =	vmul.f32 $3.125000000e-02, v4;
	[tilespmem:v0+s5+$0xFFFFFFC0 ss:$0x1] =	vst.idx.msk $0xffff, v2  }
0xe7: {  	v2 =	vmul.f32 $3.125000000e-02, v5;
	[tilespmem:v0+s5+$0xFFFFFFD0 ss:$0x1] =	vst.idx.msk $0xffff, v3  }
0xe8: {  	v3 =	vmul.f32 $3.125000000e-02, v6;
	[tilespmem:v0+s5+$0xFFFFFFE0 ss:$0x1] =	vst.idx.msk $0xffff, v4  }
0xe9: {  	v62 =	vmul.f32 $3.125000000e-02, v7;
	[tilespmem:v0+s5+$0xFFFFFFF0 ss:$0x1] =	vst.idx.msk $0xffff, v2  }
0xea: {  	v63 =	vmul.f32 $3.125000000e-02, v8;
	[tilespmem:v0+s5+$0x0 ss:$0x1] =	vst.idx.msk $0xffff, v3  }
0xeb: {  	[tilespmem:v0+s5+$0x10 ss:$0x1] =	vst.idx.msk $0xffff, v62  }
0xec: {  	s14 =	simm.s32 $0x1000;
	s17 =	simm.s32 $0x2000;
	v2 =	vmul.f32 $3.125000000e-02, v9;
	[tilespmem:v0+s5+$0x20 ss:$0x1] =	vst.idx.msk $0xffff, v63  }
.LBB2_15:
0xed: {  	p0 =	sne.s32 s17, $0x7000  }
0xee: {  	[tilespmem:v0+s5+$0x30 ss:$0x1] =	vst.idx.msk $0xffff, v2;
	s5 =	sshra.s32 s14, $0x2;
	s14 =	smov.u32 s17;
	s17 =	sadd.s32 $0x1000, s17  }
0xef: {  	v2 =	vld.idx.msk [tilespmem:v1+s5+$0xFFFFFFC0 ss:$0x1], $0xffff  }
0xf0: {  	v3 =	vld.idx.msk [tilespmem:v1+s5+$0xFFFFFFD0 ss:$0x1], $0xffff  }
0xf1: {  	v4 =	vld.idx.msk [tilespmem:v1+s5+$0xFFFFFFE0 ss:$0x1], $0xffff  }
0xf2: {  	v5 =	vld.idx.msk [tilespmem:v1+s5+$0xFFFFFFF0 ss:$0x1], $0xffff  }
0xf3: {  	v6 =	vld.idx.msk [tilespmem:v1+s5+$0x0 ss:$0x1], $0xffff  }
0xf4: {  	v7 =	vld.idx.msk [tilespmem:v1+s5+$0x10 ss:$0x1], $0xffff  }
0xf5: {  	v2 =	vmul.f32 $3.125000000e-02, v2;
	v8 =	vld.idx.msk [tilespmem:v1+s5+$0x20 ss:$0x1], $0xffff  }
0xf6: {  	v3 =	vmul.f32 $3.125000000e-02, v3;
	v9 =	vld.idx.msk [tilespmem:v1+s5+$0x30 ss:$0x1], $0xffff  }
0xf7: {  	v4 =	vmul.f32 $3.125000000e-02, v4;
	[tilespmem:v0+s5+$0xFFFFFFC0 ss:$0x1] =	vst.idx.msk $0xffff, v2  }
0xf8: {  	v2 =	vmul.f32 $3.125000000e-02, v5;
	[tilespmem:v0+s5+$0xFFFFFFD0 ss:$0x1] =	vst.idx.msk $0xffff, v3  }
.Ltmp6:
0xf9: {  	v3 =	vmul.f32 $3.125000000e-02, v6;
	[tilespmem:v0+s5+$0xFFFFFFE0 ss:$0x1] =	vst.idx.msk $0xffff, v4;
	(pc) =	sbr.rel @p0 .LBB2_15-.Ltmp6, $4  }
0xfa: {  	v4 =	vmul.f32 $3.125000000e-02, v7;
	[tilespmem:v0+s5+$0xFFFFFFF0 ss:$0x1] =	vst.idx.msk $0xffff, v2  }
0xfb: {  	v5 =	vmul.f32 $3.125000000e-02, v8;
	[tilespmem:v0+s5+$0x0 ss:$0x1] =	vst.idx.msk $0xffff, v3  }
0xfc: {  	v2 =	vmul.f32 $3.125000000e-02, v9;
	[tilespmem:v0+s5+$0x10 ss:$0x1] =	vst.idx.msk $0xffff, v4  }
0xfd: {  	[tilespmem:v0+s5+$0x20 ss:$0x1] =	vst.idx.msk $0xffff, v5  }
0xfe: {  	_ =	sdelay $0x3  }
0xff: {  	s14 =	sshra.s32 s14, $0x2;
	[tilespmem:v0+s5+$0x30 ss:$0x1] =	vst.idx.msk $0xffff, v2  }
0x100: {  	v2 =	vld.idx.msk [tilespmem:v1+s14+$0xFFFFFFC0 ss:$0x1], $0xffff  }
0x101: {  	v3 =	vld.idx.msk [tilespmem:v1+s14+$0xFFFFFFD0 ss:$0x1], $0xffff  }
0x102: {  	v4 =	vld.idx.msk [tilespmem:v1+s14+$0xFFFFFFE0 ss:$0x1], $0xffff  }
0x103: {  	v5 =	vld.idx.msk [tilespmem:v1+s14+$0xFFFFFFF0 ss:$0x1], $0xffff  }
0x104: {  	v6 =	vld.idx.msk [tilespmem:v1+s14+$0x0 ss:$0x1], $0xffff  }
0x105: {  	v7 =	vld.idx.msk [tilespmem:v1+s14+$0x10 ss:$0x1], $0xffff;
	v2 =	vmul.f32 $3.125000000e-02, v2  }
0x106: {  	v8 =	vld.idx.msk [tilespmem:v1+s14+$0x20 ss:$0x1], $0xffff;
	v3 =	vmul.f32 $3.125000000e-02, v3  }
0x107: {  	v59 =	vld.idx.msk [tilespmem:v1+s14+$0x30 ss:$0x1], $0xffff;
	v4 =	vmul.f32 $3.125000000e-02, v4;
	[tilespmem:v0+s14+$0xFFFFFFC0 ss:$0x1] =	vst.idx.msk $0xffff, v2  }
0x108: {  	s10 =	sadd.s32 $0x1, s10;
	v60 =	vmul.f32 $3.125000000e-02, v5;
	[tilespmem:v0+s14+$0xFFFFFFD0 ss:$0x1] =	vst.idx.msk $0xffff, v3  }
0x109: {  	p0 =	sne.s32 s10, $0x8;
	v61 =	vmul.f32 $3.125000000e-02, v6;
	[tilespmem:v0+s14+$0xFFFFFFE0 ss:$0x1] =	vst.idx.msk $0xffff, v4  }
.Ltmp7:
0x10a: {  	v62 =	vmul.f32 $3.125000000e-02, v7;
	[tilespmem:v0+s14+$0xFFFFFFF0 ss:$0x1] =	vst.idx.msk $0xffff, v60;
	(pc) =	sbr.rel @p0 .LBB2_14-.Ltmp7, $4  }
0x10b: {  	v63 =	vmul.f32 $3.125000000e-02, v8;
	[tilespmem:v0+s14+$0x0 ss:$0x1] =	vst.idx.msk $0xffff, v61  }
0x10c: {  	v1 =	vmul.f32 $3.125000000e-02, v59;
	[tilespmem:v0+s14+$0x10 ss:$0x1] =	vst.idx.msk $0xffff, v62  }
0x10d: {  	[tilespmem:v0+s14+$0x20 ss:$0x1] =	vst.idx.msk $0xffff, v63  }
0x10e: {  	s13 =	sadd.s32 $0x80, s13;
	s4 =	sadd.s32 $0x80, s4;
	[tilespmem:v0+s14+$0x30 ss:$0x1] =	vst.idx.msk $0xffff, v1  }
0x10f: {  	s10 =	simm.s32 $0x0;
	s4 =	rddreg [dreg:$0xd];
	s5 =	simm.s32 $0x12000  }
0x110: {  	[hbm4b:s4+s10] =	stream.linear.scatter [tilespmem:s5], [sflag:$0xA], $0x2000, $0x38;
	[tilespmem:$0x18000] =	vst v63  }
0x111: {  	s20 =	rddreg [dreg:$0x17];
	s21 =	simm.s32 $0x6000  }
0x112: {  	[tilespmem:s21], [sflag:$0x4] =	stream.linear.gather [hbm4b:s20+s10], $0x2000, $0x38;
	[tilespmem:$0x18000] =	vst v63  }
0x113: {  	_ =	swait.ge [sflag:s29], $0x2000  }
0x114: {  	[sflag:s29] =	ssyncset.done $0x0  }
0x115: {  	s13 =	simm.s32 $0x14040;
	s4 =	simm.s32 $0x8040;
	[sflag:s29] =	ssyncadd.s32 $0xFFFFE000  }
.LBB2_18:
0x116: {  	v1 =	vmov s4;
	_ =	sdelay $0x3  }
0x117: {  	s5 =	simm.s32 $0x0  }
0x118: {  	v2 =	vld.idx.msk [tilespmem:v1+s5+$0xFFFFFFC0 ss:$0x1], $0xffff  }
0x119: {  	v3 =	vld.idx.msk [tilespmem:v1+s5+$0xFFFFFFD0 ss:$0x1], $0xffff  }
0x11a: {  	v0 =	vmov s13;
	v4 =	vld.idx.msk [tilespmem:v1+s5+$0xFFFFFFE0 ss:$0x1], $0xffff  }
0x11b: {  	v5 =	vld.idx.msk [tilespmem:v1+s5+$0xFFFFFFF0 ss:$0x1], $0xffff  }
0x11c: {  	v6 =	vld.idx.msk [tilespmem:v1+s5+$0x0 ss:$0x1], $0xffff  }
0x11d: {  	v7 =	vld.idx.msk [tilespmem:v1+s5+$0x10 ss:$0x1], $0xffff;
	v2 =	vmul.f32 $3.125000000e-02, v2  }
0x11e: {  	v8 =	vld.idx.msk [tilespmem:v1+s5+$0x20 ss:$0x1], $0xffff;
	v3 =	vmul.f32 $3.125000000e-02, v3  }
0x11f: {  	v9 =	vld.idx.msk [tilespmem:v1+s5+$0x30 ss:$0x1], $0xffff;
	v4 =	vmul.f32 $3.125000000e-02, v4;
	[tilespmem:v0+s5+$0xFFFFFFC0 ss:$0x1] =	vst.idx.msk $0xffff, v2  }
0x120: {  	v2 =	vmul.f32 $3.125000000e-02, v5;
	[tilespmem:v0+s5+$0xFFFFFFD0 ss:$0x1] =	vst.idx.msk $0xffff, v3  }
0x121: {  	v3 =	vmul.f32 $3.125000000e-02, v6;
	[tilespmem:v0+s5+$0xFFFFFFE0 ss:$0x1] =	vst.idx.msk $0xffff, v4  }
0x122: {  	v62 =	vmul.f32 $3.125000000e-02, v7;
	[tilespmem:v0+s5+$0xFFFFFFF0 ss:$0x1] =	vst.idx.msk $0xffff, v2  }
0x123: {  	v63 =	vmul.f32 $3.125000000e-02, v8;
	[tilespmem:v0+s5+$0x0 ss:$0x1] =	vst.idx.msk $0xffff, v3  }
0x124: {  	[tilespmem:v0+s5+$0x10 ss:$0x1] =	vst.idx.msk $0xffff, v62  }
0x125: {  	s14 =	simm.s32 $0x1000;
	s17 =	simm.s32 $0x2000;
	v2 =	vmul.f32 $3.125000000e-02, v9;
	[tilespmem:v0+s5+$0x20 ss:$0x1] =	vst.idx.msk $0xffff, v63  }
.LBB2_19:
0x126: {  	p0 =	sne.s32 s17, $0x7000  }
0x127: {  	[tilespmem:v0+s5+$0x30 ss:$0x1] =	vst.idx.msk $0xffff, v2;
	s5 =	sshra.s32 s14, $0x2;
	s14 =	smov.u32 s17;
	s17 =	sadd.s32 $0x1000, s17  }
0x128: {  	v2 =	vld.idx.msk [tilespmem:v1+s5+$0xFFFFFFC0 ss:$0x1], $0xffff  }
0x129: {  	v3 =	vld.idx.msk [tilespmem:v1+s5+$0xFFFFFFD0 ss:$0x1], $0xffff  }
0x12a: {  	v4 =	vld.idx.msk [tilespmem:v1+s5+$0xFFFFFFE0 ss:$0x1], $0xffff  }
0x12b: {  	v5 =	vld.idx.msk [tilespmem:v1+s5+$0xFFFFFFF0 ss:$0x1], $0xffff  }
0x12c: {  	v6 =	vld.idx.msk [tilespmem:v1+s5+$0x0 ss:$0x1], $0xffff  }
0x12d: {  	v7 =	vld.idx.msk [tilespmem:v1+s5+$0x10 ss:$0x1], $0xffff  }
0x12e: {  	v2 =	vmul.f32 $3.125000000e-02, v2;
	v8 =	vld.idx.msk [tilespmem:v1+s5+$0x20 ss:$0x1], $0xffff  }
0x12f: {  	v3 =	vmul.f32 $3.125000000e-02, v3;
	v9 =	vld.idx.msk [tilespmem:v1+s5+$0x30 ss:$0x1], $0xffff  }
0x130: {  	v4 =	vmul.f32 $3.125000000e-02, v4;
	[tilespmem:v0+s5+$0xFFFFFFC0 ss:$0x1] =	vst.idx.msk $0xffff, v2  }
0x131: {  	v2 =	vmul.f32 $3.125000000e-02, v5;
	[tilespmem:v0+s5+$0xFFFFFFD0 ss:$0x1] =	vst.idx.msk $0xffff, v3  }
.Ltmp8:
0x132: {  	v3 =	vmul.f32 $3.125000000e-02, v6;
	[tilespmem:v0+s5+$0xFFFFFFE0 ss:$0x1] =	vst.idx.msk $0xffff, v4;
	(pc) =	sbr.rel @p0 .LBB2_19-.Ltmp8, $4  }
0x133: {  	v4 =	vmul.f32 $3.125000000e-02, v7;
	[tilespmem:v0+s5+$0xFFFFFFF0 ss:$0x1] =	vst.idx.msk $0xffff, v2  }
0x134: {  	v5 =	vmul.f32 $3.125000000e-02, v8;
	[tilespmem:v0+s5+$0x0 ss:$0x1] =	vst.idx.msk $0xffff, v3  }
0x135: {  	v2 =	vmul.f32 $3.125000000e-02, v9;
	[tilespmem:v0+s5+$0x10 ss:$0x1] =	vst.idx.msk $0xffff, v4  }
0x136: {  	[tilespmem:v0+s5+$0x20 ss:$0x1] =	vst.idx.msk $0xffff, v5  }
0x137: {  	_ =	sdelay $0x3  }
0x138: {  	s14 =	sshra.s32 s14, $0x2;
	[tilespmem:v0+s5+$0x30 ss:$0x1] =	vst.idx.msk $0xffff, v2  }
0x139: {  	v2 =	vld.idx.msk [tilespmem:v1+s14+$0xFFFFFFC0 ss:$0x1], $0xffff  }
0x13a: {  	v3 =	vld.idx.msk [tilespmem:v1+s14+$0xFFFFFFD0 ss:$0x1], $0xffff  }
0x13b: {  	v4 =	vld.idx.msk [tilespmem:v1+s14+$0xFFFFFFE0 ss:$0x1], $0xffff  }
0x13c: {  	v5 =	vld.idx.msk [tilespmem:v1+s14+$0xFFFFFFF0 ss:$0x1], $0xffff  }
0x13d: {  	v6 =	vld.idx.msk [tilespmem:v1+s14+$0x0 ss:$0x1], $0xffff  }
0x13e: {  	v7 =	vld.idx.msk [tilespmem:v1+s14+$0x10 ss:$0x1], $0xffff;
	v2 =	vmul.f32 $3.125000000e-02, v2  }
0x13f: {  	v8 =	vld.idx.msk [tilespmem:v1+s14+$0x20 ss:$0x1], $0xffff;
	v3 =	vmul.f32 $3.125000000e-02, v3  }
0x140: {  	v59 =	vld.idx.msk [tilespmem:v1+s14+$0x30 ss:$0x1], $0xffff;
	v4 =	vmul.f32 $3.125000000e-02, v4;
	[tilespmem:v0+s14+$0xFFFFFFC0 ss:$0x1] =	vst.idx.msk $0xffff, v2  }
0x141: {  	s10 =	sadd.s32 $0x1, s10;
	v60 =	vmul.f32 $3.125000000e-02, v5;
	[tilespmem:v0+s14+$0xFFFFFFD0 ss:$0x1] =	vst.idx.msk $0xffff, v3  }
0x142: {  	p0 =	sne.s32 s10, $0x8;
	v61 =	vmul.f32 $3.125000000e-02, v6;
	[tilespmem:v0+s14+$0xFFFFFFE0 ss:$0x1] =	vst.idx.msk $0xffff, v4  }
.Ltmp9:
0x143: {  	v62 =	vmul.f32 $3.125000000e-02, v7;
	[tilespmem:v0+s14+$0xFFFFFFF0 ss:$0x1] =	vst.idx.msk $0xffff, v60;
	(pc) =	sbr.rel @p0 .LBB2_18-.Ltmp9, $4  }
0x144: {  	v63 =	vmul.f32 $3.125000000e-02, v8;
	[tilespmem:v0+s14+$0x0 ss:$0x1] =	vst.idx.msk $0xffff, v61  }
0x145: {  	v1 =	vmul.f32 $3.125000000e-02, v59;
	[tilespmem:v0+s14+$0x10 ss:$0x1] =	vst.idx.msk $0xffff, v62  }
0x146: {  	[tilespmem:v0+s14+$0x20 ss:$0x1] =	vst.idx.msk $0xffff, v63  }
0x147: {  	s13 =	sadd.s32 $0x80, s13;
	s4 =	sadd.s32 $0x80, s4;
	[tilespmem:v0+s14+$0x30 ss:$0x1] =	vst.idx.msk $0xffff, v1  }
0x148: {  	s10 =	simm.s32 $0x0;
	s4 =	rddreg [dreg:$0xe];
	s5 =	simm.s32 $0x14000  }
0x149: {  	[hbm4b:s4+s10] =	stream.linear.scatter [tilespmem:s5], [sflag:$0xB], $0x2000, $0x38;
	[tilespmem:$0x18000] =	vst v63  }
0x14a: {  	s20 =	rddreg [dreg:$0x18];
	s21 =	simm.s32 $0x8000  }
0x14b: {  	[tilespmem:s21], [sflag:$0x5] =	stream.linear.gather [hbm4b:s20+s10], $0x2000, $0x38;
	[tilespmem:$0x18000] =	vst v63  }
0x14c: {  	_ =	swait.ge [sflag:s31], $0x2000  }
0x14d: {  	[sflag:s31] =	ssyncset.done $0x0  }
0x14e: {  	s13 =	simm.s32 $0x16040;
	s4 =	simm.s32 $0xA040;
	[sflag:s31] =	ssyncadd.s32 $0xFFFFE000  }
.LBB2_22:
0x14f: {  	v1 =	vmov s4;
	_ =	sdelay $0x3  }
0x150: {  	s5 =	simm.s32 $0x0  }
0x151: {  	v2 =	vld.idx.msk [tilespmem:v1+s5+$0xFFFFFFC0 ss:$0x1], $0xffff  }
0x152: {  	v3 =	vld.idx.msk [tilespmem:v1+s5+$0xFFFFFFD0 ss:$0x1], $0xffff  }
0x153: {  	v0 =	vmov s13;
	v4 =	vld.idx.msk [tilespmem:v1+s5+$0xFFFFFFE0 ss:$0x1], $0xffff  }
0x154: {  	v5 =	vld.idx.msk [tilespmem:v1+s5+$0xFFFFFFF0 ss:$0x1], $0xffff  }
0x155: {  	v6 =	vld.idx.msk [tilespmem:v1+s5+$0x0 ss:$0x1], $0xffff  }
0x156: {  	v7 =	vld.idx.msk [tilespmem:v1+s5+$0x10 ss:$0x1], $0xffff;
	v2 =	vmul.f32 $3.125000000e-02, v2  }
0x157: {  	v8 =	vld.idx.msk [tilespmem:v1+s5+$0x20 ss:$0x1], $0xffff;
	v3 =	vmul.f32 $3.125000000e-02, v3  }
0x158: {  	v9 =	vld.idx.msk [tilespmem:v1+s5+$0x30 ss:$0x1], $0xffff;
	v4 =	vmul.f32 $3.125000000e-02, v4;
	[tilespmem:v0+s5+$0xFFFFFFC0 ss:$0x1] =	vst.idx.msk $0xffff, v2  }
0x159: {  	v2 =	vmul.f32 $3.125000000e-02, v5;
	[tilespmem:v0+s5+$0xFFFFFFD0 ss:$0x1] =	vst.idx.msk $0xffff, v3  }
0x15a: {  	v3 =	vmul.f32 $3.125000000e-02, v6;
	[tilespmem:v0+s5+$0xFFFFFFE0 ss:$0x1] =	vst.idx.msk $0xffff, v4  }
0x15b: {  	v62 =	vmul.f32 $3.125000000e-02, v7;
	[tilespmem:v0+s5+$0xFFFFFFF0 ss:$0x1] =	vst.idx.msk $0xffff, v2  }
0x15c: {  	v63 =	vmul.f32 $3.125000000e-02, v8;
	[tilespmem:v0+s5+$0x0 ss:$0x1] =	vst.idx.msk $0xffff, v3  }
0x15d: {  	[tilespmem:v0+s5+$0x10 ss:$0x1] =	vst.idx.msk $0xffff, v62  }
0x15e: {  	s14 =	simm.s32 $0x1000;
	s17 =	simm.s32 $0x2000;
	v2 =	vmul.f32 $3.125000000e-02, v9;
	[tilespmem:v0+s5+$0x20 ss:$0x1] =	vst.idx.msk $0xffff, v63  }
.LBB2_23:
0x15f: {  	p0 =	sne.s32 s17, $0x7000  }
0x160: {  	[tilespmem:v0+s5+$0x30 ss:$0x1] =	vst.idx.msk $0xffff, v2;
	s5 =	sshra.s32 s14, $0x2;
	s14 =	smov.u32 s17;
	s17 =	sadd.s32 $0x1000, s17  }
0x161: {  	v2 =	vld.idx.msk [tilespmem:v1+s5+$0xFFFFFFC0 ss:$0x1], $0xffff  }
0x162: {  	v3 =	vld.idx.msk [tilespmem:v1+s5+$0xFFFFFFD0 ss:$0x1], $0xffff  }
0x163: {  	v4 =	vld.idx.msk [tilespmem:v1+s5+$0xFFFFFFE0 ss:$0x1], $0xffff  }
0x164: {  	v5 =	vld.idx.msk [tilespmem:v1+s5+$0xFFFFFFF0 ss:$0x1], $0xffff  }
0x165: {  	v6 =	vld.idx.msk [tilespmem:v1+s5+$0x0 ss:$0x1], $0xffff  }
0x166: {  	v7 =	vld.idx.msk [tilespmem:v1+s5+$0x10 ss:$0x1], $0xffff  }
0x167: {  	v2 =	vmul.f32 $3.125000000e-02, v2;
	v8 =	vld.idx.msk [tilespmem:v1+s5+$0x20 ss:$0x1], $0xffff  }
0x168: {  	v3 =	vmul.f32 $3.125000000e-02, v3;
	v9 =	vld.idx.msk [tilespmem:v1+s5+$0x30 ss:$0x1], $0xffff  }
0x169: {  	v4 =	vmul.f32 $3.125000000e-02, v4;
	[tilespmem:v0+s5+$0xFFFFFFC0 ss:$0x1] =	vst.idx.msk $0xffff, v2  }
0x16a: {  	v2 =	vmul.f32 $3.125000000e-02, v5;
	[tilespmem:v0+s5+$0xFFFFFFD0 ss:$0x1] =	vst.idx.msk $0xffff, v3  }
.Ltmp10:
0x16b: {  	v3 =	vmul.f32 $3.125000000e-02, v6;
	[tilespmem:v0+s5+$0xFFFFFFE0 ss:$0x1] =	vst.idx.msk $0xffff, v4;
	(pc) =	sbr.rel @p0 .LBB2_23-.Ltmp10, $4  }
0x16c: {  	v4 =	vmul.f32 $3.125000000e-02, v7;
	[tilespmem:v0+s5+$0xFFFFFFF0 ss:$0x1] =	vst.idx.msk $0xffff, v2  }
0x16d: {  	v5 =	vmul.f32 $3.125000000e-02, v8;
	[tilespmem:v0+s5+$0x0 ss:$0x1] =	vst.idx.msk $0xffff, v3  }
0x16e: {  	v2 =	vmul.f32 $3.125000000e-02, v9;
	[tilespmem:v0+s5+$0x10 ss:$0x1] =	vst.idx.msk $0xffff, v4  }
0x16f: {  	[tilespmem:v0+s5+$0x20 ss:$0x1] =	vst.idx.msk $0xffff, v5  }
0x170: {  	_ =	sdelay $0x3  }
0x171: {  	s14 =	sshra.s32 s14, $0x2;
	[tilespmem:v0+s5+$0x30 ss:$0x1] =	vst.idx.msk $0xffff, v2  }
0x172: {  	v2 =	vld.idx.msk [tilespmem:v1+s14+$0xFFFFFFC0 ss:$0x1], $0xffff  }
0x173: {  	v3 =	vld.idx.msk [tilespmem:v1+s14+$0xFFFFFFD0 ss:$0x1], $0xffff  }
0x174: {  	v4 =	vld.idx.msk [tilespmem:v1+s14+$0xFFFFFFE0 ss:$0x1], $0xffff  }
0x175: {  	v5 =	vld.idx.msk [tilespmem:v1+s14+$0xFFFFFFF0 ss:$0x1], $0xffff  }
0x176: {  	v6 =	vld.idx.msk [tilespmem:v1+s14+$0x0 ss:$0x1], $0xffff  }
0x177: {  	v7 =	vld.idx.msk [tilespmem:v1+s14+$0x10 ss:$0x1], $0xffff;
	v2 =	vmul.f32 $3.125000000e-02, v2  }
0x178: {  	v8 =	vld.idx.msk [tilespmem:v1+s14+$0x20 ss:$0x1], $0xffff;
	v3 =	vmul.f32 $3.125000000e-02, v3  }
0x179: {  	v59 =	vld.idx.msk [tilespmem:v1+s14+$0x30 ss:$0x1], $0xffff;
	v4 =	vmul.f32 $3.125000000e-02, v4;
	[tilespmem:v0+s14+$0xFFFFFFC0 ss:$0x1] =	vst.idx.msk $0xffff, v2  }
0x17a: {  	s10 =	sadd.s32 $0x1, s10;
	v60 =	vmul.f32 $3.125000000e-02, v5;
	[tilespmem:v0+s14+$0xFFFFFFD0 ss:$0x1] =	vst.idx.msk $0xffff, v3  }
0x17b: {  	p0 =	sne.s32 s10, $0x8;
	v61 =	vmul.f32 $3.125000000e-02, v6;
	[tilespmem:v0+s14+$0xFFFFFFE0 ss:$0x1] =	vst.idx.msk $0xffff, v4  }
.Ltmp11:
0x17c: {  	v62 =	vmul.f32 $3.125000000e-02, v7;
	[tilespmem:v0+s14+$0xFFFFFFF0 ss:$0x1] =	vst.idx.msk $0xffff, v60;
	(pc) =	sbr.rel @p0 .LBB2_22-.Ltmp11, $4  }
0x17d: {  	v63 =	vmul.f32 $3.125000000e-02, v8;
	[tilespmem:v0+s14+$0x0 ss:$0x1] =	vst.idx.msk $0xffff, v61  }
0x17e: {  	v1 =	vmul.f32 $3.125000000e-02, v59;
	[tilespmem:v0+s14+$0x10 ss:$0x1] =	vst.idx.msk $0xffff, v62  }
0x17f: {  	[tilespmem:v0+s14+$0x20 ss:$0x1] =	vst.idx.msk $0xffff, v63  }
0x180: {  	s13 =	sadd.s32 $0x80, s13;
	s4 =	sadd.s32 $0x80, s4;
	[tilespmem:v0+s14+$0x30 ss:$0x1] =	vst.idx.msk $0xffff, v1  }
0x181: {  	s4 =	rddreg [dreg:$0xf];
	s5 =	simm.s32 $0x16000  }
0x182: {  	[hbm4b:s4+s19] =	stream.linear.scatter [tilespmem:s5], [sflag:$0xC], $0x2000, $0x38;
	[tilespmem:$0x18000] =	vst v63  }
0x183: {  	s20 =	rddreg [dreg:$0x19];
	s21 =	simm.s32 $0xA000;
	s10 =	simm.s32 $0x1  }
0x184: {  	[tilespmem:s21], [sflag:$0x6] =	stream.linear.gather [hbm4b:s20+s19], $0x2000, $0x38;
	[tilespmem:$0x18000] =	vst v63  }
.LBB2_26:
0x185: {  	_ =	swait.ge [sflag:s15], $0x2000  }
0x186: {  	[sflag:s15] =	ssyncset.done $0x0  }
0x187: {  	[sflag:s15] =	ssyncadd.s32 $0xFFFFE000  }
0x188: {  	_ =	swait.ge [sflag:s11], $0x2000  }
0x189: {  	s13 =	simm.s32 $0x0;
	[sflag:s11] =	ssyncset.done $0x0  }
0x18a: {  	s14 =	simm.s32 $0xC040;
	s4 =	simm.s32 $0x40;
	[sflag:s11] =	ssyncadd.s32 $0xFFFFE000  }
.LBB2_27:
0x18b: {  	v1 =	vmov s4;
	_ =	sdelay $0x3  }
0x18c: {  	s5 =	simm.s32 $0x0  }
0x18d: {  	v2 =	vld.idx.msk [tilespmem:v1+s5+$0xFFFFFFC0 ss:$0x1], $0xffff  }
0x18e: {  	v3 =	vld.idx.msk [tilespmem:v1+s5+$0xFFFFFFD0 ss:$0x1], $0xffff  }
0x18f: {  	v0 =	vmov s14;
	v4 =	vld.idx.msk [tilespmem:v1+s5+$0xFFFFFFE0 ss:$0x1], $0xffff  }
0x190: {  	v5 =	vld.idx.msk [tilespmem:v1+s5+$0xFFFFFFF0 ss:$0x1], $0xffff  }
0x191: {  	v6 =	vld.idx.msk [tilespmem:v1+s5+$0x0 ss:$0x1], $0xffff  }
0x192: {  	v7 =	vld.idx.msk [tilespmem:v1+s5+$0x10 ss:$0x1], $0xffff;
	v2 =	vmul.f32 $3.125000000e-02, v2  }
0x193: {  	v8 =	vld.idx.msk [tilespmem:v1+s5+$0x20 ss:$0x1], $0xffff;
	v3 =	vmul.f32 $3.125000000e-02, v3  }
0x194: {  	v9 =	vld.idx.msk [tilespmem:v1+s5+$0x30 ss:$0x1], $0xffff;
	v4 =	vmul.f32 $3.125000000e-02, v4;
	[tilespmem:v0+s5+$0xFFFFFFC0 ss:$0x1] =	vst.idx.msk $0xffff, v2  }
0x195: {  	v2 =	vmul.f32 $3.125000000e-02, v5;
	[tilespmem:v0+s5+$0xFFFFFFD0 ss:$0x1] =	vst.idx.msk $0xffff, v3  }
0x196: {  	v3 =	vmul.f32 $3.125000000e-02, v6;
	[tilespmem:v0+s5+$0xFFFFFFE0 ss:$0x1] =	vst.idx.msk $0xffff, v4  }
0x197: {  	v62 =	vmul.f32 $3.125000000e-02, v7;
	[tilespmem:v0+s5+$0xFFFFFFF0 ss:$0x1] =	vst.idx.msk $0xffff, v2  }
0x198: {  	v63 =	vmul.f32 $3.125000000e-02, v8;
	[tilespmem:v0+s5+$0x0 ss:$0x1] =	vst.idx.msk $0xffff, v3  }
0x199: {  	[tilespmem:v0+s5+$0x10 ss:$0x1] =	vst.idx.msk $0xffff, v62  }
0x19a: {  	s17 =	simm.s32 $0x1000;
	s19 =	simm.s32 $0x2000;
	v2 =	vmul.f32 $3.125000000e-02, v9;
	[tilespmem:v0+s5+$0x20 ss:$0x1] =	vst.idx.msk $0xffff, v63  }
.LBB2_28:
0x19b: {  	p0 =	sne.s32 s19, $0x7000  }
0x19c: {  	[tilespmem:v0+s5+$0x30 ss:$0x1] =	vst.idx.msk $0xffff, v2;
	s5 =	sshra.s32 s17, $0x2;
	s17 =	smov.u32 s19;
	s19 =	sadd.s32 $0x1000, s19  }
0x19d: {  	v2 =	vld.idx.msk [tilespmem:v1+s5+$0xFFFFFFC0 ss:$0x1], $0xffff  }
0x19e: {  	v3 =	vld.idx.msk [tilespmem:v1+s5+$0xFFFFFFD0 ss:$0x1], $0xffff  }
0x19f: {  	v4 =	vld.idx.msk [tilespmem:v1+s5+$0xFFFFFFE0 ss:$0x1], $0xffff  }
0x1a0: {  	v5 =	vld.idx.msk [tilespmem:v1+s5+$0xFFFFFFF0 ss:$0x1], $0xffff  }
0x1a1: {  	v6 =	vld.idx.msk [tilespmem:v1+s5+$0x0 ss:$0x1], $0xffff  }
0x1a2: {  	v7 =	vld.idx.msk [tilespmem:v1+s5+$0x10 ss:$0x1], $0xffff  }
0x1a3: {  	v2 =	vmul.f32 $3.125000000e-02, v2;
	v8 =	vld.idx.msk [tilespmem:v1+s5+$0x20 ss:$0x1], $0xffff  }
0x1a4: {  	v3 =	vmul.f32 $3.125000000e-02, v3;
	v9 =	vld.idx.msk [tilespmem:v1+s5+$0x30 ss:$0x1], $0xffff  }
0x1a5: {  	v4 =	vmul.f32 $3.125000000e-02, v4;
	[tilespmem:v0+s5+$0xFFFFFFC0 ss:$0x1] =	vst.idx.msk $0xffff, v2  }
0x1a6: {  	v2 =	vmul.f32 $3.125000000e-02, v5;
	[tilespmem:v0+s5+$0xFFFFFFD0 ss:$0x1] =	vst.idx.msk $0xffff, v3  }
.Ltmp12:
0x1a7: {  	v3 =	vmul.f32 $3.125000000e-02, v6;
	[tilespmem:v0+s5+$0xFFFFFFE0 ss:$0x1] =	vst.idx.msk $0xffff, v4;
	(pc) =	sbr.rel @p0 .LBB2_28-.Ltmp12, $4  }
0x1a8: {  	v4 =	vmul.f32 $3.125000000e-02, v7;
	[tilespmem:v0+s5+$0xFFFFFFF0 ss:$0x1] =	vst.idx.msk $0xffff, v2  }
0x1a9: {  	v5 =	vmul.f32 $3.125000000e-02, v8;
	[tilespmem:v0+s5+$0x0 ss:$0x1] =	vst.idx.msk $0xffff, v3  }
0x1aa: {  	v2 =	vmul.f32 $3.125000000e-02, v9;
	[tilespmem:v0+s5+$0x10 ss:$0x1] =	vst.idx.msk $0xffff, v4  }
0x1ab: {  	[tilespmem:v0+s5+$0x20 ss:$0x1] =	vst.idx.msk $0xffff, v5  }
0x1ac: {  	_ =	sdelay $0x3  }
0x1ad: {  	s17 =	sshra.s32 s17, $0x2;
	[tilespmem:v0+s5+$0x30 ss:$0x1] =	vst.idx.msk $0xffff, v2  }
0x1ae: {  	v2 =	vld.idx.msk [tilespmem:v1+s17+$0xFFFFFFC0 ss:$0x1], $0xffff  }
0x1af: {  	v3 =	vld.idx.msk [tilespmem:v1+s17+$0xFFFFFFD0 ss:$0x1], $0xffff  }
0x1b0: {  	v4 =	vld.idx.msk [tilespmem:v1+s17+$0xFFFFFFE0 ss:$0x1], $0xffff  }
0x1b1: {  	v5 =	vld.idx.msk [tilespmem:v1+s17+$0xFFFFFFF0 ss:$0x1], $0xffff  }
0x1b2: {  	v6 =	vld.idx.msk [tilespmem:v1+s17+$0x0 ss:$0x1], $0xffff  }
0x1b3: {  	v7 =	vld.idx.msk [tilespmem:v1+s17+$0x10 ss:$0x1], $0xffff;
	v2 =	vmul.f32 $3.125000000e-02, v2  }
0x1b4: {  	v8 =	vld.idx.msk [tilespmem:v1+s17+$0x20 ss:$0x1], $0xffff;
	v3 =	vmul.f32 $3.125000000e-02, v3  }
0x1b5: {  	v59 =	vld.idx.msk [tilespmem:v1+s17+$0x30 ss:$0x1], $0xffff;
	v4 =	vmul.f32 $3.125000000e-02, v4;
	[tilespmem:v0+s17+$0xFFFFFFC0 ss:$0x1] =	vst.idx.msk $0xffff, v2  }
0x1b6: {  	s13 =	sadd.s32 $0x1, s13;
	v60 =	vmul.f32 $3.125000000e-02, v5;
	[tilespmem:v0+s17+$0xFFFFFFD0 ss:$0x1] =	vst.idx.msk $0xffff, v3  }
0x1b7: {  	p0 =	sne.s32 s13, $0x8;
	v61 =	vmul.f32 $3.125000000e-02, v6;
	[tilespmem:v0+s17+$0xFFFFFFE0 ss:$0x1] =	vst.idx.msk $0xffff, v4  }
.Ltmp13:
0x1b8: {  	v62 =	vmul.f32 $3.125000000e-02, v7;
	[tilespmem:v0+s17+$0xFFFFFFF0 ss:$0x1] =	vst.idx.msk $0xffff, v60;
	(pc) =	sbr.rel @p0 .LBB2_27-.Ltmp13, $4  }
0x1b9: {  	v63 =	vmul.f32 $3.125000000e-02, v8;
	[tilespmem:v0+s17+$0x0 ss:$0x1] =	vst.idx.msk $0xffff, v61  }
0x1ba: {  	v1 =	vmul.f32 $3.125000000e-02, v59;
	[tilespmem:v0+s17+$0x10 ss:$0x1] =	vst.idx.msk $0xffff, v62  }
0x1bb: {  	[tilespmem:v0+s17+$0x20 ss:$0x1] =	vst.idx.msk $0xffff, v63  }
0x1bc: {  	s14 =	sadd.s32 $0x80, s14;
	s4 =	sadd.s32 $0x80, s4;
	[tilespmem:v0+s17+$0x30 ss:$0x1] =	vst.idx.msk $0xffff, v1  }
0x1bd: {  	s13 =	smul.u32 $0x6, s10  }
0x1be: {  	s4 =	rddreg [dreg:$0x10]  }
0x1bf: {  	s14 =	smul.u32 $0x30, s10;
	s4 =	sadd.s32 s13, s4  }
0x1c0: {  	s4 =	sshll.u32 s4, $0xA  }
0x1c1: {  	s5 =	sadd.s32 s22, s14;
	s4 =	sand.u32 $0x1FFFF800, s4  }
0x1c2: {  	s17 =	simm.s32 $0x0;
	s20 =	sshll.u32 s5, $0x7;
	s4 =	sadd.s32 s2, s4  }
0x1c3: {  	[tilespmem:s17], [sflag:$0x1] =	stream.linear.gather [hbm4b:s4+s17], $0x2000, $0x38;
	[tilespmem:$0x18000] =	vst v63  }
0x1c4: {  	s21 =	simm.s32 $0xC000;
	s4 =	sadd.s32 s3, s20  }
0x1c5: {  	[hbm4b:s4+s17] =	stream.linear.scatter [tilespmem:s21], [sflag:$0x7], $0x2000, $0x38;
	[tilespmem:$0x18000] =	vst v63  }
0x1c6: {  	_ =	swait.ge [sflag:s16], $0x2000  }
0x1c7: {  	[sflag:s16] =	ssyncset.done $0x0  }
0x1c8: {  	[sflag:s16] =	ssyncadd.s32 $0xFFFFE000  }
0x1c9: {  	_ =	swait.ge [sflag:s12], $0x2000  }
0x1ca: {  	[sflag:s12] =	ssyncset.done $0x0  }
0x1cb: {  	s5 =	simm.s32 $0x2040;
	s4 =	simm.s32 $0xE040;
	[sflag:s12] =	ssyncadd.s32 $0xFFFFE000  }
.LBB2_31:
0x1cc: {  	v1 =	vmov s5;
	_ =	sdelay $0x3  }
0x1cd: {  	s19 =	simm.s32 $0x0  }
0x1ce: {  	v2 =	vld.idx.msk [tilespmem:v1+s19+$0xFFFFFFC0 ss:$0x1], $0xffff  }
0x1cf: {  	v3 =	vld.idx.msk [tilespmem:v1+s19+$0xFFFFFFD0 ss:$0x1], $0xffff  }
0x1d0: {  	v0 =	vmov s4;
	v4 =	vld.idx.msk [tilespmem:v1+s19+$0xFFFFFFE0 ss:$0x1], $0xffff  }
0x1d1: {  	v5 =	vld.idx.msk [tilespmem:v1+s19+$0xFFFFFFF0 ss:$0x1], $0xffff  }
0x1d2: {  	v6 =	vld.idx.msk [tilespmem:v1+s19+$0x0 ss:$0x1], $0xffff  }
0x1d3: {  	v7 =	vld.idx.msk [tilespmem:v1+s19+$0x10 ss:$0x1], $0xffff;
	v2 =	vmul.f32 $3.125000000e-02, v2  }
0x1d4: {  	v8 =	vld.idx.msk [tilespmem:v1+s19+$0x20 ss:$0x1], $0xffff;
	v3 =	vmul.f32 $3.125000000e-02, v3  }
0x1d5: {  	v9 =	vld.idx.msk [tilespmem:v1+s19+$0x30 ss:$0x1], $0xffff;
	v4 =	vmul.f32 $3.125000000e-02, v4;
	[tilespmem:v0+s19+$0xFFFFFFC0 ss:$0x1] =	vst.idx.msk $0xffff, v2  }
0x1d6: {  	v2 =	vmul.f32 $3.125000000e-02, v5;
	[tilespmem:v0+s19+$0xFFFFFFD0 ss:$0x1] =	vst.idx.msk $0xffff, v3  }
0x1d7: {  	v3 =	vmul.f32 $3.125000000e-02, v6;
	[tilespmem:v0+s19+$0xFFFFFFE0 ss:$0x1] =	vst.idx.msk $0xffff, v4  }
0x1d8: {  	v62 =	vmul.f32 $3.125000000e-02, v7;
	[tilespmem:v0+s19+$0xFFFFFFF0 ss:$0x1] =	vst.idx.msk $0xffff, v2  }
0x1d9: {  	v63 =	vmul.f32 $3.125000000e-02, v8;
	[tilespmem:v0+s19+$0x0 ss:$0x1] =	vst.idx.msk $0xffff, v3  }
0x1da: {  	[tilespmem:v0+s19+$0x10 ss:$0x1] =	vst.idx.msk $0xffff, v62  }
0x1db: {  	s20 =	simm.s32 $0x1000;
	s21 =	simm.s32 $0x2000;
	v2 =	vmul.f32 $3.125000000e-02, v9;
	[tilespmem:v0+s19+$0x20 ss:$0x1] =	vst.idx.msk $0xffff, v63  }
.LBB2_32:
0x1dc: {  	p0 =	sne.s32 s21, $0x7000  }
0x1dd: {  	[tilespmem:v0+s19+$0x30 ss:$0x1] =	vst.idx.msk $0xffff, v2;
	s19 =	sshra.s32 s20, $0x2;
	s20 =	smov.u32 s21;
	s21 =	sadd.s32 $0x1000, s21  }
0x1de: {  	v2 =	vld.idx.msk [tilespmem:v1+s19+$0xFFFFFFC0 ss:$0x1], $0xffff  }
0x1df: {  	v3 =	vld.idx.msk [tilespmem:v1+s19+$0xFFFFFFD0 ss:$0x1], $0xffff  }
0x1e0: {  	v4 =	vld.idx.msk [tilespmem:v1+s19+$0xFFFFFFE0 ss:$0x1], $0xffff  }
0x1e1: {  	v5 =	vld.idx.msk [tilespmem:v1+s19+$0xFFFFFFF0 ss:$0x1], $0xffff  }
0x1e2: {  	v6 =	vld.idx.msk [tilespmem:v1+s19+$0x0 ss:$0x1], $0xffff  }
0x1e3: {  	v7 =	vld.idx.msk [tilespmem:v1+s19+$0x10 ss:$0x1], $0xffff  }
0x1e4: {  	v2 =	vmul.f32 $3.125000000e-02, v2;
	v8 =	vld.idx.msk [tilespmem:v1+s19+$0x20 ss:$0x1], $0xffff  }
0x1e5: {  	v3 =	vmul.f32 $3.125000000e-02, v3;
	v9 =	vld.idx.msk [tilespmem:v1+s19+$0x30 ss:$0x1], $0xffff  }
0x1e6: {  	v4 =	vmul.f32 $3.125000000e-02, v4;
	[tilespmem:v0+s19+$0xFFFFFFC0 ss:$0x1] =	vst.idx.msk $0xffff, v2  }
0x1e7: {  	v2 =	vmul.f32 $3.125000000e-02, v5;
	[tilespmem:v0+s19+$0xFFFFFFD0 ss:$0x1] =	vst.idx.msk $0xffff, v3  }
.Ltmp14:
0x1e8: {  	v3 =	vmul.f32 $3.125000000e-02, v6;
	[tilespmem:v0+s19+$0xFFFFFFE0 ss:$0x1] =	vst.idx.msk $0xffff, v4;
	(pc) =	sbr.rel @p0 .LBB2_32-.Ltmp14, $4  }
0x1e9: {  	v4 =	vmul.f32 $3.125000000e-02, v7;
	[tilespmem:v0+s19+$0xFFFFFFF0 ss:$0x1] =	vst.idx.msk $0xffff, v2  }
0x1ea: {  	v5 =	vmul.f32 $3.125000000e-02, v8;
	[tilespmem:v0+s19+$0x0 ss:$0x1] =	vst.idx.msk $0xffff, v3  }
0x1eb: {  	v2 =	vmul.f32 $3.125000000e-02, v9;
	[tilespmem:v0+s19+$0x10 ss:$0x1] =	vst.idx.msk $0xffff, v4  }
0x1ec: {  	[tilespmem:v0+s19+$0x20 ss:$0x1] =	vst.idx.msk $0xffff, v5  }
0x1ed: {  	_ =	sdelay $0x3  }
0x1ee: {  	s20 =	sshra.s32 s20, $0x2;
	[tilespmem:v0+s19+$0x30 ss:$0x1] =	vst.idx.msk $0xffff, v2  }
0x1ef: {  	v2 =	vld.idx.msk [tilespmem:v1+s20+$0xFFFFFFC0 ss:$0x1], $0xffff  }
0x1f0: {  	v3 =	vld.idx.msk [tilespmem:v1+s20+$0xFFFFFFD0 ss:$0x1], $0xffff  }
0x1f1: {  	v4 =	vld.idx.msk [tilespmem:v1+s20+$0xFFFFFFE0 ss:$0x1], $0xffff  }
0x1f2: {  	v5 =	vld.idx.msk [tilespmem:v1+s20+$0xFFFFFFF0 ss:$0x1], $0xffff  }
0x1f3: {  	v6 =	vld.idx.msk [tilespmem:v1+s20+$0x0 ss:$0x1], $0xffff  }
0x1f4: {  	v7 =	vld.idx.msk [tilespmem:v1+s20+$0x10 ss:$0x1], $0xffff;
	v2 =	vmul.f32 $3.125000000e-02, v2  }
0x1f5: {  	v8 =	vld.idx.msk [tilespmem:v1+s20+$0x20 ss:$0x1], $0xffff;
	v3 =	vmul.f32 $3.125000000e-02, v3  }
0x1f6: {  	v59 =	vld.idx.msk [tilespmem:v1+s20+$0x30 ss:$0x1], $0xffff;
	v4 =	vmul.f32 $3.125000000e-02, v4;
	[tilespmem:v0+s20+$0xFFFFFFC0 ss:$0x1] =	vst.idx.msk $0xffff, v2  }
0x1f7: {  	s17 =	sadd.s32 $0x1, s17;
	v60 =	vmul.f32 $3.125000000e-02, v5;
	[tilespmem:v0+s20+$0xFFFFFFD0 ss:$0x1] =	vst.idx.msk $0xffff, v3  }
0x1f8: {  	p0 =	sne.s32 s17, $0x8;
	v61 =	vmul.f32 $3.125000000e-02, v6;
	[tilespmem:v0+s20+$0xFFFFFFE0 ss:$0x1] =	vst.idx.msk $0xffff, v4  }
.Ltmp15:
0x1f9: {  	v62 =	vmul.f32 $3.125000000e-02, v7;
	[tilespmem:v0+s20+$0xFFFFFFF0 ss:$0x1] =	vst.idx.msk $0xffff, v60;
	(pc) =	sbr.rel @p0 .LBB2_31-.Ltmp15, $4  }
0x1fa: {  	v63 =	vmul.f32 $3.125000000e-02, v8;
	[tilespmem:v0+s20+$0x0 ss:$0x1] =	vst.idx.msk $0xffff, v61  }
0x1fb: {  	v1 =	vmul.f32 $3.125000000e-02, v59;
	[tilespmem:v0+s20+$0x10 ss:$0x1] =	vst.idx.msk $0xffff, v62  }
0x1fc: {  	[tilespmem:v0+s20+$0x20 ss:$0x1] =	vst.idx.msk $0xffff, v63  }
0x1fd: {  	s4 =	sadd.s32 $0x80, s4;
	s5 =	sadd.s32 $0x80, s5;
	[tilespmem:v0+s20+$0x30 ss:$0x1] =	vst.idx.msk $0xffff, v1  }
0x1fe: {  	s4 =	rddreg [dreg:$0x11]  }
0x1ff: {  	s4 =	sadd.s32 s13, s4  }
0x200: {  	s5 =	sadd.s32 s14, s0;
	s17 =	simm.s32 $0x0;
	s4 =	sshll.u32 s4, $0xA  }
0x201: {  	s19 =	simm.s32 $0x2000;
	s20 =	sshll.u32 s5, $0x7;
	s4 =	sadd.s32 s2, s4  }
0x202: {  	[tilespmem:s19], [sflag:$0x2] =	stream.linear.gather [hbm4b:s4+s17], $0x2000, $0x38;
	[tilespmem:$0x18000] =	vst v63  }
0x203: {  	s21 =	simm.s32 $0xE000;
	s4 =	sadd.s32 s3, s20  }
0x204: {  	[hbm4b:s4+s17] =	stream.linear.scatter [tilespmem:s21], [sflag:$0x8], $0x2000, $0x38;
	[tilespmem:$0x18000] =	vst v63  }
0x205: {  	_ =	swait.ge [sflag:s18], $0x2000  }
0x206: {  	[sflag:s18] =	ssyncset.done $0x0  }
0x207: {  	[sflag:s18] =	ssyncadd.s32 $0xFFFFE000  }
0x208: {  	_ =	swait.ge [sflag:s6], $0x2000  }
0x209: {  	[sflag:s6] =	ssyncset.done $0x0  }
0x20a: {  	s5 =	simm.s32 $0x4040;
	s4 =	simm.s32 $0x10040;
	[sflag:s6] =	ssyncadd.s32 $0xFFFFE000  }
.LBB2_35:
0x20b: {  	v1 =	vmov s5;
	_ =	sdelay $0x3  }
0x20c: {  	s19 =	simm.s32 $0x0  }
0x20d: {  	v2 =	vld.idx.msk [tilespmem:v1+s19+$0xFFFFFFC0 ss:$0x1], $0xffff  }
0x20e: {  	v3 =	vld.idx.msk [tilespmem:v1+s19+$0xFFFFFFD0 ss:$0x1], $0xffff  }
0x20f: {  	v0 =	vmov s4;
	v4 =	vld.idx.msk [tilespmem:v1+s19+$0xFFFFFFE0 ss:$0x1], $0xffff  }
0x210: {  	v5 =	vld.idx.msk [tilespmem:v1+s19+$0xFFFFFFF0 ss:$0x1], $0xffff  }
0x211: {  	v6 =	vld.idx.msk [tilespmem:v1+s19+$0x0 ss:$0x1], $0xffff  }
0x212: {  	v7 =	vld.idx.msk [tilespmem:v1+s19+$0x10 ss:$0x1], $0xffff;
	v2 =	vmul.f32 $3.125000000e-02, v2  }
0x213: {  	v8 =	vld.idx.msk [tilespmem:v1+s19+$0x20 ss:$0x1], $0xffff;
	v3 =	vmul.f32 $3.125000000e-02, v3  }
0x214: {  	v9 =	vld.idx.msk [tilespmem:v1+s19+$0x30 ss:$0x1], $0xffff;
	v4 =	vmul.f32 $3.125000000e-02, v4;
	[tilespmem:v0+s19+$0xFFFFFFC0 ss:$0x1] =	vst.idx.msk $0xffff, v2  }
0x215: {  	v2 =	vmul.f32 $3.125000000e-02, v5;
	[tilespmem:v0+s19+$0xFFFFFFD0 ss:$0x1] =	vst.idx.msk $0xffff, v3  }
0x216: {  	v3 =	vmul.f32 $3.125000000e-02, v6;
	[tilespmem:v0+s19+$0xFFFFFFE0 ss:$0x1] =	vst.idx.msk $0xffff, v4  }
0x217: {  	v62 =	vmul.f32 $3.125000000e-02, v7;
	[tilespmem:v0+s19+$0xFFFFFFF0 ss:$0x1] =	vst.idx.msk $0xffff, v2  }
0x218: {  	v63 =	vmul.f32 $3.125000000e-02, v8;
	[tilespmem:v0+s19+$0x0 ss:$0x1] =	vst.idx.msk $0xffff, v3  }
0x219: {  	[tilespmem:v0+s19+$0x10 ss:$0x1] =	vst.idx.msk $0xffff, v62  }
0x21a: {  	s20 =	simm.s32 $0x1000;
	s21 =	simm.s32 $0x2000;
	v2 =	vmul.f32 $3.125000000e-02, v9;
	[tilespmem:v0+s19+$0x20 ss:$0x1] =	vst.idx.msk $0xffff, v63  }
.LBB2_36:
0x21b: {  	p0 =	sne.s32 s21, $0x7000  }
0x21c: {  	[tilespmem:v0+s19+$0x30 ss:$0x1] =	vst.idx.msk $0xffff, v2;
	s19 =	sshra.s32 s20, $0x2;
	s20 =	smov.u32 s21;
	s21 =	sadd.s32 $0x1000, s21  }
0x21d: {  	v2 =	vld.idx.msk [tilespmem:v1+s19+$0xFFFFFFC0 ss:$0x1], $0xffff  }
0x21e: {  	v3 =	vld.idx.msk [tilespmem:v1+s19+$0xFFFFFFD0 ss:$0x1], $0xffff  }
0x21f: {  	v4 =	vld.idx.msk [tilespmem:v1+s19+$0xFFFFFFE0 ss:$0x1], $0xffff  }
0x220: {  	v5 =	vld.idx.msk [tilespmem:v1+s19+$0xFFFFFFF0 ss:$0x1], $0xffff  }
0x221: {  	v6 =	vld.idx.msk [tilespmem:v1+s19+$0x0 ss:$0x1], $0xffff  }
0x222: {  	v7 =	vld.idx.msk [tilespmem:v1+s19+$0x10 ss:$0x1], $0xffff  }
0x223: {  	v2 =	vmul.f32 $3.125000000e-02, v2;
	v8 =	vld.idx.msk [tilespmem:v1+s19+$0x20 ss:$0x1], $0xffff  }
0x224: {  	v3 =	vmul.f32 $3.125000000e-02, v3;
	v9 =	vld.idx.msk [tilespmem:v1+s19+$0x30 ss:$0x1], $0xffff  }
0x225: {  	v4 =	vmul.f32 $3.125000000e-02, v4;
	[tilespmem:v0+s19+$0xFFFFFFC0 ss:$0x1] =	vst.idx.msk $0xffff, v2  }
0x226: {  	v2 =	vmul.f32 $3.125000000e-02, v5;
	[tilespmem:v0+s19+$0xFFFFFFD0 ss:$0x1] =	vst.idx.msk $0xffff, v3  }
.Ltmp16:
0x227: {  	v3 =	vmul.f32 $3.125000000e-02, v6;
	[tilespmem:v0+s19+$0xFFFFFFE0 ss:$0x1] =	vst.idx.msk $0xffff, v4;
	(pc) =	sbr.rel @p0 .LBB2_36-.Ltmp16, $4  }
0x228: {  	v4 =	vmul.f32 $3.125000000e-02, v7;
	[tilespmem:v0+s19+$0xFFFFFFF0 ss:$0x1] =	vst.idx.msk $0xffff, v2  }
0x229: {  	v5 =	vmul.f32 $3.125000000e-02, v8;
	[tilespmem:v0+s19+$0x0 ss:$0x1] =	vst.idx.msk $0xffff, v3  }
0x22a: {  	v2 =	vmul.f32 $3.125000000e-02, v9;
	[tilespmem:v0+s19+$0x10 ss:$0x1] =	vst.idx.msk $0xffff, v4  }
0x22b: {  	[tilespmem:v0+s19+$0x20 ss:$0x1] =	vst.idx.msk $0xffff, v5  }
0x22c: {  	_ =	sdelay $0x3  }
0x22d: {  	s20 =	sshra.s32 s20, $0x2;
	[tilespmem:v0+s19+$0x30 ss:$0x1] =	vst.idx.msk $0xffff, v2  }
0x22e: {  	v2 =	vld.idx.msk [tilespmem:v1+s20+$0xFFFFFFC0 ss:$0x1], $0xffff  }
0x22f: {  	v3 =	vld.idx.msk [tilespmem:v1+s20+$0xFFFFFFD0 ss:$0x1], $0xffff  }
0x230: {  	v4 =	vld.idx.msk [tilespmem:v1+s20+$0xFFFFFFE0 ss:$0x1], $0xffff  }
0x231: {  	v5 =	vld.idx.msk [tilespmem:v1+s20+$0xFFFFFFF0 ss:$0x1], $0xffff  }
0x232: {  	v6 =	vld.idx.msk [tilespmem:v1+s20+$0x0 ss:$0x1], $0xffff  }
0x233: {  	v7 =	vld.idx.msk [tilespmem:v1+s20+$0x10 ss:$0x1], $0xffff;
	v2 =	vmul.f32 $3.125000000e-02, v2  }
0x234: {  	v8 =	vld.idx.msk [tilespmem:v1+s20+$0x20 ss:$0x1], $0xffff;
	v3 =	vmul.f32 $3.125000000e-02, v3  }
0x235: {  	v59 =	vld.idx.msk [tilespmem:v1+s20+$0x30 ss:$0x1], $0xffff;
	v4 =	vmul.f32 $3.125000000e-02, v4;
	[tilespmem:v0+s20+$0xFFFFFFC0 ss:$0x1] =	vst.idx.msk $0xffff, v2  }
0x236: {  	s17 =	sadd.s32 $0x1, s17;
	v60 =	vmul.f32 $3.125000000e-02, v5;
	[tilespmem:v0+s20+$0xFFFFFFD0 ss:$0x1] =	vst.idx.msk $0xffff, v3  }
0x237: {  	p0 =	sne.s32 s17, $0x8;
	v61 =	vmul.f32 $3.125000000e-02, v6;
	[tilespmem:v0+s20+$0xFFFFFFE0 ss:$0x1] =	vst.idx.msk $0xffff, v4  }
.Ltmp17:
0x238: {  	v62 =	vmul.f32 $3.125000000e-02, v7;
	[tilespmem:v0+s20+$0xFFFFFFF0 ss:$0x1] =	vst.idx.msk $0xffff, v60;
	(pc) =	sbr.rel @p0 .LBB2_35-.Ltmp17, $4  }
0x239: {  	v63 =	vmul.f32 $3.125000000e-02, v8;
	[tilespmem:v0+s20+$0x0 ss:$0x1] =	vst.idx.msk $0xffff, v61  }
0x23a: {  	v1 =	vmul.f32 $3.125000000e-02, v59;
	[tilespmem:v0+s20+$0x10 ss:$0x1] =	vst.idx.msk $0xffff, v62  }
0x23b: {  	[tilespmem:v0+s20+$0x20 ss:$0x1] =	vst.idx.msk $0xffff, v63  }
0x23c: {  	s4 =	sadd.s32 $0x80, s4;
	s5 =	sadd.s32 $0x80, s5;
	[tilespmem:v0+s20+$0x30 ss:$0x1] =	vst.idx.msk $0xffff, v1  }
0x23d: {  	p0 =	seq.s32 s10, $0x4;
	s4 =	rddreg [dreg:$0x12]  }
0x23e: {  	s4 =	sadd.s32 @!p0 s13, s4  }
0x23f: {  	s4 =	sshll.u32 @!p0 s4, $0xA  }
0x240: {  	s5 =	sadd.s32 s14, s1;
	s17 =	simm.s32 @!p0 $0x0;
	s4 =	sand.u32 @!p0 $0x1FFFF800, s4  }
0x241: {  	s19 =	simm.s32 @!p0 $0x4000;
	s20 =	sshll.u32 s5, $0x7;
	s4 =	sadd.s32 @!p0 s2, s4  }
0x242: {  	[tilespmem:s19], [sflag:$0x3] =	stream.linear.gather @!p0 [hbm4b:s4+s17], $0x2000, $0x38;
	[tilespmem:$0x18000] =	vst v63  }
0x243: {  	s21 =	simm.s32 $0x10000;
	s4 =	sadd.s32 s3, s20;
	s17 =	simm.s32 $0x0  }
0x244: {  	[hbm4b:s4+s17] =	stream.linear.scatter [tilespmem:s21], [sflag:$0x9], $0x2000, $0x38;
	[tilespmem:$0x18000] =	vst v63  }
0x245: {  	_ =	swait.ge [sflag:s26], $0x2000  }
0x246: {  	[sflag:s26] =	ssyncset.done $0x0  }
0x247: {  	[sflag:s26] =	ssyncadd.s32 $0xFFFFE000  }
0x248: {  	_ =	swait.ge [sflag:s25], $0x2000  }
0x249: {  	[sflag:s25] =	ssyncset.done $0x0  }
0x24a: {  	s5 =	simm.s32 $0x6040;
	s4 =	simm.s32 $0x12040;
	[sflag:s25] =	ssyncadd.s32 $0xFFFFE000  }
.LBB2_39:
0x24b: {  	v1 =	vmov s5;
	_ =	sdelay $0x3  }
0x24c: {  	s19 =	simm.s32 $0x0  }
0x24d: {  	v2 =	vld.idx.msk [tilespmem:v1+s19+$0xFFFFFFC0 ss:$0x1], $0xffff  }
0x24e: {  	v3 =	vld.idx.msk [tilespmem:v1+s19+$0xFFFFFFD0 ss:$0x1], $0xffff  }
0x24f: {  	v0 =	vmov s4;
	v4 =	vld.idx.msk [tilespmem:v1+s19+$0xFFFFFFE0 ss:$0x1], $0xffff  }
0x250: {  	v5 =	vld.idx.msk [tilespmem:v1+s19+$0xFFFFFFF0 ss:$0x1], $0xffff  }
0x251: {  	v6 =	vld.idx.msk [tilespmem:v1+s19+$0x0 ss:$0x1], $0xffff  }
0x252: {  	v7 =	vld.idx.msk [tilespmem:v1+s19+$0x10 ss:$0x1], $0xffff;
	v2 =	vmul.f32 $3.125000000e-02, v2  }
0x253: {  	v8 =	vld.idx.msk [tilespmem:v1+s19+$0x20 ss:$0x1], $0xffff;
	v3 =	vmul.f32 $3.125000000e-02, v3  }
0x254: {  	v9 =	vld.idx.msk [tilespmem:v1+s19+$0x30 ss:$0x1], $0xffff;
	v4 =	vmul.f32 $3.125000000e-02, v4;
	[tilespmem:v0+s19+$0xFFFFFFC0 ss:$0x1] =	vst.idx.msk $0xffff, v2  }
0x255: {  	v2 =	vmul.f32 $3.125000000e-02, v5;
	[tilespmem:v0+s19+$0xFFFFFFD0 ss:$0x1] =	vst.idx.msk $0xffff, v3  }
0x256: {  	v3 =	vmul.f32 $3.125000000e-02, v6;
	[tilespmem:v0+s19+$0xFFFFFFE0 ss:$0x1] =	vst.idx.msk $0xffff, v4  }
0x257: {  	v62 =	vmul.f32 $3.125000000e-02, v7;
	[tilespmem:v0+s19+$0xFFFFFFF0 ss:$0x1] =	vst.idx.msk $0xffff, v2  }
0x258: {  	v63 =	vmul.f32 $3.125000000e-02, v8;
	[tilespmem:v0+s19+$0x0 ss:$0x1] =	vst.idx.msk $0xffff, v3  }
0x259: {  	[tilespmem:v0+s19+$0x10 ss:$0x1] =	vst.idx.msk $0xffff, v62  }
0x25a: {  	s20 =	simm.s32 $0x1000;
	s21 =	simm.s32 $0x2000;
	v2 =	vmul.f32 $3.125000000e-02, v9;
	[tilespmem:v0+s19+$0x20 ss:$0x1] =	vst.idx.msk $0xffff, v63  }
.LBB2_40:
0x25b: {  	p1 =	sne.s32 s21, $0x7000  }
0x25c: {  	[tilespmem:v0+s19+$0x30 ss:$0x1] =	vst.idx.msk $0xffff, v2;
	s19 =	sshra.s32 s20, $0x2;
	s20 =	smov.u32 s21;
	s21 =	sadd.s32 $0x1000, s21  }
0x25d: {  	v2 =	vld.idx.msk [tilespmem:v1+s19+$0xFFFFFFC0 ss:$0x1], $0xffff  }
0x25e: {  	v3 =	vld.idx.msk [tilespmem:v1+s19+$0xFFFFFFD0 ss:$0x1], $0xffff  }
0x25f: {  	v4 =	vld.idx.msk [tilespmem:v1+s19+$0xFFFFFFE0 ss:$0x1], $0xffff  }
0x260: {  	v5 =	vld.idx.msk [tilespmem:v1+s19+$0xFFFFFFF0 ss:$0x1], $0xffff  }
0x261: {  	v6 =	vld.idx.msk [tilespmem:v1+s19+$0x0 ss:$0x1], $0xffff  }
0x262: {  	v7 =	vld.idx.msk [tilespmem:v1+s19+$0x10 ss:$0x1], $0xffff  }
0x263: {  	v2 =	vmul.f32 $3.125000000e-02, v2;
	v8 =	vld.idx.msk [tilespmem:v1+s19+$0x20 ss:$0x1], $0xffff  }
0x264: {  	v3 =	vmul.f32 $3.125000000e-02, v3;
	v9 =	vld.idx.msk [tilespmem:v1+s19+$0x30 ss:$0x1], $0xffff  }
0x265: {  	v4 =	vmul.f32 $3.125000000e-02, v4;
	[tilespmem:v0+s19+$0xFFFFFFC0 ss:$0x1] =	vst.idx.msk $0xffff, v2  }
0x266: {  	v2 =	vmul.f32 $3.125000000e-02, v5;
	[tilespmem:v0+s19+$0xFFFFFFD0 ss:$0x1] =	vst.idx.msk $0xffff, v3  }
.Ltmp18:
0x267: {  	v3 =	vmul.f32 $3.125000000e-02, v6;
	[tilespmem:v0+s19+$0xFFFFFFE0 ss:$0x1] =	vst.idx.msk $0xffff, v4;
	(pc) =	sbr.rel @p1 .LBB2_40-.Ltmp18, $4  }
0x268: {  	v4 =	vmul.f32 $3.125000000e-02, v7;
	[tilespmem:v0+s19+$0xFFFFFFF0 ss:$0x1] =	vst.idx.msk $0xffff, v2  }
0x269: {  	v5 =	vmul.f32 $3.125000000e-02, v8;
	[tilespmem:v0+s19+$0x0 ss:$0x1] =	vst.idx.msk $0xffff, v3  }
0x26a: {  	v2 =	vmul.f32 $3.125000000e-02, v9;
	[tilespmem:v0+s19+$0x10 ss:$0x1] =	vst.idx.msk $0xffff, v4  }
0x26b: {  	[tilespmem:v0+s19+$0x20 ss:$0x1] =	vst.idx.msk $0xffff, v5  }
0x26c: {  	_ =	sdelay $0x3  }
0x26d: {  	s20 =	sshra.s32 s20, $0x2;
	[tilespmem:v0+s19+$0x30 ss:$0x1] =	vst.idx.msk $0xffff, v2  }
0x26e: {  	v2 =	vld.idx.msk [tilespmem:v1+s20+$0xFFFFFFC0 ss:$0x1], $0xffff  }
0x26f: {  	v3 =	vld.idx.msk [tilespmem:v1+s20+$0xFFFFFFD0 ss:$0x1], $0xffff  }
0x270: {  	v4 =	vld.idx.msk [tilespmem:v1+s20+$0xFFFFFFE0 ss:$0x1], $0xffff  }
0x271: {  	v5 =	vld.idx.msk [tilespmem:v1+s20+$0xFFFFFFF0 ss:$0x1], $0xffff  }
0x272: {  	v6 =	vld.idx.msk [tilespmem:v1+s20+$0x0 ss:$0x1], $0xffff  }
0x273: {  	v7 =	vld.idx.msk [tilespmem:v1+s20+$0x10 ss:$0x1], $0xffff;
	v2 =	vmul.f32 $3.125000000e-02, v2  }
0x274: {  	v8 =	vld.idx.msk [tilespmem:v1+s20+$0x20 ss:$0x1], $0xffff;
	v3 =	vmul.f32 $3.125000000e-02, v3  }
0x275: {  	v59 =	vld.idx.msk [tilespmem:v1+s20+$0x30 ss:$0x1], $0xffff;
	v4 =	vmul.f32 $3.125000000e-02, v4;
	[tilespmem:v0+s20+$0xFFFFFFC0 ss:$0x1] =	vst.idx.msk $0xffff, v2  }
0x276: {  	s17 =	sadd.s32 $0x1, s17;
	v60 =	vmul.f32 $3.125000000e-02, v5;
	[tilespmem:v0+s20+$0xFFFFFFD0 ss:$0x1] =	vst.idx.msk $0xffff, v3  }
0x277: {  	p1 =	sne.s32 s17, $0x8;
	v61 =	vmul.f32 $3.125000000e-02, v6;
	[tilespmem:v0+s20+$0xFFFFFFE0 ss:$0x1] =	vst.idx.msk $0xffff, v4  }
.Ltmp19:
0x278: {  	v62 =	vmul.f32 $3.125000000e-02, v7;
	[tilespmem:v0+s20+$0xFFFFFFF0 ss:$0x1] =	vst.idx.msk $0xffff, v60;
	(pc) =	sbr.rel @p1 .LBB2_39-.Ltmp19, $4  }
0x279: {  	v63 =	vmul.f32 $3.125000000e-02, v8;
	[tilespmem:v0+s20+$0x0 ss:$0x1] =	vst.idx.msk $0xffff, v61  }
0x27a: {  	v1 =	vmul.f32 $3.125000000e-02, v59;
	[tilespmem:v0+s20+$0x10 ss:$0x1] =	vst.idx.msk $0xffff, v62  }
0x27b: {  	[tilespmem:v0+s20+$0x20 ss:$0x1] =	vst.idx.msk $0xffff, v63  }
0x27c: {  	s4 =	sadd.s32 $0x80, s4;
	s5 =	sadd.s32 $0x80, s5;
	[tilespmem:v0+s20+$0x30 ss:$0x1] =	vst.idx.msk $0xffff, v1  }
0x27d: {  	s4 =	rddreg [dreg:$0x13]  }
0x27e: {  	s4 =	sadd.s32 @!p0 s13, s4  }
0x27f: {  	s5 =	sadd.s32 s14, s7;
	s17 =	simm.s32 @!p0 $0x0;
	s4 =	sshll.u32 @!p0 s4, $0xA  }
0x280: {  	s19 =	simm.s32 @!p0 $0x6000;
	s20 =	sshll.u32 s5, $0x7;
	s4 =	sadd.s32 @!p0 s2, s4  }
0x281: {  	[tilespmem:s19], [sflag:$0x4] =	stream.linear.gather @!p0 [hbm4b:s4+s17], $0x2000, $0x38;
	[tilespmem:$0x18000] =	vst v63  }
0x282: {  	s21 =	simm.s32 $0x12000;
	s4 =	sadd.s32 s3, s20;
	s17 =	simm.s32 $0x0  }
0x283: {  	[hbm4b:s4+s17] =	stream.linear.scatter [tilespmem:s21], [sflag:$0xA], $0x2000, $0x38;
	[tilespmem:$0x18000] =	vst v63  }
0x284: {  	_ =	swait.ge [sflag:s29], $0x2000  }
0x285: {  	[sflag:s29] =	ssyncset.done $0x0  }
0x286: {  	[sflag:s29] =	ssyncadd.s32 $0xFFFFE000  }
0x287: {  	_ =	swait.ge [sflag:s28], $0x2000  }
0x288: {  	[sflag:s28] =	ssyncset.done $0x0  }
0x289: {  	s5 =	simm.s32 $0x8040;
	s4 =	simm.s32 $0x14040;
	[sflag:s28] =	ssyncadd.s32 $0xFFFFE000  }
.LBB2_43:
0x28a: {  	v1 =	vmov s5;
	_ =	sdelay $0x3  }
0x28b: {  	s19 =	simm.s32 $0x0  }
0x28c: {  	v2 =	vld.idx.msk [tilespmem:v1+s19+$0xFFFFFFC0 ss:$0x1], $0xffff  }
0x28d: {  	v3 =	vld.idx.msk [tilespmem:v1+s19+$0xFFFFFFD0 ss:$0x1], $0xffff  }
0x28e: {  	v0 =	vmov s4;
	v4 =	vld.idx.msk [tilespmem:v1+s19+$0xFFFFFFE0 ss:$0x1], $0xffff  }
0x28f: {  	v5 =	vld.idx.msk [tilespmem:v1+s19+$0xFFFFFFF0 ss:$0x1], $0xffff  }
0x290: {  	v6 =	vld.idx.msk [tilespmem:v1+s19+$0x0 ss:$0x1], $0xffff  }
0x291: {  	v7 =	vld.idx.msk [tilespmem:v1+s19+$0x10 ss:$0x1], $0xffff;
	v2 =	vmul.f32 $3.125000000e-02, v2  }
0x292: {  	v8 =	vld.idx.msk [tilespmem:v1+s19+$0x20 ss:$0x1], $0xffff;
	v3 =	vmul.f32 $3.125000000e-02, v3  }
0x293: {  	v9 =	vld.idx.msk [tilespmem:v1+s19+$0x30 ss:$0x1], $0xffff;
	v4 =	vmul.f32 $3.125000000e-02, v4;
	[tilespmem:v0+s19+$0xFFFFFFC0 ss:$0x1] =	vst.idx.msk $0xffff, v2  }
0x294: {  	v2 =	vmul.f32 $3.125000000e-02, v5;
	[tilespmem:v0+s19+$0xFFFFFFD0 ss:$0x1] =	vst.idx.msk $0xffff, v3  }
0x295: {  	v3 =	vmul.f32 $3.125000000e-02, v6;
	[tilespmem:v0+s19+$0xFFFFFFE0 ss:$0x1] =	vst.idx.msk $0xffff, v4  }
0x296: {  	v62 =	vmul.f32 $3.125000000e-02, v7;
	[tilespmem:v0+s19+$0xFFFFFFF0 ss:$0x1] =	vst.idx.msk $0xffff, v2  }
0x297: {  	v63 =	vmul.f32 $3.125000000e-02, v8;
	[tilespmem:v0+s19+$0x0 ss:$0x1] =	vst.idx.msk $0xffff, v3  }
0x298: {  	[tilespmem:v0+s19+$0x10 ss:$0x1] =	vst.idx.msk $0xffff, v62  }
0x299: {  	s20 =	simm.s32 $0x1000;
	s21 =	simm.s32 $0x2000;
	v2 =	vmul.f32 $3.125000000e-02, v9;
	[tilespmem:v0+s19+$0x20 ss:$0x1] =	vst.idx.msk $0xffff, v63  }
.LBB2_44:
0x29a: {  	p1 =	sne.s32 s21, $0x7000  }
0x29b: {  	[tilespmem:v0+s19+$0x30 ss:$0x1] =	vst.idx.msk $0xffff, v2;
	s19 =	sshra.s32 s20, $0x2;
	s20 =	smov.u32 s21;
	s21 =	sadd.s32 $0x1000, s21  }
0x29c: {  	v2 =	vld.idx.msk [tilespmem:v1+s19+$0xFFFFFFC0 ss:$0x1], $0xffff  }
0x29d: {  	v3 =	vld.idx.msk [tilespmem:v1+s19+$0xFFFFFFD0 ss:$0x1], $0xffff  }
0x29e: {  	v4 =	vld.idx.msk [tilespmem:v1+s19+$0xFFFFFFE0 ss:$0x1], $0xffff  }
0x29f: {  	v5 =	vld.idx.msk [tilespmem:v1+s19+$0xFFFFFFF0 ss:$0x1], $0xffff  }
0x2a0: {  	v6 =	vld.idx.msk [tilespmem:v1+s19+$0x0 ss:$0x1], $0xffff  }
0x2a1: {  	v7 =	vld.idx.msk [tilespmem:v1+s19+$0x10 ss:$0x1], $0xffff  }
0x2a2: {  	v2 =	vmul.f32 $3.125000000e-02, v2;
	v8 =	vld.idx.msk [tilespmem:v1+s19+$0x20 ss:$0x1], $0xffff  }
0x2a3: {  	v3 =	vmul.f32 $3.125000000e-02, v3;
	v9 =	vld.idx.msk [tilespmem:v1+s19+$0x30 ss:$0x1], $0xffff  }
0x2a4: {  	v4 =	vmul.f32 $3.125000000e-02, v4;
	[tilespmem:v0+s19+$0xFFFFFFC0 ss:$0x1] =	vst.idx.msk $0xffff, v2  }
0x2a5: {  	v2 =	vmul.f32 $3.125000000e-02, v5;
	[tilespmem:v0+s19+$0xFFFFFFD0 ss:$0x1] =	vst.idx.msk $0xffff, v3  }
.Ltmp20:
0x2a6: {  	v3 =	vmul.f32 $3.125000000e-02, v6;
	[tilespmem:v0+s19+$0xFFFFFFE0 ss:$0x1] =	vst.idx.msk $0xffff, v4;
	(pc) =	sbr.rel @p1 .LBB2_44-.Ltmp20, $4  }
0x2a7: {  	v4 =	vmul.f32 $3.125000000e-02, v7;
	[tilespmem:v0+s19+$0xFFFFFFF0 ss:$0x1] =	vst.idx.msk $0xffff, v2  }
0x2a8: {  	v5 =	vmul.f32 $3.125000000e-02, v8;
	[tilespmem:v0+s19+$0x0 ss:$0x1] =	vst.idx.msk $0xffff, v3  }
0x2a9: {  	v2 =	vmul.f32 $3.125000000e-02, v9;
	[tilespmem:v0+s19+$0x10 ss:$0x1] =	vst.idx.msk $0xffff, v4  }
0x2aa: {  	[tilespmem:v0+s19+$0x20 ss:$0x1] =	vst.idx.msk $0xffff, v5  }
0x2ab: {  	_ =	sdelay $0x3  }
0x2ac: {  	s20 =	sshra.s32 s20, $0x2;
	[tilespmem:v0+s19+$0x30 ss:$0x1] =	vst.idx.msk $0xffff, v2  }
0x2ad: {  	v2 =	vld.idx.msk [tilespmem:v1+s20+$0xFFFFFFC0 ss:$0x1], $0xffff  }
0x2ae: {  	v3 =	vld.idx.msk [tilespmem:v1+s20+$0xFFFFFFD0 ss:$0x1], $0xffff  }
0x2af: {  	v4 =	vld.idx.msk [tilespmem:v1+s20+$0xFFFFFFE0 ss:$0x1], $0xffff  }
0x2b0: {  	v5 =	vld.idx.msk [tilespmem:v1+s20+$0xFFFFFFF0 ss:$0x1], $0xffff  }
0x2b1: {  	v6 =	vld.idx.msk [tilespmem:v1+s20+$0x0 ss:$0x1], $0xffff  }
0x2b2: {  	v7 =	vld.idx.msk [tilespmem:v1+s20+$0x10 ss:$0x1], $0xffff;
	v2 =	vmul.f32 $3.125000000e-02, v2  }
0x2b3: {  	v8 =	vld.idx.msk [tilespmem:v1+s20+$0x20 ss:$0x1], $0xffff;
	v3 =	vmul.f32 $3.125000000e-02, v3  }
0x2b4: {  	v59 =	vld.idx.msk [tilespmem:v1+s20+$0x30 ss:$0x1], $0xffff;
	v4 =	vmul.f32 $3.125000000e-02, v4;
	[tilespmem:v0+s20+$0xFFFFFFC0 ss:$0x1] =	vst.idx.msk $0xffff, v2  }
0x2b5: {  	s17 =	sadd.s32 $0x1, s17;
	v60 =	vmul.f32 $3.125000000e-02, v5;
	[tilespmem:v0+s20+$0xFFFFFFD0 ss:$0x1] =	vst.idx.msk $0xffff, v3  }
0x2b6: {  	p1 =	sne.s32 s17, $0x8;
	v61 =	vmul.f32 $3.125000000e-02, v6;
	[tilespmem:v0+s20+$0xFFFFFFE0 ss:$0x1] =	vst.idx.msk $0xffff, v4  }
.Ltmp21:
0x2b7: {  	v62 =	vmul.f32 $3.125000000e-02, v7;
	[tilespmem:v0+s20+$0xFFFFFFF0 ss:$0x1] =	vst.idx.msk $0xffff, v60;
	(pc) =	sbr.rel @p1 .LBB2_43-.Ltmp21, $4  }
0x2b8: {  	v63 =	vmul.f32 $3.125000000e-02, v8;
	[tilespmem:v0+s20+$0x0 ss:$0x1] =	vst.idx.msk $0xffff, v61  }
0x2b9: {  	v1 =	vmul.f32 $3.125000000e-02, v59;
	[tilespmem:v0+s20+$0x10 ss:$0x1] =	vst.idx.msk $0xffff, v62  }
0x2ba: {  	[tilespmem:v0+s20+$0x20 ss:$0x1] =	vst.idx.msk $0xffff, v63  }
0x2bb: {  	s4 =	sadd.s32 $0x80, s4;
	s5 =	sadd.s32 $0x80, s5;
	[tilespmem:v0+s20+$0x30 ss:$0x1] =	vst.idx.msk $0xffff, v1  }
0x2bc: {  	s4 =	sadd.s32 @!p0 s13, s23  }
0x2bd: {  	s4 =	sshll.u32 @!p0 s4, $0xA  }
0x2be: {  	s5 =	sadd.s32 s14, s8;
	s17 =	simm.s32 @!p0 $0x0;
	s4 =	sand.u32 @!p0 $0x1FFFF800, s4  }
0x2bf: {  	s19 =	simm.s32 @!p0 $0x8000;
	s20 =	sshll.u32 s5, $0x7;
	s4 =	sadd.s32 @!p0 s2, s4  }
0x2c0: {  	[tilespmem:s19], [sflag:$0x5] =	stream.linear.gather @!p0 [hbm4b:s4+s17], $0x2000, $0x38;
	[tilespmem:$0x18000] =	vst v63  }
0x2c1: {  	s21 =	simm.s32 $0x14000;
	s4 =	sadd.s32 s3, s20;
	s17 =	simm.s32 $0x0  }
0x2c2: {  	[hbm4b:s4+s17] =	stream.linear.scatter [tilespmem:s21], [sflag:$0xB], $0x2000, $0x38;
	[tilespmem:$0x18000] =	vst v63  }
0x2c3: {  	_ =	swait.ge [sflag:s31], $0x2000  }
0x2c4: {  	[sflag:s31] =	ssyncset.done $0x0  }
0x2c5: {  	[sflag:s31] =	ssyncadd.s32 $0xFFFFE000  }
0x2c6: {  	_ =	swait.ge [sflag:s30], $0x2000  }
0x2c7: {  	[sflag:s30] =	ssyncset.done $0x0  }
0x2c8: {  	s5 =	simm.s32 $0xA040;
	s4 =	simm.s32 $0x16040;
	[sflag:s30] =	ssyncadd.s32 $0xFFFFE000  }
.LBB2_47:
0x2c9: {  	v1 =	vmov s5;
	_ =	sdelay $0x3  }
0x2ca: {  	s19 =	simm.s32 $0x0  }
0x2cb: {  	v2 =	vld.idx.msk [tilespmem:v1+s19+$0xFFFFFFC0 ss:$0x1], $0xffff  }
0x2cc: {  	v3 =	vld.idx.msk [tilespmem:v1+s19+$0xFFFFFFD0 ss:$0x1], $0xffff  }
0x2cd: {  	v0 =	vmov s4;
	v4 =	vld.idx.msk [tilespmem:v1+s19+$0xFFFFFFE0 ss:$0x1], $0xffff  }
0x2ce: {  	v5 =	vld.idx.msk [tilespmem:v1+s19+$0xFFFFFFF0 ss:$0x1], $0xffff  }
0x2cf: {  	v6 =	vld.idx.msk [tilespmem:v1+s19+$0x0 ss:$0x1], $0xffff  }
0x2d0: {  	v7 =	vld.idx.msk [tilespmem:v1+s19+$0x10 ss:$0x1], $0xffff;
	v2 =	vmul.f32 $3.125000000e-02, v2  }
0x2d1: {  	v8 =	vld.idx.msk [tilespmem:v1+s19+$0x20 ss:$0x1], $0xffff;
	v3 =	vmul.f32 $3.125000000e-02, v3  }
0x2d2: {  	v9 =	vld.idx.msk [tilespmem:v1+s19+$0x30 ss:$0x1], $0xffff;
	v4 =	vmul.f32 $3.125000000e-02, v4;
	[tilespmem:v0+s19+$0xFFFFFFC0 ss:$0x1] =	vst.idx.msk $0xffff, v2  }
0x2d3: {  	v2 =	vmul.f32 $3.125000000e-02, v5;
	[tilespmem:v0+s19+$0xFFFFFFD0 ss:$0x1] =	vst.idx.msk $0xffff, v3  }
0x2d4: {  	v3 =	vmul.f32 $3.125000000e-02, v6;
	[tilespmem:v0+s19+$0xFFFFFFE0 ss:$0x1] =	vst.idx.msk $0xffff, v4  }
0x2d5: {  	v62 =	vmul.f32 $3.125000000e-02, v7;
	[tilespmem:v0+s19+$0xFFFFFFF0 ss:$0x1] =	vst.idx.msk $0xffff, v2  }
0x2d6: {  	v63 =	vmul.f32 $3.125000000e-02, v8;
	[tilespmem:v0+s19+$0x0 ss:$0x1] =	vst.idx.msk $0xffff, v3  }
0x2d7: {  	[tilespmem:v0+s19+$0x10 ss:$0x1] =	vst.idx.msk $0xffff, v62  }
0x2d8: {  	s20 =	simm.s32 $0x1000;
	s21 =	simm.s32 $0x2000;
	v2 =	vmul.f32 $3.125000000e-02, v9;
	[tilespmem:v0+s19+$0x20 ss:$0x1] =	vst.idx.msk $0xffff, v63  }
.LBB2_48:
0x2d9: {  	p1 =	sne.s32 s21, $0x7000  }
0x2da: {  	[tilespmem:v0+s19+$0x30 ss:$0x1] =	vst.idx.msk $0xffff, v2;
	s19 =	sshra.s32 s20, $0x2;
	s20 =	smov.u32 s21;
	s21 =	sadd.s32 $0x1000, s21  }
0x2db: {  	v2 =	vld.idx.msk [tilespmem:v1+s19+$0xFFFFFFC0 ss:$0x1], $0xffff  }
0x2dc: {  	v3 =	vld.idx.msk [tilespmem:v1+s19+$0xFFFFFFD0 ss:$0x1], $0xffff  }
0x2dd: {  	v4 =	vld.idx.msk [tilespmem:v1+s19+$0xFFFFFFE0 ss:$0x1], $0xffff  }
0x2de: {  	v5 =	vld.idx.msk [tilespmem:v1+s19+$0xFFFFFFF0 ss:$0x1], $0xffff  }
0x2df: {  	v6 =	vld.idx.msk [tilespmem:v1+s19+$0x0 ss:$0x1], $0xffff  }
0x2e0: {  	v7 =	vld.idx.msk [tilespmem:v1+s19+$0x10 ss:$0x1], $0xffff  }
0x2e1: {  	v2 =	vmul.f32 $3.125000000e-02, v2;
	v8 =	vld.idx.msk [tilespmem:v1+s19+$0x20 ss:$0x1], $0xffff  }
0x2e2: {  	v3 =	vmul.f32 $3.125000000e-02, v3;
	v9 =	vld.idx.msk [tilespmem:v1+s19+$0x30 ss:$0x1], $0xffff  }
0x2e3: {  	v4 =	vmul.f32 $3.125000000e-02, v4;
	[tilespmem:v0+s19+$0xFFFFFFC0 ss:$0x1] =	vst.idx.msk $0xffff, v2  }
0x2e4: {  	v2 =	vmul.f32 $3.125000000e-02, v5;
	[tilespmem:v0+s19+$0xFFFFFFD0 ss:$0x1] =	vst.idx.msk $0xffff, v3  }
.Ltmp22:
0x2e5: {  	v3 =	vmul.f32 $3.125000000e-02, v6;
	[tilespmem:v0+s19+$0xFFFFFFE0 ss:$0x1] =	vst.idx.msk $0xffff, v4;
	(pc) =	sbr.rel @p1 .LBB2_48-.Ltmp22, $4  }
0x2e6: {  	v4 =	vmul.f32 $3.125000000e-02, v7;
	[tilespmem:v0+s19+$0xFFFFFFF0 ss:$0x1] =	vst.idx.msk $0xffff, v2  }
0x2e7: {  	v5 =	vmul.f32 $3.125000000e-02, v8;
	[tilespmem:v0+s19+$0x0 ss:$0x1] =	vst.idx.msk $0xffff, v3  }
0x2e8: {  	v2 =	vmul.f32 $3.125000000e-02, v9;
	[tilespmem:v0+s19+$0x10 ss:$0x1] =	vst.idx.msk $0xffff, v4  }
0x2e9: {  	[tilespmem:v0+s19+$0x20 ss:$0x1] =	vst.idx.msk $0xffff, v5  }
0x2ea: {  	_ =	sdelay $0x3  }
0x2eb: {  	s20 =	sshra.s32 s20, $0x2;
	[tilespmem:v0+s19+$0x30 ss:$0x1] =	vst.idx.msk $0xffff, v2  }
0x2ec: {  	v2 =	vld.idx.msk [tilespmem:v1+s20+$0xFFFFFFC0 ss:$0x1], $0xffff  }
0x2ed: {  	v3 =	vld.idx.msk [tilespmem:v1+s20+$0xFFFFFFD0 ss:$0x1], $0xffff  }
0x2ee: {  	v4 =	vld.idx.msk [tilespmem:v1+s20+$0xFFFFFFE0 ss:$0x1], $0xffff  }
0x2ef: {  	v5 =	vld.idx.msk [tilespmem:v1+s20+$0xFFFFFFF0 ss:$0x1], $0xffff  }
0x2f0: {  	v6 =	vld.idx.msk [tilespmem:v1+s20+$0x0 ss:$0x1], $0xffff  }
0x2f1: {  	v7 =	vld.idx.msk [tilespmem:v1+s20+$0x10 ss:$0x1], $0xffff;
	v2 =	vmul.f32 $3.125000000e-02, v2  }
0x2f2: {  	v8 =	vld.idx.msk [tilespmem:v1+s20+$0x20 ss:$0x1], $0xffff;
	v3 =	vmul.f32 $3.125000000e-02, v3  }
0x2f3: {  	v59 =	vld.idx.msk [tilespmem:v1+s20+$0x30 ss:$0x1], $0xffff;
	v4 =	vmul.f32 $3.125000000e-02, v4;
	[tilespmem:v0+s20+$0xFFFFFFC0 ss:$0x1] =	vst.idx.msk $0xffff, v2  }
0x2f4: {  	s17 =	sadd.s32 $0x1, s17;
	v60 =	vmul.f32 $3.125000000e-02, v5;
	[tilespmem:v0+s20+$0xFFFFFFD0 ss:$0x1] =	vst.idx.msk $0xffff, v3  }
0x2f5: {  	p1 =	sne.s32 s17, $0x8;
	v61 =	vmul.f32 $3.125000000e-02, v6;
	[tilespmem:v0+s20+$0xFFFFFFE0 ss:$0x1] =	vst.idx.msk $0xffff, v4  }
.Ltmp23:
0x2f6: {  	v62 =	vmul.f32 $3.125000000e-02, v7;
	[tilespmem:v0+s20+$0xFFFFFFF0 ss:$0x1] =	vst.idx.msk $0xffff, v60;
	(pc) =	sbr.rel @p1 .LBB2_47-.Ltmp23, $4  }
0x2f7: {  	v63 =	vmul.f32 $3.125000000e-02, v8;
	[tilespmem:v0+s20+$0x0 ss:$0x1] =	vst.idx.msk $0xffff, v61  }
0x2f8: {  	v1 =	vmul.f32 $3.125000000e-02, v59;
	[tilespmem:v0+s20+$0x10 ss:$0x1] =	vst.idx.msk $0xffff, v62  }
0x2f9: {  	[tilespmem:v0+s20+$0x20 ss:$0x1] =	vst.idx.msk $0xffff, v63  }
0x2fa: {  	s4 =	sadd.s32 $0x80, s4;
	s5 =	sadd.s32 $0x80, s5;
	[tilespmem:v0+s20+$0x30 ss:$0x1] =	vst.idx.msk $0xffff, v1  }
0x2fb: {  	s4 =	sadd.s32 @!p0 s13, s24  }
0x2fc: {  	s5 =	sadd.s32 s14, s9;
	s13 =	simm.s32 @!p0 $0x0;
	s4 =	sshll.u32 @!p0 s4, $0xA  }
0x2fd: {  	s14 =	simm.s32 @!p0 $0xA000;
	s10 =	sadd.s32 $0x1, s10;
	s4 =	sadd.s32 @!p0 s2, s4  }
0x2fe: {  	[tilespmem:s14], [sflag:$0x6] =	stream.linear.gather @!p0 [hbm4b:s4+s13], $0x2000, $0x38;
	[tilespmem:$0x18000] =	vst v63  }
0x2ff: {  	p0 =	sne.s32 s10, $0x5  }
.Ltmp24:
0x300: {  	_ = 	snop;
	(pc) =	sbr.rel @p0 .LBB2_26-.Ltmp24, $4  }
0x301: {  	_ = 	snop  }
0x302: {  	s20 =	sshll.u32 s5, $0x7  }
0x303: {  	s19 =	simm.s32 $0x0;
	s21 =	simm.s32 $0x16000;
	s4 =	sadd.s32 s3, s20  }
0x304: {  	[hbm4b:s4+s19] =	stream.linear.scatter [tilespmem:s21], [sflag:$0xC], $0x2000, $0x38;
	[tilespmem:$0x18000] =	vst v63  }
0x305: {  	_ =	swait.ge [sflag:s15], $0x2000  }
0x306: {  	[sflag:s15] =	ssyncset.done $0x0  }
0x307: {  	[sflag:s15] =	ssyncadd.s32 $0xFFFFE000  }
0x308: {  	_ =	swait.ge [sflag:s11], $0x2000  }
0x309: {  	s10 =	simm.s32 $0x0;
	[sflag:s11] =	ssyncset.done $0x0  }
0x30a: {  	s4 =	simm.s32 $0xC040;
	s5 =	simm.s32 $0x40;
	[sflag:s11] =	ssyncadd.s32 $0xFFFFE000  }
.LBB2_52:
0x30b: {  	v1 =	vmov s5;
	_ =	sdelay $0x3  }
0x30c: {  	s13 =	simm.s32 $0x0  }
0x30d: {  	v2 =	vld.idx.msk [tilespmem:v1+s13+$0xFFFFFFC0 ss:$0x1], $0xffff  }
0x30e: {  	v3 =	vld.idx.msk [tilespmem:v1+s13+$0xFFFFFFD0 ss:$0x1], $0xffff  }
0x30f: {  	v0 =	vmov s4;
	v4 =	vld.idx.msk [tilespmem:v1+s13+$0xFFFFFFE0 ss:$0x1], $0xffff  }
0x310: {  	v5 =	vld.idx.msk [tilespmem:v1+s13+$0xFFFFFFF0 ss:$0x1], $0xffff  }
0x311: {  	v6 =	vld.idx.msk [tilespmem:v1+s13+$0x0 ss:$0x1], $0xffff  }
0x312: {  	v7 =	vld.idx.msk [tilespmem:v1+s13+$0x10 ss:$0x1], $0xffff;
	v2 =	vmul.f32 $3.125000000e-02, v2  }
0x313: {  	v8 =	vld.idx.msk [tilespmem:v1+s13+$0x20 ss:$0x1], $0xffff;
	v3 =	vmul.f32 $3.125000000e-02, v3  }
0x314: {  	v9 =	vld.idx.msk [tilespmem:v1+s13+$0x30 ss:$0x1], $0xffff;
	v4 =	vmul.f32 $3.125000000e-02, v4;
	[tilespmem:v0+s13+$0xFFFFFFC0 ss:$0x1] =	vst.idx.msk $0xffff, v2  }
0x315: {  	v2 =	vmul.f32 $3.125000000e-02, v5;
	[tilespmem:v0+s13+$0xFFFFFFD0 ss:$0x1] =	vst.idx.msk $0xffff, v3  }
0x316: {  	v3 =	vmul.f32 $3.125000000e-02, v6;
	[tilespmem:v0+s13+$0xFFFFFFE0 ss:$0x1] =	vst.idx.msk $0xffff, v4  }
0x317: {  	v62 =	vmul.f32 $3.125000000e-02, v7;
	[tilespmem:v0+s13+$0xFFFFFFF0 ss:$0x1] =	vst.idx.msk $0xffff, v2  }
0x318: {  	v63 =	vmul.f32 $3.125000000e-02, v8;
	[tilespmem:v0+s13+$0x0 ss:$0x1] =	vst.idx.msk $0xffff, v3  }
0x319: {  	[tilespmem:v0+s13+$0x10 ss:$0x1] =	vst.idx.msk $0xffff, v62  }
0x31a: {  	s14 =	simm.s32 $0x1000;
	s17 =	simm.s32 $0x2000;
	v2 =	vmul.f32 $3.125000000e-02, v9;
	[tilespmem:v0+s13+$0x20 ss:$0x1] =	vst.idx.msk $0xffff, v63  }
.LBB2_53:
0x31b: {  	p0 =	sne.s32 s17, $0x7000  }
0x31c: {  	[tilespmem:v0+s13+$0x30 ss:$0x1] =	vst.idx.msk $0xffff, v2;
	s13 =	sshra.s32 s14, $0x2;
	s14 =	smov.u32 s17;
	s17 =	sadd.s32 $0x1000, s17  }
0x31d: {  	v2 =	vld.idx.msk [tilespmem:v1+s13+$0xFFFFFFC0 ss:$0x1], $0xffff  }
0x31e: {  	v3 =	vld.idx.msk [tilespmem:v1+s13+$0xFFFFFFD0 ss:$0x1], $0xffff  }
0x31f: {  	v4 =	vld.idx.msk [tilespmem:v1+s13+$0xFFFFFFE0 ss:$0x1], $0xffff  }
0x320: {  	v5 =	vld.idx.msk [tilespmem:v1+s13+$0xFFFFFFF0 ss:$0x1], $0xffff  }
0x321: {  	v6 =	vld.idx.msk [tilespmem:v1+s13+$0x0 ss:$0x1], $0xffff  }
0x322: {  	v7 =	vld.idx.msk [tilespmem:v1+s13+$0x10 ss:$0x1], $0xffff  }
0x323: {  	v2 =	vmul.f32 $3.125000000e-02, v2;
	v8 =	vld.idx.msk [tilespmem:v1+s13+$0x20 ss:$0x1], $0xffff  }
0x324: {  	v3 =	vmul.f32 $3.125000000e-02, v3;
	v9 =	vld.idx.msk [tilespmem:v1+s13+$0x30 ss:$0x1], $0xffff  }
0x325: {  	v4 =	vmul.f32 $3.125000000e-02, v4;
	[tilespmem:v0+s13+$0xFFFFFFC0 ss:$0x1] =	vst.idx.msk $0xffff, v2  }
0x326: {  	v2 =	vmul.f32 $3.125000000e-02, v5;
	[tilespmem:v0+s13+$0xFFFFFFD0 ss:$0x1] =	vst.idx.msk $0xffff, v3  }
.Ltmp25:
0x327: {  	v3 =	vmul.f32 $3.125000000e-02, v6;
	[tilespmem:v0+s13+$0xFFFFFFE0 ss:$0x1] =	vst.idx.msk $0xffff, v4;
	(pc) =	sbr.rel @p0 .LBB2_53-.Ltmp25, $4  }
0x328: {  	v4 =	vmul.f32 $3.125000000e-02, v7;
	[tilespmem:v0+s13+$0xFFFFFFF0 ss:$0x1] =	vst.idx.msk $0xffff, v2  }
0x329: {  	v5 =	vmul.f32 $3.125000000e-02, v8;
	[tilespmem:v0+s13+$0x0 ss:$0x1] =	vst.idx.msk $0xffff, v3  }
0x32a: {  	v2 =	vmul.f32 $3.125000000e-02, v9;
	[tilespmem:v0+s13+$0x10 ss:$0x1] =	vst.idx.msk $0xffff, v4  }
0x32b: {  	[tilespmem:v0+s13+$0x20 ss:$0x1] =	vst.idx.msk $0xffff, v5  }
0x32c: {  	_ =	sdelay $0x3  }
0x32d: {  	s14 =	sshra.s32 s14, $0x2;
	[tilespmem:v0+s13+$0x30 ss:$0x1] =	vst.idx.msk $0xffff, v2  }
0x32e: {  	v2 =	vld.idx.msk [tilespmem:v1+s14+$0xFFFFFFC0 ss:$0x1], $0xffff  }
0x32f: {  	v3 =	vld.idx.msk [tilespmem:v1+s14+$0xFFFFFFD0 ss:$0x1], $0xffff  }
0x330: {  	v4 =	vld.idx.msk [tilespmem:v1+s14+$0xFFFFFFE0 ss:$0x1], $0xffff  }
0x331: {  	v5 =	vld.idx.msk [tilespmem:v1+s14+$0xFFFFFFF0 ss:$0x1], $0xffff  }
0x332: {  	v6 =	vld.idx.msk [tilespmem:v1+s14+$0x0 ss:$0x1], $0xffff  }
0x333: {  	v7 =	vld.idx.msk [tilespmem:v1+s14+$0x10 ss:$0x1], $0xffff;
	v2 =	vmul.f32 $3.125000000e-02, v2  }
0x334: {  	v8 =	vld.idx.msk [tilespmem:v1+s14+$0x20 ss:$0x1], $0xffff;
	v3 =	vmul.f32 $3.125000000e-02, v3  }
0x335: {  	v59 =	vld.idx.msk [tilespmem:v1+s14+$0x30 ss:$0x1], $0xffff;
	v4 =	vmul.f32 $3.125000000e-02, v4;
	[tilespmem:v0+s14+$0xFFFFFFC0 ss:$0x1] =	vst.idx.msk $0xffff, v2  }
0x336: {  	s10 =	sadd.s32 $0x1, s10;
	v60 =	vmul.f32 $3.125000000e-02, v5;
	[tilespmem:v0+s14+$0xFFFFFFD0 ss:$0x1] =	vst.idx.msk $0xffff, v3  }
0x337: {  	p0 =	sne.s32 s10, $0x8;
	v61 =	vmul.f32 $3.125000000e-02, v6;
	[tilespmem:v0+s14+$0xFFFFFFE0 ss:$0x1] =	vst.idx.msk $0xffff, v4  }
.Ltmp26:
0x338: {  	v62 =	vmul.f32 $3.125000000e-02, v7;
	[tilespmem:v0+s14+$0xFFFFFFF0 ss:$0x1] =	vst.idx.msk $0xffff, v60;
	(pc) =	sbr.rel @p0 .LBB2_52-.Ltmp26, $4  }
0x339: {  	v63 =	vmul.f32 $3.125000000e-02, v8;
	[tilespmem:v0+s14+$0x0 ss:$0x1] =	vst.idx.msk $0xffff, v61  }
0x33a: {  	v1 =	vmul.f32 $3.125000000e-02, v59;
	[tilespmem:v0+s14+$0x10 ss:$0x1] =	vst.idx.msk $0xffff, v62  }
0x33b: {  	[tilespmem:v0+s14+$0x20 ss:$0x1] =	vst.idx.msk $0xffff, v63  }
0x33c: {  	s4 =	sadd.s32 $0x80, s4;
	s5 =	sadd.s32 $0x80, s5;
	[tilespmem:v0+s14+$0x30 ss:$0x1] =	vst.idx.msk $0xffff, v1  }
0x33d: {  	s10 =	simm.s32 $0x0;
	s4 =	rddreg [dreg:$0x1a];
	s5 =	simm.s32 $0xC000  }
0x33e: {  	[hbm4b:s4+s10] =	stream.linear.scatter [tilespmem:s5], [sflag:$0x7], $0x2000, $0x38;
	[tilespmem:$0x18000] =	vst v63  }
0x33f: {  	_ =	swait.ge [sflag:s16], $0x2000  }
0x340: {  	[sflag:s16] =	ssyncset.done $0x0  }
0x341: {  	[sflag:s16] =	ssyncadd.s32 $0xFFFFE000  }
0x342: {  	_ =	swait.ge [sflag:s12], $0x2000  }
0x343: {  	[sflag:s12] =	ssyncset.done $0x0  }
0x344: {  	s4 =	simm.s32 $0xE040;
	s5 =	simm.s32 $0x2040;
	[sflag:s12] =	ssyncadd.s32 $0xFFFFE000  }
.LBB2_56:
0x345: {  	v1 =	vmov s5;
	_ =	sdelay $0x3  }
0x346: {  	s13 =	simm.s32 $0x0  }
0x347: {  	v2 =	vld.idx.msk [tilespmem:v1+s13+$0xFFFFFFC0 ss:$0x1], $0xffff  }
0x348: {  	v3 =	vld.idx.msk [tilespmem:v1+s13+$0xFFFFFFD0 ss:$0x1], $0xffff  }
0x349: {  	v0 =	vmov s4;
	v4 =	vld.idx.msk [tilespmem:v1+s13+$0xFFFFFFE0 ss:$0x1], $0xffff  }
0x34a: {  	v5 =	vld.idx.msk [tilespmem:v1+s13+$0xFFFFFFF0 ss:$0x1], $0xffff  }
0x34b: {  	v6 =	vld.idx.msk [tilespmem:v1+s13+$0x0 ss:$0x1], $0xffff  }
0x34c: {  	v7 =	vld.idx.msk [tilespmem:v1+s13+$0x10 ss:$0x1], $0xffff;
	v2 =	vmul.f32 $3.125000000e-02, v2  }
0x34d: {  	v8 =	vld.idx.msk [tilespmem:v1+s13+$0x20 ss:$0x1], $0xffff;
	v3 =	vmul.f32 $3.125000000e-02, v3  }
0x34e: {  	v9 =	vld.idx.msk [tilespmem:v1+s13+$0x30 ss:$0x1], $0xffff;
	v4 =	vmul.f32 $3.125000000e-02, v4;
	[tilespmem:v0+s13+$0xFFFFFFC0 ss:$0x1] =	vst.idx.msk $0xffff, v2  }
0x34f: {  	v2 =	vmul.f32 $3.125000000e-02, v5;
	[tilespmem:v0+s13+$0xFFFFFFD0 ss:$0x1] =	vst.idx.msk $0xffff, v3  }
0x350: {  	v3 =	vmul.f32 $3.125000000e-02, v6;
	[tilespmem:v0+s13+$0xFFFFFFE0 ss:$0x1] =	vst.idx.msk $0xffff, v4  }
0x351: {  	v62 =	vmul.f32 $3.125000000e-02, v7;
	[tilespmem:v0+s13+$0xFFFFFFF0 ss:$0x1] =	vst.idx.msk $0xffff, v2  }
0x352: {  	v63 =	vmul.f32 $3.125000000e-02, v8;
	[tilespmem:v0+s13+$0x0 ss:$0x1] =	vst.idx.msk $0xffff, v3  }
0x353: {  	[tilespmem:v0+s13+$0x10 ss:$0x1] =	vst.idx.msk $0xffff, v62  }
0x354: {  	s14 =	simm.s32 $0x1000;
	s17 =	simm.s32 $0x2000;
	v2 =	vmul.f32 $3.125000000e-02, v9;
	[tilespmem:v0+s13+$0x20 ss:$0x1] =	vst.idx.msk $0xffff, v63  }
.LBB2_57:
0x355: {  	p0 =	sne.s32 s17, $0x7000  }
0x356: {  	[tilespmem:v0+s13+$0x30 ss:$0x1] =	vst.idx.msk $0xffff, v2;
	s13 =	sshra.s32 s14, $0x2;
	s14 =	smov.u32 s17;
	s17 =	sadd.s32 $0x1000, s17  }
0x357: {  	v2 =	vld.idx.msk [tilespmem:v1+s13+$0xFFFFFFC0 ss:$0x1], $0xffff  }
0x358: {  	v3 =	vld.idx.msk [tilespmem:v1+s13+$0xFFFFFFD0 ss:$0x1], $0xffff  }
0x359: {  	v4 =	vld.idx.msk [tilespmem:v1+s13+$0xFFFFFFE0 ss:$0x1], $0xffff  }
0x35a: {  	v5 =	vld.idx.msk [tilespmem:v1+s13+$0xFFFFFFF0 ss:$0x1], $0xffff  }
0x35b: {  	v6 =	vld.idx.msk [tilespmem:v1+s13+$0x0 ss:$0x1], $0xffff  }
0x35c: {  	v7 =	vld.idx.msk [tilespmem:v1+s13+$0x10 ss:$0x1], $0xffff  }
0x35d: {  	v2 =	vmul.f32 $3.125000000e-02, v2;
	v8 =	vld.idx.msk [tilespmem:v1+s13+$0x20 ss:$0x1], $0xffff  }
0x35e: {  	v3 =	vmul.f32 $3.125000000e-02, v3;
	v9 =	vld.idx.msk [tilespmem:v1+s13+$0x30 ss:$0x1], $0xffff  }
0x35f: {  	v4 =	vmul.f32 $3.125000000e-02, v4;
	[tilespmem:v0+s13+$0xFFFFFFC0 ss:$0x1] =	vst.idx.msk $0xffff, v2  }
0x360: {  	v2 =	vmul.f32 $3.125000000e-02, v5;
	[tilespmem:v0+s13+$0xFFFFFFD0 ss:$0x1] =	vst.idx.msk $0xffff, v3  }
.Ltmp27:
0x361: {  	v3 =	vmul.f32 $3.125000000e-02, v6;
	[tilespmem:v0+s13+$0xFFFFFFE0 ss:$0x1] =	vst.idx.msk $0xffff, v4;
	(pc) =	sbr.rel @p0 .LBB2_57-.Ltmp27, $4  }
0x362: {  	v4 =	vmul.f32 $3.125000000e-02, v7;
	[tilespmem:v0+s13+$0xFFFFFFF0 ss:$0x1] =	vst.idx.msk $0xffff, v2  }
0x363: {  	v5 =	vmul.f32 $3.125000000e-02, v8;
	[tilespmem:v0+s13+$0x0 ss:$0x1] =	vst.idx.msk $0xffff, v3  }
0x364: {  	v2 =	vmul.f32 $3.125000000e-02, v9;
	[tilespmem:v0+s13+$0x10 ss:$0x1] =	vst.idx.msk $0xffff, v4  }
0x365: {  	[tilespmem:v0+s13+$0x20 ss:$0x1] =	vst.idx.msk $0xffff, v5  }
0x366: {  	_ =	sdelay $0x3  }
0x367: {  	s14 =	sshra.s32 s14, $0x2;
	[tilespmem:v0+s13+$0x30 ss:$0x1] =	vst.idx.msk $0xffff, v2  }
0x368: {  	v2 =	vld.idx.msk [tilespmem:v1+s14+$0xFFFFFFC0 ss:$0x1], $0xffff  }
0x369: {  	v3 =	vld.idx.msk [tilespmem:v1+s14+$0xFFFFFFD0 ss:$0x1], $0xffff  }
0x36a: {  	v4 =	vld.idx.msk [tilespmem:v1+s14+$0xFFFFFFE0 ss:$0x1], $0xffff  }
0x36b: {  	v5 =	vld.idx.msk [tilespmem:v1+s14+$0xFFFFFFF0 ss:$0x1], $0xffff  }
0x36c: {  	v6 =	vld.idx.msk [tilespmem:v1+s14+$0x0 ss:$0x1], $0xffff  }
0x36d: {  	v7 =	vld.idx.msk [tilespmem:v1+s14+$0x10 ss:$0x1], $0xffff;
	v2 =	vmul.f32 $3.125000000e-02, v2  }
0x36e: {  	v8 =	vld.idx.msk [tilespmem:v1+s14+$0x20 ss:$0x1], $0xffff;
	v3 =	vmul.f32 $3.125000000e-02, v3  }
0x36f: {  	v59 =	vld.idx.msk [tilespmem:v1+s14+$0x30 ss:$0x1], $0xffff;
	v4 =	vmul.f32 $3.125000000e-02, v4;
	[tilespmem:v0+s14+$0xFFFFFFC0 ss:$0x1] =	vst.idx.msk $0xffff, v2  }
0x370: {  	s10 =	sadd.s32 $0x1, s10;
	v60 =	vmul.f32 $3.125000000e-02, v5;
	[tilespmem:v0+s14+$0xFFFFFFD0 ss:$0x1] =	vst.idx.msk $0xffff, v3  }
0x371: {  	p0 =	sne.s32 s10, $0x8;
	v61 =	vmul.f32 $3.125000000e-02, v6;
	[tilespmem:v0+s14+$0xFFFFFFE0 ss:$0x1] =	vst.idx.msk $0xffff, v4  }
.Ltmp28:
0x372: {  	v62 =	vmul.f32 $3.125000000e-02, v7;
	[tilespmem:v0+s14+$0xFFFFFFF0 ss:$0x1] =	vst.idx.msk $0xffff, v60;
	(pc) =	sbr.rel @p0 .LBB2_56-.Ltmp28, $4  }
0x373: {  	v63 =	vmul.f32 $3.125000000e-02, v8;
	[tilespmem:v0+s14+$0x0 ss:$0x1] =	vst.idx.msk $0xffff, v61  }
0x374: {  	v1 =	vmul.f32 $3.125000000e-02, v59;
	[tilespmem:v0+s14+$0x10 ss:$0x1] =	vst.idx.msk $0xffff, v62  }
0x375: {  	[tilespmem:v0+s14+$0x20 ss:$0x1] =	vst.idx.msk $0xffff, v63  }
0x376: {  	s4 =	sadd.s32 $0x80, s4;
	s5 =	sadd.s32 $0x80, s5;
	[tilespmem:v0+s14+$0x30 ss:$0x1] =	vst.idx.msk $0xffff, v1  }
0x377: {  	s4 =	rddreg [dreg:$0x1b];
	s5 =	simm.s32 $0xE000  }
0x378: {  	[hbm4b:s4+s19] =	stream.linear.scatter [tilespmem:s5], [sflag:$0x8], $0x2000, $0x38;
	[tilespmem:$0x18000] =	vst v63  }
0x379: {  	_ =	swait.ge [sflag:s6], $0x2000  }
0x37a: {  	[sflag:s6] =	ssyncset.done $0x0  }
0x37b: {  	[sflag:s6] =	ssyncadd.s32 $0xFFFFE000  }
0x37c: {  	_ =	swait.ge [sflag:s25], $0x2000  }
0x37d: {  	[sflag:s25] =	ssyncset.done $0x0  }
0x37e: {  	[sflag:s25] =	ssyncadd.s32 $0xFFFFE000  }
0x37f: {  	_ =	swait.ge [sflag:s28], $0x2000  }
0x380: {  	[sflag:s28] =	ssyncset.done $0x0  }
0x381: {  	[sflag:s28] =	ssyncadd.s32 $0xFFFFE000  }
0x382: {  	_ =	swait.ge [sflag:s30], $0x2000  }
0x383: {  	[sflag:s30] =	ssyncset.done $0x0  }
0x384: {  	[sflag:s30] =	ssyncadd.s32 $0xFFFFE000  }
0x385: {  	_ =	swait.ge [sflag:s11], $0x2000  }
0x386: {  	[sflag:s11] =	ssyncset.done $0x0  }
0x387: {  	[sflag:s11] =	ssyncadd.s32 $0xFFFFE000  }
0x388: {  	_ =	swait.ge [sflag:s12], $0x2000  }
0x389: {  	s20 =	rddreg [dreg:$0x1c]  }
0x38a: {  	s21 =	rddreg [dreg:$0x14];
	s5 =	sadd.s32 $0x1, s20  }
0x38b: {  	p0 =	sne.s32 s5, s21  }
.Ltmp29:
0x38c: {  	_ = 	snop;
	(pc) =	sbr.rel @p0 .LBB2_1-.Ltmp29, $3  }
0x38d: {  	_ =	sdelay $0x1  }
0x38e: {  	[sflag:s12] =	ssyncset.done $0x0  }
0x38f: {  	[sflag:s12] =	ssyncadd.s32 $0xFFFFE000  }
0x390: {  	_ =	sfence.sel $0x180000  }
0x391: {  	[bflag:$0x0] =	sbarrier.arrive $0xFFFF  }
0x392: {  	_ =	strace $0x90000047  }
0x393: {  	s0 =	stileid.u32;
	[bflag:$0x2] =	sbarrier.arrive $0xFFFF  }
0x394: {  	p0 =	sne.s32 s0, $0x0;
	s0 =	rddreg [dreg:$0x2]  }
0x395: {  	s0 =	sadd.s32 @!p0 $0x100000, s0  }
0x396: {  	[sflag:s0] =	ssyncadd.tile.s32 @!p0 $0x1;
	_ =	shalt  }
.Lfunc_end2:
_tile_overlayer_lowered:
.L_overlay_start_2:
0x397: {  	(tag) =	ssettag $0x2  }
0x398: {  	s0 =	rddreg [dreg:$0x0];
	s2 =	stileid.u32  }
0x399: {  	s1 =	rddreg [dreg:$0x1];
	p0 =	sne.s32 s2, $0x0  }
0x39a: {  	s3 =	rddreg [dreg:$0x2];
	[bflag:$0x3] =	sbarrier.arrive $0xFFFF;
	s2 =	simm.s32 @!p0 $0x1C0D  }
0x39b: {  	[timem:s3], [sflag:s2] =	dma.local @!p0 [hbm:s0], s1  }
0x39c: {  	s0 =	simm.s32 @!p0 $0xD  }
0x39d: {  	_ =	swait.ge @!p0 [sflag:s0], s1  }
0x39e: {  	s1 =	ssub.s32 @!p0 $0x0, s1;
	[sflag:s0] =	ssyncset.done @!p0 $0x0  }
0x39f: {  	[sflag:s0] =	ssyncadd.s32 @!p0 s1  }
0x3a0: {  	[bflag:$0x3] =	sbarrier.arrive $0xFFFF  }
0x3a1: {  	_ =	shalt  }

</sc_bundles>
